<compile_context>
chip_gen: v7x
topology: tpu7x:2x2x1
jax: 0.10.2.dev20260603
libtpu: 0.0.44.dev20260713+nightly
codegen_flags: <defaults>
</compile_context>

<pallas_src>
import dataclasses

import jax
import jax.numpy as jnp
from jax import lax
from jax.experimental import pallas as pl
from jax.experimental.pallas import tpu as pltpu
from jax.experimental.pallas import tpu_sc as plsc

H = 4096
B = 1048576
Q = 2048
NW = 32
BPW = B // NW
CHUNK = 2048
NCH = BPW // CHUNK
DEPTH = 4
GW = 128
ROWS = CHUNK // GW
BLK = CHUNK // 128
L = 16


K = 0x4B000000
NEG_C = -1476395008


def _body(xv_hbm, q_hbm, o_hbm, xb0, xb1, i0_, i1_, i2_, i3_,
          o0_, o1_, o2_, o3_, sem_x, *sems):
    xbufs = [xb0, xb1]
    idxs = [i0_, i1_, i2_, i3_]
    outs = [o0_, o1_, o2_, o3_]
    gsems = list(sems[:DEPTH])
    fsems = list(sems[DEPTH:])
    wid = lax.axis_index("core") * (NW // 2) + lax.axis_index("subcore")
    wbase = wid * BPW

    def to_b(v):
        u = v + 1.0
        t = u * 2048.0 + 8388608.0
        return jnp.minimum(plsc.bitcast(t, jnp.int32), jnp.int32(K + H - 1))

    def fire_x(c, xbuf):
        pltpu.async_copy(xv_hbm.at[pl.ds((wbase + c * CHUNK) * 2, 2 * CHUNK)],
                         xbuf, sem_x)

    def wait_x(xbuf):
        pltpu.make_async_copy(xv_hbm.at[pl.ds(0, 2 * CHUNK)], xbuf,
                              sem_x).wait()

    def compute(xbuf, idx_v):
        @pl.loop(0, BLK)
        def _blk(j):
            for k in range(128 // L):
                b0 = to_b(xbuf[pl.ds(j * 256 + k * L, L)])
                b1 = to_b(xbuf[pl.ds(j * 256 + 128 + k * L, L)])
                a0 = lax.bitwise_and(lax.shift_left(b0, 12),
                                     jnp.int32(-32768))
                a1 = lax.shift_left(lax.bitwise_and(b0, jnp.int32(7)), 7)
                a2 = lax.bitwise_and(lax.shift_left(b1, 3),
                                     jnp.int32(-1024))
                a3 = lax.bitwise_and(b1, jnp.int32(127))
                idx_v[pl.ds(j * 128 + k * L, L)] = (
                    a0 + a1 + a2 + (a3 + jnp.int32(NEG_C)))

    def fire_gather(idx_v, out_v, sem):
        for r in range(ROWS):
            pltpu.async_copy(
                q_hbm.at[idx_v.at[pl.ds(r * GW, GW)]],
                out_v.at[pl.ds(r * GW, GW)],
                sem,
            )

    def drain_and_flush(c, out_v, gsem, fsem):
        pltpu.make_async_copy(q_hbm.at[pl.ds(0, CHUNK)], out_v, gsem).wait()
        pltpu.async_copy(out_v, o_hbm.at[pl.ds(wbase + c * CHUNK, CHUNK)],
                         fsem)

    def wait_flush(out_v, fsem):
        pltpu.make_async_copy(out_v, o_hbm.at[pl.ds(0, CHUNK)], fsem).wait()

    fire_x(0, xbufs[0])

    @pl.loop(0, NCH // DEPTH)
    def _grp(p):
        for i in range(DEPTH):
            c = p * DEPTH + i
            wait_x(xbufs[i % 2])
            fire_x((c + 1) % NCH, xbufs[(i + 1) % 2])
            compute(xbufs[i % 2], idxs[i])

            s = (i + 1) % DEPTH
            if i == DEPTH - 1:
                drain_and_flush(c - (DEPTH - 1), outs[s], gsems[s], fsems[s])
            else:
                @pl.when(p > 0)
                def _():
                    drain_and_flush(c - (DEPTH - 1), outs[s], gsems[s],
                                    fsems[s])

            @pl.when(p > 0)
            def _():
                wait_flush(outs[i], fsems[i])

            fire_gather(idxs[i], outs[i], gsems[i])

    wait_x(xbufs[0])
    for i in range(DEPTH - 1):
        c = NCH - (DEPTH - 1) + i
        drain_and_flush(c, outs[(i + 1) % DEPTH], gsems[(i + 1) % DEPTH],
                        fsems[(i + 1) % DEPTH])
    for s in range(DEPTH):
        wait_flush(outs[s], fsems[s])


@jax.jit
def _run(x, f):
    xv = x.reshape(B // 128, 128, 2).transpose(0, 2, 1).reshape(2 * B)
    q = f.reshape(H // 8, 8, H // 128, 128).transpose(0, 2, 1, 3).reshape(H * H)
    mesh = plsc.VectorSubcoreMesh(
        core_axis_name="core", subcore_axis_name="subcore"
    )
    cp = pltpu.CompilerParams()
    if "needs_layout_passes" in pltpu.CompilerParams.__dataclass_fields__:
        cp = dataclasses.replace(cp, needs_layout_passes=False)
    call = pl.kernel(
        _body,
        out_type=jax.ShapeDtypeStruct((B,), jnp.float32),
        mesh=mesh,
        compiler_params=cp,
        scratch_types=(
            [pltpu.VMEM((2 * CHUNK,), jnp.float32)] * 2
            + [pltpu.VMEM((CHUNK,), jnp.int32)] * DEPTH
            + [pltpu.VMEM((CHUNK,), jnp.float32)] * DEPTH
            + [pltpu.SemaphoreType.DMA] * (1 + 2 * DEPTH)
        ),
    )
    return call(xv, q)


def kernel(x, f):
    return _run(x, f)

# --- scband reference (transcript-rebuilt; emitter-appended) ---
"""Pipeline reference for scband-night-light-88003879895251 (READ-ONLY COPY).

The authoritative reference and input builder live on the scoring server;
editing this copy changes nothing except your own understanding.
"""

import jax, jax.numpy as jnp
import numpy as np

DIM = 2
HEIGHT = 4096
WIDTH = 4096
NOISE_STD = 0.0
BATCH = 1048576


def setup_inputs(seed: int = 0) -> dict:
    key = jax.random.key(seed)
    k1, k2 = jax.random.split(key)
    # query points in [0, 1) subset of bounds [-1, 1]
    x = jax.random.uniform(k1, (BATCH, DIM), dtype=jnp.float32)
    # stands in for the nightlight.jpg grayscale image (channel 0 / 255.0)
    f = jax.random.uniform(k2, (HEIGHT, WIDTH), dtype=jnp.float32)
    return {"x": x, "f": f}


def reference(x, f):
    # bounds = [[-1, 1]] * dim, transposed -> row 0 = lower, row 1 = upper
    bounds = jnp.asarray([[-1.0, 1.0]] * DIM, dtype=jnp.float32).T
    height, width = f.shape
    xn = (x - bounds[0, :]) / (bounds[1, :] - bounds[0, :])
    xn = xn * jnp.asarray([width, height], dtype=jnp.float32)
    int_x = jnp.round(xn).astype(jnp.int32)
    i0 = jnp.clip(int_x[..., 0], 0, height - 1)
    i1 = jnp.clip(int_x[..., 1], 0, width - 1)
    y = f[i0, i1]
    # noise_std = 0.0 -> no noise added (deterministic)
    y = y + NOISE_STD * jnp.zeros_like(y)
    return y

if __name__ == "__main__":
    import jax
    _d = setup_inputs()
    print(jax.jit(kernel)(*tuple(_d.values())))

</pallas_src>

<mosaic_0001>
#map = affine_map<(d0, d1) -> (0)>
module attributes {stable_mosaic.version = 14 : i64} {
  func.func @_body(%arg0: i32, %arg1: i32, %arg2: memref<2097152xf32, #tpu.memory_space<hbm>>, %arg3: memref<16777216xf32, #tpu.memory_space<hbm>>, %arg4: memref<1048576xf32, #tpu.memory_space<hbm>>, %arg5: memref<4096xf32, #tpu.memory_space<vmem>>, %arg6: memref<4096xf32, #tpu.memory_space<vmem>>, %arg7: memref<2048xi32, #tpu.memory_space<vmem>>, %arg8: memref<2048xi32, #tpu.memory_space<vmem>>, %arg9: memref<2048xi32, #tpu.memory_space<vmem>>, %arg10: memref<2048xi32, #tpu.memory_space<vmem>>, %arg11: memref<2048xf32, #tpu.memory_space<vmem>>, %arg12: memref<2048xf32, #tpu.memory_space<vmem>>, %arg13: memref<2048xf32, #tpu.memory_space<vmem>>, %arg14: memref<2048xf32, #tpu.memory_space<vmem>>, %arg15: memref<!tpu.dma_semaphore, #tpu.memory_space<semaphore_mem>>, %arg16: memref<!tpu.dma_semaphore, #tpu.memory_space<semaphore_mem>>, %arg17: memref<!tpu.dma_semaphore, #tpu.memory_space<semaphore_mem>>, %arg18: memref<!tpu.dma_semaphore, #tpu.memory_space<semaphore_mem>>, %arg19: memref<!tpu.dma_semaphore, #tpu.memory_space<semaphore_mem>>, %arg20: memref<!tpu.dma_semaphore, #tpu.memory_space<semaphore_mem>>, %arg21: memref<!tpu.dma_semaphore, #tpu.memory_space<semaphore_mem>>, %arg22: memref<!tpu.dma_semaphore, #tpu.memory_space<semaphore_mem>>, %arg23: memref<!tpu.dma_semaphore, #tpu.memory_space<semaphore_mem>>) attributes {dimension_semantics = [#tpu.dimension_semantics<core_parallel>, #tpu.dimension_semantics<subcore_parallel>], iteration_bounds = array<i64: 2, 16>, scalar_prefetch = 0 : i64, scratch_operands = 19 : i64, tpu.core_type = #tpu.core_type<sc_vector_subcore>, window_params = [{transform_indices = #map}, {transform_indices = #map}, {transform_indices = #map}]} {
    %mul3A = arith.constant 16 : i32
    %mul3A_0 = arith.muli %arg0, %mul3A : i32
    %add3A = arith.addi %mul3A_0, %arg1 : i32
    %mul3A_1 = arith.constant 32768 : i32
    %mul3A_2 = arith.muli %add3A, %mul3A_1 : i32
    %add3A_3 = arith.constant 0 : i32
    %add3A_4 = arith.addi %mul3A_2, %add3A_3 : i32
    %mul3A_5 = arith.constant 2 : i32
    %mul3A_6 = arith.muli %add3A_4, %mul3A_5 : i32
    %dma_start3A = tpu.memref_slice %arg2[%mul3A_6] : memref<2097152xf32, #tpu.memory_space<hbm>> -> memref<4096xf32, #tpu.memory_space<hbm>>
    %dma_start3A_7 = tpu.memref_slice %arg2[%mul3A_6] : memref<2097152xf32, #tpu.memory_space<hbm>> -> memref<4096xf32, #tpu.memory_space<hbm>>
    tpu.enqueue_dma source(%dma_start3A_7 : memref<4096xf32, #tpu.memory_space<hbm>>) target(%arg5 : memref<4096xf32, #tpu.memory_space<vmem>>) target_semaphore(%arg15 : memref<!tpu.dma_semaphore, #tpu.memory_space<semaphore_mem>>)
    %scan3A = arith.constant 0 : i32
    %scan3A_8 = arith.constant 4 : i32
    %scan3A_9 = arith.addi %scan3A, %scan3A_8 : i32
    %scan3A_10 = arith.constant 1 : i32
    scf.for %scan3A_55 = %scan3A to %scan3A_9 step %scan3A_10  : i32 {
      %mul3A_56 = arith.constant 1 : i32
      %mul3A_57 = arith.muli %scan3A_55, %mul3A_56 : i32
      %add3A_58 = arith.constant 0 : i32
      %add3A_59 = arith.addi %add3A_58, %mul3A_57 : i32
      %mul3A_60 = arith.constant 4 : i32
      %mul3A_61 = arith.muli %add3A_59, %mul3A_60 : i32
      %add3A_62 = arith.constant 0 : i32
      %add3A_63 = arith.addi %mul3A_61, %add3A_62 : i32
      %dma_wait3A_64 = arith.constant 0 : i32
      %dma_wait3A_65 = tpu.memref_slice %arg2[%dma_wait3A_64] : memref<2097152xf32, #tpu.memory_space<hbm>> -> memref<4096xf32, #tpu.memory_space<hbm>>
      %dma_wait3A_66 = arith.constant 0 : i32
      %dma_wait3A_67 = tpu.memref_slice %arg2[%dma_wait3A_66] : memref<2097152xf32, #tpu.memory_space<hbm>> -> memref<4096xf32, #tpu.memory_space<hbm>>
      tpu.wait_dma2 semaphore(%arg15 : memref<!tpu.dma_semaphore, #tpu.memory_space<semaphore_mem>>) src(%dma_wait3A_67 : memref<4096xf32, #tpu.memory_space<hbm>>) dst(%arg5 : memref<4096xf32, #tpu.memory_space<vmem>>)
      %add3A_68 = arith.constant 1 : i32
      %add3A_69 = arith.addi %add3A_63, %add3A_68 : i32
      %jit3A = arith.constant 16 : i32
      %eq3A = arith.constant 0 : i32
      %eq3A_70 = arith.cmpi eq, %jit3A, %eq3A : i32
      %jit3A_71 = arith.constant 1 : i32
      %select_n3A = arith.select %eq3A_70, %jit3A_71, %jit3A : i32
      %rem3A = arith.remsi %add3A_69, %select_n3A : i32
      %ne3A = arith.constant 0 : i32
      %ne3A_72 = arith.cmpi ne, %rem3A, %ne3A : i32
      %lt3A = arith.constant 0 : i32
      %lt3A_73 = arith.cmpi slt, %rem3A, %lt3A : i32
      %lt3A_74 = arith.constant 0 : i32
      %lt3A_75 = arith.cmpi slt, %select_n3A, %lt3A_74 : i32
      %ne3A_76 = arith.xori %lt3A_73, %lt3A_75 : i1
      %and3A = arith.andi %ne3A_76, %ne3A_72 : i1
      %add3A_77 = arith.addi %rem3A, %select_n3A : i32
      %select_n3A_78 = arith.select %and3A, %add3A_77, %rem3A : i32
      %mul3A_79 = arith.constant 2048 : i32
      %mul3A_80 = arith.muli %select_n3A_78, %mul3A_79 : i32
      %add3A_81 = arith.addi %mul3A_2, %mul3A_80 : i32
      %mul3A_82 = arith.constant 2 : i32
      %mul3A_83 = arith.muli %add3A_81, %mul3A_82 : i32
      %dma_start3A_84 = tpu.memref_slice %arg2[%mul3A_83] : memref<2097152xf32, #tpu.memory_space<hbm>> -> memref<4096xf32, #tpu.memory_space<hbm>>
      %dma_start3A_85 = tpu.memref_slice %arg2[%mul3A_83] : memref<2097152xf32, #tpu.memory_space<hbm>> -> memref<4096xf32, #tpu.memory_space<hbm>>
      tpu.enqueue_dma source(%dma_start3A_85 : memref<4096xf32, #tpu.memory_space<hbm>>) target(%arg6 : memref<4096xf32, #tpu.memory_space<vmem>>) target_semaphore(%arg15 : memref<!tpu.dma_semaphore, #tpu.memory_space<semaphore_mem>>)
      %scan3A_86 = arith.constant 0 : i32
      %scan3A_87 = arith.constant 16 : i32
      %scan3A_88 = arith.addi %scan3A_86, %scan3A_87 : i32
      %scan3A_89 = arith.constant 1 : i32
      scf.for %scan3A_631 = %scan3A_86 to %scan3A_88 step %scan3A_89  : i32 {
        %mul3A_632 = arith.constant 1 : i32
        %mul3A_633 = arith.muli %scan3A_631, %mul3A_632 : i32
        %add3A_634 = arith.constant 0 : i32
        %add3A_635 = arith.addi %add3A_634, %mul3A_633 : i32
        %mul3A_636 = arith.constant 256 : i32
        %mul3A_637 = arith.muli %add3A_635, %mul3A_636 : i32
        %add3A_638 = arith.constant 0 : i32
        %add3A_639 = arith.addi %mul3A_637, %add3A_638 : i32
        %get3A = arith.index_cast %add3A_639 : i32 to index
        %get3A_640 = tpu.vector_load %arg5[%get3A] {strides = array<i32>} : memref<4096xf32, #tpu.memory_space<vmem>>, vector<16xf32>,
        %add3A_641 = arith.constant 1.000000e+00 : f32
        %add3A_642 = vector.broadcast %add3A_641 : f32 to vector<16xf32>
        %add3A_643 = arith.addf %get3A_640, %add3A_642 : vector<16xf32>
        %mul3A_644 = arith.constant 2.048000e+03 : f32
        %mul3A_645 = vector.broadcast %mul3A_644 : f32 to vector<16xf32>
        %mul3A_646 = arith.mulf %add3A_643, %mul3A_645 : vector<16xf32>
        %add3A_647 = arith.constant 0x4B000000 : f32
        %add3A_648 = vector.broadcast %add3A_647 : f32 to vector<16xf32>
        %add3A_649 = arith.addf %mul3A_646, %add3A_648 : vector<16xf32>
        %bitcast3A = vector.bitcast %add3A_649 : vector<16xf32> to vector<16xi32>
        %min3A = arith.constant 1258295295 : i32
        %min3A_650 = vector.broadcast %min3A : i32 to vector<16xi32>
        %min3A_651 = arith.minsi %bitcast3A, %min3A_650 : vector<16xi32>
        %mul3A_652 = arith.constant 256 : i32
        %mul3A_653 = arith.muli %add3A_635, %mul3A_652 : i32
        %add3A_654 = arith.constant 128 : i32
        %add3A_655 = arith.addi %mul3A_653, %add3A_654 : i32
        %add3A_656 = arith.constant 0 : i32
        %add3A_657 = arith.addi %add3A_655, %add3A_656 : i32
        %get3A_658 = arith.index_cast %add3A_657 : i32 to index
        %get3A_659 = tpu.vector_load %arg5[%get3A_658] {strides = array<i32>} : memref<4096xf32, #tpu.memory_space<vmem>>, vector<16xf32>,
        %add3A_660 = arith.constant 1.000000e+00 : f32
        %add3A_661 = vector.broadcast %add3A_660 : f32 to vector<16xf32>
        %add3A_662 = arith.addf %get3A_659, %add3A_661 : vector<16xf32>
        %mul3A_663 = arith.constant 2.048000e+03 : f32
        %mul3A_664 = vector.broadcast %mul3A_663 : f32 to vector<16xf32>
        %mul3A_665 = arith.mulf %add3A_662, %mul3A_664 : vector<16xf32>
        %add3A_666 = arith.constant 0x4B000000 : f32
        %add3A_667 = vector.broadcast %add3A_666 : f32 to vector<16xf32>
        %add3A_668 = arith.addf %mul3A_665, %add3A_667 : vector<16xf32>
        %bitcast3A_669 = vector.bitcast %add3A_668 : vector<16xf32> to vector<16xi32>
        %min3A_670 = arith.constant 1258295295 : i32
        %min3A_671 = vector.broadcast %min3A_670 : i32 to vector<16xi32>
        %min3A_672 = arith.minsi %bitcast3A_669, %min3A_671 : vector<16xi32>
        %shift_left3A = arith.constant 12 : i32
        %shift_left3A_673 = vector.broadcast %shift_left3A : i32 to vector<16xi32>
        %shift_left3A_674 = arith.shli %min3A_651, %shift_left3A_673 : vector<16xi32>
        %and3A_675 = arith.constant -32768 : i32
        %and3A_676 = vector.broadcast %and3A_675 : i32 to vector<16xi32>
        %and3A_677 = arith.andi %shift_left3A_674, %and3A_676 : vector<16xi32>
        %and3A_678 = arith.constant 7 : i32
        %and3A_679 = vector.broadcast %and3A_678 : i32 to vector<16xi32>
        %and3A_680 = arith.andi %min3A_651, %and3A_679 : vector<16xi32>
        %shift_left3A_681 = arith.constant 7 : i32
        %shift_left3A_682 = vector.broadcast %shift_left3A_681 : i32 to vector<16xi32>
        %shift_left3A_683 = arith.shli %and3A_680, %shift_left3A_682 : vector<16xi32>
        %shift_left3A_684 = arith.constant 3 : i32
        %shift_left3A_685 = vector.broadcast %shift_left3A_684 : i32 to vector<16xi32>
        %shift_left3A_686 = arith.shli %min3A_672, %shift_left3A_685 : vector<16xi32>
        %and3A_687 = arith.constant -1024 : i32
        %and3A_688 = vector.broadcast %and3A_687 : i32 to vector<16xi32>
        %and3A_689 = arith.andi %shift_left3A_686, %and3A_688 : vector<16xi32>
        %and3A_690 = arith.constant 127 : i32
        %and3A_691 = vector.broadcast %and3A_690 : i32 to vector<16xi32>
        %and3A_692 = arith.andi %min3A_672, %and3A_691 : vector<16xi32>
        %add3A_693 = arith.addi %and3A_677, %shift_left3A_683 : vector<16xi32>
        %add3A_694 = arith.addi %add3A_693, %and3A_689 : vector<16xi32>
        %add3A_695 = arith.constant -1476395008 : i32
        %add3A_696 = vector.broadcast %add3A_695 : i32 to vector<16xi32>
        %add3A_697 = arith.addi %and3A_692, %add3A_696 : vector<16xi32>
        %add3A_698 = arith.addi %add3A_694, %add3A_697 : vector<16xi32>
        %mul3A_699 = arith.constant 128 : i32
        %mul3A_700 = arith.muli %add3A_635, %mul3A_699 : i32
        %add3A_701 = arith.constant 0 : i32
        %add3A_702 = arith.addi %mul3A_700, %add3A_701 : i32
        %swap3A = arith.index_cast %add3A_702 : i32 to index
        %swap3A_703 = tpu.vector_load %arg7[%swap3A] {strides = array<i32>} : memref<2048xi32, #tpu.memory_space<vmem>>, vector<16xi32>,
        tpu.vector_store %arg7[%swap3A], %add3A_698 {strides = array<i32>} : memref<2048xi32, #tpu.memory_space<vmem>>, vector<16xi32>,
        %mul3A_704 = arith.constant 256 : i32
        %mul3A_705 = arith.muli %add3A_635, %mul3A_704 : i32
        %add3A_706 = arith.constant 16 : i32
        %add3A_707 = arith.addi %mul3A_705, %add3A_706 : i32
        %get3A_708 = arith.index_cast %add3A_707 : i32 to index
        %get3A_709 = tpu.vector_load %arg5[%get3A_708] {strides = array<i32>} : memref<4096xf32, #tpu.memory_space<vmem>>, vector<16xf32>,
        %add3A_710 = arith.constant 1.000000e+00 : f32
        %add3A_711 = vector.broadcast %add3A_710 : f32 to vector<16xf32>
        %add3A_712 = arith.addf %get3A_709, %add3A_711 : vector<16xf32>
        %mul3A_713 = arith.constant 2.048000e+03 : f32
        %mul3A_714 = vector.broadcast %mul3A_713 : f32 to vector<16xf32>
        %mul3A_715 = arith.mulf %add3A_712, %mul3A_714 : vector<16xf32>
        %add3A_716 = arith.constant 0x4B000000 : f32
        %add3A_717 = vector.broadcast %add3A_716 : f32 to vector<16xf32>
        %add3A_718 = arith.addf %mul3A_715, %add3A_717 : vector<16xf32>
        %bitcast3A_719 = vector.bitcast %add3A_718 : vector<16xf32> to vector<16xi32>
        %min3A_720 = arith.constant 1258295295 : i32
        %min3A_721 = vector.broadcast %min3A_720 : i32 to vector<16xi32>
        %min3A_722 = arith.minsi %bitcast3A_719, %min3A_721 : vector<16xi32>
        %mul3A_723 = arith.constant 256 : i32
        %mul3A_724 = arith.muli %add3A_635, %mul3A_723 : i32
        %add3A_725 = arith.constant 128 : i32
        %add3A_726 = arith.addi %mul3A_724, %add3A_725 : i32
        %add3A_727 = arith.constant 16 : i32
        %add3A_728 = arith.addi %add3A_726, %add3A_727 : i32
        %get3A_729 = arith.index_cast %add3A_728 : i32 to index
        %get3A_730 = tpu.vector_load %arg5[%get3A_729] {strides = array<i32>} : memref<4096xf32, #tpu.memory_space<vmem>>, vector<16xf32>,
        %add3A_731 = arith.constant 1.000000e+00 : f32
        %add3A_732 = vector.broadcast %add3A_731 : f32 to vector<16xf32>
        %add3A_733 = arith.addf %get3A_730, %add3A_732 : vector<16xf32>
        %mul3A_734 = arith.constant 2.048000e+03 : f32
        %mul3A_735 = vector.broadcast %mul3A_734 : f32 to vector<16xf32>
        %mul3A_736 = arith.mulf %add3A_733, %mul3A_735 : vector<16xf32>
        %add3A_737 = arith.constant 0x4B000000 : f32
        %add3A_738 = vector.broadcast %add3A_737 : f32 to vector<16xf32>
        %add3A_739 = arith.addf %mul3A_736, %add3A_738 : vector<16xf32>
        %bitcast3A_740 = vector.bitcast %add3A_739 : vector<16xf32> to vector<16xi32>
        %min3A_741 = arith.constant 1258295295 : i32
        %min3A_742 = vector.broadcast %min3A_741 : i32 to vector<16xi32>
        %min3A_743 = arith.minsi %bitcast3A_740, %min3A_742 : vector<16xi32>
        %shift_left3A_744 = arith.constant 12 : i32
        %shift_left3A_745 = vector.broadcast %shift_left3A_744 : i32 to vector<16xi32>
        %shift_left3A_746 = arith.shli %min3A_722, %shift_left3A_745 : vector<16xi32>
        %and3A_747 = arith.constant -32768 : i32
        %and3A_748 = vector.broadcast %and3A_747 : i32 to vector<16xi32>
        %and3A_749 = arith.andi %shift_left3A_746, %and3A_748 : vector<16xi32>
        %and3A_750 = arith.constant 7 : i32
        %and3A_751 = vector.broadcast %and3A_750 : i32 to vector<16xi32>
        %and3A_752 = arith.andi %min3A_722, %and3A_751 : vector<16xi32>
        %shift_left3A_753 = arith.constant 7 : i32
        %shift_left3A_754 = vector.broadcast %shift_left3A_753 : i32 to vector<16xi32>
        %shift_left3A_755 = arith.shli %and3A_752, %shift_left3A_754 : vector<16xi32>
        %shift_left3A_756 = arith.constant 3 : i32
        %shift_left3A_757 = vector.broadcast %shift_left3A_756 : i32 to vector<16xi32>
        %shift_left3A_758 = arith.shli %min3A_743, %shift_left3A_757 : vector<16xi32>
        %and3A_759 = arith.constant -1024 : i32
        %and3A_760 = vector.broadcast %and3A_759 : i32 to vector<16xi32>
        %and3A_761 = arith.andi %shift_left3A_758, %and3A_760 : vector<16xi32>
        %and3A_762 = arith.constant 127 : i32
        %and3A_763 = vector.broadcast %and3A_762 : i32 to vector<16xi32>
        %and3A_764 = arith.andi %min3A_743, %and3A_763 : vector<16xi32>
        %add3A_765 = arith.addi %and3A_749, %shift_left3A_755 : vector<16xi32>
        %add3A_766 = arith.addi %add3A_765, %and3A_761 : vector<16xi32>
        %add3A_767 = arith.constant -1476395008 : i32
        %add3A_768 = vector.broadcast %add3A_767 : i32 to vector<16xi32>
        %add3A_769 = arith.addi %and3A_764, %add3A_768 : vector<16xi32>
        %add3A_770 = arith.addi %add3A_766, %add3A_769 : vector<16xi32>
        %mul3A_771 = arith.constant 128 : i32
        %mul3A_772 = arith.muli %add3A_635, %mul3A_771 : i32
        %add3A_773 = arith.constant 16 : i32
        %add3A_774 = arith.addi %mul3A_772, %add3A_773 : i32
        %swap3A_775 = arith.index_cast %add3A_774 : i32 to index
        %swap3A_776 = tpu.vector_load %arg7[%swap3A_775] {strides = array<i32>} : memref<2048xi32, #tpu.memory_space<vmem>>, vector<16xi32>,
        tpu.vector_store %arg7[%swap3A_775], %add3A_770 {strides = array<i32>} : memref<2048xi32, #tpu.memory_space<vmem>>, vector<16xi32>,
        %mul3A_777 = arith.constant 256 : i32
        %mul3A_778 = arith.muli %add3A_635, %mul3A_777 : i32
        %add3A_779 = arith.constant 32 : i32
        %add3A_780 = arith.addi %mul3A_778, %add3A_779 : i32
        %get3A_781 = arith.index_cast %add3A_780 : i32 to index
        %get3A_782 = tpu.vector_load %arg5[%get3A_781] {strides = array<i32>} : memref<4096xf32, #tpu.memory_space<vmem>>, vector<16xf32>,
        %add3A_783 = arith.constant 1.000000e+00 : f32
        %add3A_784 = vector.broadcast %add3A_783 : f32 to vector<16xf32>
        %add3A_785 = arith.addf %get3A_782, %add3A_784 : vector<16xf32>
        %mul3A_786 = arith.constant 2.048000e+03 : f32
        %mul3A_787 = vector.broadcast %mul3A_786 : f32 to vector<16xf32>
        %mul3A_788 = arith.mulf %add3A_785, %mul3A_787 : vector<16xf32>
        %add3A_789 = arith.constant 0x4B000000 : f32
        %add3A_790 = vector.broadcast %add3A_789 : f32 to vector<16xf32>
        %add3A_791 = arith.addf %mul3A_788, %add3A_790 : vector<16xf32>
        %bitcast3A_792 = vector.bitcast %add3A_791 : vector<16xf32> to vector<16xi32>
        %min3A_793 = arith.constant 1258295295 : i32
        %min3A_794 = vector.broadcast %min3A_793 : i32 to vector<16xi32>
        %min3A_795 = arith.minsi %bitcast3A_792, %min3A_794 : vector<16xi32>
        %mul3A_796 = arith.constant 256 : i32
        %mul3A_797 = arith.muli %add3A_635, %mul3A_796 : i32
        %add3A_798 = arith.constant 128 : i32
        %add3A_799 = arith.addi %mul3A_797, %add3A_798 : i32
        %add3A_800 = arith.constant 32 : i32
        %add3A_801 = arith.addi %add3A_799, %add3A_800 : i32
        %get3A_802 = arith.index_cast %add3A_801 : i32 to index
        %get3A_803 = tpu.vector_load %arg5[%get3A_802] {strides = array<i32>} : memref<4096xf32, #tpu.memory_space<vmem>>, vector<16xf32>,
        %add3A_804 = arith.constant 1.000000e+00 : f32
        %add3A_805 = vector.broadcast %add3A_804 : f32 to vector<16xf32>
        %add3A_806 = arith.addf %get3A_803, %add3A_805 : vector<16xf32>
        %mul3A_807 = arith.constant 2.048000e+03 : f32
        %mul3A_808 = vector.broadcast %mul3A_807 : f32 to vector<16xf32>
        %mul3A_809 = arith.mulf %add3A_806, %mul3A_808 : vector<16xf32>
        %add3A_810 = arith.constant 0x4B000000 : f32
        %add3A_811 = vector.broadcast %add3A_810 : f32 to vector<16xf32>
        %add3A_812 = arith.addf %mul3A_809, %add3A_811 : vector<16xf32>
        %bitcast3A_813 = vector.bitcast %add3A_812 : vector<16xf32> to vector<16xi32>
        %min3A_814 = arith.constant 1258295295 : i32
        %min3A_815 = vector.broadcast %min3A_814 : i32 to vector<16xi32>
        %min3A_816 = arith.minsi %bitcast3A_813, %min3A_815 : vector<16xi32>
        %shift_left3A_817 = arith.constant 12 : i32
        %shift_left3A_818 = vector.broadcast %shift_left3A_817 : i32 to vector<16xi32>
        %shift_left3A_819 = arith.shli %min3A_795, %shift_left3A_818 : vector<16xi32>
        %and3A_820 = arith.constant -32768 : i32
        %and3A_821 = vector.broadcast %and3A_820 : i32 to vector<16xi32>
        %and3A_822 = arith.andi %shift_left3A_819, %and3A_821 : vector<16xi32>
        %and3A_823 = arith.constant 7 : i32
        %and3A_824 = vector.broadcast %and3A_823 : i32 to vector<16xi32>
        %and3A_825 = arith.andi %min3A_795, %and3A_824 : vector<16xi32>
        %shift_left3A_826 = arith.constant 7 : i32
        %shift_left3A_827 = vector.broadcast %shift_left3A_826 : i32 to vector<16xi32>
        %shift_left3A_828 = arith.shli %and3A_825, %shift_left3A_827 : vector<16xi32>
        %shift_left3A_829 = arith.constant 3 : i32
        %shift_left3A_830 = vector.broadcast %shift_left3A_829 : i32 to vector<16xi32>
        %shift_left3A_831 = arith.shli %min3A_816, %shift_left3A_830 : vector<16xi32>
        %and3A_832 = arith.constant -1024 : i32
        %and3A_833 = vector.broadcast %and3A_832 : i32 to vector<16xi32>
        %and3A_834 = arith.andi %shift_left3A_831, %and3A_833 : vector<16xi32>
        %and3A_835 = arith.constant 127 : i32
        %and3A_836 = vector.broadcast %and3A_835 : i32 to vector<16xi32>
        %and3A_837 = arith.andi %min3A_816, %and3A_836 : vector<16xi32>
        %add3A_838 = arith.addi %and3A_822, %shift_left3A_828 : vector<16xi32>
        %add3A_839 = arith.addi %add3A_838, %and3A_834 : vector<16xi32>
        %add3A_840 = arith.constant -1476395008 : i32
        %add3A_841 = vector.broadcast %add3A_840 : i32 to vector<16xi32>
        %add3A_842 = arith.addi %and3A_837, %add3A_841 : vector<16xi32>
        %add3A_843 = arith.addi %add3A_839, %add3A_842 : vector<16xi32>
        %mul3A_844 = arith.constant 128 : i32
        %mul3A_845 = arith.muli %add3A_635, %mul3A_844 : i32
        %add3A_846 = arith.constant 32 : i32
        %add3A_847 = arith.addi %mul3A_845, %add3A_846 : i32
        %swap3A_848 = arith.index_cast %add3A_847 : i32 to index
        %swap3A_849 = tpu.vector_load %arg7[%swap3A_848] {strides = array<i32>} : memref<2048xi32, #tpu.memory_space<vmem>>, vector<16xi32>,
        tpu.vector_store %arg7[%swap3A_848], %add3A_843 {strides = array<i32>} : memref<2048xi32, #tpu.memory_space<vmem>>, vector<16xi32>,
        %mul3A_850 = arith.constant 256 : i32
        %mul3A_851 = arith.muli %add3A_635, %mul3A_850 : i32
        %add3A_852 = arith.constant 48 : i32
        %add3A_853 = arith.addi %mul3A_851, %add3A_852 : i32
        %get3A_854 = arith.index_cast %add3A_853 : i32 to index
        %get3A_855 = tpu.vector_load %arg5[%get3A_854] {strides = array<i32>} : memref<4096xf32, #tpu.memory_space<vmem>>, vector<16xf32>,
        %add3A_856 = arith.constant 1.000000e+00 : f32
        %add3A_857 = vector.broadcast %add3A_856 : f32 to vector<16xf32>
        %add3A_858 = arith.addf %get3A_855, %add3A_857 : vector<16xf32>
        %mul3A_859 = arith.constant 2.048000e+03 : f32
        %mul3A_860 = vector.broadcast %mul3A_859 : f32 to vector<16xf32>
        %mul3A_861 = arith.mulf %add3A_858, %mul3A_860 : vector<16xf32>
        %add3A_862 = arith.constant 0x4B000000 : f32
        %add3A_863 = vector.broadcast %add3A_862 : f32 to vector<16xf32>
        %add3A_864 = arith.addf %mul3A_861, %add3A_863 : vector<16xf32>
        %bitcast3A_865 = vector.bitcast %add3A_864 : vector<16xf32> to vector<16xi32>
        %min3A_866 = arith.constant 1258295295 : i32
        %min3A_867 = vector.broadcast %min3A_866 : i32 to vector<16xi32>
        %min3A_868 = arith.minsi %bitcast3A_865, %min3A_867 : vector<16xi32>
        %mul3A_869 = arith.constant 256 : i32
        %mul3A_870 = arith.muli %add3A_635, %mul3A_869 : i32
        %add3A_871 = arith.constant 128 : i32
        %add3A_872 = arith.addi %mul3A_870, %add3A_871 : i32
        %add3A_873 = arith.constant 48 : i32
        %add3A_874 = arith.addi %add3A_872, %add3A_873 : i32
        %get3A_875 = arith.index_cast %add3A_874 : i32 to index
        %get3A_876 = tpu.vector_load %arg5[%get3A_875] {strides = array<i32>} : memref<4096xf32, #tpu.memory_space<vmem>>, vector<16xf32>,
        %add3A_877 = arith.constant 1.000000e+00 : f32
        %add3A_878 = vector.broadcast %add3A_877 : f32 to vector<16xf32>
        %add3A_879 = arith.addf %get3A_876, %add3A_878 : vector<16xf32>
        %mul3A_880 = arith.constant 2.048000e+03 : f32
        %mul3A_881 = vector.broadcast %mul3A_880 : f32 to vector<16xf32>
        %mul3A_882 = arith.mulf %add3A_879, %mul3A_881 : vector<16xf32>
        %add3A_883 = arith.constant 0x4B000000 : f32
        %add3A_884 = vector.broadcast %add3A_883 : f32 to vector<16xf32>
        %add3A_885 = arith.addf %mul3A_882, %add3A_884 : vector<16xf32>
        %bitcast3A_886 = vector.bitcast %add3A_885 : vector<16xf32> to vector<16xi32>
        %min3A_887 = arith.constant 1258295295 : i32
        %min3A_888 = vector.broadcast %min3A_887 : i32 to vector<16xi32>
        %min3A_889 = arith.minsi %bitcast3A_886, %min3A_888 : vector<16xi32>
        %shift_left3A_890 = arith.constant 12 : i32
        %shift_left3A_891 = vector.broadcast %shift_left3A_890 : i32 to vector<16xi32>
        %shift_left3A_892 = arith.shli %min3A_868, %shift_left3A_891 : vector<16xi32>
        %and3A_893 = arith.constant -32768 : i32
        %and3A_894 = vector.broadcast %and3A_893 : i32 to vector<16xi32>
        %and3A_895 = arith.andi %shift_left3A_892, %and3A_894 : vector<16xi32>
        %and3A_896 = arith.constant 7 : i32
        %and3A_897 = vector.broadcast %and3A_896 : i32 to vector<16xi32>
        %and3A_898 = arith.andi %min3A_868, %and3A_897 : vector<16xi32>
        %shift_left3A_899 = arith.constant 7 : i32
        %shift_left3A_900 = vector.broadcast %shift_left3A_899 : i32 to vector<16xi32>
        %shift_left3A_901 = arith.shli %and3A_898, %shift_left3A_900 : vector<16xi32>
        %shift_left3A_902 = arith.constant 3 : i32
        %shift_left3A_903 = vector.broadcast %shift_left3A_902 : i32 to vector<16xi32>
        %shift_left3A_904 = arith.shli %min3A_889, %shift_left3A_903 : vector<16xi32>
        %and3A_905 = arith.constant -1024 : i32
        %and3A_906 = vector.broadcast %and3A_905 : i32 to vector<16xi32>
        %and3A_907 = arith.andi %shift_left3A_904, %and3A_906 : vector<16xi32>
        %and3A_908 = arith.constant 127 : i32
        %and3A_909 = vector.broadcast %and3A_908 : i32 to vector<16xi32>
        %and3A_910 = arith.andi %min3A_889, %and3A_909 : vector<16xi32>
        %add3A_911 = arith.addi %and3A_895, %shift_left3A_901 : vector<16xi32>
        %add3A_912 = arith.addi %add3A_911, %and3A_907 : vector<16xi32>
        %add3A_913 = arith.constant -1476395008 : i32
        %add3A_914 = vector.broadcast %add3A_913 : i32 to vector<16xi32>
        %add3A_915 = arith.addi %and3A_910, %add3A_914 : vector<16xi32>
        %add3A_916 = arith.addi %add3A_912, %add3A_915 : vector<16xi32>
        %mul3A_917 = arith.constant 128 : i32
        %mul3A_918 = arith.muli %add3A_635, %mul3A_917 : i32
        %add3A_919 = arith.constant 48 : i32
        %add3A_920 = arith.addi %mul3A_918, %add3A_919 : i32
        %swap3A_921 = arith.index_cast %add3A_920 : i32 to index
        %swap3A_922 = tpu.vector_load %arg7[%swap3A_921] {strides = array<i32>} : memref<2048xi32, #tpu.memory_space<vmem>>, vector<16xi32>,
        tpu.vector_store %arg7[%swap3A_921], %add3A_916 {strides = array<i32>} : memref<2048xi32, #tpu.memory_space<vmem>>, vector<16xi32>,
        %mul3A_923 = arith.constant 256 : i32
        %mul3A_924 = arith.muli %add3A_635, %mul3A_923 : i32
        %add3A_925 = arith.constant 64 : i32
        %add3A_926 = arith.addi %mul3A_924, %add3A_925 : i32
        %get3A_927 = arith.index_cast %add3A_926 : i32 to index
        %get3A_928 = tpu.vector_load %arg5[%get3A_927] {strides = array<i32>} : memref<4096xf32, #tpu.memory_space<vmem>>, vector<16xf32>,
        %add3A_929 = arith.constant 1.000000e+00 : f32
        %add3A_930 = vector.broadcast %add3A_929 : f32 to vector<16xf32>
        %add3A_931 = arith.addf %get3A_928, %add3A_930 : vector<16xf32>
        %mul3A_932 = arith.constant 2.048000e+03 : f32
        %mul3A_933 = vector.broadcast %mul3A_932 : f32 to vector<16xf32>
        %mul3A_934 = arith.mulf %add3A_931, %mul3A_933 : vector<16xf32>
        %add3A_935 = arith.constant 0x4B000000 : f32
        %add3A_936 = vector.broadcast %add3A_935 : f32 to vector<16xf32>
        %add3A_937 = arith.addf %mul3A_934, %add3A_936 : vector<16xf32>
        %bitcast3A_938 = vector.bitcast %add3A_937 : vector<16xf32> to vector<16xi32>
        %min3A_939 = arith.constant 1258295295 : i32
        %min3A_940 = vector.broadcast %min3A_939 : i32 to vector<16xi32>
        %min3A_941 = arith.minsi %bitcast3A_938, %min3A_940 : vector<16xi32>
        %mul3A_942 = arith.constant 256 : i32
        %mul3A_943 = arith.muli %add3A_635, %mul3A_942 : i32
        %add3A_944 = arith.constant 128 : i32
        %add3A_945 = arith.addi %mul3A_943, %add3A_944 : i32
        %add3A_946 = arith.constant 64 : i32
        %add3A_947 = arith.addi %add3A_945, %add3A_946 : i32
        %get3A_948 = arith.index_cast %add3A_947 : i32 to index
        %get3A_949 = tpu.vector_load %arg5[%get3A_948] {strides = array<i32>} : memref<4096xf32, #tpu.memory_space<vmem>>, vector<16xf32>,
        %add3A_950 = arith.constant 1.000000e+00 : f32
        %add3A_951 = vector.broadcast %add3A_950 : f32 to vector<16xf32>
        %add3A_952 = arith.addf %get3A_949, %add3A_951 : vector<16xf32>
        %mul3A_953 = arith.constant 2.048000e+03 : f32
        %mul3A_954 = vector.broadcast %mul3A_953 : f32 to vector<16xf32>
        %mul3A_955 = arith.mulf %add3A_952, %mul3A_954 : vector<16xf32>
        %add3A_956 = arith.constant 0x4B000000 : f32
        %add3A_957 = vector.broadcast %add3A_956 : f32 to vector<16xf32>
        %add3A_958 = arith.addf %mul3A_955, %add3A_957 : vector<16xf32>
        %bitcast3A_959 = vector.bitcast %add3A_958 : vector<16xf32> to vector<16xi32>
        %min3A_960 = arith.constant 1258295295 : i32
        %min3A_961 = vector.broadcast %min3A_960 : i32 to vector<16xi32>
        %min3A_962 = arith.minsi %bitcast3A_959, %min3A_961 : vector<16xi32>
        %shift_left3A_963 = arith.constant 12 : i32
        %shift_left3A_964 = vector.broadcast %shift_left3A_963 : i32 to vector<16xi32>
        %shift_left3A_965 = arith.shli %min3A_941, %shift_left3A_964 : vector<16xi32>
        %and3A_966 = arith.constant -32768 : i32
        %and3A_967 = vector.broadcast %and3A_966 : i32 to vector<16xi32>
        %and3A_968 = arith.andi %shift_left3A_965, %and3A_967 : vector<16xi32>
        %and3A_969 = arith.constant 7 : i32
        %and3A_970 = vector.broadcast %and3A_969 : i32 to vector<16xi32>
        %and3A_971 = arith.andi %min3A_941, %and3A_970 : vector<16xi32>
        %shift_left3A_972 = arith.constant 7 : i32
        %shift_left3A_973 = vector.broadcast %shift_left3A_972 : i32 to vector<16xi32>
        %shift_left3A_974 = arith.shli %and3A_971, %shift_left3A_973 : vector<16xi32>
        %shift_left3A_975 = arith.constant 3 : i32
        %shift_left3A_976 = vector.broadcast %shift_left3A_975 : i32 to vector<16xi32>
        %shift_left3A_977 = arith.shli %min3A_962, %shift_left3A_976 : vector<16xi32>
        %and3A_978 = arith.constant -1024 : i32
        %and3A_979 = vector.broadcast %and3A_978 : i32 to vector<16xi32>
        %and3A_980 = arith.andi %shift_left3A_977, %and3A_979 : vector<16xi32>
        %and3A_981 = arith.constant 127 : i32
        %and3A_982 = vector.broadcast %and3A_981 : i32 to vector<16xi32>
        %and3A_983 = arith.andi %min3A_962, %and3A_982 : vector<16xi32>
        %add3A_984 = arith.addi %and3A_968, %shift_left3A_974 : vector<16xi32>
        %add3A_985 = arith.addi %add3A_984, %and3A_980 : vector<16xi32>
        %add3A_986 = arith.constant -1476395008 : i32
        %add3A_987 = vector.broadcast %add3A_986 : i32 to vector<16xi32>
        %add3A_988 = arith.addi %and3A_983, %add3A_987 : vector<16xi32>
        %add3A_989 = arith.addi %add3A_985, %add3A_988 : vector<16xi32>
        %mul3A_990 = arith.constant 128 : i32
        %mul3A_991 = arith.muli %add3A_635, %mul3A_990 : i32
        %add3A_992 = arith.constant 64 : i32
        %add3A_993 = arith.addi %mul3A_991, %add3A_992 : i32
        %swap3A_994 = arith.index_cast %add3A_993 : i32 to index
        %swap3A_995 = tpu.vector_load %arg7[%swap3A_994] {strides = array<i32>} : memref<2048xi32, #tpu.memory_space<vmem>>, vector<16xi32>,
        tpu.vector_store %arg7[%swap3A_994], %add3A_989 {strides = array<i32>} : memref<2048xi32, #tpu.memory_space<vmem>>, vector<16xi32>,
        %mul3A_996 = arith.constant 256 : i32
        %mul3A_997 = arith.muli %add3A_635, %mul3A_996 : i32
        %add3A_998 = arith.constant 80 : i32
        %add3A_999 = arith.addi %mul3A_997, %add3A_998 : i32
        %get3A_1000 = arith.index_cast %add3A_999 : i32 to index
        %get3A_1001 = tpu.vector_load %arg5[%get3A_1000] {strides = array<i32>} : memref<4096xf32, #tpu.memory_space<vmem>>, vector<16xf32>,
        %add3A_1002 = arith.constant 1.000000e+00 : f32
        %add3A_1003 = vector.broadcast %add3A_1002 : f32 to vector<16xf32>
        %add3A_1004 = arith.addf %get3A_1001, %add3A_1003 : vector<16xf32>
        %mul3A_1005 = arith.constant 2.048000e+03 : f32
        %mul3A_1006 = vector.broadcast %mul3A_1005 : f32 to vector<16xf32>
        %mul3A_1007 = arith.mulf %add3A_1004, %mul3A_1006 : vector<16xf32>
        %add3A_1008 = arith.constant 0x4B000000 : f32
        %add3A_1009 = vector.broadcast %add3A_1008 : f32 to vector<16xf32>
        %add3A_1010 = arith.addf %mul3A_1007, %add3A_1009 : vector<16xf32>
        %bitcast3A_1011 = vector.bitcast %add3A_1010 : vector<16xf32> to vector<16xi32>
        %min3A_1012 = arith.constant 1258295295 : i32
        %min3A_1013 = vector.broadcast %min3A_1012 : i32 to vector<16xi32>
        %min3A_1014 = arith.minsi %bitcast3A_1011, %min3A_1013 : vector<16xi32>
        %mul3A_1015 = arith.constant 256 : i32
        %mul3A_1016 = arith.muli %add3A_635, %mul3A_1015 : i32
        %add3A_1017 = arith.constant 128 : i32
        %add3A_1018 = arith.addi %mul3A_1016, %add3A_1017 : i32
        %add3A_1019 = arith.constant 80 : i32
        %add3A_1020 = arith.addi %add3A_1018, %add3A_1019 : i32
        %get3A_1021 = arith.index_cast %add3A_1020 : i32 to index
        %get3A_1022 = tpu.vector_load %arg5[%get3A_1021] {strides = array<i32>} : memref<4096xf32, #tpu.memory_space<vmem>>, vector<16xf32>,
        %add3A_1023 = arith.constant 1.000000e+00 : f32
        %add3A_1024 = vector.broadcast %add3A_1023 : f32 to vector<16xf32>
        %add3A_1025 = arith.addf %get3A_1022, %add3A_1024 : vector<16xf32>
        %mul3A_1026 = arith.constant 2.048000e+03 : f32
        %mul3A_1027 = vector.broadcast %mul3A_1026 : f32 to vector<16xf32>
        %mul3A_1028 = arith.mulf %add3A_1025, %mul3A_1027 : vector<16xf32>
        %add3A_1029 = arith.constant 0x4B000000 : f32
        %add3A_1030 = vector.broadcast %add3A_1029 : f32 to vector<16xf32>
        %add3A_1031 = arith.addf %mul3A_1028, %add3A_1030 : vector<16xf32>
        %bitcast3A_1032 = vector.bitcast %add3A_1031 : vector<16xf32> to vector<16xi32>
        %min3A_1033 = arith.constant 1258295295 : i32
        %min3A_1034 = vector.broadcast %min3A_1033 : i32 to vector<16xi32>
        %min3A_1035 = arith.minsi %bitcast3A_1032, %min3A_1034 : vector<16xi32>
        %shift_left3A_1036 = arith.constant 12 : i32
        %shift_left3A_1037 = vector.broadcast %shift_left3A_1036 : i32 to vector<16xi32>
        %shift_left3A_1038 = arith.shli %min3A_1014, %shift_left3A_1037 : vector<16xi32>
        %and3A_1039 = arith.constant -32768 : i32
        %and3A_1040 = vector.broadcast %and3A_1039 : i32 to vector<16xi32>
        %and3A_1041 = arith.andi %shift_left3A_1038, %and3A_1040 : vector<16xi32>
        %and3A_1042 = arith.constant 7 : i32
        %and3A_1043 = vector.broadcast %and3A_1042 : i32 to vector<16xi32>
        %and3A_1044 = arith.andi %min3A_1014, %and3A_1043 : vector<16xi32>
        %shift_left3A_1045 = arith.constant 7 : i32
        %shift_left3A_1046 = vector.broadcast %shift_left3A_1045 : i32 to vector<16xi32>
        %shift_left3A_1047 = arith.shli %and3A_1044, %shift_left3A_1046 : vector<16xi32>
        %shift_left3A_1048 = arith.constant 3 : i32
        %shift_left3A_1049 = vector.broadcast %shift_left3A_1048 : i32 to vector<16xi32>
        %shift_left3A_1050 = arith.shli %min3A_1035, %shift_left3A_1049 : vector<16xi32>
        %and3A_1051 = arith.constant -1024 : i32
        %and3A_1052 = vector.broadcast %and3A_1051 : i32 to vector<16xi32>
        %and3A_1053 = arith.andi %shift_left3A_1050, %and3A_1052 : vector<16xi32>
        %and3A_1054 = arith.constant 127 : i32
        %and3A_1055 = vector.broadcast %and3A_1054 : i32 to vector<16xi32>
        %and3A_1056 = arith.andi %min3A_1035, %and3A_1055 : vector<16xi32>
        %add3A_1057 = arith.addi %and3A_1041, %shift_left3A_1047 : vector<16xi32>
        %add3A_1058 = arith.addi %add3A_1057, %and3A_1053 : vector<16xi32>
        %add3A_1059 = arith.constant -1476395008 : i32
        %add3A_1060 = vector.broadcast %add3A_1059 : i32 to vector<16xi32>
        %add3A_1061 = arith.addi %and3A_1056, %add3A_1060 : vector<16xi32>
        %add3A_1062 = arith.addi %add3A_1058, %add3A_1061 : vector<16xi32>
        %mul3A_1063 = arith.constant 128 : i32
        %mul3A_1064 = arith.muli %add3A_635, %mul3A_1063 : i32
        %add3A_1065 = arith.constant 80 : i32
        %add3A_1066 = arith.addi %mul3A_1064, %add3A_1065 : i32
        %swap3A_1067 = arith.index_cast %add3A_1066 : i32 to index
        %swap3A_1068 = tpu.vector_load %arg7[%swap3A_1067] {strides = array<i32>} : memref<2048xi32, #tpu.memory_space<vmem>>, vector<16xi32>,
        tpu.vector_store %arg7[%swap3A_1067], %add3A_1062 {strides = array<i32>} : memref<2048xi32, #tpu.memory_space<vmem>>, vector<16xi32>,
        %mul3A_1069 = arith.constant 256 : i32
        %mul3A_1070 = arith.muli %add3A_635, %mul3A_1069 : i32
        %add3A_1071 = arith.constant 96 : i32
        %add3A_1072 = arith.addi %mul3A_1070, %add3A_1071 : i32
        %get3A_1073 = arith.index_cast %add3A_1072 : i32 to index
        %get3A_1074 = tpu.vector_load %arg5[%get3A_1073] {strides = array<i32>} : memref<4096xf32, #tpu.memory_space<vmem>>, vector<16xf32>,
        %add3A_1075 = arith.constant 1.000000e+00 : f32
        %add3A_1076 = vector.broadcast %add3A_1075 : f32 to vector<16xf32>
        %add3A_1077 = arith.addf %get3A_1074, %add3A_1076 : vector<16xf32>
        %mul3A_1078 = arith.constant 2.048000e+03 : f32
        %mul3A_1079 = vector.broadcast %mul3A_1078 : f32 to vector<16xf32>
        %mul3A_1080 = arith.mulf %add3A_1077, %mul3A_1079 : vector<16xf32>
        %add3A_1081 = arith.constant 0x4B000000 : f32
        %add3A_1082 = vector.broadcast %add3A_1081 : f32 to vector<16xf32>
        %add3A_1083 = arith.addf %mul3A_1080, %add3A_1082 : vector<16xf32>
        %bitcast3A_1084 = vector.bitcast %add3A_1083 : vector<16xf32> to vector<16xi32>
        %min3A_1085 = arith.constant 1258295295 : i32
        %min3A_1086 = vector.broadcast %min3A_1085 : i32 to vector<16xi32>
        %min3A_1087 = arith.minsi %bitcast3A_1084, %min3A_1086 : vector<16xi32>
        %mul3A_1088 = arith.constant 256 : i32
        %mul3A_1089 = arith.muli %add3A_635, %mul3A_1088 : i32
        %add3A_1090 = arith.constant 128 : i32
        %add3A_1091 = arith.addi %mul3A_1089, %add3A_1090 : i32
        %add3A_1092 = arith.constant 96 : i32
        %add3A_1093 = arith.addi %add3A_1091, %add3A_1092 : i32
        %get3A_1094 = arith.index_cast %add3A_1093 : i32 to index
        %get3A_1095 = tpu.vector_load %arg5[%get3A_1094] {strides = array<i32>} : memref<4096xf32, #tpu.memory_space<vmem>>, vector<16xf32>,
        %add3A_1096 = arith.constant 1.000000e+00 : f32
        %add3A_1097 = vector.broadcast %add3A_1096 : f32 to vector<16xf32>
        %add3A_1098 = arith.addf %get3A_1095, %add3A_1097 : vector<16xf32>
        %mul3A_1099 = arith.constant 2.048000e+03 : f32
        %mul3A_1100 = vector.broadcast %mul3A_1099 : f32 to vector<16xf32>
        %mul3A_1101 = arith.mulf %add3A_1098, %mul3A_1100 : vector<16xf32>
        %add3A_1102 = arith.constant 0x4B000000 : f32
        %add3A_1103 = vector.broadcast %add3A_1102 : f32 to vector<16xf32>
        %add3A_1104 = arith.addf %mul3A_1101, %add3A_1103 : vector<16xf32>
        %bitcast3A_1105 = vector.bitcast %add3A_1104 : vector<16xf32> to vector<16xi32>
        %min3A_1106 = arith.constant 1258295295 : i32
        %min3A_1107 = vector.broadcast %min3A_1106 : i32 to vector<16xi32>
        %min3A_1108 = arith.minsi %bitcast3A_1105, %min3A_1107 : vector<16xi32>
        %shift_left3A_1109 = arith.constant 12 : i32
        %shift_left3A_1110 = vector.broadcast %shift_left3A_1109 : i32 to vector<16xi32>
        %shift_left3A_1111 = arith.shli %min3A_1087, %shift_left3A_1110 : vector<16xi32>
        %and3A_1112 = arith.constant -32768 : i32
        %and3A_1113 = vector.broadcast %and3A_1112 : i32 to vector<16xi32>
        %and3A_1114 = arith.andi %shift_left3A_1111, %and3A_1113 : vector<16xi32>
        %and3A_1115 = arith.constant 7 : i32
        %and3A_1116 = vector.broadcast %and3A_1115 : i32 to vector<16xi32>
        %and3A_1117 = arith.andi %min3A_1087, %and3A_1116 : vector<16xi32>
        %shift_left3A_1118 = arith.constant 7 : i32
        %shift_left3A_1119 = vector.broadcast %shift_left3A_1118 : i32 to vector<16xi32>
        %shift_left3A_1120 = arith.shli %and3A_1117, %shift_left3A_1119 : vector<16xi32>
        %shift_left3A_1121 = arith.constant 3 : i32
        %shift_left3A_1122 = vector.broadcast %shift_left3A_1121 : i32 to vector<16xi32>
        %shift_left3A_1123 = arith.shli %min3A_1108, %shift_left3A_1122 : vector<16xi32>
        %and3A_1124 = arith.constant -1024 : i32
        %and3A_1125 = vector.broadcast %and3A_1124 : i32 to vector<16xi32>
        %and3A_1126 = arith.andi %shift_left3A_1123, %and3A_1125 : vector<16xi32>
        %and3A_1127 = arith.constant 127 : i32
        %and3A_1128 = vector.broadcast %and3A_1127 : i32 to vector<16xi32>
        %and3A_1129 = arith.andi %min3A_1108, %and3A_1128 : vector<16xi32>
        %add3A_1130 = arith.addi %and3A_1114, %shift_left3A_1120 : vector<16xi32>
        %add3A_1131 = arith.addi %add3A_1130, %and3A_1126 : vector<16xi32>
        %add3A_1132 = arith.constant -1476395008 : i32
        %add3A_1133 = vector.broadcast %add3A_1132 : i32 to vector<16xi32>
        %add3A_1134 = arith.addi %and3A_1129, %add3A_1133 : vector<16xi32>
        %add3A_1135 = arith.addi %add3A_1131, %add3A_1134 : vector<16xi32>
        %mul3A_1136 = arith.constant 128 : i32
        %mul3A_1137 = arith.muli %add3A_635, %mul3A_1136 : i32
        %add3A_1138 = arith.constant 96 : i32
        %add3A_1139 = arith.addi %mul3A_1137, %add3A_1138 : i32
        %swap3A_1140 = arith.index_cast %add3A_1139 : i32 to index
        %swap3A_1141 = tpu.vector_load %arg7[%swap3A_1140] {strides = array<i32>} : memref<2048xi32, #tpu.memory_space<vmem>>, vector<16xi32>,
        tpu.vector_store %arg7[%swap3A_1140], %add3A_1135 {strides = array<i32>} : memref<2048xi32, #tpu.memory_space<vmem>>, vector<16xi32>,
        %mul3A_1142 = arith.constant 256 : i32
        %mul3A_1143 = arith.muli %add3A_635, %mul3A_1142 : i32
        %add3A_1144 = arith.constant 112 : i32
        %add3A_1145 = arith.addi %mul3A_1143, %add3A_1144 : i32
        %get3A_1146 = arith.index_cast %add3A_1145 : i32 to index
        %get3A_1147 = tpu.vector_load %arg5[%get3A_1146] {strides = array<i32>} : memref<4096xf32, #tpu.memory_space<vmem>>, vector<16xf32>,
        %add3A_1148 = arith.constant 1.000000e+00 : f32
        %add3A_1149 = vector.broadcast %add3A_1148 : f32 to vector<16xf32>
        %add3A_1150 = arith.addf %get3A_1147, %add3A_1149 : vector<16xf32>
        %mul3A_1151 = arith.constant 2.048000e+03 : f32
        %mul3A_1152 = vector.broadcast %mul3A_1151 : f32 to vector<16xf32>
        %mul3A_1153 = arith.mulf %add3A_1150, %mul3A_1152 : vector<16xf32>
        %add3A_1154 = arith.constant 0x4B000000 : f32
        %add3A_1155 = vector.broadcast %add3A_1154 : f32 to vector<16xf32>
        %add3A_1156 = arith.addf %mul3A_1153, %add3A_1155 : vector<16xf32>
        %bitcast3A_1157 = vector.bitcast %add3A_1156 : vector<16xf32> to vector<16xi32>
        %min3A_1158 = arith.constant 1258295295 : i32
        %min3A_1159 = vector.broadcast %min3A_1158 : i32 to vector<16xi32>
        %min3A_1160 = arith.minsi %bitcast3A_1157, %min3A_1159 : vector<16xi32>
        %mul3A_1161 = arith.constant 256 : i32
        %mul3A_1162 = arith.muli %add3A_635, %mul3A_1161 : i32
        %add3A_1163 = arith.constant 128 : i32
        %add3A_1164 = arith.addi %mul3A_1162, %add3A_1163 : i32
        %add3A_1165 = arith.constant 112 : i32
        %add3A_1166 = arith.addi %add3A_1164, %add3A_1165 : i32
        %get3A_1167 = arith.index_cast %add3A_1166 : i32 to index
        %get3A_1168 = tpu.vector_load %arg5[%get3A_1167] {strides = array<i32>} : memref<4096xf32, #tpu.memory_space<vmem>>, vector<16xf32>,
        %add3A_1169 = arith.constant 1.000000e+00 : f32
        %add3A_1170 = vector.broadcast %add3A_1169 : f32 to vector<16xf32>
        %add3A_1171 = arith.addf %get3A_1168, %add3A_1170 : vector<16xf32>
        %mul3A_1172 = arith.constant 2.048000e+03 : f32
        %mul3A_1173 = vector.broadcast %mul3A_1172 : f32 to vector<16xf32>
        %mul3A_1174 = arith.mulf %add3A_1171, %mul3A_1173 : vector<16xf32>
        %add3A_1175 = arith.constant 0x4B000000 : f32
        %add3A_1176 = vector.broadcast %add3A_1175 : f32 to vector<16xf32>
        %add3A_1177 = arith.addf %mul3A_1174, %add3A_1176 : vector<16xf32>
        %bitcast3A_1178 = vector.bitcast %add3A_1177 : vector<16xf32> to vector<16xi32>
        %min3A_1179 = arith.constant 1258295295 : i32
        %min3A_1180 = vector.broadcast %min3A_1179 : i32 to vector<16xi32>
        %min3A_1181 = arith.minsi %bitcast3A_1178, %min3A_1180 : vector<16xi32>
        %shift_left3A_1182 = arith.constant 12 : i32
        %shift_left3A_1183 = vector.broadcast %shift_left3A_1182 : i32 to vector<16xi32>
        %shift_left3A_1184 = arith.shli %min3A_1160, %shift_left3A_1183 : vector<16xi32>
        %and3A_1185 = arith.constant -32768 : i32
        %and3A_1186 = vector.broadcast %and3A_1185 : i32 to vector<16xi32>
        %and3A_1187 = arith.andi %shift_left3A_1184, %and3A_1186 : vector<16xi32>
        %and3A_1188 = arith.constant 7 : i32
        %and3A_1189 = vector.broadcast %and3A_1188 : i32 to vector<16xi32>
        %and3A_1190 = arith.andi %min3A_1160, %and3A_1189 : vector<16xi32>
        %shift_left3A_1191 = arith.constant 7 : i32
        %shift_left3A_1192 = vector.broadcast %shift_left3A_1191 : i32 to vector<16xi32>
        %shift_left3A_1193 = arith.shli %and3A_1190, %shift_left3A_1192 : vector<16xi32>
        %shift_left3A_1194 = arith.constant 3 : i32
        %shift_left3A_1195 = vector.broadcast %shift_left3A_1194 : i32 to vector<16xi32>
        %shift_left3A_1196 = arith.shli %min3A_1181, %shift_left3A_1195 : vector<16xi32>
        %and3A_1197 = arith.constant -1024 : i32
        %and3A_1198 = vector.broadcast %and3A_1197 : i32 to vector<16xi32>
        %and3A_1199 = arith.andi %shift_left3A_1196, %and3A_1198 : vector<16xi32>
        %and3A_1200 = arith.constant 127 : i32
        %and3A_1201 = vector.broadcast %and3A_1200 : i32 to vector<16xi32>
        %and3A_1202 = arith.andi %min3A_1181, %and3A_1201 : vector<16xi32>
        %add3A_1203 = arith.addi %and3A_1187, %shift_left3A_1193 : vector<16xi32>
        %add3A_1204 = arith.addi %add3A_1203, %and3A_1199 : vector<16xi32>
        %add3A_1205 = arith.constant -1476395008 : i32
        %add3A_1206 = vector.broadcast %add3A_1205 : i32 to vector<16xi32>
        %add3A_1207 = arith.addi %and3A_1202, %add3A_1206 : vector<16xi32>
        %add3A_1208 = arith.addi %add3A_1204, %add3A_1207 : vector<16xi32>
        %mul3A_1209 = arith.constant 128 : i32
        %mul3A_1210 = arith.muli %add3A_635, %mul3A_1209 : i32
        %add3A_1211 = arith.constant 112 : i32
        %add3A_1212 = arith.addi %mul3A_1210, %add3A_1211 : i32
        %swap3A_1213 = arith.index_cast %add3A_1212 : i32 to index
        %swap3A_1214 = tpu.vector_load %arg7[%swap3A_1213] {strides = array<i32>} : memref<2048xi32, #tpu.memory_space<vmem>>, vector<16xi32>,
        tpu.vector_store %arg7[%swap3A_1213], %add3A_1208 {strides = array<i32>} : memref<2048xi32, #tpu.memory_space<vmem>>, vector<16xi32>,
      }
      %scan3A_90 = arith.constant 16 : i32
      %gt3A = arith.constant 0 : i32
      %gt3A_91 = arith.cmpi sgt, %add3A_59, %gt3A : i32
      %convert_element_type3A = arith.extui %gt3A_91 : i1 to i32
      %cond3A = arith.constant 0 : i32
      %cond3A_92 = arith.cmpi ne, %convert_element_type3A, %cond3A : i32
      scf.if %cond3A_92 {
        %sub3A_631 = arith.constant 3 : i32
        %sub3A_632 = arith.subi %add3A_63, %sub3A_631 : i32
        %dma_wait3A_633 = arith.constant 0 : i32
        %dma_wait3A_634 = tpu.memref_slice %arg3[%dma_wait3A_633] : memref<16777216xf32, #tpu.memory_space<hbm>> -> memref<2048xf32, #tpu.memory_space<hbm>>
        %dma_wait3A_635 = arith.constant 0 : i32
        %dma_wait3A_636 = tpu.memref_slice %arg3[%dma_wait3A_635] : memref<16777216xf32, #tpu.memory_space<hbm>> -> memref<2048xf32, #tpu.memory_space<hbm>>
        tpu.wait_dma2 semaphore(%arg17 : memref<!tpu.dma_semaphore, #tpu.memory_space<semaphore_mem>>) src(%dma_wait3A_636 : memref<2048xf32, #tpu.memory_space<hbm>>) dst(%arg12 : memref<2048xf32, #tpu.memory_space<vmem>>)
        %mul3A_637 = arith.constant 2048 : i32
        %mul3A_638 = arith.muli %sub3A_632, %mul3A_637 : i32
        %add3A_639 = arith.addi %mul3A_2, %mul3A_638 : i32
        %dma_start3A_640 = tpu.memref_slice %arg4[%add3A_639] : memref<1048576xf32, #tpu.memory_space<hbm>> -> memref<2048xf32, #tpu.memory_space<hbm>>
        %dma_start3A_641 = tpu.memref_slice %arg4[%add3A_639] : memref<1048576xf32, #tpu.memory_space<hbm>> -> memref<2048xf32, #tpu.memory_space<hbm>>
        tpu.enqueue_dma source(%arg12 : memref<2048xf32, #tpu.memory_space<vmem>>) target(%dma_start3A_641 : memref<2048xf32, #tpu.memory_space<hbm>>) target_semaphore(%arg21 : memref<!tpu.dma_semaphore, #tpu.memory_space<semaphore_mem>>)
      } else {
      }
      %gt3A_93 = arith.constant 0 : i32
      %gt3A_94 = arith.cmpi sgt, %add3A_59, %gt3A_93 : i32
      %convert_element_type3A_95 = arith.extui %gt3A_94 : i1 to i32
      %cond3A_96 = arith.constant 0 : i32
      %cond3A_97 = arith.cmpi ne, %convert_element_type3A_95, %cond3A_96 : i32
      scf.if %cond3A_97 {
        %dma_wait3A_631 = arith.constant 0 : i32
        %dma_wait3A_632 = tpu.memref_slice %arg4[%dma_wait3A_631] : memref<1048576xf32, #tpu.memory_space<hbm>> -> memref<2048xf32, #tpu.memory_space<hbm>>
        %dma_wait3A_633 = arith.constant 0 : i32
        %dma_wait3A_634 = tpu.memref_slice %arg4[%dma_wait3A_633] : memref<1048576xf32, #tpu.memory_space<hbm>> -> memref<2048xf32, #tpu.memory_space<hbm>>
        tpu.wait_dma2 semaphore(%arg20 : memref<!tpu.dma_semaphore, #tpu.memory_space<semaphore_mem>>) src(%arg11 : memref<2048xf32, #tpu.memory_space<vmem>>) dst(%dma_wait3A_634 : memref<2048xf32, #tpu.memory_space<hbm>>)
      } else {
      }
      %dma_start3A_98 = arith.constant 0 : i32
      %dma_start3A_99 = tpu.memref_slice %arg11[%dma_start3A_98] : memref<2048xf32, #tpu.memory_space<vmem>> -> memref<128xf32, #tpu.memory_space<vmem>>
      %dma_start3A_100 = arith.constant 0 : i32
      %dma_start3A_101 = tpu.memref_slice %arg7[%dma_start3A_100] : memref<2048xi32, #tpu.memory_space<vmem>> -> memref<128xi32, #tpu.memory_space<vmem>>
      %dma_start3A_102 = arith.constant 0 : i32
      %dma_start3A_103 = tpu.memref_slice %arg3[%dma_start3A_102] : memref<16777216xf32, #tpu.memory_space<hbm>> -> memref<16777216xf32, #tpu.memory_space<hbm>>
      tpu.enqueue_indirect_dma source(%dma_start3A_103 : memref<16777216xf32, #tpu.memory_space<hbm>>) target(%dma_start3A_99 : memref<128xf32, #tpu.memory_space<vmem>>) offsets(%dma_start3A_101 : memref<128xi32, #tpu.memory_space<vmem>>) semaphore(%arg16 : memref<!tpu.dma_semaphore, #tpu.memory_space<semaphore_mem>>)
      %dma_start3A_104 = arith.constant 128 : i32
      %dma_start3A_105 = tpu.memref_slice %arg11[%dma_start3A_104] : memref<2048xf32, #tpu.memory_space<vmem>> -> memref<128xf32, #tpu.memory_space<vmem>>
      %dma_start3A_106 = arith.constant 128 : i32
      %dma_start3A_107 = tpu.memref_slice %arg7[%dma_start3A_106] : memref<2048xi32, #tpu.memory_space<vmem>> -> memref<128xi32, #tpu.memory_space<vmem>>
      %dma_start3A_108 = arith.constant 0 : i32
      %dma_start3A_109 = tpu.memref_slice %arg3[%dma_start3A_108] : memref<16777216xf32, #tpu.memory_space<hbm>> -> memref<16777216xf32, #tpu.memory_space<hbm>>
      tpu.enqueue_indirect_dma source(%dma_start3A_109 : memref<16777216xf32, #tpu.memory_space<hbm>>) target(%dma_start3A_105 : memref<128xf32, #tpu.memory_space<vmem>>) offsets(%dma_start3A_107 : memref<128xi32, #tpu.memory_space<vmem>>) semaphore(%arg16 : memref<!tpu.dma_semaphore, #tpu.memory_space<semaphore_mem>>)
      %dma_start3A_110 = arith.constant 256 : i32
      %dma_start3A_111 = tpu.memref_slice %arg11[%dma_start3A_110] : memref<2048xf32, #tpu.memory_space<vmem>> -> memref<128xf32, #tpu.memory_space<vmem>>
      %dma_start3A_112 = arith.constant 256 : i32
      %dma_start3A_113 = tpu.memref_slice %arg7[%dma_start3A_112] : memref<2048xi32, #tpu.memory_space<vmem>> -> memref<128xi32, #tpu.memory_space<vmem>>
      %dma_start3A_114 = arith.constant 0 : i32
      %dma_start3A_115 = tpu.memref_slice %arg3[%dma_start3A_114] : memref<16777216xf32, #tpu.memory_space<hbm>> -> memref<16777216xf32, #tpu.memory_space<hbm>>
      tpu.enqueue_indirect_dma source(%dma_start3A_115 : memref<16777216xf32, #tpu.memory_space<hbm>>) target(%dma_start3A_111 : memref<128xf32, #tpu.memory_space<vmem>>) offsets(%dma_start3A_113 : memref<128xi32, #tpu.memory_space<vmem>>) semaphore(%arg16 : memref<!tpu.dma_semaphore, #tpu.memory_space<semaphore_mem>>)
      %dma_start3A_116 = arith.constant 384 : i32
      %dma_start3A_117 = tpu.memref_slice %arg11[%dma_start3A_116] : memref<2048xf32, #tpu.memory_space<vmem>> -> memref<128xf32, #tpu.memory_space<vmem>>
      %dma_start3A_118 = arith.constant 384 : i32
      %dma_start3A_119 = tpu.memref_slice %arg7[%dma_start3A_118] : memref<2048xi32, #tpu.memory_space<vmem>> -> memref<128xi32, #tpu.memory_space<vmem>>
      %dma_start3A_120 = arith.constant 0 : i32
      %dma_start3A_121 = tpu.memref_slice %arg3[%dma_start3A_120] : memref<16777216xf32, #tpu.memory_space<hbm>> -> memref<16777216xf32, #tpu.memory_space<hbm>>
      tpu.enqueue_indirect_dma source(%dma_start3A_121 : memref<16777216xf32, #tpu.memory_space<hbm>>) target(%dma_start3A_117 : memref<128xf32, #tpu.memory_space<vmem>>) offsets(%dma_start3A_119 : memref<128xi32, #tpu.memory_space<vmem>>) semaphore(%arg16 : memref<!tpu.dma_semaphore, #tpu.memory_space<semaphore_mem>>)
      %dma_start3A_122 = arith.constant 512 : i32
      %dma_start3A_123 = tpu.memref_slice %arg11[%dma_start3A_122] : memref<2048xf32, #tpu.memory_space<vmem>> -> memref<128xf32, #tpu.memory_space<vmem>>
      %dma_start3A_124 = arith.constant 512 : i32
      %dma_start3A_125 = tpu.memref_slice %arg7[%dma_start3A_124] : memref<2048xi32, #tpu.memory_space<vmem>> -> memref<128xi32, #tpu.memory_space<vmem>>
      %dma_start3A_126 = arith.constant 0 : i32
      %dma_start3A_127 = tpu.memref_slice %arg3[%dma_start3A_126] : memref<16777216xf32, #tpu.memory_space<hbm>> -> memref<16777216xf32, #tpu.memory_space<hbm>>
      tpu.enqueue_indirect_dma source(%dma_start3A_127 : memref<16777216xf32, #tpu.memory_space<hbm>>) target(%dma_start3A_123 : memref<128xf32, #tpu.memory_space<vmem>>) offsets(%dma_start3A_125 : memref<128xi32, #tpu.memory_space<vmem>>) semaphore(%arg16 : memref<!tpu.dma_semaphore, #tpu.memory_space<semaphore_mem>>)
      %dma_start3A_128 = arith.constant 640 : i32
      %dma_start3A_129 = tpu.memref_slice %arg11[%dma_start3A_128] : memref<2048xf32, #tpu.memory_space<vmem>> -> memref<128xf32, #tpu.memory_space<vmem>>
      %dma_start3A_130 = arith.constant 640 : i32
      %dma_start3A_131 = tpu.memref_slice %arg7[%dma_start3A_130] : memref<2048xi32, #tpu.memory_space<vmem>> -> memref<128xi32, #tpu.memory_space<vmem>>
      %dma_start3A_132 = arith.constant 0 : i32
      %dma_start3A_133 = tpu.memref_slice %arg3[%dma_start3A_132] : memref<16777216xf32, #tpu.memory_space<hbm>> -> memref<16777216xf32, #tpu.memory_space<hbm>>
      tpu.enqueue_indirect_dma source(%dma_start3A_133 : memref<16777216xf32, #tpu.memory_space<hbm>>) target(%dma_start3A_129 : memref<128xf32, #tpu.memory_space<vmem>>) offsets(%dma_start3A_131 : memref<128xi32, #tpu.memory_space<vmem>>) semaphore(%arg16 : memref<!tpu.dma_semaphore, #tpu.memory_space<semaphore_mem>>)
      %dma_start3A_134 = arith.constant 768 : i32
      %dma_start3A_135 = tpu.memref_slice %arg11[%dma_start3A_134] : memref<2048xf32, #tpu.memory_space<vmem>> -> memref<128xf32, #tpu.memory_space<vmem>>
      %dma_start3A_136 = arith.constant 768 : i32
      %dma_start3A_137 = tpu.memref_slice %arg7[%dma_start3A_136] : memref<2048xi32, #tpu.memory_space<vmem>> -> memref<128xi32, #tpu.memory_space<vmem>>
      %dma_start3A_138 = arith.constant 0 : i32
      %dma_start3A_139 = tpu.memref_slice %arg3[%dma_start3A_138] : memref<16777216xf32, #tpu.memory_space<hbm>> -> memref<16777216xf32, #tpu.memory_space<hbm>>
      tpu.enqueue_indirect_dma source(%dma_start3A_139 : memref<16777216xf32, #tpu.memory_space<hbm>>) target(%dma_start3A_135 : memref<128xf32, #tpu.memory_space<vmem>>) offsets(%dma_start3A_137 : memref<128xi32, #tpu.memory_space<vmem>>) semaphore(%arg16 : memref<!tpu.dma_semaphore, #tpu.memory_space<semaphore_mem>>)
      %dma_start3A_140 = arith.constant 896 : i32
      %dma_start3A_141 = tpu.memref_slice %arg11[%dma_start3A_140] : memref<2048xf32, #tpu.memory_space<vmem>> -> memref<128xf32, #tpu.memory_space<vmem>>
      %dma_start3A_142 = arith.constant 896 : i32
      %dma_start3A_143 = tpu.memref_slice %arg7[%dma_start3A_142] : memref<2048xi32, #tpu.memory_space<vmem>> -> memref<128xi32, #tpu.memory_space<vmem>>
      %dma_start3A_144 = arith.constant 0 : i32
      %dma_start3A_145 = tpu.memref_slice %arg3[%dma_start3A_144] : memref<16777216xf32, #tpu.memory_space<hbm>> -> memref<16777216xf32, #tpu.memory_space<hbm>>
      tpu.enqueue_indirect_dma source(%dma_start3A_145 : memref<16777216xf32, #tpu.memory_space<hbm>>) target(%dma_start3A_141 : memref<128xf32, #tpu.memory_space<vmem>>) offsets(%dma_start3A_143 : memref<128xi32, #tpu.memory_space<vmem>>) semaphore(%arg16 : memref<!tpu.dma_semaphore, #tpu.memory_space<semaphore_mem>>)
      %dma_start3A_146 = arith.constant 1024 : i32
      %dma_start3A_147 = tpu.memref_slice %arg11[%dma_start3A_146] : memref<2048xf32, #tpu.memory_space<vmem>> -> memref<128xf32, #tpu.memory_space<vmem>>
      %dma_start3A_148 = arith.constant 1024 : i32
      %dma_start3A_149 = tpu.memref_slice %arg7[%dma_start3A_148] : memref<2048xi32, #tpu.memory_space<vmem>> -> memref<128xi32, #tpu.memory_space<vmem>>
      %dma_start3A_150 = arith.constant 0 : i32
      %dma_start3A_151 = tpu.memref_slice %arg3[%dma_start3A_150] : memref<16777216xf32, #tpu.memory_space<hbm>> -> memref<16777216xf32, #tpu.memory_space<hbm>>
      tpu.enqueue_indirect_dma source(%dma_start3A_151 : memref<16777216xf32, #tpu.memory_space<hbm>>) target(%dma_start3A_147 : memref<128xf32, #tpu.memory_space<vmem>>) offsets(%dma_start3A_149 : memref<128xi32, #tpu.memory_space<vmem>>) semaphore(%arg16 : memref<!tpu.dma_semaphore, #tpu.memory_space<semaphore_mem>>)
      %dma_start3A_152 = arith.constant 1152 : i32
      %dma_start3A_153 = tpu.memref_slice %arg11[%dma_start3A_152] : memref<2048xf32, #tpu.memory_space<vmem>> -> memref<128xf32, #tpu.memory_space<vmem>>
      %dma_start3A_154 = arith.constant 1152 : i32
      %dma_start3A_155 = tpu.memref_slice %arg7[%dma_start3A_154] : memref<2048xi32, #tpu.memory_space<vmem>> -> memref<128xi32, #tpu.memory_space<vmem>>
      %dma_start3A_156 = arith.constant 0 : i32
      %dma_start3A_157 = tpu.memref_slice %arg3[%dma_start3A_156] : memref<16777216xf32, #tpu.memory_space<hbm>> -> memref<16777216xf32, #tpu.memory_space<hbm>>
      tpu.enqueue_indirect_dma source(%dma_start3A_157 : memref<16777216xf32, #tpu.memory_space<hbm>>) target(%dma_start3A_153 : memref<128xf32, #tpu.memory_space<vmem>>) offsets(%dma_start3A_155 : memref<128xi32, #tpu.memory_space<vmem>>) semaphore(%arg16 : memref<!tpu.dma_semaphore, #tpu.memory_space<semaphore_mem>>)
      %dma_start3A_158 = arith.constant 1280 : i32
      %dma_start3A_159 = tpu.memref_slice %arg11[%dma_start3A_158] : memref<2048xf32, #tpu.memory_space<vmem>> -> memref<128xf32, #tpu.memory_space<vmem>>
      %dma_start3A_160 = arith.constant 1280 : i32
      %dma_start3A_161 = tpu.memref_slice %arg7[%dma_start3A_160] : memref<2048xi32, #tpu.memory_space<vmem>> -> memref<128xi32, #tpu.memory_space<vmem>>
      %dma_start3A_162 = arith.constant 0 : i32
      %dma_start3A_163 = tpu.memref_slice %arg3[%dma_start3A_162] : memref<16777216xf32, #tpu.memory_space<hbm>> -> memref<16777216xf32, #tpu.memory_space<hbm>>
      tpu.enqueue_indirect_dma source(%dma_start3A_163 : memref<16777216xf32, #tpu.memory_space<hbm>>) target(%dma_start3A_159 : memref<128xf32, #tpu.memory_space<vmem>>) offsets(%dma_start3A_161 : memref<128xi32, #tpu.memory_space<vmem>>) semaphore(%arg16 : memref<!tpu.dma_semaphore, #tpu.memory_space<semaphore_mem>>)
      %dma_start3A_164 = arith.constant 1408 : i32
      %dma_start3A_165 = tpu.memref_slice %arg11[%dma_start3A_164] : memref<2048xf32, #tpu.memory_space<vmem>> -> memref<128xf32, #tpu.memory_space<vmem>>
      %dma_start3A_166 = arith.constant 1408 : i32
      %dma_start3A_167 = tpu.memref_slice %arg7[%dma_start3A_166] : memref<2048xi32, #tpu.memory_space<vmem>> -> memref<128xi32, #tpu.memory_space<vmem>>
      %dma_start3A_168 = arith.constant 0 : i32
      %dma_start3A_169 = tpu.memref_slice %arg3[%dma_start3A_168] : memref<16777216xf32, #tpu.memory_space<hbm>> -> memref<16777216xf32, #tpu.memory_space<hbm>>
      tpu.enqueue_indirect_dma source(%dma_start3A_169 : memref<16777216xf32, #tpu.memory_space<hbm>>) target(%dma_start3A_165 : memref<128xf32, #tpu.memory_space<vmem>>) offsets(%dma_start3A_167 : memref<128xi32, #tpu.memory_space<vmem>>) semaphore(%arg16 : memref<!tpu.dma_semaphore, #tpu.memory_space<semaphore_mem>>)
      %dma_start3A_170 = arith.constant 1536 : i32
      %dma_start3A_171 = tpu.memref_slice %arg11[%dma_start3A_170] : memref<2048xf32, #tpu.memory_space<vmem>> -> memref<128xf32, #tpu.memory_space<vmem>>
      %dma_start3A_172 = arith.constant 1536 : i32
      %dma_start3A_173 = tpu.memref_slice %arg7[%dma_start3A_172] : memref<2048xi32, #tpu.memory_space<vmem>> -> memref<128xi32, #tpu.memory_space<vmem>>
      %dma_start3A_174 = arith.constant 0 : i32
      %dma_start3A_175 = tpu.memref_slice %arg3[%dma_start3A_174] : memref<16777216xf32, #tpu.memory_space<hbm>> -> memref<16777216xf32, #tpu.memory_space<hbm>>
      tpu.enqueue_indirect_dma source(%dma_start3A_175 : memref<16777216xf32, #tpu.memory_space<hbm>>) target(%dma_start3A_171 : memref<128xf32, #tpu.memory_space<vmem>>) offsets(%dma_start3A_173 : memref<128xi32, #tpu.memory_space<vmem>>) semaphore(%arg16 : memref<!tpu.dma_semaphore, #tpu.memory_space<semaphore_mem>>)
      %dma_start3A_176 = arith.constant 1664 : i32
      %dma_start3A_177 = tpu.memref_slice %arg11[%dma_start3A_176] : memref<2048xf32, #tpu.memory_space<vmem>> -> memref<128xf32, #tpu.memory_space<vmem>>
      %dma_start3A_178 = arith.constant 1664 : i32
      %dma_start3A_179 = tpu.memref_slice %arg7[%dma_start3A_178] : memref<2048xi32, #tpu.memory_space<vmem>> -> memref<128xi32, #tpu.memory_space<vmem>>
      %dma_start3A_180 = arith.constant 0 : i32
      %dma_start3A_181 = tpu.memref_slice %arg3[%dma_start3A_180] : memref<16777216xf32, #tpu.memory_space<hbm>> -> memref<16777216xf32, #tpu.memory_space<hbm>>
      tpu.enqueue_indirect_dma source(%dma_start3A_181 : memref<16777216xf32, #tpu.memory_space<hbm>>) target(%dma_start3A_177 : memref<128xf32, #tpu.memory_space<vmem>>) offsets(%dma_start3A_179 : memref<128xi32, #tpu.memory_space<vmem>>) semaphore(%arg16 : memref<!tpu.dma_semaphore, #tpu.memory_space<semaphore_mem>>)
      %dma_start3A_182 = arith.constant 1792 : i32
      %dma_start3A_183 = tpu.memref_slice %arg11[%dma_start3A_182] : memref<2048xf32, #tpu.memory_space<vmem>> -> memref<128xf32, #tpu.memory_space<vmem>>
      %dma_start3A_184 = arith.constant 1792 : i32
      %dma_start3A_185 = tpu.memref_slice %arg7[%dma_start3A_184] : memref<2048xi32, #tpu.memory_space<vmem>> -> memref<128xi32, #tpu.memory_space<vmem>>
      %dma_start3A_186 = arith.constant 0 : i32
      %dma_start3A_187 = tpu.memref_slice %arg3[%dma_start3A_186] : memref<16777216xf32, #tpu.memory_space<hbm>> -> memref<16777216xf32, #tpu.memory_space<hbm>>
      tpu.enqueue_indirect_dma source(%dma_start3A_187 : memref<16777216xf32, #tpu.memory_space<hbm>>) target(%dma_start3A_183 : memref<128xf32, #tpu.memory_space<vmem>>) offsets(%dma_start3A_185 : memref<128xi32, #tpu.memory_space<vmem>>) semaphore(%arg16 : memref<!tpu.dma_semaphore, #tpu.memory_space<semaphore_mem>>)
      %dma_start3A_188 = arith.constant 1920 : i32
      %dma_start3A_189 = tpu.memref_slice %arg11[%dma_start3A_188] : memref<2048xf32, #tpu.memory_space<vmem>> -> memref<128xf32, #tpu.memory_space<vmem>>
      %dma_start3A_190 = arith.constant 1920 : i32
      %dma_start3A_191 = tpu.memref_slice %arg7[%dma_start3A_190] : memref<2048xi32, #tpu.memory_space<vmem>> -> memref<128xi32, #tpu.memory_space<vmem>>
      %dma_start3A_192 = arith.constant 0 : i32
      %dma_start3A_193 = tpu.memref_slice %arg3[%dma_start3A_192] : memref<16777216xf32, #tpu.memory_space<hbm>> -> memref<16777216xf32, #tpu.memory_space<hbm>>
      tpu.enqueue_indirect_dma source(%dma_start3A_193 : memref<16777216xf32, #tpu.memory_space<hbm>>) target(%dma_start3A_189 : memref<128xf32, #tpu.memory_space<vmem>>) offsets(%dma_start3A_191 : memref<128xi32, #tpu.memory_space<vmem>>) semaphore(%arg16 : memref<!tpu.dma_semaphore, #tpu.memory_space<semaphore_mem>>)
      %mul3A_194 = arith.constant 4 : i32
      %mul3A_195 = arith.muli %add3A_59, %mul3A_194 : i32
      %add3A_196 = arith.constant 1 : i32
      %add3A_197 = arith.addi %mul3A_195, %add3A_196 : i32
      %dma_wait3A_198 = arith.constant 0 : i32
      %dma_wait3A_199 = tpu.memref_slice %arg2[%dma_wait3A_198] : memref<2097152xf32, #tpu.memory_space<hbm>> -> memref<4096xf32, #tpu.memory_space<hbm>>
      %dma_wait3A_200 = arith.constant 0 : i32
      %dma_wait3A_201 = tpu.memref_slice %arg2[%dma_wait3A_200] : memref<2097152xf32, #tpu.memory_space<hbm>> -> memref<4096xf32, #tpu.memory_space<hbm>>
      tpu.wait_dma2 semaphore(%arg15 : memref<!tpu.dma_semaphore, #tpu.memory_space<semaphore_mem>>) src(%dma_wait3A_201 : memref<4096xf32, #tpu.memory_space<hbm>>) dst(%arg6 : memref<4096xf32, #tpu.memory_space<vmem>>)
      %add3A_202 = arith.constant 1 : i32
      %add3A_203 = arith.addi %add3A_197, %add3A_202 : i32
      %jit3A_204 = arith.constant 16 : i32
      %eq3A_205 = arith.constant 0 : i32
      %eq3A_206 = arith.cmpi eq, %jit3A_204, %eq3A_205 : i32
      %jit3A_207 = arith.constant 1 : i32
      %select_n3A_208 = arith.select %eq3A_206, %jit3A_207, %jit3A_204 : i32
      %rem3A_209 = arith.remsi %add3A_203, %select_n3A_208 : i32
      %ne3A_210 = arith.constant 0 : i32
      %ne3A_211 = arith.cmpi ne, %rem3A_209, %ne3A_210 : i32
      %lt3A_212 = arith.constant 0 : i32
      %lt3A_213 = arith.cmpi slt, %rem3A_209, %lt3A_212 : i32
      %lt3A_214 = arith.constant 0 : i32
      %lt3A_215 = arith.cmpi slt, %select_n3A_208, %lt3A_214 : i32
      %ne3A_216 = arith.xori %lt3A_213, %lt3A_215 : i1
      %and3A_217 = arith.andi %ne3A_216, %ne3A_211 : i1
      %add3A_218 = arith.addi %rem3A_209, %select_n3A_208 : i32
      %select_n3A_219 = arith.select %and3A_217, %add3A_218, %rem3A_209 : i32
      %mul3A_220 = arith.constant 2048 : i32
      %mul3A_221 = arith.muli %select_n3A_219, %mul3A_220 : i32
      %add3A_222 = arith.addi %mul3A_2, %mul3A_221 : i32
      %mul3A_223 = arith.constant 2 : i32
      %mul3A_224 = arith.muli %add3A_222, %mul3A_223 : i32
      %dma_start3A_225 = tpu.memref_slice %arg2[%mul3A_224] : memref<2097152xf32, #tpu.memory_space<hbm>> -> memref<4096xf32, #tpu.memory_space<hbm>>
      %dma_start3A_226 = tpu.memref_slice %arg2[%mul3A_224] : memref<2097152xf32, #tpu.memory_space<hbm>> -> memref<4096xf32, #tpu.memory_space<hbm>>
      tpu.enqueue_dma source(%dma_start3A_226 : memref<4096xf32, #tpu.memory_space<hbm>>) target(%arg5 : memref<4096xf32, #tpu.memory_space<vmem>>) target_semaphore(%arg15 : memref<!tpu.dma_semaphore, #tpu.memory_space<semaphore_mem>>)
      %scan3A_227 = arith.constant 0 : i32
      %scan3A_228 = arith.constant 16 : i32
      %scan3A_229 = arith.addi %scan3A_227, %scan3A_228 : i32
      %scan3A_230 = arith.constant 1 : i32
      scf.for %scan3A_631 = %scan3A_227 to %scan3A_229 step %scan3A_230  : i32 {
        %mul3A_632 = arith.constant 1 : i32
        %mul3A_633 = arith.muli %scan3A_631, %mul3A_632 : i32
        %add3A_634 = arith.constant 0 : i32
        %add3A_635 = arith.addi %add3A_634, %mul3A_633 : i32
        %mul3A_636 = arith.constant 256 : i32
        %mul3A_637 = arith.muli %add3A_635, %mul3A_636 : i32
        %add3A_638 = arith.constant 0 : i32
        %add3A_639 = arith.addi %mul3A_637, %add3A_638 : i32
        %get3A = arith.index_cast %add3A_639 : i32 to index
        %get3A_640 = tpu.vector_load %arg6[%get3A] {strides = array<i32>} : memref<4096xf32, #tpu.memory_space<vmem>>, vector<16xf32>,
        %add3A_641 = arith.constant 1.000000e+00 : f32
        %add3A_642 = vector.broadcast %add3A_641 : f32 to vector<16xf32>
        %add3A_643 = arith.addf %get3A_640, %add3A_642 : vector<16xf32>
        %mul3A_644 = arith.constant 2.048000e+03 : f32
        %mul3A_645 = vector.broadcast %mul3A_644 : f32 to vector<16xf32>
        %mul3A_646 = arith.mulf %add3A_643, %mul3A_645 : vector<16xf32>
        %add3A_647 = arith.constant 0x4B000000 : f32
        %add3A_648 = vector.broadcast %add3A_647 : f32 to vector<16xf32>
        %add3A_649 = arith.addf %mul3A_646, %add3A_648 : vector<16xf32>
        %bitcast3A = vector.bitcast %add3A_649 : vector<16xf32> to vector<16xi32>
        %min3A = arith.constant 1258295295 : i32
        %min3A_650 = vector.broadcast %min3A : i32 to vector<16xi32>
        %min3A_651 = arith.minsi %bitcast3A, %min3A_650 : vector<16xi32>
        %mul3A_652 = arith.constant 256 : i32
        %mul3A_653 = arith.muli %add3A_635, %mul3A_652 : i32
        %add3A_654 = arith.constant 128 : i32
        %add3A_655 = arith.addi %mul3A_653, %add3A_654 : i32
        %add3A_656 = arith.constant 0 : i32
        %add3A_657 = arith.addi %add3A_655, %add3A_656 : i32
        %get3A_658 = arith.index_cast %add3A_657 : i32 to index
        %get3A_659 = tpu.vector_load %arg6[%get3A_658] {strides = array<i32>} : memref<4096xf32, #tpu.memory_space<vmem>>, vector<16xf32>,
        %add3A_660 = arith.constant 1.000000e+00 : f32
        %add3A_661 = vector.broadcast %add3A_660 : f32 to vector<16xf32>
        %add3A_662 = arith.addf %get3A_659, %add3A_661 : vector<16xf32>
        %mul3A_663 = arith.constant 2.048000e+03 : f32
        %mul3A_664 = vector.broadcast %mul3A_663 : f32 to vector<16xf32>
        %mul3A_665 = arith.mulf %add3A_662, %mul3A_664 : vector<16xf32>
        %add3A_666 = arith.constant 0x4B000000 : f32
        %add3A_667 = vector.broadcast %add3A_666 : f32 to vector<16xf32>
        %add3A_668 = arith.addf %mul3A_665, %add3A_667 : vector<16xf32>
        %bitcast3A_669 = vector.bitcast %add3A_668 : vector<16xf32> to vector<16xi32>
        %min3A_670 = arith.constant 1258295295 : i32
        %min3A_671 = vector.broadcast %min3A_670 : i32 to vector<16xi32>
        %min3A_672 = arith.minsi %bitcast3A_669, %min3A_671 : vector<16xi32>
        %shift_left3A = arith.constant 12 : i32
        %shift_left3A_673 = vector.broadcast %shift_left3A : i32 to vector<16xi32>
        %shift_left3A_674 = arith.shli %min3A_651, %shift_left3A_673 : vector<16xi32>
        %and3A_675 = arith.constant -32768 : i32
        %and3A_676 = vector.broadcast %and3A_675 : i32 to vector<16xi32>
        %and3A_677 = arith.andi %shift_left3A_674, %and3A_676 : vector<16xi32>
        %and3A_678 = arith.constant 7 : i32
        %and3A_679 = vector.broadcast %and3A_678 : i32 to vector<16xi32>
        %and3A_680 = arith.andi %min3A_651, %and3A_679 : vector<16xi32>
        %shift_left3A_681 = arith.constant 7 : i32
        %shift_left3A_682 = vector.broadcast %shift_left3A_681 : i32 to vector<16xi32>
        %shift_left3A_683 = arith.shli %and3A_680, %shift_left3A_682 : vector<16xi32>
        %shift_left3A_684 = arith.constant 3 : i32
        %shift_left3A_685 = vector.broadcast %shift_left3A_684 : i32 to vector<16xi32>
        %shift_left3A_686 = arith.shli %min3A_672, %shift_left3A_685 : vector<16xi32>
        %and3A_687 = arith.constant -1024 : i32
        %and3A_688 = vector.broadcast %and3A_687 : i32 to vector<16xi32>
        %and3A_689 = arith.andi %shift_left3A_686, %and3A_688 : vector<16xi32>
        %and3A_690 = arith.constant 127 : i32
        %and3A_691 = vector.broadcast %and3A_690 : i32 to vector<16xi32>
        %and3A_692 = arith.andi %min3A_672, %and3A_691 : vector<16xi32>
        %add3A_693 = arith.addi %and3A_677, %shift_left3A_683 : vector<16xi32>
        %add3A_694 = arith.addi %add3A_693, %and3A_689 : vector<16xi32>
        %add3A_695 = arith.constant -1476395008 : i32
        %add3A_696 = vector.broadcast %add3A_695 : i32 to vector<16xi32>
        %add3A_697 = arith.addi %and3A_692, %add3A_696 : vector<16xi32>
        %add3A_698 = arith.addi %add3A_694, %add3A_697 : vector<16xi32>
        %mul3A_699 = arith.constant 128 : i32
        %mul3A_700 = arith.muli %add3A_635, %mul3A_699 : i32
        %add3A_701 = arith.constant 0 : i32
        %add3A_702 = arith.addi %mul3A_700, %add3A_701 : i32
        %swap3A = arith.index_cast %add3A_702 : i32 to index
        %swap3A_703 = tpu.vector_load %arg8[%swap3A] {strides = array<i32>} : memref<2048xi32, #tpu.memory_space<vmem>>, vector<16xi32>,
        tpu.vector_store %arg8[%swap3A], %add3A_698 {strides = array<i32>} : memref<2048xi32, #tpu.memory_space<vmem>>, vector<16xi32>,
        %mul3A_704 = arith.constant 256 : i32
        %mul3A_705 = arith.muli %add3A_635, %mul3A_704 : i32
        %add3A_706 = arith.constant 16 : i32
        %add3A_707 = arith.addi %mul3A_705, %add3A_706 : i32
        %get3A_708 = arith.index_cast %add3A_707 : i32 to index
        %get3A_709 = tpu.vector_load %arg6[%get3A_708] {strides = array<i32>} : memref<4096xf32, #tpu.memory_space<vmem>>, vector<16xf32>,
        %add3A_710 = arith.constant 1.000000e+00 : f32
        %add3A_711 = vector.broadcast %add3A_710 : f32 to vector<16xf32>
        %add3A_712 = arith.addf %get3A_709, %add3A_711 : vector<16xf32>
        %mul3A_713 = arith.constant 2.048000e+03 : f32
        %mul3A_714 = vector.broadcast %mul3A_713 : f32 to vector<16xf32>
        %mul3A_715 = arith.mulf %add3A_712, %mul3A_714 : vector<16xf32>
        %add3A_716 = arith.constant 0x4B000000 : f32
        %add3A_717 = vector.broadcast %add3A_716 : f32 to vector<16xf32>
        %add3A_718 = arith.addf %mul3A_715, %add3A_717 : vector<16xf32>
        %bitcast3A_719 = vector.bitcast %add3A_718 : vector<16xf32> to vector<16xi32>
        %min3A_720 = arith.constant 1258295295 : i32
        %min3A_721 = vector.broadcast %min3A_720 : i32 to vector<16xi32>
        %min3A_722 = arith.minsi %bitcast3A_719, %min3A_721 : vector<16xi32>
        %mul3A_723 = arith.constant 256 : i32
        %mul3A_724 = arith.muli %add3A_635, %mul3A_723 : i32
        %add3A_725 = arith.constant 128 : i32
        %add3A_726 = arith.addi %mul3A_724, %add3A_725 : i32
        %add3A_727 = arith.constant 16 : i32
        %add3A_728 = arith.addi %add3A_726, %add3A_727 : i32
        %get3A_729 = arith.index_cast %add3A_728 : i32 to index
        %get3A_730 = tpu.vector_load %arg6[%get3A_729] {strides = array<i32>} : memref<4096xf32, #tpu.memory_space<vmem>>, vector<16xf32>,
        %add3A_731 = arith.constant 1.000000e+00 : f32
        %add3A_732 = vector.broadcast %add3A_731 : f32 to vector<16xf32>
        %add3A_733 = arith.addf %get3A_730, %add3A_732 : vector<16xf32>
        %mul3A_734 = arith.constant 2.048000e+03 : f32
        %mul3A_735 = vector.broadcast %mul3A_734 : f32 to vector<16xf32>
        %mul3A_736 = arith.mulf %add3A_733, %mul3A_735 : vector<16xf32>
        %add3A_737 = arith.constant 0x4B000000 : f32
        %add3A_738 = vector.broadcast %add3A_737 : f32 to vector<16xf32>
        %add3A_739 = arith.addf %mul3A_736, %add3A_738 : vector<16xf32>
        %bitcast3A_740 = vector.bitcast %add3A_739 : vector<16xf32> to vector<16xi32>
        %min3A_741 = arith.constant 1258295295 : i32
        %min3A_742 = vector.broadcast %min3A_741 : i32 to vector<16xi32>
        %min3A_743 = arith.minsi %bitcast3A_740, %min3A_742 : vector<16xi32>
        %shift_left3A_744 = arith.constant 12 : i32
        %shift_left3A_745 = vector.broadcast %shift_left3A_744 : i32 to vector<16xi32>
        %shift_left3A_746 = arith.shli %min3A_722, %shift_left3A_745 : vector<16xi32>
        %and3A_747 = arith.constant -32768 : i32
        %and3A_748 = vector.broadcast %and3A_747 : i32 to vector<16xi32>
        %and3A_749 = arith.andi %shift_left3A_746, %and3A_748 : vector<16xi32>
        %and3A_750 = arith.constant 7 : i32
        %and3A_751 = vector.broadcast %and3A_750 : i32 to vector<16xi32>
        %and3A_752 = arith.andi %min3A_722, %and3A_751 : vector<16xi32>
        %shift_left3A_753 = arith.constant 7 : i32
        %shift_left3A_754 = vector.broadcast %shift_left3A_753 : i32 to vector<16xi32>
        %shift_left3A_755 = arith.shli %and3A_752, %shift_left3A_754 : vector<16xi32>
        %shift_left3A_756 = arith.constant 3 : i32
        %shift_left3A_757 = vector.broadcast %shift_left3A_756 : i32 to vector<16xi32>
        %shift_left3A_758 = arith.shli %min3A_743, %shift_left3A_757 : vector<16xi32>
        %and3A_759 = arith.constant -1024 : i32
        %and3A_760 = vector.broadcast %and3A_759 : i32 to vector<16xi32>
        %and3A_761 = arith.andi %shift_left3A_758, %and3A_760 : vector<16xi32>
        %and3A_762 = arith.constant 127 : i32
        %and3A_763 = vector.broadcast %and3A_762 : i32 to vector<16xi32>
        %and3A_764 = arith.andi %min3A_743, %and3A_763 : vector<16xi32>
        %add3A_765 = arith.addi %and3A_749, %shift_left3A_755 : vector<16xi32>
        %add3A_766 = arith.addi %add3A_765, %and3A_761 : vector<16xi32>
        %add3A_767 = arith.constant -1476395008 : i32
        %add3A_768 = vector.broadcast %add3A_767 : i32 to vector<16xi32>
        %add3A_769 = arith.addi %and3A_764, %add3A_768 : vector<16xi32>
        %add3A_770 = arith.addi %add3A_766, %add3A_769 : vector<16xi32>
        %mul3A_771 = arith.constant 128 : i32
        %mul3A_772 = arith.muli %add3A_635, %mul3A_771 : i32
        %add3A_773 = arith.constant 16 : i32
        %add3A_774 = arith.addi %mul3A_772, %add3A_773 : i32
        %swap3A_775 = arith.index_cast %add3A_774 : i32 to index
        %swap3A_776 = tpu.vector_load %arg8[%swap3A_775] {strides = array<i32>} : memref<2048xi32, #tpu.memory_space<vmem>>, vector<16xi32>,
        tpu.vector_store %arg8[%swap3A_775], %add3A_770 {strides = array<i32>} : memref<2048xi32, #tpu.memory_space<vmem>>, vector<16xi32>,
        %mul3A_777 = arith.constant 256 : i32
        %mul3A_778 = arith.muli %add3A_635, %mul3A_777 : i32
        %add3A_779 = arith.constant 32 : i32
        %add3A_780 = arith.addi %mul3A_778, %add3A_779 : i32
        %get3A_781 = arith.index_cast %add3A_780 : i32 to index
        %get3A_782 = tpu.vector_load %arg6[%get3A_781] {strides = array<i32>} : memref<4096xf32, #tpu.memory_space<vmem>>, vector<16xf32>,
        %add3A_783 = arith.constant 1.000000e+00 : f32
        %add3A_784 = vector.broadcast %add3A_783 : f32 to vector<16xf32>
        %add3A_785 = arith.addf %get3A_782, %add3A_784 : vector<16xf32>
        %mul3A_786 = arith.constant 2.048000e+03 : f32
        %mul3A_787 = vector.broadcast %mul3A_786 : f32 to vector<16xf32>
        %mul3A_788 = arith.mulf %add3A_785, %mul3A_787 : vector<16xf32>
        %add3A_789 = arith.constant 0x4B000000 : f32
        %add3A_790 = vector.broadcast %add3A_789 : f32 to vector<16xf32>
        %add3A_791 = arith.addf %mul3A_788, %add3A_790 : vector<16xf32>
        %bitcast3A_792 = vector.bitcast %add3A_791 : vector<16xf32> to vector<16xi32>
        %min3A_793 = arith.constant 1258295295 : i32
        %min3A_794 = vector.broadcast %min3A_793 : i32 to vector<16xi32>
        %min3A_795 = arith.minsi %bitcast3A_792, %min3A_794 : vector<16xi32>
        %mul3A_796 = arith.constant 256 : i32
        %mul3A_797 = arith.muli %add3A_635, %mul3A_796 : i32
        %add3A_798 = arith.constant 128 : i32
        %add3A_799 = arith.addi %mul3A_797, %add3A_798 : i32
        %add3A_800 = arith.constant 32 : i32
        %add3A_801 = arith.addi %add3A_799, %add3A_800 : i32
        %get3A_802 = arith.index_cast %add3A_801 : i32 to index
        %get3A_803 = tpu.vector_load %arg6[%get3A_802] {strides = array<i32>} : memref<4096xf32, #tpu.memory_space<vmem>>, vector<16xf32>,
        %add3A_804 = arith.constant 1.000000e+00 : f32
        %add3A_805 = vector.broadcast %add3A_804 : f32 to vector<16xf32>
        %add3A_806 = arith.addf %get3A_803, %add3A_805 : vector<16xf32>
        %mul3A_807 = arith.constant 2.048000e+03 : f32
        %mul3A_808 = vector.broadcast %mul3A_807 : f32 to vector<16xf32>
        %mul3A_809 = arith.mulf %add3A_806, %mul3A_808 : vector<16xf32>
        %add3A_810 = arith.constant 0x4B000000 : f32
        %add3A_811 = vector.broadcast %add3A_810 : f32 to vector<16xf32>
        %add3A_812 = arith.addf %mul3A_809, %add3A_811 : vector<16xf32>
        %bitcast3A_813 = vector.bitcast %add3A_812 : vector<16xf32> to vector<16xi32>
        %min3A_814 = arith.constant 1258295295 : i32
        %min3A_815 = vector.broadcast %min3A_814 : i32 to vector<16xi32>
        %min3A_816 = arith.minsi %bitcast3A_813, %min3A_815 : vector<16xi32>
        %shift_left3A_817 = arith.constant 12 : i32
        %shift_left3A_818 = vector.broadcast %shift_left3A_817 : i32 to vector<16xi32>
        %shift_left3A_819 = arith.shli %min3A_795, %shift_left3A_818 : vector<16xi32>
        %and3A_820 = arith.constant -32768 : i32
        %and3A_821 = vector.broadcast %and3A_820 : i32 to vector<16xi32>
        %and3A_822 = arith.andi %shift_left3A_819, %and3A_821 : vector<16xi32>
        %and3A_823 = arith.constant 7 : i32
        %and3A_824 = vector.broadcast %and3A_823 : i32 to vector<16xi32>
        %and3A_825 = arith.andi %min3A_795, %and3A_824 : vector<16xi32>
        %shift_left3A_826 = arith.constant 7 : i32
        %shift_left3A_827 = vector.broadcast %shift_left3A_826 : i32 to vector<16xi32>
        %shift_left3A_828 = arith.shli %and3A_825, %shift_left3A_827 : vector<16xi32>
        %shift_left3A_829 = arith.constant 3 : i32
        %shift_left3A_830 = vector.broadcast %shift_left3A_829 : i32 to vector<16xi32>
        %shift_left3A_831 = arith.shli %min3A_816, %shift_left3A_830 : vector<16xi32>
        %and3A_832 = arith.constant -1024 : i32
        %and3A_833 = vector.broadcast %and3A_832 : i32 to vector<16xi32>
        %and3A_834 = arith.andi %shift_left3A_831, %and3A_833 : vector<16xi32>
        %and3A_835 = arith.constant 127 : i32
        %and3A_836 = vector.broadcast %and3A_835 : i32 to vector<16xi32>
        %and3A_837 = arith.andi %min3A_816, %and3A_836 : vector<16xi32>
        %add3A_838 = arith.addi %and3A_822, %shift_left3A_828 : vector<16xi32>
        %add3A_839 = arith.addi %add3A_838, %and3A_834 : vector<16xi32>
        %add3A_840 = arith.constant -1476395008 : i32
        %add3A_841 = vector.broadcast %add3A_840 : i32 to vector<16xi32>
        %add3A_842 = arith.addi %and3A_837, %add3A_841 : vector<16xi32>
        %add3A_843 = arith.addi %add3A_839, %add3A_842 : vector<16xi32>
        %mul3A_844 = arith.constant 128 : i32
        %mul3A_845 = arith.muli %add3A_635, %mul3A_844 : i32
        %add3A_846 = arith.constant 32 : i32
        %add3A_847 = arith.addi %mul3A_845, %add3A_846 : i32
        %swap3A_848 = arith.index_cast %add3A_847 : i32 to index
        %swap3A_849 = tpu.vector_load %arg8[%swap3A_848] {strides = array<i32>} : memref<2048xi32, #tpu.memory_space<vmem>>, vector<16xi32>,
        tpu.vector_store %arg8[%swap3A_848], %add3A_843 {strides = array<i32>} : memref<2048xi32, #tpu.memory_space<vmem>>, vector<16xi32>,
        %mul3A_850 = arith.constant 256 : i32
        %mul3A_851 = arith.muli %add3A_635, %mul3A_850 : i32
        %add3A_852 = arith.constant 48 : i32
        %add3A_853 = arith.addi %mul3A_851, %add3A_852 : i32
        %get3A_854 = arith.index_cast %add3A_853 : i32 to index
        %get3A_855 = tpu.vector_load %arg6[%get3A_854] {strides = array<i32>} : memref<4096xf32, #tpu.memory_space<vmem>>, vector<16xf32>,
        %add3A_856 = arith.constant 1.000000e+00 : f32
        %add3A_857 = vector.broadcast %add3A_856 : f32 to vector<16xf32>
        %add3A_858 = arith.addf %get3A_855, %add3A_857 : vector<16xf32>
        %mul3A_859 = arith.constant 2.048000e+03 : f32
        %mul3A_860 = vector.broadcast %mul3A_859 : f32 to vector<16xf32>
        %mul3A_861 = arith.mulf %add3A_858, %mul3A_860 : vector<16xf32>
        %add3A_862 = arith.constant 0x4B000000 : f32
        %add3A_863 = vector.broadcast %add3A_862 : f32 to vector<16xf32>
        %add3A_864 = arith.addf %mul3A_861, %add3A_863 : vector<16xf32>
        %bitcast3A_865 = vector.bitcast %add3A_864 : vector<16xf32> to vector<16xi32>
        %min3A_866 = arith.constant 1258295295 : i32
        %min3A_867 = vector.broadcast %min3A_866 : i32 to vector<16xi32>
        %min3A_868 = arith.minsi %bitcast3A_865, %min3A_867 : vector<16xi32>
        %mul3A_869 = arith.constant 256 : i32
        %mul3A_870 = arith.muli %add3A_635, %mul3A_869 : i32
        %add3A_871 = arith.constant 128 : i32
        %add3A_872 = arith.addi %mul3A_870, %add3A_871 : i32
        %add3A_873 = arith.constant 48 : i32
        %add3A_874 = arith.addi %add3A_872, %add3A_873 : i32
        %get3A_875 = arith.index_cast %add3A_874 : i32 to index
        %get3A_876 = tpu.vector_load %arg6[%get3A_875] {strides = array<i32>} : memref<4096xf32, #tpu.memory_space<vmem>>, vector<16xf32>,
        %add3A_877 = arith.constant 1.000000e+00 : f32
        %add3A_878 = vector.broadcast %add3A_877 : f32 to vector<16xf32>
        %add3A_879 = arith.addf %get3A_876, %add3A_878 : vector<16xf32>
        %mul3A_880 = arith.constant 2.048000e+03 : f32
        %mul3A_881 = vector.broadcast %mul3A_880 : f32 to vector<16xf32>
        %mul3A_882 = arith.mulf %add3A_879, %mul3A_881 : vector<16xf32>
        %add3A_883 = arith.constant 0x4B000000 : f32
        %add3A_884 = vector.broadcast %add3A_883 : f32 to vector<16xf32>
        %add3A_885 = arith.addf %mul3A_882, %add3A_884 : vector<16xf32>
        %bitcast3A_886 = vector.bitcast %add3A_885 : vector<16xf32> to vector<16xi32>
        %min3A_887 = arith.constant 1258295295 : i32
        %min3A_888 = vector.broadcast %min3A_887 : i32 to vector<16xi32>
        %min3A_889 = arith.minsi %bitcast3A_886, %min3A_888 : vector<16xi32>
        %shift_left3A_890 = arith.constant 12 : i32
        %shift_left3A_891 = vector.broadcast %shift_left3A_890 : i32 to vector<16xi32>
        %shift_left3A_892 = arith.shli %min3A_868, %shift_left3A_891 : vector<16xi32>
        %and3A_893 = arith.constant -32768 : i32
        %and3A_894 = vector.broadcast %and3A_893 : i32 to vector<16xi32>
        %and3A_895 = arith.andi %shift_left3A_892, %and3A_894 : vector<16xi32>
        %and3A_896 = arith.constant 7 : i32
        %and3A_897 = vector.broadcast %and3A_896 : i32 to vector<16xi32>
        %and3A_898 = arith.andi %min3A_868, %and3A_897 : vector<16xi32>
        %shift_left3A_899 = arith.constant 7 : i32
        %shift_left3A_900 = vector.broadcast %shift_left3A_899 : i32 to vector<16xi32>
        %shift_left3A_901 = arith.shli %and3A_898, %shift_left3A_900 : vector<16xi32>
        %shift_left3A_902 = arith.constant 3 : i32
        %shift_left3A_903 = vector.broadcast %shift_left3A_902 : i32 to vector<16xi32>
        %shift_left3A_904 = arith.shli %min3A_889, %shift_left3A_903 : vector<16xi32>
        %and3A_905 = arith.constant -1024 : i32
        %and3A_906 = vector.broadcast %and3A_905 : i32 to vector<16xi32>
        %and3A_907 = arith.andi %shift_left3A_904, %and3A_906 : vector<16xi32>
        %and3A_908 = arith.constant 127 : i32
        %and3A_909 = vector.broadcast %and3A_908 : i32 to vector<16xi32>
        %and3A_910 = arith.andi %min3A_889, %and3A_909 : vector<16xi32>
        %add3A_911 = arith.addi %and3A_895, %shift_left3A_901 : vector<16xi32>
        %add3A_912 = arith.addi %add3A_911, %and3A_907 : vector<16xi32>
        %add3A_913 = arith.constant -1476395008 : i32
        %add3A_914 = vector.broadcast %add3A_913 : i32 to vector<16xi32>
        %add3A_915 = arith.addi %and3A_910, %add3A_914 : vector<16xi32>
        %add3A_916 = arith.addi %add3A_912, %add3A_915 : vector<16xi32>
        %mul3A_917 = arith.constant 128 : i32
        %mul3A_918 = arith.muli %add3A_635, %mul3A_917 : i32
        %add3A_919 = arith.constant 48 : i32
        %add3A_920 = arith.addi %mul3A_918, %add3A_919 : i32
        %swap3A_921 = arith.index_cast %add3A_920 : i32 to index
        %swap3A_922 = tpu.vector_load %arg8[%swap3A_921] {strides = array<i32>} : memref<2048xi32, #tpu.memory_space<vmem>>, vector<16xi32>,
        tpu.vector_store %arg8[%swap3A_921], %add3A_916 {strides = array<i32>} : memref<2048xi32, #tpu.memory_space<vmem>>, vector<16xi32>,
        %mul3A_923 = arith.constant 256 : i32
        %mul3A_924 = arith.muli %add3A_635, %mul3A_923 : i32
        %add3A_925 = arith.constant 64 : i32
        %add3A_926 = arith.addi %mul3A_924, %add3A_925 : i32
        %get3A_927 = arith.index_cast %add3A_926 : i32 to index
        %get3A_928 = tpu.vector_load %arg6[%get3A_927] {strides = array<i32>} : memref<4096xf32, #tpu.memory_space<vmem>>, vector<16xf32>,
        %add3A_929 = arith.constant 1.000000e+00 : f32
        %add3A_930 = vector.broadcast %add3A_929 : f32 to vector<16xf32>
        %add3A_931 = arith.addf %get3A_928, %add3A_930 : vector<16xf32>
        %mul3A_932 = arith.constant 2.048000e+03 : f32
        %mul3A_933 = vector.broadcast %mul3A_932 : f32 to vector<16xf32>
        %mul3A_934 = arith.mulf %add3A_931, %mul3A_933 : vector<16xf32>
        %add3A_935 = arith.constant 0x4B000000 : f32
        %add3A_936 = vector.broadcast %add3A_935 : f32 to vector<16xf32>
        %add3A_937 = arith.addf %mul3A_934, %add3A_936 : vector<16xf32>
        %bitcast3A_938 = vector.bitcast %add3A_937 : vector<16xf32> to vector<16xi32>
        %min3A_939 = arith.constant 1258295295 : i32
        %min3A_940 = vector.broadcast %min3A_939 : i32 to vector<16xi32>
        %min3A_941 = arith.minsi %bitcast3A_938, %min3A_940 : vector<16xi32>
        %mul3A_942 = arith.constant 256 : i32
        %mul3A_943 = arith.muli %add3A_635, %mul3A_942 : i32
        %add3A_944 = arith.constant 128 : i32
        %add3A_945 = arith.addi %mul3A_943, %add3A_944 : i32
        %add3A_946 = arith.constant 64 : i32
        %add3A_947 = arith.addi %add3A_945, %add3A_946 : i32
        %get3A_948 = arith.index_cast %add3A_947 : i32 to index
        %get3A_949 = tpu.vector_load %arg6[%get3A_948] {strides = array<i32>} : memref<4096xf32, #tpu.memory_space<vmem>>, vector<16xf32>,
        %add3A_950 = arith.constant 1.000000e+00 : f32
        %add3A_951 = vector.broadcast %add3A_950 : f32 to vector<16xf32>
        %add3A_952 = arith.addf %get3A_949, %add3A_951 : vector<16xf32>
        %mul3A_953 = arith.constant 2.048000e+03 : f32
        %mul3A_954 = vector.broadcast %mul3A_953 : f32 to vector<16xf32>
        %mul3A_955 = arith.mulf %add3A_952, %mul3A_954 : vector<16xf32>
        %add3A_956 = arith.constant 0x4B000000 : f32
        %add3A_957 = vector.broadcast %add3A_956 : f32 to vector<16xf32>
        %add3A_958 = arith.addf %mul3A_955, %add3A_957 : vector<16xf32>
        %bitcast3A_959 = vector.bitcast %add3A_958 : vector<16xf32> to vector<16xi32>
        %min3A_960 = arith.constant 1258295295 : i32
        %min3A_961 = vector.broadcast %min3A_960 : i32 to vector<16xi32>
        %min3A_962 = arith.minsi %bitcast3A_959, %min3A_961 : vector<16xi32>
        %shift_left3A_963 = arith.constant 12 : i32
        %shift_left3A_964 = vector.broadcast %shift_left3A_963 : i32 to vector<16xi32>
        %shift_left3A_965 = arith.shli %min3A_941, %shift_left3A_964 : vector<16xi32>
        %and3A_966 = arith.constant -32768 : i32
        %and3A_967 = vector.broadcast %and3A_966 : i32 to vector<16xi32>
        %and3A_968 = arith.andi %shift_left3A_965, %and3A_967 : vector<16xi32>
        %and3A_969 = arith.constant 7 : i32
        %and3A_970 = vector.broadcast %and3A_969 : i32 to vector<16xi32>
        %and3A_971 = arith.andi %min3A_941, %and3A_970 : vector<16xi32>
        %shift_left3A_972 = arith.constant 7 : i32
        %shift_left3A_973 = vector.broadcast %shift_left3A_972 : i32 to vector<16xi32>
        %shift_left3A_974 = arith.shli %and3A_971, %shift_left3A_973 : vector<16xi32>
        %shift_left3A_975 = arith.constant 3 : i32
        %shift_left3A_976 = vector.broadcast %shift_left3A_975 : i32 to vector<16xi32>
        %shift_left3A_977 = arith.shli %min3A_962, %shift_left3A_976 : vector<16xi32>
        %and3A_978 = arith.constant -1024 : i32
        %and3A_979 = vector.broadcast %and3A_978 : i32 to vector<16xi32>
        %and3A_980 = arith.andi %shift_left3A_977, %and3A_979 : vector<16xi32>
        %and3A_981 = arith.constant 127 : i32
        %and3A_982 = vector.broadcast %and3A_981 : i32 to vector<16xi32>
        %and3A_983 = arith.andi %min3A_962, %and3A_982 : vector<16xi32>
        %add3A_984 = arith.addi %and3A_968, %shift_left3A_974 : vector<16xi32>
        %add3A_985 = arith.addi %add3A_984, %and3A_980 : vector<16xi32>
        %add3A_986 = arith.constant -1476395008 : i32
        %add3A_987 = vector.broadcast %add3A_986 : i32 to vector<16xi32>
        %add3A_988 = arith.addi %and3A_983, %add3A_987 : vector<16xi32>
        %add3A_989 = arith.addi %add3A_985, %add3A_988 : vector<16xi32>
        %mul3A_990 = arith.constant 128 : i32
        %mul3A_991 = arith.muli %add3A_635, %mul3A_990 : i32
        %add3A_992 = arith.constant 64 : i32
        %add3A_993 = arith.addi %mul3A_991, %add3A_992 : i32
        %swap3A_994 = arith.index_cast %add3A_993 : i32 to index
        %swap3A_995 = tpu.vector_load %arg8[%swap3A_994] {strides = array<i32>} : memref<2048xi32, #tpu.memory_space<vmem>>, vector<16xi32>,
        tpu.vector_store %arg8[%swap3A_994], %add3A_989 {strides = array<i32>} : memref<2048xi32, #tpu.memory_space<vmem>>, vector<16xi32>,
        %mul3A_996 = arith.constant 256 : i32
        %mul3A_997 = arith.muli %add3A_635, %mul3A_996 : i32
        %add3A_998 = arith.constant 80 : i32
        %add3A_999 = arith.addi %mul3A_997, %add3A_998 : i32
        %get3A_1000 = arith.index_cast %add3A_999 : i32 to index
        %get3A_1001 = tpu.vector_load %arg6[%get3A_1000] {strides = array<i32>} : memref<4096xf32, #tpu.memory_space<vmem>>, vector<16xf32>,
        %add3A_1002 = arith.constant 1.000000e+00 : f32
        %add3A_1003 = vector.broadcast %add3A_1002 : f32 to vector<16xf32>
        %add3A_1004 = arith.addf %get3A_1001, %add3A_1003 : vector<16xf32>
        %mul3A_1005 = arith.constant 2.048000e+03 : f32
        %mul3A_1006 = vector.broadcast %mul3A_1005 : f32 to vector<16xf32>
        %mul3A_1007 = arith.mulf %add3A_1004, %mul3A_1006 : vector<16xf32>
        %add3A_1008 = arith.constant 0x4B000000 : f32
        %add3A_1009 = vector.broadcast %add3A_1008 : f32 to vector<16xf32>
        %add3A_1010 = arith.addf %mul3A_1007, %add3A_1009 : vector<16xf32>
        %bitcast3A_1011 = vector.bitcast %add3A_1010 : vector<16xf32> to vector<16xi32>
        %min3A_1012 = arith.constant 1258295295 : i32
        %min3A_1013 = vector.broadcast %min3A_1012 : i32 to vector<16xi32>
        %min3A_1014 = arith.minsi %bitcast3A_1011, %min3A_1013 : vector<16xi32>
        %mul3A_1015 = arith.constant 256 : i32
        %mul3A_1016 = arith.muli %add3A_635, %mul3A_1015 : i32
        %add3A_1017 = arith.constant 128 : i32
        %add3A_1018 = arith.addi %mul3A_1016, %add3A_1017 : i32
        %add3A_1019 = arith.constant 80 : i32
        %add3A_1020 = arith.addi %add3A_1018, %add3A_1019 : i32
        %get3A_1021 = arith.index_cast %add3A_1020 : i32 to index
        %get3A_1022 = tpu.vector_load %arg6[%get3A_1021] {strides = array<i32>} : memref<4096xf32, #tpu.memory_space<vmem>>, vector<16xf32>,
        %add3A_1023 = arith.constant 1.000000e+00 : f32
        %add3A_1024 = vector.broadcast %add3A_1023 : f32 to vector<16xf32>
        %add3A_1025 = arith.addf %get3A_1022, %add3A_1024 : vector<16xf32>
        %mul3A_1026 = arith.constant 2.048000e+03 : f32
        %mul3A_1027 = vector.broadcast %mul3A_1026 : f32 to vector<16xf32>
        %mul3A_1028 = arith.mulf %add3A_1025, %mul3A_1027 : vector<16xf32>
        %add3A_1029 = arith.constant 0x4B000000 : f32
        %add3A_1030 = vector.broadcast %add3A_1029 : f32 to vector<16xf32>
        %add3A_1031 = arith.addf %mul3A_1028, %add3A_1030 : vector<16xf32>
        %bitcast3A_1032 = vector.bitcast %add3A_1031 : vector<16xf32> to vector<16xi32>
        %min3A_1033 = arith.constant 1258295295 : i32
        %min3A_1034 = vector.broadcast %min3A_1033 : i32 to vector<16xi32>
        %min3A_1035 = arith.minsi %bitcast3A_1032, %min3A_1034 : vector<16xi32>
        %shift_left3A_1036 = arith.constant 12 : i32
        %shift_left3A_1037 = vector.broadcast %shift_left3A_1036 : i32 to vector<16xi32>
        %shift_left3A_1038 = arith.shli %min3A_1014, %shift_left3A_1037 : vector<16xi32>
        %and3A_1039 = arith.constant -32768 : i32
        %and3A_1040 = vector.broadcast %and3A_1039 : i32 to vector<16xi32>
        %and3A_1041 = arith.andi %shift_left3A_1038, %and3A_1040 : vector<16xi32>
        %and3A_1042 = arith.constant 7 : i32
        %and3A_1043 = vector.broadcast %and3A_1042 : i32 to vector<16xi32>
        %and3A_1044 = arith.andi %min3A_1014, %and3A_1043 : vector<16xi32>
        %shift_left3A_1045 = arith.constant 7 : i32
        %shift_left3A_1046 = vector.broadcast %shift_left3A_1045 : i32 to vector<16xi32>
        %shift_left3A_1047 = arith.shli %and3A_1044, %shift_left3A_1046 : vector<16xi32>
        %shift_left3A_1048 = arith.constant 3 : i32
        %shift_left3A_1049 = vector.broadcast %shift_left3A_1048 : i32 to vector<16xi32>
        %shift_left3A_1050 = arith.shli %min3A_1035, %shift_left3A_1049 : vector<16xi32>
        %and3A_1051 = arith.constant -1024 : i32
        %and3A_1052 = vector.broadcast %and3A_1051 : i32 to vector<16xi32>
        %and3A_1053 = arith.andi %shift_left3A_1050, %and3A_1052 : vector<16xi32>
        %and3A_1054 = arith.constant 127 : i32
        %and3A_1055 = vector.broadcast %and3A_1054 : i32 to vector<16xi32>
        %and3A_1056 = arith.andi %min3A_1035, %and3A_1055 : vector<16xi32>
        %add3A_1057 = arith.addi %and3A_1041, %shift_left3A_1047 : vector<16xi32>
        %add3A_1058 = arith.addi %add3A_1057, %and3A_1053 : vector<16xi32>
        %add3A_1059 = arith.constant -1476395008 : i32
        %add3A_1060 = vector.broadcast %add3A_1059 : i32 to vector<16xi32>
        %add3A_1061 = arith.addi %and3A_1056, %add3A_1060 : vector<16xi32>
        %add3A_1062 = arith.addi %add3A_1058, %add3A_1061 : vector<16xi32>
        %mul3A_1063 = arith.constant 128 : i32
        %mul3A_1064 = arith.muli %add3A_635, %mul3A_1063 : i32
        %add3A_1065 = arith.constant 80 : i32
        %add3A_1066 = arith.addi %mul3A_1064, %add3A_1065 : i32
        %swap3A_1067 = arith.index_cast %add3A_1066 : i32 to index
        %swap3A_1068 = tpu.vector_load %arg8[%swap3A_1067] {strides = array<i32>} : memref<2048xi32, #tpu.memory_space<vmem>>, vector<16xi32>,
        tpu.vector_store %arg8[%swap3A_1067], %add3A_1062 {strides = array<i32>} : memref<2048xi32, #tpu.memory_space<vmem>>, vector<16xi32>,
        %mul3A_1069 = arith.constant 256 : i32
        %mul3A_1070 = arith.muli %add3A_635, %mul3A_1069 : i32
        %add3A_1071 = arith.constant 96 : i32
        %add3A_1072 = arith.addi %mul3A_1070, %add3A_1071 : i32
        %get3A_1073 = arith.index_cast %add3A_1072 : i32 to index
        %get3A_1074 = tpu.vector_load %arg6[%get3A_1073] {strides = array<i32>} : memref<4096xf32, #tpu.memory_space<vmem>>, vector<16xf32>,
        %add3A_1075 = arith.constant 1.000000e+00 : f32
        %add3A_1076 = vector.broadcast %add3A_1075 : f32 to vector<16xf32>
        %add3A_1077 = arith.addf %get3A_1074, %add3A_1076 : vector<16xf32>
        %mul3A_1078 = arith.constant 2.048000e+03 : f32
        %mul3A_1079 = vector.broadcast %mul3A_1078 : f32 to vector<16xf32>
        %mul3A_1080 = arith.mulf %add3A_1077, %mul3A_1079 : vector<16xf32>
        %add3A_1081 = arith.constant 0x4B000000 : f32
        %add3A_1082 = vector.broadcast %add3A_1081 : f32 to vector<16xf32>
        %add3A_1083 = arith.addf %mul3A_1080, %add3A_1082 : vector<16xf32>
        %bitcast3A_1084 = vector.bitcast %add3A_1083 : vector<16xf32> to vector<16xi32>
        %min3A_1085 = arith.constant 1258295295 : i32
        %min3A_1086 = vector.broadcast %min3A_1085 : i32 to vector<16xi32>
        %min3A_1087 = arith.minsi %bitcast3A_1084, %min3A_1086 : vector<16xi32>
        %mul3A_1088 = arith.constant 256 : i32
        %mul3A_1089 = arith.muli %add3A_635, %mul3A_1088 : i32
        %add3A_1090 = arith.constant 128 : i32
        %add3A_1091 = arith.addi %mul3A_1089, %add3A_1090 : i32
        %add3A_1092 = arith.constant 96 : i32
        %add3A_1093 = arith.addi %add3A_1091, %add3A_1092 : i32
        %get3A_1094 = arith.index_cast %add3A_1093 : i32 to index
        %get3A_1095 = tpu.vector_load %arg6[%get3A_1094] {strides = array<i32>} : memref<4096xf32, #tpu.memory_space<vmem>>, vector<16xf32>,
        %add3A_1096 = arith.constant 1.000000e+00 : f32
        %add3A_1097 = vector.broadcast %add3A_1096 : f32 to vector<16xf32>
        %add3A_1098 = arith.addf %get3A_1095, %add3A_1097 : vector<16xf32>
        %mul3A_1099 = arith.constant 2.048000e+03 : f32
        %mul3A_1100 = vector.broadcast %mul3A_1099 : f32 to vector<16xf32>
        %mul3A_1101 = arith.mulf %add3A_1098, %mul3A_1100 : vector<16xf32>
        %add3A_1102 = arith.constant 0x4B000000 : f32
        %add3A_1103 = vector.broadcast %add3A_1102 : f32 to vector<16xf32>
        %add3A_1104 = arith.addf %mul3A_1101, %add3A_1103 : vector<16xf32>
        %bitcast3A_1105 = vector.bitcast %add3A_1104 : vector<16xf32> to vector<16xi32>
        %min3A_1106 = arith.constant 1258295295 : i32
        %min3A_1107 = vector.broadcast %min3A_1106 : i32 to vector<16xi32>
        %min3A_1108 = arith.minsi %bitcast3A_1105, %min3A_1107 : vector<16xi32>
        %shift_left3A_1109 = arith.constant 12 : i32
        %shift_left3A_1110 = vector.broadcast %shift_left3A_1109 : i32 to vector<16xi32>
        %shift_left3A_1111 = arith.shli %min3A_1087, %shift_left3A_1110 : vector<16xi32>
        %and3A_1112 = arith.constant -32768 : i32
        %and3A_1113 = vector.broadcast %and3A_1112 : i32 to vector<16xi32>
        %and3A_1114 = arith.andi %shift_left3A_1111, %and3A_1113 : vector<16xi32>
        %and3A_1115 = arith.constant 7 : i32
        %and3A_1116 = vector.broadcast %and3A_1115 : i32 to vector<16xi32>
        %and3A_1117 = arith.andi %min3A_1087, %and3A_1116 : vector<16xi32>
        %shift_left3A_1118 = arith.constant 7 : i32
        %shift_left3A_1119 = vector.broadcast %shift_left3A_1118 : i32 to vector<16xi32>
        %shift_left3A_1120 = arith.shli %and3A_1117, %shift_left3A_1119 : vector<16xi32>
        %shift_left3A_1121 = arith.constant 3 : i32
        %shift_left3A_1122 = vector.broadcast %shift_left3A_1121 : i32 to vector<16xi32>
        %shift_left3A_1123 = arith.shli %min3A_1108, %shift_left3A_1122 : vector<16xi32>
        %and3A_1124 = arith.constant -1024 : i32
        %and3A_1125 = vector.broadcast %and3A_1124 : i32 to vector<16xi32>
        %and3A_1126 = arith.andi %shift_left3A_1123, %and3A_1125 : vector<16xi32>
        %and3A_1127 = arith.constant 127 : i32
        %and3A_1128 = vector.broadcast %and3A_1127 : i32 to vector<16xi32>
        %and3A_1129 = arith.andi %min3A_1108, %and3A_1128 : vector<16xi32>
        %add3A_1130 = arith.addi %and3A_1114, %shift_left3A_1120 : vector<16xi32>
        %add3A_1131 = arith.addi %add3A_1130, %and3A_1126 : vector<16xi32>
        %add3A_1132 = arith.constant -1476395008 : i32
        %add3A_1133 = vector.broadcast %add3A_1132 : i32 to vector<16xi32>
        %add3A_1134 = arith.addi %and3A_1129, %add3A_1133 : vector<16xi32>
        %add3A_1135 = arith.addi %add3A_1131, %add3A_1134 : vector<16xi32>
        %mul3A_1136 = arith.constant 128 : i32
        %mul3A_1137 = arith.muli %add3A_635, %mul3A_1136 : i32
        %add3A_1138 = arith.constant 96 : i32
        %add3A_1139 = arith.addi %mul3A_1137, %add3A_1138 : i32
        %swap3A_1140 = arith.index_cast %add3A_1139 : i32 to index
        %swap3A_1141 = tpu.vector_load %arg8[%swap3A_1140] {strides = array<i32>} : memref<2048xi32, #tpu.memory_space<vmem>>, vector<16xi32>,
        tpu.vector_store %arg8[%swap3A_1140], %add3A_1135 {strides = array<i32>} : memref<2048xi32, #tpu.memory_space<vmem>>, vector<16xi32>,
        %mul3A_1142 = arith.constant 256 : i32
        %mul3A_1143 = arith.muli %add3A_635, %mul3A_1142 : i32
        %add3A_1144 = arith.constant 112 : i32
        %add3A_1145 = arith.addi %mul3A_1143, %add3A_1144 : i32
        %get3A_1146 = arith.index_cast %add3A_1145 : i32 to index
        %get3A_1147 = tpu.vector_load %arg6[%get3A_1146] {strides = array<i32>} : memref<4096xf32, #tpu.memory_space<vmem>>, vector<16xf32>,
        %add3A_1148 = arith.constant 1.000000e+00 : f32
        %add3A_1149 = vector.broadcast %add3A_1148 : f32 to vector<16xf32>
        %add3A_1150 = arith.addf %get3A_1147, %add3A_1149 : vector<16xf32>
        %mul3A_1151 = arith.constant 2.048000e+03 : f32
        %mul3A_1152 = vector.broadcast %mul3A_1151 : f32 to vector<16xf32>
        %mul3A_1153 = arith.mulf %add3A_1150, %mul3A_1152 : vector<16xf32>
        %add3A_1154 = arith.constant 0x4B000000 : f32
        %add3A_1155 = vector.broadcast %add3A_1154 : f32 to vector<16xf32>
        %add3A_1156 = arith.addf %mul3A_1153, %add3A_1155 : vector<16xf32>
        %bitcast3A_1157 = vector.bitcast %add3A_1156 : vector<16xf32> to vector<16xi32>
        %min3A_1158 = arith.constant 1258295295 : i32
        %min3A_1159 = vector.broadcast %min3A_1158 : i32 to vector<16xi32>
        %min3A_1160 = arith.minsi %bitcast3A_1157, %min3A_1159 : vector<16xi32>
        %mul3A_1161 = arith.constant 256 : i32
        %mul3A_1162 = arith.muli %add3A_635, %mul3A_1161 : i32
        %add3A_1163 = arith.constant 128 : i32
        %add3A_1164 = arith.addi %mul3A_1162, %add3A_1163 : i32
        %add3A_1165 = arith.constant 112 : i32
        %add3A_1166 = arith.addi %add3A_1164, %add3A_1165 : i32
        %get3A_1167 = arith.index_cast %add3A_1166 : i32 to index
        %get3A_1168 = tpu.vector_load %arg6[%get3A_1167] {strides = array<i32>} : memref<4096xf32, #tpu.memory_space<vmem>>, vector<16xf32>,
        %add3A_1169 = arith.constant 1.000000e+00 : f32
        %add3A_1170 = vector.broadcast %add3A_1169 : f32 to vector<16xf32>
        %add3A_1171 = arith.addf %get3A_1168, %add3A_1170 : vector<16xf32>
        %mul3A_1172 = arith.constant 2.048000e+03 : f32
        %mul3A_1173 = vector.broadcast %mul3A_1172 : f32 to vector<16xf32>
        %mul3A_1174 = arith.mulf %add3A_1171, %mul3A_1173 : vector<16xf32>
        %add3A_1175 = arith.constant 0x4B000000 : f32
        %add3A_1176 = vector.broadcast %add3A_1175 : f32 to vector<16xf32>
        %add3A_1177 = arith.addf %mul3A_1174, %add3A_1176 : vector<16xf32>
        %bitcast3A_1178 = vector.bitcast %add3A_1177 : vector<16xf32> to vector<16xi32>
        %min3A_1179 = arith.constant 1258295295 : i32
        %min3A_1180 = vector.broadcast %min3A_1179 : i32 to vector<16xi32>
        %min3A_1181 = arith.minsi %bitcast3A_1178, %min3A_1180 : vector<16xi32>
        %shift_left3A_1182 = arith.constant 12 : i32
        %shift_left3A_1183 = vector.broadcast %shift_left3A_1182 : i32 to vector<16xi32>
        %shift_left3A_1184 = arith.shli %min3A_1160, %shift_left3A_1183 : vector<16xi32>
        %and3A_1185 = arith.constant -32768 : i32
        %and3A_1186 = vector.broadcast %and3A_1185 : i32 to vector<16xi32>
        %and3A_1187 = arith.andi %shift_left3A_1184, %and3A_1186 : vector<16xi32>
        %and3A_1188 = arith.constant 7 : i32
        %and3A_1189 = vector.broadcast %and3A_1188 : i32 to vector<16xi32>
        %and3A_1190 = arith.andi %min3A_1160, %and3A_1189 : vector<16xi32>
        %shift_left3A_1191 = arith.constant 7 : i32
        %shift_left3A_1192 = vector.broadcast %shift_left3A_1191 : i32 to vector<16xi32>
        %shift_left3A_1193 = arith.shli %and3A_1190, %shift_left3A_1192 : vector<16xi32>
        %shift_left3A_1194 = arith.constant 3 : i32
        %shift_left3A_1195 = vector.broadcast %shift_left3A_1194 : i32 to vector<16xi32>
        %shift_left3A_1196 = arith.shli %min3A_1181, %shift_left3A_1195 : vector<16xi32>
        %and3A_1197 = arith.constant -1024 : i32
        %and3A_1198 = vector.broadcast %and3A_1197 : i32 to vector<16xi32>
        %and3A_1199 = arith.andi %shift_left3A_1196, %and3A_1198 : vector<16xi32>
        %and3A_1200 = arith.constant 127 : i32
        %and3A_1201 = vector.broadcast %and3A_1200 : i32 to vector<16xi32>
        %and3A_1202 = arith.andi %min3A_1181, %and3A_1201 : vector<16xi32>
        %add3A_1203 = arith.addi %and3A_1187, %shift_left3A_1193 : vector<16xi32>
        %add3A_1204 = arith.addi %add3A_1203, %and3A_1199 : vector<16xi32>
        %add3A_1205 = arith.constant -1476395008 : i32
        %add3A_1206 = vector.broadcast %add3A_1205 : i32 to vector<16xi32>
        %add3A_1207 = arith.addi %and3A_1202, %add3A_1206 : vector<16xi32>
        %add3A_1208 = arith.addi %add3A_1204, %add3A_1207 : vector<16xi32>
        %mul3A_1209 = arith.constant 128 : i32
        %mul3A_1210 = arith.muli %add3A_635, %mul3A_1209 : i32
        %add3A_1211 = arith.constant 112 : i32
        %add3A_1212 = arith.addi %mul3A_1210, %add3A_1211 : i32
        %swap3A_1213 = arith.index_cast %add3A_1212 : i32 to index
        %swap3A_1214 = tpu.vector_load %arg8[%swap3A_1213] {strides = array<i32>} : memref<2048xi32, #tpu.memory_space<vmem>>, vector<16xi32>,
        tpu.vector_store %arg8[%swap3A_1213], %add3A_1208 {strides = array<i32>} : memref<2048xi32, #tpu.memory_space<vmem>>, vector<16xi32>,
      }
      %scan3A_231 = arith.constant 16 : i32
      %gt3A_232 = arith.constant 0 : i32
      %gt3A_233 = arith.cmpi sgt, %add3A_59, %gt3A_232 : i32
      %convert_element_type3A_234 = arith.extui %gt3A_233 : i1 to i32
      %cond3A_235 = arith.constant 0 : i32
      %cond3A_236 = arith.cmpi ne, %convert_element_type3A_234, %cond3A_235 : i32
      scf.if %cond3A_236 {
        %sub3A_631 = arith.constant 3 : i32
        %sub3A_632 = arith.subi %add3A_197, %sub3A_631 : i32
        %dma_wait3A_633 = arith.constant 0 : i32
        %dma_wait3A_634 = tpu.memref_slice %arg3[%dma_wait3A_633] : memref<16777216xf32, #tpu.memory_space<hbm>> -> memref<2048xf32, #tpu.memory_space<hbm>>
        %dma_wait3A_635 = arith.constant 0 : i32
        %dma_wait3A_636 = tpu.memref_slice %arg3[%dma_wait3A_635] : memref<16777216xf32, #tpu.memory_space<hbm>> -> memref<2048xf32, #tpu.memory_space<hbm>>
        tpu.wait_dma2 semaphore(%arg18 : memref<!tpu.dma_semaphore, #tpu.memory_space<semaphore_mem>>) src(%dma_wait3A_636 : memref<2048xf32, #tpu.memory_space<hbm>>) dst(%arg13 : memref<2048xf32, #tpu.memory_space<vmem>>)
        %mul3A_637 = arith.constant 2048 : i32
        %mul3A_638 = arith.muli %sub3A_632, %mul3A_637 : i32
        %add3A_639 = arith.addi %mul3A_2, %mul3A_638 : i32
        %dma_start3A_640 = tpu.memref_slice %arg4[%add3A_639] : memref<1048576xf32, #tpu.memory_space<hbm>> -> memref<2048xf32, #tpu.memory_space<hbm>>
        %dma_start3A_641 = tpu.memref_slice %arg4[%add3A_639] : memref<1048576xf32, #tpu.memory_space<hbm>> -> memref<2048xf32, #tpu.memory_space<hbm>>
        tpu.enqueue_dma source(%arg13 : memref<2048xf32, #tpu.memory_space<vmem>>) target(%dma_start3A_641 : memref<2048xf32, #tpu.memory_space<hbm>>) target_semaphore(%arg22 : memref<!tpu.dma_semaphore, #tpu.memory_space<semaphore_mem>>)
      } else {
      }
      %gt3A_237 = arith.constant 0 : i32
      %gt3A_238 = arith.cmpi sgt, %add3A_59, %gt3A_237 : i32
      %convert_element_type3A_239 = arith.extui %gt3A_238 : i1 to i32
      %cond3A_240 = arith.constant 0 : i32
      %cond3A_241 = arith.cmpi ne, %convert_element_type3A_239, %cond3A_240 : i32
      scf.if %cond3A_241 {
        %dma_wait3A_631 = arith.constant 0 : i32
        %dma_wait3A_632 = tpu.memref_slice %arg4[%dma_wait3A_631] : memref<1048576xf32, #tpu.memory_space<hbm>> -> memref<2048xf32, #tpu.memory_space<hbm>>
        %dma_wait3A_633 = arith.constant 0 : i32
        %dma_wait3A_634 = tpu.memref_slice %arg4[%dma_wait3A_633] : memref<1048576xf32, #tpu.memory_space<hbm>> -> memref<2048xf32, #tpu.memory_space<hbm>>
        tpu.wait_dma2 semaphore(%arg21 : memref<!tpu.dma_semaphore, #tpu.memory_space<semaphore_mem>>) src(%arg12 : memref<2048xf32, #tpu.memory_space<vmem>>) dst(%dma_wait3A_634 : memref<2048xf32, #tpu.memory_space<hbm>>)
      } else {
      }
      %dma_start3A_242 = arith.constant 0 : i32
      %dma_start3A_243 = tpu.memref_slice %arg12[%dma_start3A_242] : memref<2048xf32, #tpu.memory_space<vmem>> -> memref<128xf32, #tpu.memory_space<vmem>>
      %dma_start3A_244 = arith.constant 0 : i32
      %dma_start3A_245 = tpu.memref_slice %arg8[%dma_start3A_244] : memref<2048xi32, #tpu.memory_space<vmem>> -> memref<128xi32, #tpu.memory_space<vmem>>
      %dma_start3A_246 = arith.constant 0 : i32
      %dma_start3A_247 = tpu.memref_slice %arg3[%dma_start3A_246] : memref<16777216xf32, #tpu.memory_space<hbm>> -> memref<16777216xf32, #tpu.memory_space<hbm>>
      tpu.enqueue_indirect_dma source(%dma_start3A_247 : memref<16777216xf32, #tpu.memory_space<hbm>>) target(%dma_start3A_243 : memref<128xf32, #tpu.memory_space<vmem>>) offsets(%dma_start3A_245 : memref<128xi32, #tpu.memory_space<vmem>>) semaphore(%arg17 : memref<!tpu.dma_semaphore, #tpu.memory_space<semaphore_mem>>)
      %dma_start3A_248 = arith.constant 128 : i32
      %dma_start3A_249 = tpu.memref_slice %arg12[%dma_start3A_248] : memref<2048xf32, #tpu.memory_space<vmem>> -> memref<128xf32, #tpu.memory_space<vmem>>
      %dma_start3A_250 = arith.constant 128 : i32
      %dma_start3A_251 = tpu.memref_slice %arg8[%dma_start3A_250] : memref<2048xi32, #tpu.memory_space<vmem>> -> memref<128xi32, #tpu.memory_space<vmem>>
      %dma_start3A_252 = arith.constant 0 : i32
      %dma_start3A_253 = tpu.memref_slice %arg3[%dma_start3A_252] : memref<16777216xf32, #tpu.memory_space<hbm>> -> memref<16777216xf32, #tpu.memory_space<hbm>>
      tpu.enqueue_indirect_dma source(%dma_start3A_253 : memref<16777216xf32, #tpu.memory_space<hbm>>) target(%dma_start3A_249 : memref<128xf32, #tpu.memory_space<vmem>>) offsets(%dma_start3A_251 : memref<128xi32, #tpu.memory_space<vmem>>) semaphore(%arg17 : memref<!tpu.dma_semaphore, #tpu.memory_space<semaphore_mem>>)
      %dma_start3A_254 = arith.constant 256 : i32
      %dma_start3A_255 = tpu.memref_slice %arg12[%dma_start3A_254] : memref<2048xf32, #tpu.memory_space<vmem>> -> memref<128xf32, #tpu.memory_space<vmem>>
      %dma_start3A_256 = arith.constant 256 : i32
      %dma_start3A_257 = tpu.memref_slice %arg8[%dma_start3A_256] : memref<2048xi32, #tpu.memory_space<vmem>> -> memref<128xi32, #tpu.memory_space<vmem>>
      %dma_start3A_258 = arith.constant 0 : i32
      %dma_start3A_259 = tpu.memref_slice %arg3[%dma_start3A_258] : memref<16777216xf32, #tpu.memory_space<hbm>> -> memref<16777216xf32, #tpu.memory_space<hbm>>
      tpu.enqueue_indirect_dma source(%dma_start3A_259 : memref<16777216xf32, #tpu.memory_space<hbm>>) target(%dma_start3A_255 : memref<128xf32, #tpu.memory_space<vmem>>) offsets(%dma_start3A_257 : memref<128xi32, #tpu.memory_space<vmem>>) semaphore(%arg17 : memref<!tpu.dma_semaphore, #tpu.memory_space<semaphore_mem>>)
      %dma_start3A_260 = arith.constant 384 : i32
      %dma_start3A_261 = tpu.memref_slice %arg12[%dma_start3A_260] : memref<2048xf32, #tpu.memory_space<vmem>> -> memref<128xf32, #tpu.memory_space<vmem>>
      %dma_start3A_262 = arith.constant 384 : i32
      %dma_start3A_263 = tpu.memref_slice %arg8[%dma_start3A_262] : memref<2048xi32, #tpu.memory_space<vmem>> -> memref<128xi32, #tpu.memory_space<vmem>>
      %dma_start3A_264 = arith.constant 0 : i32
      %dma_start3A_265 = tpu.memref_slice %arg3[%dma_start3A_264] : memref<16777216xf32, #tpu.memory_space<hbm>> -> memref<16777216xf32, #tpu.memory_space<hbm>>
      tpu.enqueue_indirect_dma source(%dma_start3A_265 : memref<16777216xf32, #tpu.memory_space<hbm>>) target(%dma_start3A_261 : memref<128xf32, #tpu.memory_space<vmem>>) offsets(%dma_start3A_263 : memref<128xi32, #tpu.memory_space<vmem>>) semaphore(%arg17 : memref<!tpu.dma_semaphore, #tpu.memory_space<semaphore_mem>>)
      %dma_start3A_266 = arith.constant 512 : i32
      %dma_start3A_267 = tpu.memref_slice %arg12[%dma_start3A_266] : memref<2048xf32, #tpu.memory_space<vmem>> -> memref<128xf32, #tpu.memory_space<vmem>>
      %dma_start3A_268 = arith.constant 512 : i32
      %dma_start3A_269 = tpu.memref_slice %arg8[%dma_start3A_268] : memref<2048xi32, #tpu.memory_space<vmem>> -> memref<128xi32, #tpu.memory_space<vmem>>
      %dma_start3A_270 = arith.constant 0 : i32
      %dma_start3A_271 = tpu.memref_slice %arg3[%dma_start3A_270] : memref<16777216xf32, #tpu.memory_space<hbm>> -> memref<16777216xf32, #tpu.memory_space<hbm>>
      tpu.enqueue_indirect_dma source(%dma_start3A_271 : memref<16777216xf32, #tpu.memory_space<hbm>>) target(%dma_start3A_267 : memref<128xf32, #tpu.memory_space<vmem>>) offsets(%dma_start3A_269 : memref<128xi32, #tpu.memory_space<vmem>>) semaphore(%arg17 : memref<!tpu.dma_semaphore, #tpu.memory_space<semaphore_mem>>)
      %dma_start3A_272 = arith.constant 640 : i32
      %dma_start3A_273 = tpu.memref_slice %arg12[%dma_start3A_272] : memref<2048xf32, #tpu.memory_space<vmem>> -> memref<128xf32, #tpu.memory_space<vmem>>
      %dma_start3A_274 = arith.constant 640 : i32
      %dma_start3A_275 = tpu.memref_slice %arg8[%dma_start3A_274] : memref<2048xi32, #tpu.memory_space<vmem>> -> memref<128xi32, #tpu.memory_space<vmem>>
      %dma_start3A_276 = arith.constant 0 : i32
      %dma_start3A_277 = tpu.memref_slice %arg3[%dma_start3A_276] : memref<16777216xf32, #tpu.memory_space<hbm>> -> memref<16777216xf32, #tpu.memory_space<hbm>>
      tpu.enqueue_indirect_dma source(%dma_start3A_277 : memref<16777216xf32, #tpu.memory_space<hbm>>) target(%dma_start3A_273 : memref<128xf32, #tpu.memory_space<vmem>>) offsets(%dma_start3A_275 : memref<128xi32, #tpu.memory_space<vmem>>) semaphore(%arg17 : memref<!tpu.dma_semaphore, #tpu.memory_space<semaphore_mem>>)
      %dma_start3A_278 = arith.constant 768 : i32
      %dma_start3A_279 = tpu.memref_slice %arg12[%dma_start3A_278] : memref<2048xf32, #tpu.memory_space<vmem>> -> memref<128xf32, #tpu.memory_space<vmem>>
      %dma_start3A_280 = arith.constant 768 : i32
      %dma_start3A_281 = tpu.memref_slice %arg8[%dma_start3A_280] : memref<2048xi32, #tpu.memory_space<vmem>> -> memref<128xi32, #tpu.memory_space<vmem>>
      %dma_start3A_282 = arith.constant 0 : i32
      %dma_start3A_283 = tpu.memref_slice %arg3[%dma_start3A_282] : memref<16777216xf32, #tpu.memory_space<hbm>> -> memref<16777216xf32, #tpu.memory_space<hbm>>
      tpu.enqueue_indirect_dma source(%dma_start3A_283 : memref<16777216xf32, #tpu.memory_space<hbm>>) target(%dma_start3A_279 : memref<128xf32, #tpu.memory_space<vmem>>) offsets(%dma_start3A_281 : memref<128xi32, #tpu.memory_space<vmem>>) semaphore(%arg17 : memref<!tpu.dma_semaphore, #tpu.memory_space<semaphore_mem>>)
      %dma_start3A_284 = arith.constant 896 : i32
      %dma_start3A_285 = tpu.memref_slice %arg12[%dma_start3A_284] : memref<2048xf32, #tpu.memory_space<vmem>> -> memref<128xf32, #tpu.memory_space<vmem>>
      %dma_start3A_286 = arith.constant 896 : i32
      %dma_start3A_287 = tpu.memref_slice %arg8[%dma_start3A_286] : memref<2048xi32, #tpu.memory_space<vmem>> -> memref<128xi32, #tpu.memory_space<vmem>>
      %dma_start3A_288 = arith.constant 0 : i32
      %dma_start3A_289 = tpu.memref_slice %arg3[%dma_start3A_288] : memref<16777216xf32, #tpu.memory_space<hbm>> -> memref<16777216xf32, #tpu.memory_space<hbm>>
      tpu.enqueue_indirect_dma source(%dma_start3A_289 : memref<16777216xf32, #tpu.memory_space<hbm>>) target(%dma_start3A_285 : memref<128xf32, #tpu.memory_space<vmem>>) offsets(%dma_start3A_287 : memref<128xi32, #tpu.memory_space<vmem>>) semaphore(%arg17 : memref<!tpu.dma_semaphore, #tpu.memory_space<semaphore_mem>>)
      %dma_start3A_290 = arith.constant 1024 : i32
      %dma_start3A_291 = tpu.memref_slice %arg12[%dma_start3A_290] : memref<2048xf32, #tpu.memory_space<vmem>> -> memref<128xf32, #tpu.memory_space<vmem>>
      %dma_start3A_292 = arith.constant 1024 : i32
      %dma_start3A_293 = tpu.memref_slice %arg8[%dma_start3A_292] : memref<2048xi32, #tpu.memory_space<vmem>> -> memref<128xi32, #tpu.memory_space<vmem>>
      %dma_start3A_294 = arith.constant 0 : i32
      %dma_start3A_295 = tpu.memref_slice %arg3[%dma_start3A_294] : memref<16777216xf32, #tpu.memory_space<hbm>> -> memref<16777216xf32, #tpu.memory_space<hbm>>
      tpu.enqueue_indirect_dma source(%dma_start3A_295 : memref<16777216xf32, #tpu.memory_space<hbm>>) target(%dma_start3A_291 : memref<128xf32, #tpu.memory_space<vmem>>) offsets(%dma_start3A_293 : memref<128xi32, #tpu.memory_space<vmem>>) semaphore(%arg17 : memref<!tpu.dma_semaphore, #tpu.memory_space<semaphore_mem>>)
      %dma_start3A_296 = arith.constant 1152 : i32
      %dma_start3A_297 = tpu.memref_slice %arg12[%dma_start3A_296] : memref<2048xf32, #tpu.memory_space<vmem>> -> memref<128xf32, #tpu.memory_space<vmem>>
      %dma_start3A_298 = arith.constant 1152 : i32
      %dma_start3A_299 = tpu.memref_slice %arg8[%dma_start3A_298] : memref<2048xi32, #tpu.memory_space<vmem>> -> memref<128xi32, #tpu.memory_space<vmem>>
      %dma_start3A_300 = arith.constant 0 : i32
      %dma_start3A_301 = tpu.memref_slice %arg3[%dma_start3A_300] : memref<16777216xf32, #tpu.memory_space<hbm>> -> memref<16777216xf32, #tpu.memory_space<hbm>>
      tpu.enqueue_indirect_dma source(%dma_start3A_301 : memref<16777216xf32, #tpu.memory_space<hbm>>) target(%dma_start3A_297 : memref<128xf32, #tpu.memory_space<vmem>>) offsets(%dma_start3A_299 : memref<128xi32, #tpu.memory_space<vmem>>) semaphore(%arg17 : memref<!tpu.dma_semaphore, #tpu.memory_space<semaphore_mem>>)
      %dma_start3A_302 = arith.constant 1280 : i32
      %dma_start3A_303 = tpu.memref_slice %arg12[%dma_start3A_302] : memref<2048xf32, #tpu.memory_space<vmem>> -> memref<128xf32, #tpu.memory_space<vmem>>
      %dma_start3A_304 = arith.constant 1280 : i32
      %dma_start3A_305 = tpu.memref_slice %arg8[%dma_start3A_304] : memref<2048xi32, #tpu.memory_space<vmem>> -> memref<128xi32, #tpu.memory_space<vmem>>
      %dma_start3A_306 = arith.constant 0 : i32
      %dma_start3A_307 = tpu.memref_slice %arg3[%dma_start3A_306] : memref<16777216xf32, #tpu.memory_space<hbm>> -> memref<16777216xf32, #tpu.memory_space<hbm>>
      tpu.enqueue_indirect_dma source(%dma_start3A_307 : memref<16777216xf32, #tpu.memory_space<hbm>>) target(%dma_start3A_303 : memref<128xf32, #tpu.memory_space<vmem>>) offsets(%dma_start3A_305 : memref<128xi32, #tpu.memory_space<vmem>>) semaphore(%arg17 : memref<!tpu.dma_semaphore, #tpu.memory_space<semaphore_mem>>)
      %dma_start3A_308 = arith.constant 1408 : i32
      %dma_start3A_309 = tpu.memref_slice %arg12[%dma_start3A_308] : memref<2048xf32, #tpu.memory_space<vmem>> -> memref<128xf32, #tpu.memory_space<vmem>>
      %dma_start3A_310 = arith.constant 1408 : i32
      %dma_start3A_311 = tpu.memref_slice %arg8[%dma_start3A_310] : memref<2048xi32, #tpu.memory_space<vmem>> -> memref<128xi32, #tpu.memory_space<vmem>>
      %dma_start3A_312 = arith.constant 0 : i32
      %dma_start3A_313 = tpu.memref_slice %arg3[%dma_start3A_312] : memref<16777216xf32, #tpu.memory_space<hbm>> -> memref<16777216xf32, #tpu.memory_space<hbm>>
      tpu.enqueue_indirect_dma source(%dma_start3A_313 : memref<16777216xf32, #tpu.memory_space<hbm>>) target(%dma_start3A_309 : memref<128xf32, #tpu.memory_space<vmem>>) offsets(%dma_start3A_311 : memref<128xi32, #tpu.memory_space<vmem>>) semaphore(%arg17 : memref<!tpu.dma_semaphore, #tpu.memory_space<semaphore_mem>>)
      %dma_start3A_314 = arith.constant 1536 : i32
      %dma_start3A_315 = tpu.memref_slice %arg12[%dma_start3A_314] : memref<2048xf32, #tpu.memory_space<vmem>> -> memref<128xf32, #tpu.memory_space<vmem>>
      %dma_start3A_316 = arith.constant 1536 : i32
      %dma_start3A_317 = tpu.memref_slice %arg8[%dma_start3A_316] : memref<2048xi32, #tpu.memory_space<vmem>> -> memref<128xi32, #tpu.memory_space<vmem>>
      %dma_start3A_318 = arith.constant 0 : i32
      %dma_start3A_319 = tpu.memref_slice %arg3[%dma_start3A_318] : memref<16777216xf32, #tpu.memory_space<hbm>> -> memref<16777216xf32, #tpu.memory_space<hbm>>
      tpu.enqueue_indirect_dma source(%dma_start3A_319 : memref<16777216xf32, #tpu.memory_space<hbm>>) target(%dma_start3A_315 : memref<128xf32, #tpu.memory_space<vmem>>) offsets(%dma_start3A_317 : memref<128xi32, #tpu.memory_space<vmem>>) semaphore(%arg17 : memref<!tpu.dma_semaphore, #tpu.memory_space<semaphore_mem>>)
      %dma_start3A_320 = arith.constant 1664 : i32
      %dma_start3A_321 = tpu.memref_slice %arg12[%dma_start3A_320] : memref<2048xf32, #tpu.memory_space<vmem>> -> memref<128xf32, #tpu.memory_space<vmem>>
      %dma_start3A_322 = arith.constant 1664 : i32
      %dma_start3A_323 = tpu.memref_slice %arg8[%dma_start3A_322] : memref<2048xi32, #tpu.memory_space<vmem>> -> memref<128xi32, #tpu.memory_space<vmem>>
      %dma_start3A_324 = arith.constant 0 : i32
      %dma_start3A_325 = tpu.memref_slice %arg3[%dma_start3A_324] : memref<16777216xf32, #tpu.memory_space<hbm>> -> memref<16777216xf32, #tpu.memory_space<hbm>>
      tpu.enqueue_indirect_dma source(%dma_start3A_325 : memref<16777216xf32, #tpu.memory_space<hbm>>) target(%dma_start3A_321 : memref<128xf32, #tpu.memory_space<vmem>>) offsets(%dma_start3A_323 : memref<128xi32, #tpu.memory_space<vmem>>) semaphore(%arg17 : memref<!tpu.dma_semaphore, #tpu.memory_space<semaphore_mem>>)
      %dma_start3A_326 = arith.constant 1792 : i32
      %dma_start3A_327 = tpu.memref_slice %arg12[%dma_start3A_326] : memref<2048xf32, #tpu.memory_space<vmem>> -> memref<128xf32, #tpu.memory_space<vmem>>
      %dma_start3A_328 = arith.constant 1792 : i32
      %dma_start3A_329 = tpu.memref_slice %arg8[%dma_start3A_328] : memref<2048xi32, #tpu.memory_space<vmem>> -> memref<128xi32, #tpu.memory_space<vmem>>
      %dma_start3A_330 = arith.constant 0 : i32
      %dma_start3A_331 = tpu.memref_slice %arg3[%dma_start3A_330] : memref<16777216xf32, #tpu.memory_space<hbm>> -> memref<16777216xf32, #tpu.memory_space<hbm>>
      tpu.enqueue_indirect_dma source(%dma_start3A_331 : memref<16777216xf32, #tpu.memory_space<hbm>>) target(%dma_start3A_327 : memref<128xf32, #tpu.memory_space<vmem>>) offsets(%dma_start3A_329 : memref<128xi32, #tpu.memory_space<vmem>>) semaphore(%arg17 : memref<!tpu.dma_semaphore, #tpu.memory_space<semaphore_mem>>)
      %dma_start3A_332 = arith.constant 1920 : i32
      %dma_start3A_333 = tpu.memref_slice %arg12[%dma_start3A_332] : memref<2048xf32, #tpu.memory_space<vmem>> -> memref<128xf32, #tpu.memory_space<vmem>>
      %dma_start3A_334 = arith.constant 1920 : i32
      %dma_start3A_335 = tpu.memref_slice %arg8[%dma_start3A_334] : memref<2048xi32, #tpu.memory_space<vmem>> -> memref<128xi32, #tpu.memory_space<vmem>>
      %dma_start3A_336 = arith.constant 0 : i32
      %dma_start3A_337 = tpu.memref_slice %arg3[%dma_start3A_336] : memref<16777216xf32, #tpu.memory_space<hbm>> -> memref<16777216xf32, #tpu.memory_space<hbm>>
      tpu.enqueue_indirect_dma source(%dma_start3A_337 : memref<16777216xf32, #tpu.memory_space<hbm>>) target(%dma_start3A_333 : memref<128xf32, #tpu.memory_space<vmem>>) offsets(%dma_start3A_335 : memref<128xi32, #tpu.memory_space<vmem>>) semaphore(%arg17 : memref<!tpu.dma_semaphore, #tpu.memory_space<semaphore_mem>>)
      %mul3A_338 = arith.constant 4 : i32
      %mul3A_339 = arith.muli %add3A_59, %mul3A_338 : i32
      %add3A_340 = arith.constant 2 : i32
      %add3A_341 = arith.addi %mul3A_339, %add3A_340 : i32
      %dma_wait3A_342 = arith.constant 0 : i32
      %dma_wait3A_343 = tpu.memref_slice %arg2[%dma_wait3A_342] : memref<2097152xf32, #tpu.memory_space<hbm>> -> memref<4096xf32, #tpu.memory_space<hbm>>
      %dma_wait3A_344 = arith.constant 0 : i32
      %dma_wait3A_345 = tpu.memref_slice %arg2[%dma_wait3A_344] : memref<2097152xf32, #tpu.memory_space<hbm>> -> memref<4096xf32, #tpu.memory_space<hbm>>
      tpu.wait_dma2 semaphore(%arg15 : memref<!tpu.dma_semaphore, #tpu.memory_space<semaphore_mem>>) src(%dma_wait3A_345 : memref<4096xf32, #tpu.memory_space<hbm>>) dst(%arg5 : memref<4096xf32, #tpu.memory_space<vmem>>)
      %add3A_346 = arith.constant 1 : i32
      %add3A_347 = arith.addi %add3A_341, %add3A_346 : i32
      %jit3A_348 = arith.constant 16 : i32
      %eq3A_349 = arith.constant 0 : i32
      %eq3A_350 = arith.cmpi eq, %jit3A_348, %eq3A_349 : i32
      %jit3A_351 = arith.constant 1 : i32
      %select_n3A_352 = arith.select %eq3A_350, %jit3A_351, %jit3A_348 : i32
      %rem3A_353 = arith.remsi %add3A_347, %select_n3A_352 : i32
      %ne3A_354 = arith.constant 0 : i32
      %ne3A_355 = arith.cmpi ne, %rem3A_353, %ne3A_354 : i32
      %lt3A_356 = arith.constant 0 : i32
      %lt3A_357 = arith.cmpi slt, %rem3A_353, %lt3A_356 : i32
      %lt3A_358 = arith.constant 0 : i32
      %lt3A_359 = arith.cmpi slt, %select_n3A_352, %lt3A_358 : i32
      %ne3A_360 = arith.xori %lt3A_357, %lt3A_359 : i1
      %and3A_361 = arith.andi %ne3A_360, %ne3A_355 : i1
      %add3A_362 = arith.addi %rem3A_353, %select_n3A_352 : i32
      %select_n3A_363 = arith.select %and3A_361, %add3A_362, %rem3A_353 : i32
      %mul3A_364 = arith.constant 2048 : i32
      %mul3A_365 = arith.muli %select_n3A_363, %mul3A_364 : i32
      %add3A_366 = arith.addi %mul3A_2, %mul3A_365 : i32
      %mul3A_367 = arith.constant 2 : i32
      %mul3A_368 = arith.muli %add3A_366, %mul3A_367 : i32
      %dma_start3A_369 = tpu.memref_slice %arg2[%mul3A_368] : memref<2097152xf32, #tpu.memory_space<hbm>> -> memref<4096xf32, #tpu.memory_space<hbm>>
      %dma_start3A_370 = tpu.memref_slice %arg2[%mul3A_368] : memref<2097152xf32, #tpu.memory_space<hbm>> -> memref<4096xf32, #tpu.memory_space<hbm>>
      tpu.enqueue_dma source(%dma_start3A_370 : memref<4096xf32, #tpu.memory_space<hbm>>) target(%arg6 : memref<4096xf32, #tpu.memory_space<vmem>>) target_semaphore(%arg15 : memref<!tpu.dma_semaphore, #tpu.memory_space<semaphore_mem>>)
      %scan3A_371 = arith.constant 0 : i32
      %scan3A_372 = arith.constant 16 : i32
      %scan3A_373 = arith.addi %scan3A_371, %scan3A_372 : i32
      %scan3A_374 = arith.constant 1 : i32
      scf.for %scan3A_631 = %scan3A_371 to %scan3A_373 step %scan3A_374  : i32 {
        %mul3A_632 = arith.constant 1 : i32
        %mul3A_633 = arith.muli %scan3A_631, %mul3A_632 : i32
        %add3A_634 = arith.constant 0 : i32
        %add3A_635 = arith.addi %add3A_634, %mul3A_633 : i32
        %mul3A_636 = arith.constant 256 : i32
        %mul3A_637 = arith.muli %add3A_635, %mul3A_636 : i32
        %add3A_638 = arith.constant 0 : i32
        %add3A_639 = arith.addi %mul3A_637, %add3A_638 : i32
        %get3A = arith.index_cast %add3A_639 : i32 to index
        %get3A_640 = tpu.vector_load %arg5[%get3A] {strides = array<i32>} : memref<4096xf32, #tpu.memory_space<vmem>>, vector<16xf32>,
        %add3A_641 = arith.constant 1.000000e+00 : f32
        %add3A_642 = vector.broadcast %add3A_641 : f32 to vector<16xf32>
        %add3A_643 = arith.addf %get3A_640, %add3A_642 : vector<16xf32>
        %mul3A_644 = arith.constant 2.048000e+03 : f32
        %mul3A_645 = vector.broadcast %mul3A_644 : f32 to vector<16xf32>
        %mul3A_646 = arith.mulf %add3A_643, %mul3A_645 : vector<16xf32>
        %add3A_647 = arith.constant 0x4B000000 : f32
        %add3A_648 = vector.broadcast %add3A_647 : f32 to vector<16xf32>
        %add3A_649 = arith.addf %mul3A_646, %add3A_648 : vector<16xf32>
        %bitcast3A = vector.bitcast %add3A_649 : vector<16xf32> to vector<16xi32>
        %min3A = arith.constant 1258295295 : i32
        %min3A_650 = vector.broadcast %min3A : i32 to vector<16xi32>
        %min3A_651 = arith.minsi %bitcast3A, %min3A_650 : vector<16xi32>
        %mul3A_652 = arith.constant 256 : i32
        %mul3A_653 = arith.muli %add3A_635, %mul3A_652 : i32
        %add3A_654 = arith.constant 128 : i32
        %add3A_655 = arith.addi %mul3A_653, %add3A_654 : i32
        %add3A_656 = arith.constant 0 : i32
        %add3A_657 = arith.addi %add3A_655, %add3A_656 : i32
        %get3A_658 = arith.index_cast %add3A_657 : i32 to index
        %get3A_659 = tpu.vector_load %arg5[%get3A_658] {strides = array<i32>} : memref<4096xf32, #tpu.memory_space<vmem>>, vector<16xf32>,
        %add3A_660 = arith.constant 1.000000e+00 : f32
        %add3A_661 = vector.broadcast %add3A_660 : f32 to vector<16xf32>
        %add3A_662 = arith.addf %get3A_659, %add3A_661 : vector<16xf32>
        %mul3A_663 = arith.constant 2.048000e+03 : f32
        %mul3A_664 = vector.broadcast %mul3A_663 : f32 to vector<16xf32>
        %mul3A_665 = arith.mulf %add3A_662, %mul3A_664 : vector<16xf32>
        %add3A_666 = arith.constant 0x4B000000 : f32
        %add3A_667 = vector.broadcast %add3A_666 : f32 to vector<16xf32>
        %add3A_668 = arith.addf %mul3A_665, %add3A_667 : vector<16xf32>
        %bitcast3A_669 = vector.bitcast %add3A_668 : vector<16xf32> to vector<16xi32>
        %min3A_670 = arith.constant 1258295295 : i32
        %min3A_671 = vector.broadcast %min3A_670 : i32 to vector<16xi32>
        %min3A_672 = arith.minsi %bitcast3A_669, %min3A_671 : vector<16xi32>
        %shift_left3A = arith.constant 12 : i32
        %shift_left3A_673 = vector.broadcast %shift_left3A : i32 to vector<16xi32>
        %shift_left3A_674 = arith.shli %min3A_651, %shift_left3A_673 : vector<16xi32>
        %and3A_675 = arith.constant -32768 : i32
        %and3A_676 = vector.broadcast %and3A_675 : i32 to vector<16xi32>
        %and3A_677 = arith.andi %shift_left3A_674, %and3A_676 : vector<16xi32>
        %and3A_678 = arith.constant 7 : i32
        %and3A_679 = vector.broadcast %and3A_678 : i32 to vector<16xi32>
        %and3A_680 = arith.andi %min3A_651, %and3A_679 : vector<16xi32>
        %shift_left3A_681 = arith.constant 7 : i32
        %shift_left3A_682 = vector.broadcast %shift_left3A_681 : i32 to vector<16xi32>
        %shift_left3A_683 = arith.shli %and3A_680, %shift_left3A_682 : vector<16xi32>
        %shift_left3A_684 = arith.constant 3 : i32
        %shift_left3A_685 = vector.broadcast %shift_left3A_684 : i32 to vector<16xi32>
        %shift_left3A_686 = arith.shli %min3A_672, %shift_left3A_685 : vector<16xi32>
        %and3A_687 = arith.constant -1024 : i32
        %and3A_688 = vector.broadcast %and3A_687 : i32 to vector<16xi32>
        %and3A_689 = arith.andi %shift_left3A_686, %and3A_688 : vector<16xi32>
        %and3A_690 = arith.constant 127 : i32
        %and3A_691 = vector.broadcast %and3A_690 : i32 to vector<16xi32>
        %and3A_692 = arith.andi %min3A_672, %and3A_691 : vector<16xi32>
        %add3A_693 = arith.addi %and3A_677, %shift_left3A_683 : vector<16xi32>
        %add3A_694 = arith.addi %add3A_693, %and3A_689 : vector<16xi32>
        %add3A_695 = arith.constant -1476395008 : i32
        %add3A_696 = vector.broadcast %add3A_695 : i32 to vector<16xi32>
        %add3A_697 = arith.addi %and3A_692, %add3A_696 : vector<16xi32>
        %add3A_698 = arith.addi %add3A_694, %add3A_697 : vector<16xi32>
        %mul3A_699 = arith.constant 128 : i32
        %mul3A_700 = arith.muli %add3A_635, %mul3A_699 : i32
        %add3A_701 = arith.constant 0 : i32
        %add3A_702 = arith.addi %mul3A_700, %add3A_701 : i32
        %swap3A = arith.index_cast %add3A_702 : i32 to index
        %swap3A_703 = tpu.vector_load %arg9[%swap3A] {strides = array<i32>} : memref<2048xi32, #tpu.memory_space<vmem>>, vector<16xi32>,
        tpu.vector_store %arg9[%swap3A], %add3A_698 {strides = array<i32>} : memref<2048xi32, #tpu.memory_space<vmem>>, vector<16xi32>,
        %mul3A_704 = arith.constant 256 : i32
        %mul3A_705 = arith.muli %add3A_635, %mul3A_704 : i32
        %add3A_706 = arith.constant 16 : i32
        %add3A_707 = arith.addi %mul3A_705, %add3A_706 : i32
        %get3A_708 = arith.index_cast %add3A_707 : i32 to index
        %get3A_709 = tpu.vector_load %arg5[%get3A_708] {strides = array<i32>} : memref<4096xf32, #tpu.memory_space<vmem>>, vector<16xf32>,
        %add3A_710 = arith.constant 1.000000e+00 : f32
        %add3A_711 = vector.broadcast %add3A_710 : f32 to vector<16xf32>
        %add3A_712 = arith.addf %get3A_709, %add3A_711 : vector<16xf32>
        %mul3A_713 = arith.constant 2.048000e+03 : f32
        %mul3A_714 = vector.broadcast %mul3A_713 : f32 to vector<16xf32>
        %mul3A_715 = arith.mulf %add3A_712, %mul3A_714 : vector<16xf32>
        %add3A_716 = arith.constant 0x4B000000 : f32
        %add3A_717 = vector.broadcast %add3A_716 : f32 to vector<16xf32>
        %add3A_718 = arith.addf %mul3A_715, %add3A_717 : vector<16xf32>
        %bitcast3A_719 = vector.bitcast %add3A_718 : vector<16xf32> to vector<16xi32>
        %min3A_720 = arith.constant 1258295295 : i32
        %min3A_721 = vector.broadcast %min3A_720 : i32 to vector<16xi32>
        %min3A_722 = arith.minsi %bitcast3A_719, %min3A_721 : vector<16xi32>
        %mul3A_723 = arith.constant 256 : i32
        %mul3A_724 = arith.muli %add3A_635, %mul3A_723 : i32
        %add3A_725 = arith.constant 128 : i32
        %add3A_726 = arith.addi %mul3A_724, %add3A_725 : i32
        %add3A_727 = arith.constant 16 : i32
        %add3A_728 = arith.addi %add3A_726, %add3A_727 : i32
        %get3A_729 = arith.index_cast %add3A_728 : i32 to index
        %get3A_730 = tpu.vector_load %arg5[%get3A_729] {strides = array<i32>} : memref<4096xf32, #tpu.memory_space<vmem>>, vector<16xf32>,
        %add3A_731 = arith.constant 1.000000e+00 : f32
        %add3A_732 = vector.broadcast %add3A_731 : f32 to vector<16xf32>
        %add3A_733 = arith.addf %get3A_730, %add3A_732 : vector<16xf32>
        %mul3A_734 = arith.constant 2.048000e+03 : f32
        %mul3A_735 = vector.broadcast %mul3A_734 : f32 to vector<16xf32>
        %mul3A_736 = arith.mulf %add3A_733, %mul3A_735 : vector<16xf32>
        %add3A_737 = arith.constant 0x4B000000 : f32
        %add3A_738 = vector.broadcast %add3A_737 : f32 to vector<16xf32>
        %add3A_739 = arith.addf %mul3A_736, %add3A_738 : vector<16xf32>
        %bitcast3A_740 = vector.bitcast %add3A_739 : vector<16xf32> to vector<16xi32>
        %min3A_741 = arith.constant 1258295295 : i32
        %min3A_742 = vector.broadcast %min3A_741 : i32 to vector<16xi32>
        %min3A_743 = arith.minsi %bitcast3A_740, %min3A_742 : vector<16xi32>
        %shift_left3A_744 = arith.constant 12 : i32
        %shift_left3A_745 = vector.broadcast %shift_left3A_744 : i32 to vector<16xi32>
        %shift_left3A_746 = arith.shli %min3A_722, %shift_left3A_745 : vector<16xi32>
        %and3A_747 = arith.constant -32768 : i32
        %and3A_748 = vector.broadcast %and3A_747 : i32 to vector<16xi32>
        %and3A_749 = arith.andi %shift_left3A_746, %and3A_748 : vector<16xi32>
        %and3A_750 = arith.constant 7 : i32
        %and3A_751 = vector.broadcast %and3A_750 : i32 to vector<16xi32>
        %and3A_752 = arith.andi %min3A_722, %and3A_751 : vector<16xi32>
        %shift_left3A_753 = arith.constant 7 : i32
        %shift_left3A_754 = vector.broadcast %shift_left3A_753 : i32 to vector<16xi32>
        %shift_left3A_755 = arith.shli %and3A_752, %shift_left3A_754 : vector<16xi32>
        %shift_left3A_756 = arith.constant 3 : i32
        %shift_left3A_757 = vector.broadcast %shift_left3A_756 : i32 to vector<16xi32>
        %shift_left3A_758 = arith.shli %min3A_743, %shift_left3A_757 : vector<16xi32>
        %and3A_759 = arith.constant -1024 : i32
        %and3A_760 = vector.broadcast %and3A_759 : i32 to vector<16xi32>
        %and3A_761 = arith.andi %shift_left3A_758, %and3A_760 : vector<16xi32>
        %and3A_762 = arith.constant 127 : i32
        %and3A_763 = vector.broadcast %and3A_762 : i32 to vector<16xi32>
        %and3A_764 = arith.andi %min3A_743, %and3A_763 : vector<16xi32>
        %add3A_765 = arith.addi %and3A_749, %shift_left3A_755 : vector<16xi32>
        %add3A_766 = arith.addi %add3A_765, %and3A_761 : vector<16xi32>
        %add3A_767 = arith.constant -1476395008 : i32
        %add3A_768 = vector.broadcast %add3A_767 : i32 to vector<16xi32>
        %add3A_769 = arith.addi %and3A_764, %add3A_768 : vector<16xi32>
        %add3A_770 = arith.addi %add3A_766, %add3A_769 : vector<16xi32>
        %mul3A_771 = arith.constant 128 : i32
        %mul3A_772 = arith.muli %add3A_635, %mul3A_771 : i32
        %add3A_773 = arith.constant 16 : i32
        %add3A_774 = arith.addi %mul3A_772, %add3A_773 : i32
        %swap3A_775 = arith.index_cast %add3A_774 : i32 to index
        %swap3A_776 = tpu.vector_load %arg9[%swap3A_775] {strides = array<i32>} : memref<2048xi32, #tpu.memory_space<vmem>>, vector<16xi32>,
        tpu.vector_store %arg9[%swap3A_775], %add3A_770 {strides = array<i32>} : memref<2048xi32, #tpu.memory_space<vmem>>, vector<16xi32>,
        %mul3A_777 = arith.constant 256 : i32
        %mul3A_778 = arith.muli %add3A_635, %mul3A_777 : i32
        %add3A_779 = arith.constant 32 : i32
        %add3A_780 = arith.addi %mul3A_778, %add3A_779 : i32
        %get3A_781 = arith.index_cast %add3A_780 : i32 to index
        %get3A_782 = tpu.vector_load %arg5[%get3A_781] {strides = array<i32>} : memref<4096xf32, #tpu.memory_space<vmem>>, vector<16xf32>,
        %add3A_783 = arith.constant 1.000000e+00 : f32
        %add3A_784 = vector.broadcast %add3A_783 : f32 to vector<16xf32>
        %add3A_785 = arith.addf %get3A_782, %add3A_784 : vector<16xf32>
        %mul3A_786 = arith.constant 2.048000e+03 : f32
        %mul3A_787 = vector.broadcast %mul3A_786 : f32 to vector<16xf32>
        %mul3A_788 = arith.mulf %add3A_785, %mul3A_787 : vector<16xf32>
        %add3A_789 = arith.constant 0x4B000000 : f32
        %add3A_790 = vector.broadcast %add3A_789 : f32 to vector<16xf32>
        %add3A_791 = arith.addf %mul3A_788, %add3A_790 : vector<16xf32>
        %bitcast3A_792 = vector.bitcast %add3A_791 : vector<16xf32> to vector<16xi32>
        %min3A_793 = arith.constant 1258295295 : i32
        %min3A_794 = vector.broadcast %min3A_793 : i32 to vector<16xi32>
        %min3A_795 = arith.minsi %bitcast3A_792, %min3A_794 : vector<16xi32>
        %mul3A_796 = arith.constant 256 : i32
        %mul3A_797 = arith.muli %add3A_635, %mul3A_796 : i32
        %add3A_798 = arith.constant 128 : i32
        %add3A_799 = arith.addi %mul3A_797, %add3A_798 : i32
        %add3A_800 = arith.constant 32 : i32
        %add3A_801 = arith.addi %add3A_799, %add3A_800 : i32
        %get3A_802 = arith.index_cast %add3A_801 : i32 to index
        %get3A_803 = tpu.vector_load %arg5[%get3A_802] {strides = array<i32>} : memref<4096xf32, #tpu.memory_space<vmem>>, vector<16xf32>,
        %add3A_804 = arith.constant 1.000000e+00 : f32
        %add3A_805 = vector.broadcast %add3A_804 : f32 to vector<16xf32>
        %add3A_806 = arith.addf %get3A_803, %add3A_805 : vector<16xf32>
        %mul3A_807 = arith.constant 2.048000e+03 : f32
        %mul3A_808 = vector.broadcast %mul3A_807 : f32 to vector<16xf32>
        %mul3A_809 = arith.mulf %add3A_806, %mul3A_808 : vector<16xf32>
        %add3A_810 = arith.constant 0x4B000000 : f32
        %add3A_811 = vector.broadcast %add3A_810 : f32 to vector<16xf32>
        %add3A_812 = arith.addf %mul3A_809, %add3A_811 : vector<16xf32>
        %bitcast3A_813 = vector.bitcast %add3A_812 : vector<16xf32> to vector<16xi32>
        %min3A_814 = arith.constant 1258295295 : i32
        %min3A_815 = vector.broadcast %min3A_814 : i32 to vector<16xi32>
        %min3A_816 = arith.minsi %bitcast3A_813, %min3A_815 : vector<16xi32>
        %shift_left3A_817 = arith.constant 12 : i32
        %shift_left3A_818 = vector.broadcast %shift_left3A_817 : i32 to vector<16xi32>
        %shift_left3A_819 = arith.shli %min3A_795, %shift_left3A_818 : vector<16xi32>
        %and3A_820 = arith.constant -32768 : i32
        %and3A_821 = vector.broadcast %and3A_820 : i32 to vector<16xi32>
        %and3A_822 = arith.andi %shift_left3A_819, %and3A_821 : vector<16xi32>
        %and3A_823 = arith.constant 7 : i32
        %and3A_824 = vector.broadcast %and3A_823 : i32 to vector<16xi32>
        %and3A_825 = arith.andi %min3A_795, %and3A_824 : vector<16xi32>
        %shift_left3A_826 = arith.constant 7 : i32
        %shift_left3A_827 = vector.broadcast %shift_left3A_826 : i32 to vector<16xi32>
        %shift_left3A_828 = arith.shli %and3A_825, %shift_left3A_827 : vector<16xi32>
        %shift_left3A_829 = arith.constant 3 : i32
        %shift_left3A_830 = vector.broadcast %shift_left3A_829 : i32 to vector<16xi32>
        %shift_left3A_831 = arith.shli %min3A_816, %shift_left3A_830 : vector<16xi32>
        %and3A_832 = arith.constant -1024 : i32
        %and3A_833 = vector.broadcast %and3A_832 : i32 to vector<16xi32>
        %and3A_834 = arith.andi %shift_left3A_831, %and3A_833 : vector<16xi32>
        %and3A_835 = arith.constant 127 : i32
        %and3A_836 = vector.broadcast %and3A_835 : i32 to vector<16xi32>
        %and3A_837 = arith.andi %min3A_816, %and3A_836 : vector<16xi32>
        %add3A_838 = arith.addi %and3A_822, %shift_left3A_828 : vector<16xi32>
        %add3A_839 = arith.addi %add3A_838, %and3A_834 : vector<16xi32>
        %add3A_840 = arith.constant -1476395008 : i32
        %add3A_841 = vector.broadcast %add3A_840 : i32 to vector<16xi32>
        %add3A_842 = arith.addi %and3A_837, %add3A_841 : vector<16xi32>
        %add3A_843 = arith.addi %add3A_839, %add3A_842 : vector<16xi32>
        %mul3A_844 = arith.constant 128 : i32
        %mul3A_845 = arith.muli %add3A_635, %mul3A_844 : i32
        %add3A_846 = arith.constant 32 : i32
        %add3A_847 = arith.addi %mul3A_845, %add3A_846 : i32
        %swap3A_848 = arith.index_cast %add3A_847 : i32 to index
        %swap3A_849 = tpu.vector_load %arg9[%swap3A_848] {strides = array<i32>} : memref<2048xi32, #tpu.memory_space<vmem>>, vector<16xi32>,
        tpu.vector_store %arg9[%swap3A_848], %add3A_843 {strides = array<i32>} : memref<2048xi32, #tpu.memory_space<vmem>>, vector<16xi32>,
        %mul3A_850 = arith.constant 256 : i32
        %mul3A_851 = arith.muli %add3A_635, %mul3A_850 : i32
        %add3A_852 = arith.constant 48 : i32
        %add3A_853 = arith.addi %mul3A_851, %add3A_852 : i32
        %get3A_854 = arith.index_cast %add3A_853 : i32 to index
        %get3A_855 = tpu.vector_load %arg5[%get3A_854] {strides = array<i32>} : memref<4096xf32, #tpu.memory_space<vmem>>, vector<16xf32>,
        %add3A_856 = arith.constant 1.000000e+00 : f32
        %add3A_857 = vector.broadcast %add3A_856 : f32 to vector<16xf32>
        %add3A_858 = arith.addf %get3A_855, %add3A_857 : vector<16xf32>
        %mul3A_859 = arith.constant 2.048000e+03 : f32
        %mul3A_860 = vector.broadcast %mul3A_859 : f32 to vector<16xf32>
        %mul3A_861 = arith.mulf %add3A_858, %mul3A_860 : vector<16xf32>
        %add3A_862 = arith.constant 0x4B000000 : f32
        %add3A_863 = vector.broadcast %add3A_862 : f32 to vector<16xf32>
        %add3A_864 = arith.addf %mul3A_861, %add3A_863 : vector<16xf32>
        %bitcast3A_865 = vector.bitcast %add3A_864 : vector<16xf32> to vector<16xi32>
        %min3A_866 = arith.constant 1258295295 : i32
        %min3A_867 = vector.broadcast %min3A_866 : i32 to vector<16xi32>
        %min3A_868 = arith.minsi %bitcast3A_865, %min3A_867 : vector<16xi32>
        %mul3A_869 = arith.constant 256 : i32
        %mul3A_870 = arith.muli %add3A_635, %mul3A_869 : i32
        %add3A_871 = arith.constant 128 : i32
        %add3A_872 = arith.addi %mul3A_870, %add3A_871 : i32
        %add3A_873 = arith.constant 48 : i32
        %add3A_874 = arith.addi %add3A_872, %add3A_873 : i32
        %get3A_875 = arith.index_cast %add3A_874 : i32 to index
        %get3A_876 = tpu.vector_load %arg5[%get3A_875] {strides = array<i32>} : memref<4096xf32, #tpu.memory_space<vmem>>, vector<16xf32>,
        %add3A_877 = arith.constant 1.000000e+00 : f32
        %add3A_878 = vector.broadcast %add3A_877 : f32 to vector<16xf32>
        %add3A_879 = arith.addf %get3A_876, %add3A_878 : vector<16xf32>
        %mul3A_880 = arith.constant 2.048000e+03 : f32
        %mul3A_881 = vector.broadcast %mul3A_880 : f32 to vector<16xf32>
        %mul3A_882 = arith.mulf %add3A_879, %mul3A_881 : vector<16xf32>
        %add3A_883 = arith.constant 0x4B000000 : f32
        %add3A_884 = vector.broadcast %add3A_883 : f32 to vector<16xf32>
        %add3A_885 = arith.addf %mul3A_882, %add3A_884 : vector<16xf32>
        %bitcast3A_886 = vector.bitcast %add3A_885 : vector<16xf32> to vector<16xi32>
        %min3A_887 = arith.constant 1258295295 : i32
        %min3A_888 = vector.broadcast %min3A_887 : i32 to vector<16xi32>
        %min3A_889 = arith.minsi %bitcast3A_886, %min3A_888 : vector<16xi32>
        %shift_left3A_890 = arith.constant 12 : i32
        %shift_left3A_891 = vector.broadcast %shift_left3A_890 : i32 to vector<16xi32>
        %shift_left3A_892 = arith.shli %min3A_868, %shift_left3A_891 : vector<16xi32>
        %and3A_893 = arith.constant -32768 : i32
        %and3A_894 = vector.broadcast %and3A_893 : i32 to vector<16xi32>
        %and3A_895 = arith.andi %shift_left3A_892, %and3A_894 : vector<16xi32>
        %and3A_896 = arith.constant 7 : i32
        %and3A_897 = vector.broadcast %and3A_896 : i32 to vector<16xi32>
        %and3A_898 = arith.andi %min3A_868, %and3A_897 : vector<16xi32>
        %shift_left3A_899 = arith.constant 7 : i32
        %shift_left3A_900 = vector.broadcast %shift_left3A_899 : i32 to vector<16xi32>
        %shift_left3A_901 = arith.shli %and3A_898, %shift_left3A_900 : vector<16xi32>
        %shift_left3A_902 = arith.constant 3 : i32
        %shift_left3A_903 = vector.broadcast %shift_left3A_902 : i32 to vector<16xi32>
        %shift_left3A_904 = arith.shli %min3A_889, %shift_left3A_903 : vector<16xi32>
        %and3A_905 = arith.constant -1024 : i32
        %and3A_906 = vector.broadcast %and3A_905 : i32 to vector<16xi32>
        %and3A_907 = arith.andi %shift_left3A_904, %and3A_906 : vector<16xi32>
        %and3A_908 = arith.constant 127 : i32
        %and3A_909 = vector.broadcast %and3A_908 : i32 to vector<16xi32>
        %and3A_910 = arith.andi %min3A_889, %and3A_909 : vector<16xi32>
        %add3A_911 = arith.addi %and3A_895, %shift_left3A_901 : vector<16xi32>
        %add3A_912 = arith.addi %add3A_911, %and3A_907 : vector<16xi32>
        %add3A_913 = arith.constant -1476395008 : i32
        %add3A_914 = vector.broadcast %add3A_913 : i32 to vector<16xi32>
        %add3A_915 = arith.addi %and3A_910, %add3A_914 : vector<16xi32>
        %add3A_916 = arith.addi %add3A_912, %add3A_915 : vector<16xi32>
        %mul3A_917 = arith.constant 128 : i32
        %mul3A_918 = arith.muli %add3A_635, %mul3A_917 : i32
        %add3A_919 = arith.constant 48 : i32
        %add3A_920 = arith.addi %mul3A_918, %add3A_919 : i32
        %swap3A_921 = arith.index_cast %add3A_920 : i32 to index
        %swap3A_922 = tpu.vector_load %arg9[%swap3A_921] {strides = array<i32>} : memref<2048xi32, #tpu.memory_space<vmem>>, vector<16xi32>,
        tpu.vector_store %arg9[%swap3A_921], %add3A_916 {strides = array<i32>} : memref<2048xi32, #tpu.memory_space<vmem>>, vector<16xi32>,
        %mul3A_923 = arith.constant 256 : i32
        %mul3A_924 = arith.muli %add3A_635, %mul3A_923 : i32
        %add3A_925 = arith.constant 64 : i32
        %add3A_926 = arith.addi %mul3A_924, %add3A_925 : i32
        %get3A_927 = arith.index_cast %add3A_926 : i32 to index
        %get3A_928 = tpu.vector_load %arg5[%get3A_927] {strides = array<i32>} : memref<4096xf32, #tpu.memory_space<vmem>>, vector<16xf32>,
        %add3A_929 = arith.constant 1.000000e+00 : f32
        %add3A_930 = vector.broadcast %add3A_929 : f32 to vector<16xf32>
        %add3A_931 = arith.addf %get3A_928, %add3A_930 : vector<16xf32>
        %mul3A_932 = arith.constant 2.048000e+03 : f32
        %mul3A_933 = vector.broadcast %mul3A_932 : f32 to vector<16xf32>
        %mul3A_934 = arith.mulf %add3A_931, %mul3A_933 : vector<16xf32>
        %add3A_935 = arith.constant 0x4B000000 : f32
        %add3A_936 = vector.broadcast %add3A_935 : f32 to vector<16xf32>
        %add3A_937 = arith.addf %mul3A_934, %add3A_936 : vector<16xf32>
        %bitcast3A_938 = vector.bitcast %add3A_937 : vector<16xf32> to vector<16xi32>
        %min3A_939 = arith.constant 1258295295 : i32
        %min3A_940 = vector.broadcast %min3A_939 : i32 to vector<16xi32>
        %min3A_941 = arith.minsi %bitcast3A_938, %min3A_940 : vector<16xi32>
        %mul3A_942 = arith.constant 256 : i32
        %mul3A_943 = arith.muli %add3A_635, %mul3A_942 : i32
        %add3A_944 = arith.constant 128 : i32
        %add3A_945 = arith.addi %mul3A_943, %add3A_944 : i32
        %add3A_946 = arith.constant 64 : i32
        %add3A_947 = arith.addi %add3A_945, %add3A_946 : i32
        %get3A_948 = arith.index_cast %add3A_947 : i32 to index
        %get3A_949 = tpu.vector_load %arg5[%get3A_948] {strides = array<i32>} : memref<4096xf32, #tpu.memory_space<vmem>>, vector<16xf32>,
        %add3A_950 = arith.constant 1.000000e+00 : f32
        %add3A_951 = vector.broadcast %add3A_950 : f32 to vector<16xf32>
        %add3A_952 = arith.addf %get3A_949, %add3A_951 : vector<16xf32>
        %mul3A_953 = arith.constant 2.048000e+03 : f32
        %mul3A_954 = vector.broadcast %mul3A_953 : f32 to vector<16xf32>
        %mul3A_955 = arith.mulf %add3A_952, %mul3A_954 : vector<16xf32>
        %add3A_956 = arith.constant 0x4B000000 : f32
        %add3A_957 = vector.broadcast %add3A_956 : f32 to vector<16xf32>
        %add3A_958 = arith.addf %mul3A_955, %add3A_957 : vector<16xf32>
        %bitcast3A_959 = vector.bitcast %add3A_958 : vector<16xf32> to vector<16xi32>
        %min3A_960 = arith.constant 1258295295 : i32
        %min3A_961 = vector.broadcast %min3A_960 : i32 to vector<16xi32>
        %min3A_962 = arith.minsi %bitcast3A_959, %min3A_961 : vector<16xi32>
        %shift_left3A_963 = arith.constant 12 : i32
        %shift_left3A_964 = vector.broadcast %shift_left3A_963 : i32 to vector<16xi32>
        %shift_left3A_965 = arith.shli %min3A_941, %shift_left3A_964 : vector<16xi32>
        %and3A_966 = arith.constant -32768 : i32
        %and3A_967 = vector.broadcast %and3A_966 : i32 to vector<16xi32>
        %and3A_968 = arith.andi %shift_left3A_965, %and3A_967 : vector<16xi32>
        %and3A_969 = arith.constant 7 : i32
        %and3A_970 = vector.broadcast %and3A_969 : i32 to vector<16xi32>
        %and3A_971 = arith.andi %min3A_941, %and3A_970 : vector<16xi32>
        %shift_left3A_972 = arith.constant 7 : i32
        %shift_left3A_973 = vector.broadcast %shift_left3A_972 : i32 to vector<16xi32>
        %shift_left3A_974 = arith.shli %and3A_971, %shift_left3A_973 : vector<16xi32>
        %shift_left3A_975 = arith.constant 3 : i32
        %shift_left3A_976 = vector.broadcast %shift_left3A_975 : i32 to vector<16xi32>
        %shift_left3A_977 = arith.shli %min3A_962, %shift_left3A_976 : vector<16xi32>
        %and3A_978 = arith.constant -1024 : i32
        %and3A_979 = vector.broadcast %and3A_978 : i32 to vector<16xi32>
        %and3A_980 = arith.andi %shift_left3A_977, %and3A_979 : vector<16xi32>
        %and3A_981 = arith.constant 127 : i32
        %and3A_982 = vector.broadcast %and3A_981 : i32 to vector<16xi32>
        %and3A_983 = arith.andi %min3A_962, %and3A_982 : vector<16xi32>
        %add3A_984 = arith.addi %and3A_968, %shift_left3A_974 : vector<16xi32>
        %add3A_985 = arith.addi %add3A_984, %and3A_980 : vector<16xi32>
        %add3A_986 = arith.constant -1476395008 : i32
        %add3A_987 = vector.broadcast %add3A_986 : i32 to vector<16xi32>
        %add3A_988 = arith.addi %and3A_983, %add3A_987 : vector<16xi32>
        %add3A_989 = arith.addi %add3A_985, %add3A_988 : vector<16xi32>
        %mul3A_990 = arith.constant 128 : i32
        %mul3A_991 = arith.muli %add3A_635, %mul3A_990 : i32
        %add3A_992 = arith.constant 64 : i32
        %add3A_993 = arith.addi %mul3A_991, %add3A_992 : i32
        %swap3A_994 = arith.index_cast %add3A_993 : i32 to index
        %swap3A_995 = tpu.vector_load %arg9[%swap3A_994] {strides = array<i32>} : memref<2048xi32, #tpu.memory_space<vmem>>, vector<16xi32>,
        tpu.vector_store %arg9[%swap3A_994], %add3A_989 {strides = array<i32>} : memref<2048xi32, #tpu.memory_space<vmem>>, vector<16xi32>,
        %mul3A_996 = arith.constant 256 : i32
        %mul3A_997 = arith.muli %add3A_635, %mul3A_996 : i32
        %add3A_998 = arith.constant 80 : i32
        %add3A_999 = arith.addi %mul3A_997, %add3A_998 : i32
        %get3A_1000 = arith.index_cast %add3A_999 : i32 to index
        %get3A_1001 = tpu.vector_load %arg5[%get3A_1000] {strides = array<i32>} : memref<4096xf32, #tpu.memory_space<vmem>>, vector<16xf32>,
        %add3A_1002 = arith.constant 1.000000e+00 : f32
        %add3A_1003 = vector.broadcast %add3A_1002 : f32 to vector<16xf32>
        %add3A_1004 = arith.addf %get3A_1001, %add3A_1003 : vector<16xf32>
        %mul3A_1005 = arith.constant 2.048000e+03 : f32
        %mul3A_1006 = vector.broadcast %mul3A_1005 : f32 to vector<16xf32>
        %mul3A_1007 = arith.mulf %add3A_1004, %mul3A_1006 : vector<16xf32>
        %add3A_1008 = arith.constant 0x4B000000 : f32
        %add3A_1009 = vector.broadcast %add3A_1008 : f32 to vector<16xf32>
        %add3A_1010 = arith.addf %mul3A_1007, %add3A_1009 : vector<16xf32>
        %bitcast3A_1011 = vector.bitcast %add3A_1010 : vector<16xf32> to vector<16xi32>
        %min3A_1012 = arith.constant 1258295295 : i32
        %min3A_1013 = vector.broadcast %min3A_1012 : i32 to vector<16xi32>
        %min3A_1014 = arith.minsi %bitcast3A_1011, %min3A_1013 : vector<16xi32>
        %mul3A_1015 = arith.constant 256 : i32
        %mul3A_1016 = arith.muli %add3A_635, %mul3A_1015 : i32
        %add3A_1017 = arith.constant 128 : i32
        %add3A_1018 = arith.addi %mul3A_1016, %add3A_1017 : i32
        %add3A_1019 = arith.constant 80 : i32
        %add3A_1020 = arith.addi %add3A_1018, %add3A_1019 : i32
        %get3A_1021 = arith.index_cast %add3A_1020 : i32 to index
        %get3A_1022 = tpu.vector_load %arg5[%get3A_1021] {strides = array<i32>} : memref<4096xf32, #tpu.memory_space<vmem>>, vector<16xf32>,
        %add3A_1023 = arith.constant 1.000000e+00 : f32
        %add3A_1024 = vector.broadcast %add3A_1023 : f32 to vector<16xf32>
        %add3A_1025 = arith.addf %get3A_1022, %add3A_1024 : vector<16xf32>
        %mul3A_1026 = arith.constant 2.048000e+03 : f32
        %mul3A_1027 = vector.broadcast %mul3A_1026 : f32 to vector<16xf32>
        %mul3A_1028 = arith.mulf %add3A_1025, %mul3A_1027 : vector<16xf32>
        %add3A_1029 = arith.constant 0x4B000000 : f32
        %add3A_1030 = vector.broadcast %add3A_1029 : f32 to vector<16xf32>
        %add3A_1031 = arith.addf %mul3A_1028, %add3A_1030 : vector<16xf32>
        %bitcast3A_1032 = vector.bitcast %add3A_1031 : vector<16xf32> to vector<16xi32>
        %min3A_1033 = arith.constant 1258295295 : i32
        %min3A_1034 = vector.broadcast %min3A_1033 : i32 to vector<16xi32>
        %min3A_1035 = arith.minsi %bitcast3A_1032, %min3A_1034 : vector<16xi32>
        %shift_left3A_1036 = arith.constant 12 : i32
        %shift_left3A_1037 = vector.broadcast %shift_left3A_1036 : i32 to vector<16xi32>
        %shift_left3A_1038 = arith.shli %min3A_1014, %shift_left3A_1037 : vector<16xi32>
        %and3A_1039 = arith.constant -32768 : i32
        %and3A_1040 = vector.broadcast %and3A_1039 : i32 to vector<16xi32>
        %and3A_1041 = arith.andi %shift_left3A_1038, %and3A_1040 : vector<16xi32>
        %and3A_1042 = arith.constant 7 : i32
        %and3A_1043 = vector.broadcast %and3A_1042 : i32 to vector<16xi32>
        %and3A_1044 = arith.andi %min3A_1014, %and3A_1043 : vector<16xi32>
        %shift_left3A_1045 = arith.constant 7 : i32
        %shift_left3A_1046 = vector.broadcast %shift_left3A_1045 : i32 to vector<16xi32>
        %shift_left3A_1047 = arith.shli %and3A_1044, %shift_left3A_1046 : vector<16xi32>
        %shift_left3A_1048 = arith.constant 3 : i32
        %shift_left3A_1049 = vector.broadcast %shift_left3A_1048 : i32 to vector<16xi32>
        %shift_left3A_1050 = arith.shli %min3A_1035, %shift_left3A_1049 : vector<16xi32>
        %and3A_1051 = arith.constant -1024 : i32
        %and3A_1052 = vector.broadcast %and3A_1051 : i32 to vector<16xi32>
        %and3A_1053 = arith.andi %shift_left3A_1050, %and3A_1052 : vector<16xi32>
        %and3A_1054 = arith.constant 127 : i32
        %and3A_1055 = vector.broadcast %and3A_1054 : i32 to vector<16xi32>
        %and3A_1056 = arith.andi %min3A_1035, %and3A_1055 : vector<16xi32>
        %add3A_1057 = arith.addi %and3A_1041, %shift_left3A_1047 : vector<16xi32>
        %add3A_1058 = arith.addi %add3A_1057, %and3A_1053 : vector<16xi32>
        %add3A_1059 = arith.constant -1476395008 : i32
        %add3A_1060 = vector.broadcast %add3A_1059 : i32 to vector<16xi32>
        %add3A_1061 = arith.addi %and3A_1056, %add3A_1060 : vector<16xi32>
        %add3A_1062 = arith.addi %add3A_1058, %add3A_1061 : vector<16xi32>
        %mul3A_1063 = arith.constant 128 : i32
        %mul3A_1064 = arith.muli %add3A_635, %mul3A_1063 : i32
        %add3A_1065 = arith.constant 80 : i32
        %add3A_1066 = arith.addi %mul3A_1064, %add3A_1065 : i32
        %swap3A_1067 = arith.index_cast %add3A_1066 : i32 to index
        %swap3A_1068 = tpu.vector_load %arg9[%swap3A_1067] {strides = array<i32>} : memref<2048xi32, #tpu.memory_space<vmem>>, vector<16xi32>,
        tpu.vector_store %arg9[%swap3A_1067], %add3A_1062 {strides = array<i32>} : memref<2048xi32, #tpu.memory_space<vmem>>, vector<16xi32>,
        %mul3A_1069 = arith.constant 256 : i32
        %mul3A_1070 = arith.muli %add3A_635, %mul3A_1069 : i32
        %add3A_1071 = arith.constant 96 : i32
        %add3A_1072 = arith.addi %mul3A_1070, %add3A_1071 : i32
        %get3A_1073 = arith.index_cast %add3A_1072 : i32 to index
        %get3A_1074 = tpu.vector_load %arg5[%get3A_1073] {strides = array<i32>} : memref<4096xf32, #tpu.memory_space<vmem>>, vector<16xf32>,
        %add3A_1075 = arith.constant 1.000000e+00 : f32
        %add3A_1076 = vector.broadcast %add3A_1075 : f32 to vector<16xf32>
        %add3A_1077 = arith.addf %get3A_1074, %add3A_1076 : vector<16xf32>
        %mul3A_1078 = arith.constant 2.048000e+03 : f32
        %mul3A_1079 = vector.broadcast %mul3A_1078 : f32 to vector<16xf32>
        %mul3A_1080 = arith.mulf %add3A_1077, %mul3A_1079 : vector<16xf32>
        %add3A_1081 = arith.constant 0x4B000000 : f32
        %add3A_1082 = vector.broadcast %add3A_1081 : f32 to vector<16xf32>
        %add3A_1083 = arith.addf %mul3A_1080, %add3A_1082 : vector<16xf32>
        %bitcast3A_1084 = vector.bitcast %add3A_1083 : vector<16xf32> to vector<16xi32>
        %min3A_1085 = arith.constant 1258295295 : i32
        %min3A_1086 = vector.broadcast %min3A_1085 : i32 to vector<16xi32>
        %min3A_1087 = arith.minsi %bitcast3A_1084, %min3A_1086 : vector<16xi32>
        %mul3A_1088 = arith.constant 256 : i32
        %mul3A_1089 = arith.muli %add3A_635, %mul3A_1088 : i32
        %add3A_1090 = arith.constant 128 : i32
        %add3A_1091 = arith.addi %mul3A_1089, %add3A_1090 : i32
        %add3A_1092 = arith.constant 96 : i32
        %add3A_1093 = arith.addi %add3A_1091, %add3A_1092 : i32
        %get3A_1094 = arith.index_cast %add3A_1093 : i32 to index
        %get3A_1095 = tpu.vector_load %arg5[%get3A_1094] {strides = array<i32>} : memref<4096xf32, #tpu.memory_space<vmem>>, vector<16xf32>,
        %add3A_1096 = arith.constant 1.000000e+00 : f32
        %add3A_1097 = vector.broadcast %add3A_1096 : f32 to vector<16xf32>
        %add3A_1098 = arith.addf %get3A_1095, %add3A_1097 : vector<16xf32>
        %mul3A_1099 = arith.constant 2.048000e+03 : f32
        %mul3A_1100 = vector.broadcast %mul3A_1099 : f32 to vector<16xf32>
        %mul3A_1101 = arith.mulf %add3A_1098, %mul3A_1100 : vector<16xf32>
        %add3A_1102 = arith.constant 0x4B000000 : f32
        %add3A_1103 = vector.broadcast %add3A_1102 : f32 to vector<16xf32>
        %add3A_1104 = arith.addf %mul3A_1101, %add3A_1103 : vector<16xf32>
        %bitcast3A_1105 = vector.bitcast %add3A_1104 : vector<16xf32> to vector<16xi32>
        %min3A_1106 = arith.constant 1258295295 : i32
        %min3A_1107 = vector.broadcast %min3A_1106 : i32 to vector<16xi32>
        %min3A_1108 = arith.minsi %bitcast3A_1105, %min3A_1107 : vector<16xi32>
        %shift_left3A_1109 = arith.constant 12 : i32
        %shift_left3A_1110 = vector.broadcast %shift_left3A_1109 : i32 to vector<16xi32>
        %shift_left3A_1111 = arith.shli %min3A_1087, %shift_left3A_1110 : vector<16xi32>
        %and3A_1112 = arith.constant -32768 : i32
        %and3A_1113 = vector.broadcast %and3A_1112 : i32 to vector<16xi32>
        %and3A_1114 = arith.andi %shift_left3A_1111, %and3A_1113 : vector<16xi32>
        %and3A_1115 = arith.constant 7 : i32
        %and3A_1116 = vector.broadcast %and3A_1115 : i32 to vector<16xi32>
        %and3A_1117 = arith.andi %min3A_1087, %and3A_1116 : vector<16xi32>
        %shift_left3A_1118 = arith.constant 7 : i32
        %shift_left3A_1119 = vector.broadcast %shift_left3A_1118 : i32 to vector<16xi32>
        %shift_left3A_1120 = arith.shli %and3A_1117, %shift_left3A_1119 : vector<16xi32>
        %shift_left3A_1121 = arith.constant 3 : i32
        %shift_left3A_1122 = vector.broadcast %shift_left3A_1121 : i32 to vector<16xi32>
        %shift_left3A_1123 = arith.shli %min3A_1108, %shift_left3A_1122 : vector<16xi32>
        %and3A_1124 = arith.constant -1024 : i32
        %and3A_1125 = vector.broadcast %and3A_1124 : i32 to vector<16xi32>
        %and3A_1126 = arith.andi %shift_left3A_1123, %and3A_1125 : vector<16xi32>
        %and3A_1127 = arith.constant 127 : i32
        %and3A_1128 = vector.broadcast %and3A_1127 : i32 to vector<16xi32>
        %and3A_1129 = arith.andi %min3A_1108, %and3A_1128 : vector<16xi32>
        %add3A_1130 = arith.addi %and3A_1114, %shift_left3A_1120 : vector<16xi32>
        %add3A_1131 = arith.addi %add3A_1130, %and3A_1126 : vector<16xi32>
        %add3A_1132 = arith.constant -1476395008 : i32
        %add3A_1133 = vector.broadcast %add3A_1132 : i32 to vector<16xi32>
        %add3A_1134 = arith.addi %and3A_1129, %add3A_1133 : vector<16xi32>
        %add3A_1135 = arith.addi %add3A_1131, %add3A_1134 : vector<16xi32>
        %mul3A_1136 = arith.constant 128 : i32
        %mul3A_1137 = arith.muli %add3A_635, %mul3A_1136 : i32
        %add3A_1138 = arith.constant 96 : i32
        %add3A_1139 = arith.addi %mul3A_1137, %add3A_1138 : i32
        %swap3A_1140 = arith.index_cast %add3A_1139 : i32 to index
        %swap3A_1141 = tpu.vector_load %arg9[%swap3A_1140] {strides = array<i32>} : memref<2048xi32, #tpu.memory_space<vmem>>, vector<16xi32>,
        tpu.vector_store %arg9[%swap3A_1140], %add3A_1135 {strides = array<i32>} : memref<2048xi32, #tpu.memory_space<vmem>>, vector<16xi32>,
        %mul3A_1142 = arith.constant 256 : i32
        %mul3A_1143 = arith.muli %add3A_635, %mul3A_1142 : i32
        %add3A_1144 = arith.constant 112 : i32
        %add3A_1145 = arith.addi %mul3A_1143, %add3A_1144 : i32
        %get3A_1146 = arith.index_cast %add3A_1145 : i32 to index
        %get3A_1147 = tpu.vector_load %arg5[%get3A_1146] {strides = array<i32>} : memref<4096xf32, #tpu.memory_space<vmem>>, vector<16xf32>,
        %add3A_1148 = arith.constant 1.000000e+00 : f32
        %add3A_1149 = vector.broadcast %add3A_1148 : f32 to vector<16xf32>
        %add3A_1150 = arith.addf %get3A_1147, %add3A_1149 : vector<16xf32>
        %mul3A_1151 = arith.constant 2.048000e+03 : f32
        %mul3A_1152 = vector.broadcast %mul3A_1151 : f32 to vector<16xf32>
        %mul3A_1153 = arith.mulf %add3A_1150, %mul3A_1152 : vector<16xf32>
        %add3A_1154 = arith.constant 0x4B000000 : f32
        %add3A_1155 = vector.broadcast %add3A_1154 : f32 to vector<16xf32>
        %add3A_1156 = arith.addf %mul3A_1153, %add3A_1155 : vector<16xf32>
        %bitcast3A_1157 = vector.bitcast %add3A_1156 : vector<16xf32> to vector<16xi32>
        %min3A_1158 = arith.constant 1258295295 : i32
        %min3A_1159 = vector.broadcast %min3A_1158 : i32 to vector<16xi32>
        %min3A_1160 = arith.minsi %bitcast3A_1157, %min3A_1159 : vector<16xi32>
        %mul3A_1161 = arith.constant 256 : i32
        %mul3A_1162 = arith.muli %add3A_635, %mul3A_1161 : i32
        %add3A_1163 = arith.constant 128 : i32
        %add3A_1164 = arith.addi %mul3A_1162, %add3A_1163 : i32
        %add3A_1165 = arith.constant 112 : i32
        %add3A_1166 = arith.addi %add3A_1164, %add3A_1165 : i32
        %get3A_1167 = arith.index_cast %add3A_1166 : i32 to index
        %get3A_1168 = tpu.vector_load %arg5[%get3A_1167] {strides = array<i32>} : memref<4096xf32, #tpu.memory_space<vmem>>, vector<16xf32>,
        %add3A_1169 = arith.constant 1.000000e+00 : f32
        %add3A_1170 = vector.broadcast %add3A_1169 : f32 to vector<16xf32>
        %add3A_1171 = arith.addf %get3A_1168, %add3A_1170 : vector<16xf32>
        %mul3A_1172 = arith.constant 2.048000e+03 : f32
        %mul3A_1173 = vector.broadcast %mul3A_1172 : f32 to vector<16xf32>
        %mul3A_1174 = arith.mulf %add3A_1171, %mul3A_1173 : vector<16xf32>
        %add3A_1175 = arith.constant 0x4B000000 : f32
        %add3A_1176 = vector.broadcast %add3A_1175 : f32 to vector<16xf32>
        %add3A_1177 = arith.addf %mul3A_1174, %add3A_1176 : vector<16xf32>
        %bitcast3A_1178 = vector.bitcast %add3A_1177 : vector<16xf32> to vector<16xi32>
        %min3A_1179 = arith.constant 1258295295 : i32
        %min3A_1180 = vector.broadcast %min3A_1179 : i32 to vector<16xi32>
        %min3A_1181 = arith.minsi %bitcast3A_1178, %min3A_1180 : vector<16xi32>
        %shift_left3A_1182 = arith.constant 12 : i32
        %shift_left3A_1183 = vector.broadcast %shift_left3A_1182 : i32 to vector<16xi32>
        %shift_left3A_1184 = arith.shli %min3A_1160, %shift_left3A_1183 : vector<16xi32>
        %and3A_1185 = arith.constant -32768 : i32
        %and3A_1186 = vector.broadcast %and3A_1185 : i32 to vector<16xi32>
        %and3A_1187 = arith.andi %shift_left3A_1184, %and3A_1186 : vector<16xi32>
        %and3A_1188 = arith.constant 7 : i32
        %and3A_1189 = vector.broadcast %and3A_1188 : i32 to vector<16xi32>
        %and3A_1190 = arith.andi %min3A_1160, %and3A_1189 : vector<16xi32>
        %shift_left3A_1191 = arith.constant 7 : i32
        %shift_left3A_1192 = vector.broadcast %shift_left3A_1191 : i32 to vector<16xi32>
        %shift_left3A_1193 = arith.shli %and3A_1190, %shift_left3A_1192 : vector<16xi32>
        %shift_left3A_1194 = arith.constant 3 : i32
        %shift_left3A_1195 = vector.broadcast %shift_left3A_1194 : i32 to vector<16xi32>
        %shift_left3A_1196 = arith.shli %min3A_1181, %shift_left3A_1195 : vector<16xi32>
        %and3A_1197 = arith.constant -1024 : i32
        %and3A_1198 = vector.broadcast %and3A_1197 : i32 to vector<16xi32>
        %and3A_1199 = arith.andi %shift_left3A_1196, %and3A_1198 : vector<16xi32>
        %and3A_1200 = arith.constant 127 : i32
        %and3A_1201 = vector.broadcast %and3A_1200 : i32 to vector<16xi32>
        %and3A_1202 = arith.andi %min3A_1181, %and3A_1201 : vector<16xi32>
        %add3A_1203 = arith.addi %and3A_1187, %shift_left3A_1193 : vector<16xi32>
        %add3A_1204 = arith.addi %add3A_1203, %and3A_1199 : vector<16xi32>
        %add3A_1205 = arith.constant -1476395008 : i32
        %add3A_1206 = vector.broadcast %add3A_1205 : i32 to vector<16xi32>
        %add3A_1207 = arith.addi %and3A_1202, %add3A_1206 : vector<16xi32>
        %add3A_1208 = arith.addi %add3A_1204, %add3A_1207 : vector<16xi32>
        %mul3A_1209 = arith.constant 128 : i32
        %mul3A_1210 = arith.muli %add3A_635, %mul3A_1209 : i32
        %add3A_1211 = arith.constant 112 : i32
        %add3A_1212 = arith.addi %mul3A_1210, %add3A_1211 : i32
        %swap3A_1213 = arith.index_cast %add3A_1212 : i32 to index
        %swap3A_1214 = tpu.vector_load %arg9[%swap3A_1213] {strides = array<i32>} : memref<2048xi32, #tpu.memory_space<vmem>>, vector<16xi32>,
        tpu.vector_store %arg9[%swap3A_1213], %add3A_1208 {strides = array<i32>} : memref<2048xi32, #tpu.memory_space<vmem>>, vector<16xi32>,
      }
      %scan3A_375 = arith.constant 16 : i32
      %gt3A_376 = arith.constant 0 : i32
      %gt3A_377 = arith.cmpi sgt, %add3A_59, %gt3A_376 : i32
      %convert_element_type3A_378 = arith.extui %gt3A_377 : i1 to i32
      %cond3A_379 = arith.constant 0 : i32
      %cond3A_380 = arith.cmpi ne, %convert_element_type3A_378, %cond3A_379 : i32
      scf.if %cond3A_380 {
        %sub3A_631 = arith.constant 3 : i32
        %sub3A_632 = arith.subi %add3A_341, %sub3A_631 : i32
        %dma_wait3A_633 = arith.constant 0 : i32
        %dma_wait3A_634 = tpu.memref_slice %arg3[%dma_wait3A_633] : memref<16777216xf32, #tpu.memory_space<hbm>> -> memref<2048xf32, #tpu.memory_space<hbm>>
        %dma_wait3A_635 = arith.constant 0 : i32
        %dma_wait3A_636 = tpu.memref_slice %arg3[%dma_wait3A_635] : memref<16777216xf32, #tpu.memory_space<hbm>> -> memref<2048xf32, #tpu.memory_space<hbm>>
        tpu.wait_dma2 semaphore(%arg19 : memref<!tpu.dma_semaphore, #tpu.memory_space<semaphore_mem>>) src(%dma_wait3A_636 : memref<2048xf32, #tpu.memory_space<hbm>>) dst(%arg14 : memref<2048xf32, #tpu.memory_space<vmem>>)
        %mul3A_637 = arith.constant 2048 : i32
        %mul3A_638 = arith.muli %sub3A_632, %mul3A_637 : i32
        %add3A_639 = arith.addi %mul3A_2, %mul3A_638 : i32
        %dma_start3A_640 = tpu.memref_slice %arg4[%add3A_639] : memref<1048576xf32, #tpu.memory_space<hbm>> -> memref<2048xf32, #tpu.memory_space<hbm>>
        %dma_start3A_641 = tpu.memref_slice %arg4[%add3A_639] : memref<1048576xf32, #tpu.memory_space<hbm>> -> memref<2048xf32, #tpu.memory_space<hbm>>
        tpu.enqueue_dma source(%arg14 : memref<2048xf32, #tpu.memory_space<vmem>>) target(%dma_start3A_641 : memref<2048xf32, #tpu.memory_space<hbm>>) target_semaphore(%arg23 : memref<!tpu.dma_semaphore, #tpu.memory_space<semaphore_mem>>)
      } else {
      }
      %gt3A_381 = arith.constant 0 : i32
      %gt3A_382 = arith.cmpi sgt, %add3A_59, %gt3A_381 : i32
      %convert_element_type3A_383 = arith.extui %gt3A_382 : i1 to i32
      %cond3A_384 = arith.constant 0 : i32
      %cond3A_385 = arith.cmpi ne, %convert_element_type3A_383, %cond3A_384 : i32
      scf.if %cond3A_385 {
        %dma_wait3A_631 = arith.constant 0 : i32
        %dma_wait3A_632 = tpu.memref_slice %arg4[%dma_wait3A_631] : memref<1048576xf32, #tpu.memory_space<hbm>> -> memref<2048xf32, #tpu.memory_space<hbm>>
        %dma_wait3A_633 = arith.constant 0 : i32
        %dma_wait3A_634 = tpu.memref_slice %arg4[%dma_wait3A_633] : memref<1048576xf32, #tpu.memory_space<hbm>> -> memref<2048xf32, #tpu.memory_space<hbm>>
        tpu.wait_dma2 semaphore(%arg22 : memref<!tpu.dma_semaphore, #tpu.memory_space<semaphore_mem>>) src(%arg13 : memref<2048xf32, #tpu.memory_space<vmem>>) dst(%dma_wait3A_634 : memref<2048xf32, #tpu.memory_space<hbm>>)
      } else {
      }
      %dma_start3A_386 = arith.constant 0 : i32
      %dma_start3A_387 = tpu.memref_slice %arg13[%dma_start3A_386] : memref<2048xf32, #tpu.memory_space<vmem>> -> memref<128xf32, #tpu.memory_space<vmem>>
      %dma_start3A_388 = arith.constant 0 : i32
      %dma_start3A_389 = tpu.memref_slice %arg9[%dma_start3A_388] : memref<2048xi32, #tpu.memory_space<vmem>> -> memref<128xi32, #tpu.memory_space<vmem>>
      %dma_start3A_390 = arith.constant 0 : i32
      %dma_start3A_391 = tpu.memref_slice %arg3[%dma_start3A_390] : memref<16777216xf32, #tpu.memory_space<hbm>> -> memref<16777216xf32, #tpu.memory_space<hbm>>
      tpu.enqueue_indirect_dma source(%dma_start3A_391 : memref<16777216xf32, #tpu.memory_space<hbm>>) target(%dma_start3A_387 : memref<128xf32, #tpu.memory_space<vmem>>) offsets(%dma_start3A_389 : memref<128xi32, #tpu.memory_space<vmem>>) semaphore(%arg18 : memref<!tpu.dma_semaphore, #tpu.memory_space<semaphore_mem>>)
      %dma_start3A_392 = arith.constant 128 : i32
      %dma_start3A_393 = tpu.memref_slice %arg13[%dma_start3A_392] : memref<2048xf32, #tpu.memory_space<vmem>> -> memref<128xf32, #tpu.memory_space<vmem>>
      %dma_start3A_394 = arith.constant 128 : i32
      %dma_start3A_395 = tpu.memref_slice %arg9[%dma_start3A_394] : memref<2048xi32, #tpu.memory_space<vmem>> -> memref<128xi32, #tpu.memory_space<vmem>>
      %dma_start3A_396 = arith.constant 0 : i32
      %dma_start3A_397 = tpu.memref_slice %arg3[%dma_start3A_396] : memref<16777216xf32, #tpu.memory_space<hbm>> -> memref<16777216xf32, #tpu.memory_space<hbm>>
      tpu.enqueue_indirect_dma source(%dma_start3A_397 : memref<16777216xf32, #tpu.memory_space<hbm>>) target(%dma_start3A_393 : memref<128xf32, #tpu.memory_space<vmem>>) offsets(%dma_start3A_395 : memref<128xi32, #tpu.memory_space<vmem>>) semaphore(%arg18 : memref<!tpu.dma_semaphore, #tpu.memory_space<semaphore_mem>>)
      %dma_start3A_398 = arith.constant 256 : i32
      %dma_start3A_399 = tpu.memref_slice %arg13[%dma_start3A_398] : memref<2048xf32, #tpu.memory_space<vmem>> -> memref<128xf32, #tpu.memory_space<vmem>>
      %dma_start3A_400 = arith.constant 256 : i32
      %dma_start3A_401 = tpu.memref_slice %arg9[%dma_start3A_400] : memref<2048xi32, #tpu.memory_space<vmem>> -> memref<128xi32, #tpu.memory_space<vmem>>
      %dma_start3A_402 = arith.constant 0 : i32
      %dma_start3A_403 = tpu.memref_slice %arg3[%dma_start3A_402] : memref<16777216xf32, #tpu.memory_space<hbm>> -> memref<16777216xf32, #tpu.memory_space<hbm>>
      tpu.enqueue_indirect_dma source(%dma_start3A_403 : memref<16777216xf32, #tpu.memory_space<hbm>>) target(%dma_start3A_399 : memref<128xf32, #tpu.memory_space<vmem>>) offsets(%dma_start3A_401 : memref<128xi32, #tpu.memory_space<vmem>>) semaphore(%arg18 : memref<!tpu.dma_semaphore, #tpu.memory_space<semaphore_mem>>)
      %dma_start3A_404 = arith.constant 384 : i32
      %dma_start3A_405 = tpu.memref_slice %arg13[%dma_start3A_404] : memref<2048xf32, #tpu.memory_space<vmem>> -> memref<128xf32, #tpu.memory_space<vmem>>
      %dma_start3A_406 = arith.constant 384 : i32
      %dma_start3A_407 = tpu.memref_slice %arg9[%dma_start3A_406] : memref<2048xi32, #tpu.memory_space<vmem>> -> memref<128xi32, #tpu.memory_space<vmem>>
      %dma_start3A_408 = arith.constant 0 : i32
      %dma_start3A_409 = tpu.memref_slice %arg3[%dma_start3A_408] : memref<16777216xf32, #tpu.memory_space<hbm>> -> memref<16777216xf32, #tpu.memory_space<hbm>>
      tpu.enqueue_indirect_dma source(%dma_start3A_409 : memref<16777216xf32, #tpu.memory_space<hbm>>) target(%dma_start3A_405 : memref<128xf32, #tpu.memory_space<vmem>>) offsets(%dma_start3A_407 : memref<128xi32, #tpu.memory_space<vmem>>) semaphore(%arg18 : memref<!tpu.dma_semaphore, #tpu.memory_space<semaphore_mem>>)
      %dma_start3A_410 = arith.constant 512 : i32
      %dma_start3A_411 = tpu.memref_slice %arg13[%dma_start3A_410] : memref<2048xf32, #tpu.memory_space<vmem>> -> memref<128xf32, #tpu.memory_space<vmem>>
      %dma_start3A_412 = arith.constant 512 : i32
      %dma_start3A_413 = tpu.memref_slice %arg9[%dma_start3A_412] : memref<2048xi32, #tpu.memory_space<vmem>> -> memref<128xi32, #tpu.memory_space<vmem>>
      %dma_start3A_414 = arith.constant 0 : i32
      %dma_start3A_415 = tpu.memref_slice %arg3[%dma_start3A_414] : memref<16777216xf32, #tpu.memory_space<hbm>> -> memref<16777216xf32, #tpu.memory_space<hbm>>
      tpu.enqueue_indirect_dma source(%dma_start3A_415 : memref<16777216xf32, #tpu.memory_space<hbm>>) target(%dma_start3A_411 : memref<128xf32, #tpu.memory_space<vmem>>) offsets(%dma_start3A_413 : memref<128xi32, #tpu.memory_space<vmem>>) semaphore(%arg18 : memref<!tpu.dma_semaphore, #tpu.memory_space<semaphore_mem>>)
      %dma_start3A_416 = arith.constant 640 : i32
      %dma_start3A_417 = tpu.memref_slice %arg13[%dma_start3A_416] : memref<2048xf32, #tpu.memory_space<vmem>> -> memref<128xf32, #tpu.memory_space<vmem>>
      %dma_start3A_418 = arith.constant 640 : i32
      %dma_start3A_419 = tpu.memref_slice %arg9[%dma_start3A_418] : memref<2048xi32, #tpu.memory_space<vmem>> -> memref<128xi32, #tpu.memory_space<vmem>>
      %dma_start3A_420 = arith.constant 0 : i32
      %dma_start3A_421 = tpu.memref_slice %arg3[%dma_start3A_420] : memref<16777216xf32, #tpu.memory_space<hbm>> -> memref<16777216xf32, #tpu.memory_space<hbm>>
      tpu.enqueue_indirect_dma source(%dma_start3A_421 : memref<16777216xf32, #tpu.memory_space<hbm>>) target(%dma_start3A_417 : memref<128xf32, #tpu.memory_space<vmem>>) offsets(%dma_start3A_419 : memref<128xi32, #tpu.memory_space<vmem>>) semaphore(%arg18 : memref<!tpu.dma_semaphore, #tpu.memory_space<semaphore_mem>>)
      %dma_start3A_422 = arith.constant 768 : i32
      %dma_start3A_423 = tpu.memref_slice %arg13[%dma_start3A_422] : memref<2048xf32, #tpu.memory_space<vmem>> -> memref<128xf32, #tpu.memory_space<vmem>>
      %dma_start3A_424 = arith.constant 768 : i32
      %dma_start3A_425 = tpu.memref_slice %arg9[%dma_start3A_424] : memref<2048xi32, #tpu.memory_space<vmem>> -> memref<128xi32, #tpu.memory_space<vmem>>
      %dma_start3A_426 = arith.constant 0 : i32
      %dma_start3A_427 = tpu.memref_slice %arg3[%dma_start3A_426] : memref<16777216xf32, #tpu.memory_space<hbm>> -> memref<16777216xf32, #tpu.memory_space<hbm>>
      tpu.enqueue_indirect_dma source(%dma_start3A_427 : memref<16777216xf32, #tpu.memory_space<hbm>>) target(%dma_start3A_423 : memref<128xf32, #tpu.memory_space<vmem>>) offsets(%dma_start3A_425 : memref<128xi32, #tpu.memory_space<vmem>>) semaphore(%arg18 : memref<!tpu.dma_semaphore, #tpu.memory_space<semaphore_mem>>)
      %dma_start3A_428 = arith.constant 896 : i32
      %dma_start3A_429 = tpu.memref_slice %arg13[%dma_start3A_428] : memref<2048xf32, #tpu.memory_space<vmem>> -> memref<128xf32, #tpu.memory_space<vmem>>
      %dma_start3A_430 = arith.constant 896 : i32
      %dma_start3A_431 = tpu.memref_slice %arg9[%dma_start3A_430] : memref<2048xi32, #tpu.memory_space<vmem>> -> memref<128xi32, #tpu.memory_space<vmem>>
      %dma_start3A_432 = arith.constant 0 : i32
      %dma_start3A_433 = tpu.memref_slice %arg3[%dma_start3A_432] : memref<16777216xf32, #tpu.memory_space<hbm>> -> memref<16777216xf32, #tpu.memory_space<hbm>>
      tpu.enqueue_indirect_dma source(%dma_start3A_433 : memref<16777216xf32, #tpu.memory_space<hbm>>) target(%dma_start3A_429 : memref<128xf32, #tpu.memory_space<vmem>>) offsets(%dma_start3A_431 : memref<128xi32, #tpu.memory_space<vmem>>) semaphore(%arg18 : memref<!tpu.dma_semaphore, #tpu.memory_space<semaphore_mem>>)
      %dma_start3A_434 = arith.constant 1024 : i32
      %dma_start3A_435 = tpu.memref_slice %arg13[%dma_start3A_434] : memref<2048xf32, #tpu.memory_space<vmem>> -> memref<128xf32, #tpu.memory_space<vmem>>
      %dma_start3A_436 = arith.constant 1024 : i32
      %dma_start3A_437 = tpu.memref_slice %arg9[%dma_start3A_436] : memref<2048xi32, #tpu.memory_space<vmem>> -> memref<128xi32, #tpu.memory_space<vmem>>
      %dma_start3A_438 = arith.constant 0 : i32
      %dma_start3A_439 = tpu.memref_slice %arg3[%dma_start3A_438] : memref<16777216xf32, #tpu.memory_space<hbm>> -> memref<16777216xf32, #tpu.memory_space<hbm>>
      tpu.enqueue_indirect_dma source(%dma_start3A_439 : memref<16777216xf32, #tpu.memory_space<hbm>>) target(%dma_start3A_435 : memref<128xf32, #tpu.memory_space<vmem>>) offsets(%dma_start3A_437 : memref<128xi32, #tpu.memory_space<vmem>>) semaphore(%arg18 : memref<!tpu.dma_semaphore, #tpu.memory_space<semaphore_mem>>)
      %dma_start3A_440 = arith.constant 1152 : i32
      %dma_start3A_441 = tpu.memref_slice %arg13[%dma_start3A_440] : memref<2048xf32, #tpu.memory_space<vmem>> -> memref<128xf32, #tpu.memory_space<vmem>>
      %dma_start3A_442 = arith.constant 1152 : i32
      %dma_start3A_443 = tpu.memref_slice %arg9[%dma_start3A_442] : memref<2048xi32, #tpu.memory_space<vmem>> -> memref<128xi32, #tpu.memory_space<vmem>>
      %dma_start3A_444 = arith.constant 0 : i32
      %dma_start3A_445 = tpu.memref_slice %arg3[%dma_start3A_444] : memref<16777216xf32, #tpu.memory_space<hbm>> -> memref<16777216xf32, #tpu.memory_space<hbm>>
      tpu.enqueue_indirect_dma source(%dma_start3A_445 : memref<16777216xf32, #tpu.memory_space<hbm>>) target(%dma_start3A_441 : memref<128xf32, #tpu.memory_space<vmem>>) offsets(%dma_start3A_443 : memref<128xi32, #tpu.memory_space<vmem>>) semaphore(%arg18 : memref<!tpu.dma_semaphore, #tpu.memory_space<semaphore_mem>>)
      %dma_start3A_446 = arith.constant 1280 : i32
      %dma_start3A_447 = tpu.memref_slice %arg13[%dma_start3A_446] : memref<2048xf32, #tpu.memory_space<vmem>> -> memref<128xf32, #tpu.memory_space<vmem>>
      %dma_start3A_448 = arith.constant 1280 : i32
      %dma_start3A_449 = tpu.memref_slice %arg9[%dma_start3A_448] : memref<2048xi32, #tpu.memory_space<vmem>> -> memref<128xi32, #tpu.memory_space<vmem>>
      %dma_start3A_450 = arith.constant 0 : i32
      %dma_start3A_451 = tpu.memref_slice %arg3[%dma_start3A_450] : memref<16777216xf32, #tpu.memory_space<hbm>> -> memref<16777216xf32, #tpu.memory_space<hbm>>
      tpu.enqueue_indirect_dma source(%dma_start3A_451 : memref<16777216xf32, #tpu.memory_space<hbm>>) target(%dma_start3A_447 : memref<128xf32, #tpu.memory_space<vmem>>) offsets(%dma_start3A_449 : memref<128xi32, #tpu.memory_space<vmem>>) semaphore(%arg18 : memref<!tpu.dma_semaphore, #tpu.memory_space<semaphore_mem>>)
      %dma_start3A_452 = arith.constant 1408 : i32
      %dma_start3A_453 = tpu.memref_slice %arg13[%dma_start3A_452] : memref<2048xf32, #tpu.memory_space<vmem>> -> memref<128xf32, #tpu.memory_space<vmem>>
      %dma_start3A_454 = arith.constant 1408 : i32
      %dma_start3A_455 = tpu.memref_slice %arg9[%dma_start3A_454] : memref<2048xi32, #tpu.memory_space<vmem>> -> memref<128xi32, #tpu.memory_space<vmem>>
      %dma_start3A_456 = arith.constant 0 : i32
      %dma_start3A_457 = tpu.memref_slice %arg3[%dma_start3A_456] : memref<16777216xf32, #tpu.memory_space<hbm>> -> memref<16777216xf32, #tpu.memory_space<hbm>>
      tpu.enqueue_indirect_dma source(%dma_start3A_457 : memref<16777216xf32, #tpu.memory_space<hbm>>) target(%dma_start3A_453 : memref<128xf32, #tpu.memory_space<vmem>>) offsets(%dma_start3A_455 : memref<128xi32, #tpu.memory_space<vmem>>) semaphore(%arg18 : memref<!tpu.dma_semaphore, #tpu.memory_space<semaphore_mem>>)
      %dma_start3A_458 = arith.constant 1536 : i32
      %dma_start3A_459 = tpu.memref_slice %arg13[%dma_start3A_458] : memref<2048xf32, #tpu.memory_space<vmem>> -> memref<128xf32, #tpu.memory_space<vmem>>
      %dma_start3A_460 = arith.constant 1536 : i32
      %dma_start3A_461 = tpu.memref_slice %arg9[%dma_start3A_460] : memref<2048xi32, #tpu.memory_space<vmem>> -> memref<128xi32, #tpu.memory_space<vmem>>
      %dma_start3A_462 = arith.constant 0 : i32
      %dma_start3A_463 = tpu.memref_slice %arg3[%dma_start3A_462] : memref<16777216xf32, #tpu.memory_space<hbm>> -> memref<16777216xf32, #tpu.memory_space<hbm>>
      tpu.enqueue_indirect_dma source(%dma_start3A_463 : memref<16777216xf32, #tpu.memory_space<hbm>>) target(%dma_start3A_459 : memref<128xf32, #tpu.memory_space<vmem>>) offsets(%dma_start3A_461 : memref<128xi32, #tpu.memory_space<vmem>>) semaphore(%arg18 : memref<!tpu.dma_semaphore, #tpu.memory_space<semaphore_mem>>)
      %dma_start3A_464 = arith.constant 1664 : i32
      %dma_start3A_465 = tpu.memref_slice %arg13[%dma_start3A_464] : memref<2048xf32, #tpu.memory_space<vmem>> -> memref<128xf32, #tpu.memory_space<vmem>>
      %dma_start3A_466 = arith.constant 1664 : i32
      %dma_start3A_467 = tpu.memref_slice %arg9[%dma_start3A_466] : memref<2048xi32, #tpu.memory_space<vmem>> -> memref<128xi32, #tpu.memory_space<vmem>>
      %dma_start3A_468 = arith.constant 0 : i32
      %dma_start3A_469 = tpu.memref_slice %arg3[%dma_start3A_468] : memref<16777216xf32, #tpu.memory_space<hbm>> -> memref<16777216xf32, #tpu.memory_space<hbm>>
      tpu.enqueue_indirect_dma source(%dma_start3A_469 : memref<16777216xf32, #tpu.memory_space<hbm>>) target(%dma_start3A_465 : memref<128xf32, #tpu.memory_space<vmem>>) offsets(%dma_start3A_467 : memref<128xi32, #tpu.memory_space<vmem>>) semaphore(%arg18 : memref<!tpu.dma_semaphore, #tpu.memory_space<semaphore_mem>>)
      %dma_start3A_470 = arith.constant 1792 : i32
      %dma_start3A_471 = tpu.memref_slice %arg13[%dma_start3A_470] : memref<2048xf32, #tpu.memory_space<vmem>> -> memref<128xf32, #tpu.memory_space<vmem>>
      %dma_start3A_472 = arith.constant 1792 : i32
      %dma_start3A_473 = tpu.memref_slice %arg9[%dma_start3A_472] : memref<2048xi32, #tpu.memory_space<vmem>> -> memref<128xi32, #tpu.memory_space<vmem>>
      %dma_start3A_474 = arith.constant 0 : i32
      %dma_start3A_475 = tpu.memref_slice %arg3[%dma_start3A_474] : memref<16777216xf32, #tpu.memory_space<hbm>> -> memref<16777216xf32, #tpu.memory_space<hbm>>
      tpu.enqueue_indirect_dma source(%dma_start3A_475 : memref<16777216xf32, #tpu.memory_space<hbm>>) target(%dma_start3A_471 : memref<128xf32, #tpu.memory_space<vmem>>) offsets(%dma_start3A_473 : memref<128xi32, #tpu.memory_space<vmem>>) semaphore(%arg18 : memref<!tpu.dma_semaphore, #tpu.memory_space<semaphore_mem>>)
      %dma_start3A_476 = arith.constant 1920 : i32
      %dma_start3A_477 = tpu.memref_slice %arg13[%dma_start3A_476] : memref<2048xf32, #tpu.memory_space<vmem>> -> memref<128xf32, #tpu.memory_space<vmem>>
      %dma_start3A_478 = arith.constant 1920 : i32
      %dma_start3A_479 = tpu.memref_slice %arg9[%dma_start3A_478] : memref<2048xi32, #tpu.memory_space<vmem>> -> memref<128xi32, #tpu.memory_space<vmem>>
      %dma_start3A_480 = arith.constant 0 : i32
      %dma_start3A_481 = tpu.memref_slice %arg3[%dma_start3A_480] : memref<16777216xf32, #tpu.memory_space<hbm>> -> memref<16777216xf32, #tpu.memory_space<hbm>>
      tpu.enqueue_indirect_dma source(%dma_start3A_481 : memref<16777216xf32, #tpu.memory_space<hbm>>) target(%dma_start3A_477 : memref<128xf32, #tpu.memory_space<vmem>>) offsets(%dma_start3A_479 : memref<128xi32, #tpu.memory_space<vmem>>) semaphore(%arg18 : memref<!tpu.dma_semaphore, #tpu.memory_space<semaphore_mem>>)
      %mul3A_482 = arith.constant 4 : i32
      %mul3A_483 = arith.muli %add3A_59, %mul3A_482 : i32
      %add3A_484 = arith.constant 3 : i32
      %add3A_485 = arith.addi %mul3A_483, %add3A_484 : i32
      %dma_wait3A_486 = arith.constant 0 : i32
      %dma_wait3A_487 = tpu.memref_slice %arg2[%dma_wait3A_486] : memref<2097152xf32, #tpu.memory_space<hbm>> -> memref<4096xf32, #tpu.memory_space<hbm>>
      %dma_wait3A_488 = arith.constant 0 : i32
      %dma_wait3A_489 = tpu.memref_slice %arg2[%dma_wait3A_488] : memref<2097152xf32, #tpu.memory_space<hbm>> -> memref<4096xf32, #tpu.memory_space<hbm>>
      tpu.wait_dma2 semaphore(%arg15 : memref<!tpu.dma_semaphore, #tpu.memory_space<semaphore_mem>>) src(%dma_wait3A_489 : memref<4096xf32, #tpu.memory_space<hbm>>) dst(%arg6 : memref<4096xf32, #tpu.memory_space<vmem>>)
      %add3A_490 = arith.constant 1 : i32
      %add3A_491 = arith.addi %add3A_485, %add3A_490 : i32
      %jit3A_492 = arith.constant 16 : i32
      %eq3A_493 = arith.constant 0 : i32
      %eq3A_494 = arith.cmpi eq, %jit3A_492, %eq3A_493 : i32
      %jit3A_495 = arith.constant 1 : i32
      %select_n3A_496 = arith.select %eq3A_494, %jit3A_495, %jit3A_492 : i32
      %rem3A_497 = arith.remsi %add3A_491, %select_n3A_496 : i32
      %ne3A_498 = arith.constant 0 : i32
      %ne3A_499 = arith.cmpi ne, %rem3A_497, %ne3A_498 : i32
      %lt3A_500 = arith.constant 0 : i32
      %lt3A_501 = arith.cmpi slt, %rem3A_497, %lt3A_500 : i32
      %lt3A_502 = arith.constant 0 : i32
      %lt3A_503 = arith.cmpi slt, %select_n3A_496, %lt3A_502 : i32
      %ne3A_504 = arith.xori %lt3A_501, %lt3A_503 : i1
      %and3A_505 = arith.andi %ne3A_504, %ne3A_499 : i1
      %add3A_506 = arith.addi %rem3A_497, %select_n3A_496 : i32
      %select_n3A_507 = arith.select %and3A_505, %add3A_506, %rem3A_497 : i32
      %mul3A_508 = arith.constant 2048 : i32
      %mul3A_509 = arith.muli %select_n3A_507, %mul3A_508 : i32
      %add3A_510 = arith.addi %mul3A_2, %mul3A_509 : i32
      %mul3A_511 = arith.constant 2 : i32
      %mul3A_512 = arith.muli %add3A_510, %mul3A_511 : i32
      %dma_start3A_513 = tpu.memref_slice %arg2[%mul3A_512] : memref<2097152xf32, #tpu.memory_space<hbm>> -> memref<4096xf32, #tpu.memory_space<hbm>>
      %dma_start3A_514 = tpu.memref_slice %arg2[%mul3A_512] : memref<2097152xf32, #tpu.memory_space<hbm>> -> memref<4096xf32, #tpu.memory_space<hbm>>
      tpu.enqueue_dma source(%dma_start3A_514 : memref<4096xf32, #tpu.memory_space<hbm>>) target(%arg5 : memref<4096xf32, #tpu.memory_space<vmem>>) target_semaphore(%arg15 : memref<!tpu.dma_semaphore, #tpu.memory_space<semaphore_mem>>)
      %scan3A_515 = arith.constant 0 : i32
      %scan3A_516 = arith.constant 16 : i32
      %scan3A_517 = arith.addi %scan3A_515, %scan3A_516 : i32
      %scan3A_518 = arith.constant 1 : i32
      scf.for %scan3A_631 = %scan3A_515 to %scan3A_517 step %scan3A_518  : i32 {
        %mul3A_632 = arith.constant 1 : i32
        %mul3A_633 = arith.muli %scan3A_631, %mul3A_632 : i32
        %add3A_634 = arith.constant 0 : i32
        %add3A_635 = arith.addi %add3A_634, %mul3A_633 : i32
        %mul3A_636 = arith.constant 256 : i32
        %mul3A_637 = arith.muli %add3A_635, %mul3A_636 : i32
        %add3A_638 = arith.constant 0 : i32
        %add3A_639 = arith.addi %mul3A_637, %add3A_638 : i32
        %get3A = arith.index_cast %add3A_639 : i32 to index
        %get3A_640 = tpu.vector_load %arg6[%get3A] {strides = array<i32>} : memref<4096xf32, #tpu.memory_space<vmem>>, vector<16xf32>,
        %add3A_641 = arith.constant 1.000000e+00 : f32
        %add3A_642 = vector.broadcast %add3A_641 : f32 to vector<16xf32>
        %add3A_643 = arith.addf %get3A_640, %add3A_642 : vector<16xf32>
        %mul3A_644 = arith.constant 2.048000e+03 : f32
        %mul3A_645 = vector.broadcast %mul3A_644 : f32 to vector<16xf32>
        %mul3A_646 = arith.mulf %add3A_643, %mul3A_645 : vector<16xf32>
        %add3A_647 = arith.constant 0x4B000000 : f32
        %add3A_648 = vector.broadcast %add3A_647 : f32 to vector<16xf32>
        %add3A_649 = arith.addf %mul3A_646, %add3A_648 : vector<16xf32>
        %bitcast3A = vector.bitcast %add3A_649 : vector<16xf32> to vector<16xi32>
        %min3A = arith.constant 1258295295 : i32
        %min3A_650 = vector.broadcast %min3A : i32 to vector<16xi32>
        %min3A_651 = arith.minsi %bitcast3A, %min3A_650 : vector<16xi32>
        %mul3A_652 = arith.constant 256 : i32
        %mul3A_653 = arith.muli %add3A_635, %mul3A_652 : i32
        %add3A_654 = arith.constant 128 : i32
        %add3A_655 = arith.addi %mul3A_653, %add3A_654 : i32
        %add3A_656 = arith.constant 0 : i32
        %add3A_657 = arith.addi %add3A_655, %add3A_656 : i32
        %get3A_658 = arith.index_cast %add3A_657 : i32 to index
        %get3A_659 = tpu.vector_load %arg6[%get3A_658] {strides = array<i32>} : memref<4096xf32, #tpu.memory_space<vmem>>, vector<16xf32>,
        %add3A_660 = arith.constant 1.000000e+00 : f32
        %add3A_661 = vector.broadcast %add3A_660 : f32 to vector<16xf32>
        %add3A_662 = arith.addf %get3A_659, %add3A_661 : vector<16xf32>
        %mul3A_663 = arith.constant 2.048000e+03 : f32
        %mul3A_664 = vector.broadcast %mul3A_663 : f32 to vector<16xf32>
        %mul3A_665 = arith.mulf %add3A_662, %mul3A_664 : vector<16xf32>
        %add3A_666 = arith.constant 0x4B000000 : f32
        %add3A_667 = vector.broadcast %add3A_666 : f32 to vector<16xf32>
        %add3A_668 = arith.addf %mul3A_665, %add3A_667 : vector<16xf32>
        %bitcast3A_669 = vector.bitcast %add3A_668 : vector<16xf32> to vector<16xi32>
        %min3A_670 = arith.constant 1258295295 : i32
        %min3A_671 = vector.broadcast %min3A_670 : i32 to vector<16xi32>
        %min3A_672 = arith.minsi %bitcast3A_669, %min3A_671 : vector<16xi32>
        %shift_left3A = arith.constant 12 : i32
        %shift_left3A_673 = vector.broadcast %shift_left3A : i32 to vector<16xi32>
        %shift_left3A_674 = arith.shli %min3A_651, %shift_left3A_673 : vector<16xi32>
        %and3A_675 = arith.constant -32768 : i32
        %and3A_676 = vector.broadcast %and3A_675 : i32 to vector<16xi32>
        %and3A_677 = arith.andi %shift_left3A_674, %and3A_676 : vector<16xi32>
        %and3A_678 = arith.constant 7 : i32
        %and3A_679 = vector.broadcast %and3A_678 : i32 to vector<16xi32>
        %and3A_680 = arith.andi %min3A_651, %and3A_679 : vector<16xi32>
        %shift_left3A_681 = arith.constant 7 : i32
        %shift_left3A_682 = vector.broadcast %shift_left3A_681 : i32 to vector<16xi32>
        %shift_left3A_683 = arith.shli %and3A_680, %shift_left3A_682 : vector<16xi32>
        %shift_left3A_684 = arith.constant 3 : i32
        %shift_left3A_685 = vector.broadcast %shift_left3A_684 : i32 to vector<16xi32>
        %shift_left3A_686 = arith.shli %min3A_672, %shift_left3A_685 : vector<16xi32>
        %and3A_687 = arith.constant -1024 : i32
        %and3A_688 = vector.broadcast %and3A_687 : i32 to vector<16xi32>
        %and3A_689 = arith.andi %shift_left3A_686, %and3A_688 : vector<16xi32>
        %and3A_690 = arith.constant 127 : i32
        %and3A_691 = vector.broadcast %and3A_690 : i32 to vector<16xi32>
        %and3A_692 = arith.andi %min3A_672, %and3A_691 : vector<16xi32>
        %add3A_693 = arith.addi %and3A_677, %shift_left3A_683 : vector<16xi32>
        %add3A_694 = arith.addi %add3A_693, %and3A_689 : vector<16xi32>
        %add3A_695 = arith.constant -1476395008 : i32
        %add3A_696 = vector.broadcast %add3A_695 : i32 to vector<16xi32>
        %add3A_697 = arith.addi %and3A_692, %add3A_696 : vector<16xi32>
        %add3A_698 = arith.addi %add3A_694, %add3A_697 : vector<16xi32>
        %mul3A_699 = arith.constant 128 : i32
        %mul3A_700 = arith.muli %add3A_635, %mul3A_699 : i32
        %add3A_701 = arith.constant 0 : i32
        %add3A_702 = arith.addi %mul3A_700, %add3A_701 : i32
        %swap3A = arith.index_cast %add3A_702 : i32 to index
        %swap3A_703 = tpu.vector_load %arg10[%swap3A] {strides = array<i32>} : memref<2048xi32, #tpu.memory_space<vmem>>, vector<16xi32>,
        tpu.vector_store %arg10[%swap3A], %add3A_698 {strides = array<i32>} : memref<2048xi32, #tpu.memory_space<vmem>>, vector<16xi32>,
        %mul3A_704 = arith.constant 256 : i32
        %mul3A_705 = arith.muli %add3A_635, %mul3A_704 : i32
        %add3A_706 = arith.constant 16 : i32
        %add3A_707 = arith.addi %mul3A_705, %add3A_706 : i32
        %get3A_708 = arith.index_cast %add3A_707 : i32 to index
        %get3A_709 = tpu.vector_load %arg6[%get3A_708] {strides = array<i32>} : memref<4096xf32, #tpu.memory_space<vmem>>, vector<16xf32>,
        %add3A_710 = arith.constant 1.000000e+00 : f32
        %add3A_711 = vector.broadcast %add3A_710 : f32 to vector<16xf32>
        %add3A_712 = arith.addf %get3A_709, %add3A_711 : vector<16xf32>
        %mul3A_713 = arith.constant 2.048000e+03 : f32
        %mul3A_714 = vector.broadcast %mul3A_713 : f32 to vector<16xf32>
        %mul3A_715 = arith.mulf %add3A_712, %mul3A_714 : vector<16xf32>
        %add3A_716 = arith.constant 0x4B000000 : f32
        %add3A_717 = vector.broadcast %add3A_716 : f32 to vector<16xf32>
        %add3A_718 = arith.addf %mul3A_715, %add3A_717 : vector<16xf32>
        %bitcast3A_719 = vector.bitcast %add3A_718 : vector<16xf32> to vector<16xi32>
        %min3A_720 = arith.constant 1258295295 : i32
        %min3A_721 = vector.broadcast %min3A_720 : i32 to vector<16xi32>
        %min3A_722 = arith.minsi %bitcast3A_719, %min3A_721 : vector<16xi32>
        %mul3A_723 = arith.constant 256 : i32
        %mul3A_724 = arith.muli %add3A_635, %mul3A_723 : i32
        %add3A_725 = arith.constant 128 : i32
        %add3A_726 = arith.addi %mul3A_724, %add3A_725 : i32
        %add3A_727 = arith.constant 16 : i32
        %add3A_728 = arith.addi %add3A_726, %add3A_727 : i32
        %get3A_729 = arith.index_cast %add3A_728 : i32 to index
        %get3A_730 = tpu.vector_load %arg6[%get3A_729] {strides = array<i32>} : memref<4096xf32, #tpu.memory_space<vmem>>, vector<16xf32>,
        %add3A_731 = arith.constant 1.000000e+00 : f32
        %add3A_732 = vector.broadcast %add3A_731 : f32 to vector<16xf32>
        %add3A_733 = arith.addf %get3A_730, %add3A_732 : vector<16xf32>
        %mul3A_734 = arith.constant 2.048000e+03 : f32
        %mul3A_735 = vector.broadcast %mul3A_734 : f32 to vector<16xf32>
        %mul3A_736 = arith.mulf %add3A_733, %mul3A_735 : vector<16xf32>
        %add3A_737 = arith.constant 0x4B000000 : f32
        %add3A_738 = vector.broadcast %add3A_737 : f32 to vector<16xf32>
        %add3A_739 = arith.addf %mul3A_736, %add3A_738 : vector<16xf32>
        %bitcast3A_740 = vector.bitcast %add3A_739 : vector<16xf32> to vector<16xi32>
        %min3A_741 = arith.constant 1258295295 : i32
        %min3A_742 = vector.broadcast %min3A_741 : i32 to vector<16xi32>
        %min3A_743 = arith.minsi %bitcast3A_740, %min3A_742 : vector<16xi32>
        %shift_left3A_744 = arith.constant 12 : i32
        %shift_left3A_745 = vector.broadcast %shift_left3A_744 : i32 to vector<16xi32>
        %shift_left3A_746 = arith.shli %min3A_722, %shift_left3A_745 : vector<16xi32>
        %and3A_747 = arith.constant -32768 : i32
        %and3A_748 = vector.broadcast %and3A_747 : i32 to vector<16xi32>
        %and3A_749 = arith.andi %shift_left3A_746, %and3A_748 : vector<16xi32>
        %and3A_750 = arith.constant 7 : i32
        %and3A_751 = vector.broadcast %and3A_750 : i32 to vector<16xi32>
        %and3A_752 = arith.andi %min3A_722, %and3A_751 : vector<16xi32>
        %shift_left3A_753 = arith.constant 7 : i32
        %shift_left3A_754 = vector.broadcast %shift_left3A_753 : i32 to vector<16xi32>
        %shift_left3A_755 = arith.shli %and3A_752, %shift_left3A_754 : vector<16xi32>
        %shift_left3A_756 = arith.constant 3 : i32
        %shift_left3A_757 = vector.broadcast %shift_left3A_756 : i32 to vector<16xi32>
        %shift_left3A_758 = arith.shli %min3A_743, %shift_left3A_757 : vector<16xi32>
        %and3A_759 = arith.constant -1024 : i32
        %and3A_760 = vector.broadcast %and3A_759 : i32 to vector<16xi32>
        %and3A_761 = arith.andi %shift_left3A_758, %and3A_760 : vector<16xi32>
        %and3A_762 = arith.constant 127 : i32
        %and3A_763 = vector.broadcast %and3A_762 : i32 to vector<16xi32>
        %and3A_764 = arith.andi %min3A_743, %and3A_763 : vector<16xi32>
        %add3A_765 = arith.addi %and3A_749, %shift_left3A_755 : vector<16xi32>
        %add3A_766 = arith.addi %add3A_765, %and3A_761 : vector<16xi32>
        %add3A_767 = arith.constant -1476395008 : i32
        %add3A_768 = vector.broadcast %add3A_767 : i32 to vector<16xi32>
        %add3A_769 = arith.addi %and3A_764, %add3A_768 : vector<16xi32>
        %add3A_770 = arith.addi %add3A_766, %add3A_769 : vector<16xi32>
        %mul3A_771 = arith.constant 128 : i32
        %mul3A_772 = arith.muli %add3A_635, %mul3A_771 : i32
        %add3A_773 = arith.constant 16 : i32
        %add3A_774 = arith.addi %mul3A_772, %add3A_773 : i32
        %swap3A_775 = arith.index_cast %add3A_774 : i32 to index
        %swap3A_776 = tpu.vector_load %arg10[%swap3A_775] {strides = array<i32>} : memref<2048xi32, #tpu.memory_space<vmem>>, vector<16xi32>,
        tpu.vector_store %arg10[%swap3A_775], %add3A_770 {strides = array<i32>} : memref<2048xi32, #tpu.memory_space<vmem>>, vector<16xi32>,
        %mul3A_777 = arith.constant 256 : i32
        %mul3A_778 = arith.muli %add3A_635, %mul3A_777 : i32
        %add3A_779 = arith.constant 32 : i32
        %add3A_780 = arith.addi %mul3A_778, %add3A_779 : i32
        %get3A_781 = arith.index_cast %add3A_780 : i32 to index
        %get3A_782 = tpu.vector_load %arg6[%get3A_781] {strides = array<i32>} : memref<4096xf32, #tpu.memory_space<vmem>>, vector<16xf32>,
        %add3A_783 = arith.constant 1.000000e+00 : f32
        %add3A_784 = vector.broadcast %add3A_783 : f32 to vector<16xf32>
        %add3A_785 = arith.addf %get3A_782, %add3A_784 : vector<16xf32>
        %mul3A_786 = arith.constant 2.048000e+03 : f32
        %mul3A_787 = vector.broadcast %mul3A_786 : f32 to vector<16xf32>
        %mul3A_788 = arith.mulf %add3A_785, %mul3A_787 : vector<16xf32>
        %add3A_789 = arith.constant 0x4B000000 : f32
        %add3A_790 = vector.broadcast %add3A_789 : f32 to vector<16xf32>
        %add3A_791 = arith.addf %mul3A_788, %add3A_790 : vector<16xf32>
        %bitcast3A_792 = vector.bitcast %add3A_791 : vector<16xf32> to vector<16xi32>
        %min3A_793 = arith.constant 1258295295 : i32
        %min3A_794 = vector.broadcast %min3A_793 : i32 to vector<16xi32>
        %min3A_795 = arith.minsi %bitcast3A_792, %min3A_794 : vector<16xi32>
        %mul3A_796 = arith.constant 256 : i32
        %mul3A_797 = arith.muli %add3A_635, %mul3A_796 : i32
        %add3A_798 = arith.constant 128 : i32
        %add3A_799 = arith.addi %mul3A_797, %add3A_798 : i32
        %add3A_800 = arith.constant 32 : i32
        %add3A_801 = arith.addi %add3A_799, %add3A_800 : i32
        %get3A_802 = arith.index_cast %add3A_801 : i32 to index
        %get3A_803 = tpu.vector_load %arg6[%get3A_802] {strides = array<i32>} : memref<4096xf32, #tpu.memory_space<vmem>>, vector<16xf32>,
        %add3A_804 = arith.constant 1.000000e+00 : f32
        %add3A_805 = vector.broadcast %add3A_804 : f32 to vector<16xf32>
        %add3A_806 = arith.addf %get3A_803, %add3A_805 : vector<16xf32>
        %mul3A_807 = arith.constant 2.048000e+03 : f32
        %mul3A_808 = vector.broadcast %mul3A_807 : f32 to vector<16xf32>
        %mul3A_809 = arith.mulf %add3A_806, %mul3A_808 : vector<16xf32>
        %add3A_810 = arith.constant 0x4B000000 : f32
        %add3A_811 = vector.broadcast %add3A_810 : f32 to vector<16xf32>
        %add3A_812 = arith.addf %mul3A_809, %add3A_811 : vector<16xf32>
        %bitcast3A_813 = vector.bitcast %add3A_812 : vector<16xf32> to vector<16xi32>
        %min3A_814 = arith.constant 1258295295 : i32
        %min3A_815 = vector.broadcast %min3A_814 : i32 to vector<16xi32>
        %min3A_816 = arith.minsi %bitcast3A_813, %min3A_815 : vector<16xi32>
        %shift_left3A_817 = arith.constant 12 : i32
        %shift_left3A_818 = vector.broadcast %shift_left3A_817 : i32 to vector<16xi32>
        %shift_left3A_819 = arith.shli %min3A_795, %shift_left3A_818 : vector<16xi32>
        %and3A_820 = arith.constant -32768 : i32
        %and3A_821 = vector.broadcast %and3A_820 : i32 to vector<16xi32>
        %and3A_822 = arith.andi %shift_left3A_819, %and3A_821 : vector<16xi32>
        %and3A_823 = arith.constant 7 : i32
        %and3A_824 = vector.broadcast %and3A_823 : i32 to vector<16xi32>
        %and3A_825 = arith.andi %min3A_795, %and3A_824 : vector<16xi32>
        %shift_left3A_826 = arith.constant 7 : i32
        %shift_left3A_827 = vector.broadcast %shift_left3A_826 : i32 to vector<16xi32>
        %shift_left3A_828 = arith.shli %and3A_825, %shift_left3A_827 : vector<16xi32>
        %shift_left3A_829 = arith.constant 3 : i32
        %shift_left3A_830 = vector.broadcast %shift_left3A_829 : i32 to vector<16xi32>
        %shift_left3A_831 = arith.shli %min3A_816, %shift_left3A_830 : vector<16xi32>
        %and3A_832 = arith.constant -1024 : i32
        %and3A_833 = vector.broadcast %and3A_832 : i32 to vector<16xi32>
        %and3A_834 = arith.andi %shift_left3A_831, %and3A_833 : vector<16xi32>
        %and3A_835 = arith.constant 127 : i32
        %and3A_836 = vector.broadcast %and3A_835 : i32 to vector<16xi32>
        %and3A_837 = arith.andi %min3A_816, %and3A_836 : vector<16xi32>
        %add3A_838 = arith.addi %and3A_822, %shift_left3A_828 : vector<16xi32>
        %add3A_839 = arith.addi %add3A_838, %and3A_834 : vector<16xi32>
        %add3A_840 = arith.constant -1476395008 : i32
        %add3A_841 = vector.broadcast %add3A_840 : i32 to vector<16xi32>
        %add3A_842 = arith.addi %and3A_837, %add3A_841 : vector<16xi32>
        %add3A_843 = arith.addi %add3A_839, %add3A_842 : vector<16xi32>
        %mul3A_844 = arith.constant 128 : i32
        %mul3A_845 = arith.muli %add3A_635, %mul3A_844 : i32
        %add3A_846 = arith.constant 32 : i32
        %add3A_847 = arith.addi %mul3A_845, %add3A_846 : i32
        %swap3A_848 = arith.index_cast %add3A_847 : i32 to index
        %swap3A_849 = tpu.vector_load %arg10[%swap3A_848] {strides = array<i32>} : memref<2048xi32, #tpu.memory_space<vmem>>, vector<16xi32>,
        tpu.vector_store %arg10[%swap3A_848], %add3A_843 {strides = array<i32>} : memref<2048xi32, #tpu.memory_space<vmem>>, vector<16xi32>,
        %mul3A_850 = arith.constant 256 : i32
        %mul3A_851 = arith.muli %add3A_635, %mul3A_850 : i32
        %add3A_852 = arith.constant 48 : i32
        %add3A_853 = arith.addi %mul3A_851, %add3A_852 : i32
        %get3A_854 = arith.index_cast %add3A_853 : i32 to index
        %get3A_855 = tpu.vector_load %arg6[%get3A_854] {strides = array<i32>} : memref<4096xf32, #tpu.memory_space<vmem>>, vector<16xf32>,
        %add3A_856 = arith.constant 1.000000e+00 : f32
        %add3A_857 = vector.broadcast %add3A_856 : f32 to vector<16xf32>
        %add3A_858 = arith.addf %get3A_855, %add3A_857 : vector<16xf32>
        %mul3A_859 = arith.constant 2.048000e+03 : f32
        %mul3A_860 = vector.broadcast %mul3A_859 : f32 to vector<16xf32>
        %mul3A_861 = arith.mulf %add3A_858, %mul3A_860 : vector<16xf32>
        %add3A_862 = arith.constant 0x4B000000 : f32
        %add3A_863 = vector.broadcast %add3A_862 : f32 to vector<16xf32>
        %add3A_864 = arith.addf %mul3A_861, %add3A_863 : vector<16xf32>
        %bitcast3A_865 = vector.bitcast %add3A_864 : vector<16xf32> to vector<16xi32>
        %min3A_866 = arith.constant 1258295295 : i32
        %min3A_867 = vector.broadcast %min3A_866 : i32 to vector<16xi32>
        %min3A_868 = arith.minsi %bitcast3A_865, %min3A_867 : vector<16xi32>
        %mul3A_869 = arith.constant 256 : i32
        %mul3A_870 = arith.muli %add3A_635, %mul3A_869 : i32
        %add3A_871 = arith.constant 128 : i32
        %add3A_872 = arith.addi %mul3A_870, %add3A_871 : i32
        %add3A_873 = arith.constant 48 : i32
        %add3A_874 = arith.addi %add3A_872, %add3A_873 : i32
        %get3A_875 = arith.index_cast %add3A_874 : i32 to index
        %get3A_876 = tpu.vector_load %arg6[%get3A_875] {strides = array<i32>} : memref<4096xf32, #tpu.memory_space<vmem>>, vector<16xf32>,
        %add3A_877 = arith.constant 1.000000e+00 : f32
        %add3A_878 = vector.broadcast %add3A_877 : f32 to vector<16xf32>
        %add3A_879 = arith.addf %get3A_876, %add3A_878 : vector<16xf32>
        %mul3A_880 = arith.constant 2.048000e+03 : f32
        %mul3A_881 = vector.broadcast %mul3A_880 : f32 to vector<16xf32>
        %mul3A_882 = arith.mulf %add3A_879, %mul3A_881 : vector<16xf32>
        %add3A_883 = arith.constant 0x4B000000 : f32
        %add3A_884 = vector.broadcast %add3A_883 : f32 to vector<16xf32>
        %add3A_885 = arith.addf %mul3A_882, %add3A_884 : vector<16xf32>
        %bitcast3A_886 = vector.bitcast %add3A_885 : vector<16xf32> to vector<16xi32>
        %min3A_887 = arith.constant 1258295295 : i32
        %min3A_888 = vector.broadcast %min3A_887 : i32 to vector<16xi32>
        %min3A_889 = arith.minsi %bitcast3A_886, %min3A_888 : vector<16xi32>
        %shift_left3A_890 = arith.constant 12 : i32
        %shift_left3A_891 = vector.broadcast %shift_left3A_890 : i32 to vector<16xi32>
        %shift_left3A_892 = arith.shli %min3A_868, %shift_left3A_891 : vector<16xi32>
        %and3A_893 = arith.constant -32768 : i32
        %and3A_894 = vector.broadcast %and3A_893 : i32 to vector<16xi32>
        %and3A_895 = arith.andi %shift_left3A_892, %and3A_894 : vector<16xi32>
        %and3A_896 = arith.constant 7 : i32
        %and3A_897 = vector.broadcast %and3A_896 : i32 to vector<16xi32>
        %and3A_898 = arith.andi %min3A_868, %and3A_897 : vector<16xi32>
        %shift_left3A_899 = arith.constant 7 : i32
        %shift_left3A_900 = vector.broadcast %shift_left3A_899 : i32 to vector<16xi32>
        %shift_left3A_901 = arith.shli %and3A_898, %shift_left3A_900 : vector<16xi32>
        %shift_left3A_902 = arith.constant 3 : i32
        %shift_left3A_903 = vector.broadcast %shift_left3A_902 : i32 to vector<16xi32>
        %shift_left3A_904 = arith.shli %min3A_889, %shift_left3A_903 : vector<16xi32>
        %and3A_905 = arith.constant -1024 : i32
        %and3A_906 = vector.broadcast %and3A_905 : i32 to vector<16xi32>
        %and3A_907 = arith.andi %shift_left3A_904, %and3A_906 : vector<16xi32>
        %and3A_908 = arith.constant 127 : i32
        %and3A_909 = vector.broadcast %and3A_908 : i32 to vector<16xi32>
        %and3A_910 = arith.andi %min3A_889, %and3A_909 : vector<16xi32>
        %add3A_911 = arith.addi %and3A_895, %shift_left3A_901 : vector<16xi32>
        %add3A_912 = arith.addi %add3A_911, %and3A_907 : vector<16xi32>
        %add3A_913 = arith.constant -1476395008 : i32
        %add3A_914 = vector.broadcast %add3A_913 : i32 to vector<16xi32>
        %add3A_915 = arith.addi %and3A_910, %add3A_914 : vector<16xi32>
        %add3A_916 = arith.addi %add3A_912, %add3A_915 : vector<16xi32>
        %mul3A_917 = arith.constant 128 : i32
        %mul3A_918 = arith.muli %add3A_635, %mul3A_917 : i32
        %add3A_919 = arith.constant 48 : i32
        %add3A_920 = arith.addi %mul3A_918, %add3A_919 : i32
        %swap3A_921 = arith.index_cast %add3A_920 : i32 to index
        %swap3A_922 = tpu.vector_load %arg10[%swap3A_921] {strides = array<i32>} : memref<2048xi32, #tpu.memory_space<vmem>>, vector<16xi32>,
        tpu.vector_store %arg10[%swap3A_921], %add3A_916 {strides = array<i32>} : memref<2048xi32, #tpu.memory_space<vmem>>, vector<16xi32>,
        %mul3A_923 = arith.constant 256 : i32
        %mul3A_924 = arith.muli %add3A_635, %mul3A_923 : i32
        %add3A_925 = arith.constant 64 : i32
        %add3A_926 = arith.addi %mul3A_924, %add3A_925 : i32
        %get3A_927 = arith.index_cast %add3A_926 : i32 to index
        %get3A_928 = tpu.vector_load %arg6[%get3A_927] {strides = array<i32>} : memref<4096xf32, #tpu.memory_space<vmem>>, vector<16xf32>,
        %add3A_929 = arith.constant 1.000000e+00 : f32
        %add3A_930 = vector.broadcast %add3A_929 : f32 to vector<16xf32>
        %add3A_931 = arith.addf %get3A_928, %add3A_930 : vector<16xf32>
        %mul3A_932 = arith.constant 2.048000e+03 : f32
        %mul3A_933 = vector.broadcast %mul3A_932 : f32 to vector<16xf32>
        %mul3A_934 = arith.mulf %add3A_931, %mul3A_933 : vector<16xf32>
        %add3A_935 = arith.constant 0x4B000000 : f32
        %add3A_936 = vector.broadcast %add3A_935 : f32 to vector<16xf32>
        %add3A_937 = arith.addf %mul3A_934, %add3A_936 : vector<16xf32>
        %bitcast3A_938 = vector.bitcast %add3A_937 : vector<16xf32> to vector<16xi32>
        %min3A_939 = arith.constant 1258295295 : i32
        %min3A_940 = vector.broadcast %min3A_939 : i32 to vector<16xi32>
        %min3A_941 = arith.minsi %bitcast3A_938, %min3A_940 : vector<16xi32>
        %mul3A_942 = arith.constant 256 : i32
        %mul3A_943 = arith.muli %add3A_635, %mul3A_942 : i32
        %add3A_944 = arith.constant 128 : i32
        %add3A_945 = arith.addi %mul3A_943, %add3A_944 : i32
        %add3A_946 = arith.constant 64 : i32
        %add3A_947 = arith.addi %add3A_945, %add3A_946 : i32
        %get3A_948 = arith.index_cast %add3A_947 : i32 to index
        %get3A_949 = tpu.vector_load %arg6[%get3A_948] {strides = array<i32>} : memref<4096xf32, #tpu.memory_space<vmem>>, vector<16xf32>,
        %add3A_950 = arith.constant 1.000000e+00 : f32
        %add3A_951 = vector.broadcast %add3A_950 : f32 to vector<16xf32>
        %add3A_952 = arith.addf %get3A_949, %add3A_951 : vector<16xf32>
        %mul3A_953 = arith.constant 2.048000e+03 : f32
        %mul3A_954 = vector.broadcast %mul3A_953 : f32 to vector<16xf32>
        %mul3A_955 = arith.mulf %add3A_952, %mul3A_954 : vector<16xf32>
        %add3A_956 = arith.constant 0x4B000000 : f32
        %add3A_957 = vector.broadcast %add3A_956 : f32 to vector<16xf32>
        %add3A_958 = arith.addf %mul3A_955, %add3A_957 : vector<16xf32>
        %bitcast3A_959 = vector.bitcast %add3A_958 : vector<16xf32> to vector<16xi32>
        %min3A_960 = arith.constant 1258295295 : i32
        %min3A_961 = vector.broadcast %min3A_960 : i32 to vector<16xi32>
        %min3A_962 = arith.minsi %bitcast3A_959, %min3A_961 : vector<16xi32>
        %shift_left3A_963 = arith.constant 12 : i32
        %shift_left3A_964 = vector.broadcast %shift_left3A_963 : i32 to vector<16xi32>
        %shift_left3A_965 = arith.shli %min3A_941, %shift_left3A_964 : vector<16xi32>
        %and3A_966 = arith.constant -32768 : i32
        %and3A_967 = vector.broadcast %and3A_966 : i32 to vector<16xi32>
        %and3A_968 = arith.andi %shift_left3A_965, %and3A_967 : vector<16xi32>
        %and3A_969 = arith.constant 7 : i32
        %and3A_970 = vector.broadcast %and3A_969 : i32 to vector<16xi32>
        %and3A_971 = arith.andi %min3A_941, %and3A_970 : vector<16xi32>
        %shift_left3A_972 = arith.constant 7 : i32
        %shift_left3A_973 = vector.broadcast %shift_left3A_972 : i32 to vector<16xi32>
        %shift_left3A_974 = arith.shli %and3A_971, %shift_left3A_973 : vector<16xi32>
        %shift_left3A_975 = arith.constant 3 : i32
        %shift_left3A_976 = vector.broadcast %shift_left3A_975 : i32 to vector<16xi32>
        %shift_left3A_977 = arith.shli %min3A_962, %shift_left3A_976 : vector<16xi32>
        %and3A_978 = arith.constant -1024 : i32
        %and3A_979 = vector.broadcast %and3A_978 : i32 to vector<16xi32>
        %and3A_980 = arith.andi %shift_left3A_977, %and3A_979 : vector<16xi32>
        %and3A_981 = arith.constant 127 : i32
        %and3A_982 = vector.broadcast %and3A_981 : i32 to vector<16xi32>
        %and3A_983 = arith.andi %min3A_962, %and3A_982 : vector<16xi32>
        %add3A_984 = arith.addi %and3A_968, %shift_left3A_974 : vector<16xi32>
        %add3A_985 = arith.addi %add3A_984, %and3A_980 : vector<16xi32>
        %add3A_986 = arith.constant -1476395008 : i32
        %add3A_987 = vector.broadcast %add3A_986 : i32 to vector<16xi32>
        %add3A_988 = arith.addi %and3A_983, %add3A_987 : vector<16xi32>
        %add3A_989 = arith.addi %add3A_985, %add3A_988 : vector<16xi32>
        %mul3A_990 = arith.constant 128 : i32
        %mul3A_991 = arith.muli %add3A_635, %mul3A_990 : i32
        %add3A_992 = arith.constant 64 : i32
        %add3A_993 = arith.addi %mul3A_991, %add3A_992 : i32
        %swap3A_994 = arith.index_cast %add3A_993 : i32 to index
        %swap3A_995 = tpu.vector_load %arg10[%swap3A_994] {strides = array<i32>} : memref<2048xi32, #tpu.memory_space<vmem>>, vector<16xi32>,
        tpu.vector_store %arg10[%swap3A_994], %add3A_989 {strides = array<i32>} : memref<2048xi32, #tpu.memory_space<vmem>>, vector<16xi32>,
        %mul3A_996 = arith.constant 256 : i32
        %mul3A_997 = arith.muli %add3A_635, %mul3A_996 : i32
        %add3A_998 = arith.constant 80 : i32
        %add3A_999 = arith.addi %mul3A_997, %add3A_998 : i32
        %get3A_1000 = arith.index_cast %add3A_999 : i32 to index
        %get3A_1001 = tpu.vector_load %arg6[%get3A_1000] {strides = array<i32>} : memref<4096xf32, #tpu.memory_space<vmem>>, vector<16xf32>,
        %add3A_1002 = arith.constant 1.000000e+00 : f32
        %add3A_1003 = vector.broadcast %add3A_1002 : f32 to vector<16xf32>
        %add3A_1004 = arith.addf %get3A_1001, %add3A_1003 : vector<16xf32>
        %mul3A_1005 = arith.constant 2.048000e+03 : f32
        %mul3A_1006 = vector.broadcast %mul3A_1005 : f32 to vector<16xf32>
        %mul3A_1007 = arith.mulf %add3A_1004, %mul3A_1006 : vector<16xf32>
        %add3A_1008 = arith.constant 0x4B000000 : f32
        %add3A_1009 = vector.broadcast %add3A_1008 : f32 to vector<16xf32>
        %add3A_1010 = arith.addf %mul3A_1007, %add3A_1009 : vector<16xf32>
        %bitcast3A_1011 = vector.bitcast %add3A_1010 : vector<16xf32> to vector<16xi32>
        %min3A_1012 = arith.constant 1258295295 : i32
        %min3A_1013 = vector.broadcast %min3A_1012 : i32 to vector<16xi32>
        %min3A_1014 = arith.minsi %bitcast3A_1011, %min3A_1013 : vector<16xi32>
        %mul3A_1015 = arith.constant 256 : i32
        %mul3A_1016 = arith.muli %add3A_635, %mul3A_1015 : i32
        %add3A_1017 = arith.constant 128 : i32
        %add3A_1018 = arith.addi %mul3A_1016, %add3A_1017 : i32
        %add3A_1019 = arith.constant 80 : i32
        %add3A_1020 = arith.addi %add3A_1018, %add3A_1019 : i32
        %get3A_1021 = arith.index_cast %add3A_1020 : i32 to index
        %get3A_1022 = tpu.vector_load %arg6[%get3A_1021] {strides = array<i32>} : memref<4096xf32, #tpu.memory_space<vmem>>, vector<16xf32>,
        %add3A_1023 = arith.constant 1.000000e+00 : f32
        %add3A_1024 = vector.broadcast %add3A_1023 : f32 to vector<16xf32>
        %add3A_1025 = arith.addf %get3A_1022, %add3A_1024 : vector<16xf32>
        %mul3A_1026 = arith.constant 2.048000e+03 : f32
        %mul3A_1027 = vector.broadcast %mul3A_1026 : f32 to vector<16xf32>
        %mul3A_1028 = arith.mulf %add3A_1025, %mul3A_1027 : vector<16xf32>
        %add3A_1029 = arith.constant 0x4B000000 : f32
        %add3A_1030 = vector.broadcast %add3A_1029 : f32 to vector<16xf32>
        %add3A_1031 = arith.addf %mul3A_1028, %add3A_1030 : vector<16xf32>
        %bitcast3A_1032 = vector.bitcast %add3A_1031 : vector<16xf32> to vector<16xi32>
        %min3A_1033 = arith.constant 1258295295 : i32
        %min3A_1034 = vector.broadcast %min3A_1033 : i32 to vector<16xi32>
        %min3A_1035 = arith.minsi %bitcast3A_1032, %min3A_1034 : vector<16xi32>
        %shift_left3A_1036 = arith.constant 12 : i32
        %shift_left3A_1037 = vector.broadcast %shift_left3A_1036 : i32 to vector<16xi32>
        %shift_left3A_1038 = arith.shli %min3A_1014, %shift_left3A_1037 : vector<16xi32>
        %and3A_1039 = arith.constant -32768 : i32
        %and3A_1040 = vector.broadcast %and3A_1039 : i32 to vector<16xi32>
        %and3A_1041 = arith.andi %shift_left3A_1038, %and3A_1040 : vector<16xi32>
        %and3A_1042 = arith.constant 7 : i32
        %and3A_1043 = vector.broadcast %and3A_1042 : i32 to vector<16xi32>
        %and3A_1044 = arith.andi %min3A_1014, %and3A_1043 : vector<16xi32>
        %shift_left3A_1045 = arith.constant 7 : i32
        %shift_left3A_1046 = vector.broadcast %shift_left3A_1045 : i32 to vector<16xi32>
        %shift_left3A_1047 = arith.shli %and3A_1044, %shift_left3A_1046 : vector<16xi32>
        %shift_left3A_1048 = arith.constant 3 : i32
        %shift_left3A_1049 = vector.broadcast %shift_left3A_1048 : i32 to vector<16xi32>
        %shift_left3A_1050 = arith.shli %min3A_1035, %shift_left3A_1049 : vector<16xi32>
        %and3A_1051 = arith.constant -1024 : i32
        %and3A_1052 = vector.broadcast %and3A_1051 : i32 to vector<16xi32>
        %and3A_1053 = arith.andi %shift_left3A_1050, %and3A_1052 : vector<16xi32>
        %and3A_1054 = arith.constant 127 : i32
        %and3A_1055 = vector.broadcast %and3A_1054 : i32 to vector<16xi32>
        %and3A_1056 = arith.andi %min3A_1035, %and3A_1055 : vector<16xi32>
        %add3A_1057 = arith.addi %and3A_1041, %shift_left3A_1047 : vector<16xi32>
        %add3A_1058 = arith.addi %add3A_1057, %and3A_1053 : vector<16xi32>
        %add3A_1059 = arith.constant -1476395008 : i32
        %add3A_1060 = vector.broadcast %add3A_1059 : i32 to vector<16xi32>
        %add3A_1061 = arith.addi %and3A_1056, %add3A_1060 : vector<16xi32>
        %add3A_1062 = arith.addi %add3A_1058, %add3A_1061 : vector<16xi32>
        %mul3A_1063 = arith.constant 128 : i32
        %mul3A_1064 = arith.muli %add3A_635, %mul3A_1063 : i32
        %add3A_1065 = arith.constant 80 : i32
        %add3A_1066 = arith.addi %mul3A_1064, %add3A_1065 : i32
        %swap3A_1067 = arith.index_cast %add3A_1066 : i32 to index
        %swap3A_1068 = tpu.vector_load %arg10[%swap3A_1067] {strides = array<i32>} : memref<2048xi32, #tpu.memory_space<vmem>>, vector<16xi32>,
        tpu.vector_store %arg10[%swap3A_1067], %add3A_1062 {strides = array<i32>} : memref<2048xi32, #tpu.memory_space<vmem>>, vector<16xi32>,
        %mul3A_1069 = arith.constant 256 : i32
        %mul3A_1070 = arith.muli %add3A_635, %mul3A_1069 : i32
        %add3A_1071 = arith.constant 96 : i32
        %add3A_1072 = arith.addi %mul3A_1070, %add3A_1071 : i32
        %get3A_1073 = arith.index_cast %add3A_1072 : i32 to index
        %get3A_1074 = tpu.vector_load %arg6[%get3A_1073] {strides = array<i32>} : memref<4096xf32, #tpu.memory_space<vmem>>, vector<16xf32>,
        %add3A_1075 = arith.constant 1.000000e+00 : f32
        %add3A_1076 = vector.broadcast %add3A_1075 : f32 to vector<16xf32>
        %add3A_1077 = arith.addf %get3A_1074, %add3A_1076 : vector<16xf32>
        %mul3A_1078 = arith.constant 2.048000e+03 : f32
        %mul3A_1079 = vector.broadcast %mul3A_1078 : f32 to vector<16xf32>
        %mul3A_1080 = arith.mulf %add3A_1077, %mul3A_1079 : vector<16xf32>
        %add3A_1081 = arith.constant 0x4B000000 : f32
        %add3A_1082 = vector.broadcast %add3A_1081 : f32 to vector<16xf32>
        %add3A_1083 = arith.addf %mul3A_1080, %add3A_1082 : vector<16xf32>
        %bitcast3A_1084 = vector.bitcast %add3A_1083 : vector<16xf32> to vector<16xi32>
        %min3A_1085 = arith.constant 1258295295 : i32
        %min3A_1086 = vector.broadcast %min3A_1085 : i32 to vector<16xi32>
        %min3A_1087 = arith.minsi %bitcast3A_1084, %min3A_1086 : vector<16xi32>
        %mul3A_1088 = arith.constant 256 : i32
        %mul3A_1089 = arith.muli %add3A_635, %mul3A_1088 : i32
        %add3A_1090 = arith.constant 128 : i32
        %add3A_1091 = arith.addi %mul3A_1089, %add3A_1090 : i32
        %add3A_1092 = arith.constant 96 : i32
        %add3A_1093 = arith.addi %add3A_1091, %add3A_1092 : i32
        %get3A_1094 = arith.index_cast %add3A_1093 : i32 to index
        %get3A_1095 = tpu.vector_load %arg6[%get3A_1094] {strides = array<i32>} : memref<4096xf32, #tpu.memory_space<vmem>>, vector<16xf32>,
        %add3A_1096 = arith.constant 1.000000e+00 : f32
        %add3A_1097 = vector.broadcast %add3A_1096 : f32 to vector<16xf32>
        %add3A_1098 = arith.addf %get3A_1095, %add3A_1097 : vector<16xf32>
        %mul3A_1099 = arith.constant 2.048000e+03 : f32
        %mul3A_1100 = vector.broadcast %mul3A_1099 : f32 to vector<16xf32>
        %mul3A_1101 = arith.mulf %add3A_1098, %mul3A_1100 : vector<16xf32>
        %add3A_1102 = arith.constant 0x4B000000 : f32
        %add3A_1103 = vector.broadcast %add3A_1102 : f32 to vector<16xf32>
        %add3A_1104 = arith.addf %mul3A_1101, %add3A_1103 : vector<16xf32>
        %bitcast3A_1105 = vector.bitcast %add3A_1104 : vector<16xf32> to vector<16xi32>
        %min3A_1106 = arith.constant 1258295295 : i32
        %min3A_1107 = vector.broadcast %min3A_1106 : i32 to vector<16xi32>
        %min3A_1108 = arith.minsi %bitcast3A_1105, %min3A_1107 : vector<16xi32>
        %shift_left3A_1109 = arith.constant 12 : i32
        %shift_left3A_1110 = vector.broadcast %shift_left3A_1109 : i32 to vector<16xi32>
        %shift_left3A_1111 = arith.shli %min3A_1087, %shift_left3A_1110 : vector<16xi32>
        %and3A_1112 = arith.constant -32768 : i32
        %and3A_1113 = vector.broadcast %and3A_1112 : i32 to vector<16xi32>
        %and3A_1114 = arith.andi %shift_left3A_1111, %and3A_1113 : vector<16xi32>
        %and3A_1115 = arith.constant 7 : i32
        %and3A_1116 = vector.broadcast %and3A_1115 : i32 to vector<16xi32>
        %and3A_1117 = arith.andi %min3A_1087, %and3A_1116 : vector<16xi32>
        %shift_left3A_1118 = arith.constant 7 : i32
        %shift_left3A_1119 = vector.broadcast %shift_left3A_1118 : i32 to vector<16xi32>
        %shift_left3A_1120 = arith.shli %and3A_1117, %shift_left3A_1119 : vector<16xi32>
        %shift_left3A_1121 = arith.constant 3 : i32
        %shift_left3A_1122 = vector.broadcast %shift_left3A_1121 : i32 to vector<16xi32>
        %shift_left3A_1123 = arith.shli %min3A_1108, %shift_left3A_1122 : vector<16xi32>
        %and3A_1124 = arith.constant -1024 : i32
        %and3A_1125 = vector.broadcast %and3A_1124 : i32 to vector<16xi32>
        %and3A_1126 = arith.andi %shift_left3A_1123, %and3A_1125 : vector<16xi32>
        %and3A_1127 = arith.constant 127 : i32
        %and3A_1128 = vector.broadcast %and3A_1127 : i32 to vector<16xi32>
        %and3A_1129 = arith.andi %min3A_1108, %and3A_1128 : vector<16xi32>
        %add3A_1130 = arith.addi %and3A_1114, %shift_left3A_1120 : vector<16xi32>
        %add3A_1131 = arith.addi %add3A_1130, %and3A_1126 : vector<16xi32>
        %add3A_1132 = arith.constant -1476395008 : i32
        %add3A_1133 = vector.broadcast %add3A_1132 : i32 to vector<16xi32>
        %add3A_1134 = arith.addi %and3A_1129, %add3A_1133 : vector<16xi32>
        %add3A_1135 = arith.addi %add3A_1131, %add3A_1134 : vector<16xi32>
        %mul3A_1136 = arith.constant 128 : i32
        %mul3A_1137 = arith.muli %add3A_635, %mul3A_1136 : i32
        %add3A_1138 = arith.constant 96 : i32
        %add3A_1139 = arith.addi %mul3A_1137, %add3A_1138 : i32
        %swap3A_1140 = arith.index_cast %add3A_1139 : i32 to index
        %swap3A_1141 = tpu.vector_load %arg10[%swap3A_1140] {strides = array<i32>} : memref<2048xi32, #tpu.memory_space<vmem>>, vector<16xi32>,
        tpu.vector_store %arg10[%swap3A_1140], %add3A_1135 {strides = array<i32>} : memref<2048xi32, #tpu.memory_space<vmem>>, vector<16xi32>,
        %mul3A_1142 = arith.constant 256 : i32
        %mul3A_1143 = arith.muli %add3A_635, %mul3A_1142 : i32
        %add3A_1144 = arith.constant 112 : i32
        %add3A_1145 = arith.addi %mul3A_1143, %add3A_1144 : i32
        %get3A_1146 = arith.index_cast %add3A_1145 : i32 to index
        %get3A_1147 = tpu.vector_load %arg6[%get3A_1146] {strides = array<i32>} : memref<4096xf32, #tpu.memory_space<vmem>>, vector<16xf32>,
        %add3A_1148 = arith.constant 1.000000e+00 : f32
        %add3A_1149 = vector.broadcast %add3A_1148 : f32 to vector<16xf32>
        %add3A_1150 = arith.addf %get3A_1147, %add3A_1149 : vector<16xf32>
        %mul3A_1151 = arith.constant 2.048000e+03 : f32
        %mul3A_1152 = vector.broadcast %mul3A_1151 : f32 to vector<16xf32>
        %mul3A_1153 = arith.mulf %add3A_1150, %mul3A_1152 : vector<16xf32>
        %add3A_1154 = arith.constant 0x4B000000 : f32
        %add3A_1155 = vector.broadcast %add3A_1154 : f32 to vector<16xf32>
        %add3A_1156 = arith.addf %mul3A_1153, %add3A_1155 : vector<16xf32>
        %bitcast3A_1157 = vector.bitcast %add3A_1156 : vector<16xf32> to vector<16xi32>
        %min3A_1158 = arith.constant 1258295295 : i32
        %min3A_1159 = vector.broadcast %min3A_1158 : i32 to vector<16xi32>
        %min3A_1160 = arith.minsi %bitcast3A_1157, %min3A_1159 : vector<16xi32>
        %mul3A_1161 = arith.constant 256 : i32
        %mul3A_1162 = arith.muli %add3A_635, %mul3A_1161 : i32
        %add3A_1163 = arith.constant 128 : i32
        %add3A_1164 = arith.addi %mul3A_1162, %add3A_1163 : i32
        %add3A_1165 = arith.constant 112 : i32
        %add3A_1166 = arith.addi %add3A_1164, %add3A_1165 : i32
        %get3A_1167 = arith.index_cast %add3A_1166 : i32 to index
        %get3A_1168 = tpu.vector_load %arg6[%get3A_1167] {strides = array<i32>} : memref<4096xf32, #tpu.memory_space<vmem>>, vector<16xf32>,
        %add3A_1169 = arith.constant 1.000000e+00 : f32
        %add3A_1170 = vector.broadcast %add3A_1169 : f32 to vector<16xf32>
        %add3A_1171 = arith.addf %get3A_1168, %add3A_1170 : vector<16xf32>
        %mul3A_1172 = arith.constant 2.048000e+03 : f32
        %mul3A_1173 = vector.broadcast %mul3A_1172 : f32 to vector<16xf32>
        %mul3A_1174 = arith.mulf %add3A_1171, %mul3A_1173 : vector<16xf32>
        %add3A_1175 = arith.constant 0x4B000000 : f32
        %add3A_1176 = vector.broadcast %add3A_1175 : f32 to vector<16xf32>
        %add3A_1177 = arith.addf %mul3A_1174, %add3A_1176 : vector<16xf32>
        %bitcast3A_1178 = vector.bitcast %add3A_1177 : vector<16xf32> to vector<16xi32>
        %min3A_1179 = arith.constant 1258295295 : i32
        %min3A_1180 = vector.broadcast %min3A_1179 : i32 to vector<16xi32>
        %min3A_1181 = arith.minsi %bitcast3A_1178, %min3A_1180 : vector<16xi32>
        %shift_left3A_1182 = arith.constant 12 : i32
        %shift_left3A_1183 = vector.broadcast %shift_left3A_1182 : i32 to vector<16xi32>
        %shift_left3A_1184 = arith.shli %min3A_1160, %shift_left3A_1183 : vector<16xi32>
        %and3A_1185 = arith.constant -32768 : i32
        %and3A_1186 = vector.broadcast %and3A_1185 : i32 to vector<16xi32>
        %and3A_1187 = arith.andi %shift_left3A_1184, %and3A_1186 : vector<16xi32>
        %and3A_1188 = arith.constant 7 : i32
        %and3A_1189 = vector.broadcast %and3A_1188 : i32 to vector<16xi32>
        %and3A_1190 = arith.andi %min3A_1160, %and3A_1189 : vector<16xi32>
        %shift_left3A_1191 = arith.constant 7 : i32
        %shift_left3A_1192 = vector.broadcast %shift_left3A_1191 : i32 to vector<16xi32>
        %shift_left3A_1193 = arith.shli %and3A_1190, %shift_left3A_1192 : vector<16xi32>
        %shift_left3A_1194 = arith.constant 3 : i32
        %shift_left3A_1195 = vector.broadcast %shift_left3A_1194 : i32 to vector<16xi32>
        %shift_left3A_1196 = arith.shli %min3A_1181, %shift_left3A_1195 : vector<16xi32>
        %and3A_1197 = arith.constant -1024 : i32
        %and3A_1198 = vector.broadcast %and3A_1197 : i32 to vector<16xi32>
        %and3A_1199 = arith.andi %shift_left3A_1196, %and3A_1198 : vector<16xi32>
        %and3A_1200 = arith.constant 127 : i32
        %and3A_1201 = vector.broadcast %and3A_1200 : i32 to vector<16xi32>
        %and3A_1202 = arith.andi %min3A_1181, %and3A_1201 : vector<16xi32>
        %add3A_1203 = arith.addi %and3A_1187, %shift_left3A_1193 : vector<16xi32>
        %add3A_1204 = arith.addi %add3A_1203, %and3A_1199 : vector<16xi32>
        %add3A_1205 = arith.constant -1476395008 : i32
        %add3A_1206 = vector.broadcast %add3A_1205 : i32 to vector<16xi32>
        %add3A_1207 = arith.addi %and3A_1202, %add3A_1206 : vector<16xi32>
        %add3A_1208 = arith.addi %add3A_1204, %add3A_1207 : vector<16xi32>
        %mul3A_1209 = arith.constant 128 : i32
        %mul3A_1210 = arith.muli %add3A_635, %mul3A_1209 : i32
        %add3A_1211 = arith.constant 112 : i32
        %add3A_1212 = arith.addi %mul3A_1210, %add3A_1211 : i32
        %swap3A_1213 = arith.index_cast %add3A_1212 : i32 to index
        %swap3A_1214 = tpu.vector_load %arg10[%swap3A_1213] {strides = array<i32>} : memref<2048xi32, #tpu.memory_space<vmem>>, vector<16xi32>,
        tpu.vector_store %arg10[%swap3A_1213], %add3A_1208 {strides = array<i32>} : memref<2048xi32, #tpu.memory_space<vmem>>, vector<16xi32>,
      }
      %scan3A_519 = arith.constant 16 : i32
      %sub3A = arith.constant 3 : i32
      %sub3A_520 = arith.subi %add3A_485, %sub3A : i32
      %dma_wait3A_521 = arith.constant 0 : i32
      %dma_wait3A_522 = tpu.memref_slice %arg3[%dma_wait3A_521] : memref<16777216xf32, #tpu.memory_space<hbm>> -> memref<2048xf32, #tpu.memory_space<hbm>>
      %dma_wait3A_523 = arith.constant 0 : i32
      %dma_wait3A_524 = tpu.memref_slice %arg3[%dma_wait3A_523] : memref<16777216xf32, #tpu.memory_space<hbm>> -> memref<2048xf32, #tpu.memory_space<hbm>>
      tpu.wait_dma2 semaphore(%arg16 : memref<!tpu.dma_semaphore, #tpu.memory_space<semaphore_mem>>) src(%dma_wait3A_524 : memref<2048xf32, #tpu.memory_space<hbm>>) dst(%arg11 : memref<2048xf32, #tpu.memory_space<vmem>>)
      %mul3A_525 = arith.constant 2048 : i32
      %mul3A_526 = arith.muli %sub3A_520, %mul3A_525 : i32
      %add3A_527 = arith.addi %mul3A_2, %mul3A_526 : i32
      %dma_start3A_528 = tpu.memref_slice %arg4[%add3A_527] : memref<1048576xf32, #tpu.memory_space<hbm>> -> memref<2048xf32, #tpu.memory_space<hbm>>
      %dma_start3A_529 = tpu.memref_slice %arg4[%add3A_527] : memref<1048576xf32, #tpu.memory_space<hbm>> -> memref<2048xf32, #tpu.memory_space<hbm>>
      tpu.enqueue_dma source(%arg11 : memref<2048xf32, #tpu.memory_space<vmem>>) target(%dma_start3A_529 : memref<2048xf32, #tpu.memory_space<hbm>>) target_semaphore(%arg20 : memref<!tpu.dma_semaphore, #tpu.memory_space<semaphore_mem>>)
      %gt3A_530 = arith.constant 0 : i32
      %gt3A_531 = arith.cmpi sgt, %add3A_59, %gt3A_530 : i32
      %convert_element_type3A_532 = arith.extui %gt3A_531 : i1 to i32
      %cond3A_533 = arith.constant 0 : i32
      %cond3A_534 = arith.cmpi ne, %convert_element_type3A_532, %cond3A_533 : i32
      scf.if %cond3A_534 {
        %dma_wait3A_631 = arith.constant 0 : i32
        %dma_wait3A_632 = tpu.memref_slice %arg4[%dma_wait3A_631] : memref<1048576xf32, #tpu.memory_space<hbm>> -> memref<2048xf32, #tpu.memory_space<hbm>>
        %dma_wait3A_633 = arith.constant 0 : i32
        %dma_wait3A_634 = tpu.memref_slice %arg4[%dma_wait3A_633] : memref<1048576xf32, #tpu.memory_space<hbm>> -> memref<2048xf32, #tpu.memory_space<hbm>>
        tpu.wait_dma2 semaphore(%arg23 : memref<!tpu.dma_semaphore, #tpu.memory_space<semaphore_mem>>) src(%arg14 : memref<2048xf32, #tpu.memory_space<vmem>>) dst(%dma_wait3A_634 : memref<2048xf32, #tpu.memory_space<hbm>>)
      } else {
      }
      %dma_start3A_535 = arith.constant 0 : i32
      %dma_start3A_536 = tpu.memref_slice %arg14[%dma_start3A_535] : memref<2048xf32, #tpu.memory_space<vmem>> -> memref<128xf32, #tpu.memory_space<vmem>>
      %dma_start3A_537 = arith.constant 0 : i32
      %dma_start3A_538 = tpu.memref_slice %arg10[%dma_start3A_537] : memref<2048xi32, #tpu.memory_space<vmem>> -> memref<128xi32, #tpu.memory_space<vmem>>
      %dma_start3A_539 = arith.constant 0 : i32
      %dma_start3A_540 = tpu.memref_slice %arg3[%dma_start3A_539] : memref<16777216xf32, #tpu.memory_space<hbm>> -> memref<16777216xf32, #tpu.memory_space<hbm>>
      tpu.enqueue_indirect_dma source(%dma_start3A_540 : memref<16777216xf32, #tpu.memory_space<hbm>>) target(%dma_start3A_536 : memref<128xf32, #tpu.memory_space<vmem>>) offsets(%dma_start3A_538 : memref<128xi32, #tpu.memory_space<vmem>>) semaphore(%arg19 : memref<!tpu.dma_semaphore, #tpu.memory_space<semaphore_mem>>)
      %dma_start3A_541 = arith.constant 128 : i32
      %dma_start3A_542 = tpu.memref_slice %arg14[%dma_start3A_541] : memref<2048xf32, #tpu.memory_space<vmem>> -> memref<128xf32, #tpu.memory_space<vmem>>
      %dma_start3A_543 = arith.constant 128 : i32
      %dma_start3A_544 = tpu.memref_slice %arg10[%dma_start3A_543] : memref<2048xi32, #tpu.memory_space<vmem>> -> memref<128xi32, #tpu.memory_space<vmem>>
      %dma_start3A_545 = arith.constant 0 : i32
      %dma_start3A_546 = tpu.memref_slice %arg3[%dma_start3A_545] : memref<16777216xf32, #tpu.memory_space<hbm>> -> memref<16777216xf32, #tpu.memory_space<hbm>>
      tpu.enqueue_indirect_dma source(%dma_start3A_546 : memref<16777216xf32, #tpu.memory_space<hbm>>) target(%dma_start3A_542 : memref<128xf32, #tpu.memory_space<vmem>>) offsets(%dma_start3A_544 : memref<128xi32, #tpu.memory_space<vmem>>) semaphore(%arg19 : memref<!tpu.dma_semaphore, #tpu.memory_space<semaphore_mem>>)
      %dma_start3A_547 = arith.constant 256 : i32
      %dma_start3A_548 = tpu.memref_slice %arg14[%dma_start3A_547] : memref<2048xf32, #tpu.memory_space<vmem>> -> memref<128xf32, #tpu.memory_space<vmem>>
      %dma_start3A_549 = arith.constant 256 : i32
      %dma_start3A_550 = tpu.memref_slice %arg10[%dma_start3A_549] : memref<2048xi32, #tpu.memory_space<vmem>> -> memref<128xi32, #tpu.memory_space<vmem>>
      %dma_start3A_551 = arith.constant 0 : i32
      %dma_start3A_552 = tpu.memref_slice %arg3[%dma_start3A_551] : memref<16777216xf32, #tpu.memory_space<hbm>> -> memref<16777216xf32, #tpu.memory_space<hbm>>
      tpu.enqueue_indirect_dma source(%dma_start3A_552 : memref<16777216xf32, #tpu.memory_space<hbm>>) target(%dma_start3A_548 : memref<128xf32, #tpu.memory_space<vmem>>) offsets(%dma_start3A_550 : memref<128xi32, #tpu.memory_space<vmem>>) semaphore(%arg19 : memref<!tpu.dma_semaphore, #tpu.memory_space<semaphore_mem>>)
      %dma_start3A_553 = arith.constant 384 : i32
      %dma_start3A_554 = tpu.memref_slice %arg14[%dma_start3A_553] : memref<2048xf32, #tpu.memory_space<vmem>> -> memref<128xf32, #tpu.memory_space<vmem>>
      %dma_start3A_555 = arith.constant 384 : i32
      %dma_start3A_556 = tpu.memref_slice %arg10[%dma_start3A_555] : memref<2048xi32, #tpu.memory_space<vmem>> -> memref<128xi32, #tpu.memory_space<vmem>>
      %dma_start3A_557 = arith.constant 0 : i32
      %dma_start3A_558 = tpu.memref_slice %arg3[%dma_start3A_557] : memref<16777216xf32, #tpu.memory_space<hbm>> -> memref<16777216xf32, #tpu.memory_space<hbm>>
      tpu.enqueue_indirect_dma source(%dma_start3A_558 : memref<16777216xf32, #tpu.memory_space<hbm>>) target(%dma_start3A_554 : memref<128xf32, #tpu.memory_space<vmem>>) offsets(%dma_start3A_556 : memref<128xi32, #tpu.memory_space<vmem>>) semaphore(%arg19 : memref<!tpu.dma_semaphore, #tpu.memory_space<semaphore_mem>>)
      %dma_start3A_559 = arith.constant 512 : i32
      %dma_start3A_560 = tpu.memref_slice %arg14[%dma_start3A_559] : memref<2048xf32, #tpu.memory_space<vmem>> -> memref<128xf32, #tpu.memory_space<vmem>>
      %dma_start3A_561 = arith.constant 512 : i32
      %dma_start3A_562 = tpu.memref_slice %arg10[%dma_start3A_561] : memref<2048xi32, #tpu.memory_space<vmem>> -> memref<128xi32, #tpu.memory_space<vmem>>
      %dma_start3A_563 = arith.constant 0 : i32
      %dma_start3A_564 = tpu.memref_slice %arg3[%dma_start3A_563] : memref<16777216xf32, #tpu.memory_space<hbm>> -> memref<16777216xf32, #tpu.memory_space<hbm>>
      tpu.enqueue_indirect_dma source(%dma_start3A_564 : memref<16777216xf32, #tpu.memory_space<hbm>>) target(%dma_start3A_560 : memref<128xf32, #tpu.memory_space<vmem>>) offsets(%dma_start3A_562 : memref<128xi32, #tpu.memory_space<vmem>>) semaphore(%arg19 : memref<!tpu.dma_semaphore, #tpu.memory_space<semaphore_mem>>)
      %dma_start3A_565 = arith.constant 640 : i32
      %dma_start3A_566 = tpu.memref_slice %arg14[%dma_start3A_565] : memref<2048xf32, #tpu.memory_space<vmem>> -> memref<128xf32, #tpu.memory_space<vmem>>
      %dma_start3A_567 = arith.constant 640 : i32
      %dma_start3A_568 = tpu.memref_slice %arg10[%dma_start3A_567] : memref<2048xi32, #tpu.memory_space<vmem>> -> memref<128xi32, #tpu.memory_space<vmem>>
      %dma_start3A_569 = arith.constant 0 : i32
      %dma_start3A_570 = tpu.memref_slice %arg3[%dma_start3A_569] : memref<16777216xf32, #tpu.memory_space<hbm>> -> memref<16777216xf32, #tpu.memory_space<hbm>>
      tpu.enqueue_indirect_dma source(%dma_start3A_570 : memref<16777216xf32, #tpu.memory_space<hbm>>) target(%dma_start3A_566 : memref<128xf32, #tpu.memory_space<vmem>>) offsets(%dma_start3A_568 : memref<128xi32, #tpu.memory_space<vmem>>) semaphore(%arg19 : memref<!tpu.dma_semaphore, #tpu.memory_space<semaphore_mem>>)
      %dma_start3A_571 = arith.constant 768 : i32
      %dma_start3A_572 = tpu.memref_slice %arg14[%dma_start3A_571] : memref<2048xf32, #tpu.memory_space<vmem>> -> memref<128xf32, #tpu.memory_space<vmem>>
      %dma_start3A_573 = arith.constant 768 : i32
      %dma_start3A_574 = tpu.memref_slice %arg10[%dma_start3A_573] : memref<2048xi32, #tpu.memory_space<vmem>> -> memref<128xi32, #tpu.memory_space<vmem>>
      %dma_start3A_575 = arith.constant 0 : i32
      %dma_start3A_576 = tpu.memref_slice %arg3[%dma_start3A_575] : memref<16777216xf32, #tpu.memory_space<hbm>> -> memref<16777216xf32, #tpu.memory_space<hbm>>
      tpu.enqueue_indirect_dma source(%dma_start3A_576 : memref<16777216xf32, #tpu.memory_space<hbm>>) target(%dma_start3A_572 : memref<128xf32, #tpu.memory_space<vmem>>) offsets(%dma_start3A_574 : memref<128xi32, #tpu.memory_space<vmem>>) semaphore(%arg19 : memref<!tpu.dma_semaphore, #tpu.memory_space<semaphore_mem>>)
      %dma_start3A_577 = arith.constant 896 : i32
      %dma_start3A_578 = tpu.memref_slice %arg14[%dma_start3A_577] : memref<2048xf32, #tpu.memory_space<vmem>> -> memref<128xf32, #tpu.memory_space<vmem>>
      %dma_start3A_579 = arith.constant 896 : i32
      %dma_start3A_580 = tpu.memref_slice %arg10[%dma_start3A_579] : memref<2048xi32, #tpu.memory_space<vmem>> -> memref<128xi32, #tpu.memory_space<vmem>>
      %dma_start3A_581 = arith.constant 0 : i32
      %dma_start3A_582 = tpu.memref_slice %arg3[%dma_start3A_581] : memref<16777216xf32, #tpu.memory_space<hbm>> -> memref<16777216xf32, #tpu.memory_space<hbm>>
      tpu.enqueue_indirect_dma source(%dma_start3A_582 : memref<16777216xf32, #tpu.memory_space<hbm>>) target(%dma_start3A_578 : memref<128xf32, #tpu.memory_space<vmem>>) offsets(%dma_start3A_580 : memref<128xi32, #tpu.memory_space<vmem>>) semaphore(%arg19 : memref<!tpu.dma_semaphore, #tpu.memory_space<semaphore_mem>>)
      %dma_start3A_583 = arith.constant 1024 : i32
      %dma_start3A_584 = tpu.memref_slice %arg14[%dma_start3A_583] : memref<2048xf32, #tpu.memory_space<vmem>> -> memref<128xf32, #tpu.memory_space<vmem>>
      %dma_start3A_585 = arith.constant 1024 : i32
      %dma_start3A_586 = tpu.memref_slice %arg10[%dma_start3A_585] : memref<2048xi32, #tpu.memory_space<vmem>> -> memref<128xi32, #tpu.memory_space<vmem>>
      %dma_start3A_587 = arith.constant 0 : i32
      %dma_start3A_588 = tpu.memref_slice %arg3[%dma_start3A_587] : memref<16777216xf32, #tpu.memory_space<hbm>> -> memref<16777216xf32, #tpu.memory_space<hbm>>
      tpu.enqueue_indirect_dma source(%dma_start3A_588 : memref<16777216xf32, #tpu.memory_space<hbm>>) target(%dma_start3A_584 : memref<128xf32, #tpu.memory_space<vmem>>) offsets(%dma_start3A_586 : memref<128xi32, #tpu.memory_space<vmem>>) semaphore(%arg19 : memref<!tpu.dma_semaphore, #tpu.memory_space<semaphore_mem>>)
      %dma_start3A_589 = arith.constant 1152 : i32
      %dma_start3A_590 = tpu.memref_slice %arg14[%dma_start3A_589] : memref<2048xf32, #tpu.memory_space<vmem>> -> memref<128xf32, #tpu.memory_space<vmem>>
      %dma_start3A_591 = arith.constant 1152 : i32
      %dma_start3A_592 = tpu.memref_slice %arg10[%dma_start3A_591] : memref<2048xi32, #tpu.memory_space<vmem>> -> memref<128xi32, #tpu.memory_space<vmem>>
      %dma_start3A_593 = arith.constant 0 : i32
      %dma_start3A_594 = tpu.memref_slice %arg3[%dma_start3A_593] : memref<16777216xf32, #tpu.memory_space<hbm>> -> memref<16777216xf32, #tpu.memory_space<hbm>>
      tpu.enqueue_indirect_dma source(%dma_start3A_594 : memref<16777216xf32, #tpu.memory_space<hbm>>) target(%dma_start3A_590 : memref<128xf32, #tpu.memory_space<vmem>>) offsets(%dma_start3A_592 : memref<128xi32, #tpu.memory_space<vmem>>) semaphore(%arg19 : memref<!tpu.dma_semaphore, #tpu.memory_space<semaphore_mem>>)
      %dma_start3A_595 = arith.constant 1280 : i32
      %dma_start3A_596 = tpu.memref_slice %arg14[%dma_start3A_595] : memref<2048xf32, #tpu.memory_space<vmem>> -> memref<128xf32, #tpu.memory_space<vmem>>
      %dma_start3A_597 = arith.constant 1280 : i32
      %dma_start3A_598 = tpu.memref_slice %arg10[%dma_start3A_597] : memref<2048xi32, #tpu.memory_space<vmem>> -> memref<128xi32, #tpu.memory_space<vmem>>
      %dma_start3A_599 = arith.constant 0 : i32
      %dma_start3A_600 = tpu.memref_slice %arg3[%dma_start3A_599] : memref<16777216xf32, #tpu.memory_space<hbm>> -> memref<16777216xf32, #tpu.memory_space<hbm>>
      tpu.enqueue_indirect_dma source(%dma_start3A_600 : memref<16777216xf32, #tpu.memory_space<hbm>>) target(%dma_start3A_596 : memref<128xf32, #tpu.memory_space<vmem>>) offsets(%dma_start3A_598 : memref<128xi32, #tpu.memory_space<vmem>>) semaphore(%arg19 : memref<!tpu.dma_semaphore, #tpu.memory_space<semaphore_mem>>)
      %dma_start3A_601 = arith.constant 1408 : i32
      %dma_start3A_602 = tpu.memref_slice %arg14[%dma_start3A_601] : memref<2048xf32, #tpu.memory_space<vmem>> -> memref<128xf32, #tpu.memory_space<vmem>>
      %dma_start3A_603 = arith.constant 1408 : i32
      %dma_start3A_604 = tpu.memref_slice %arg10[%dma_start3A_603] : memref<2048xi32, #tpu.memory_space<vmem>> -> memref<128xi32, #tpu.memory_space<vmem>>
      %dma_start3A_605 = arith.constant 0 : i32
      %dma_start3A_606 = tpu.memref_slice %arg3[%dma_start3A_605] : memref<16777216xf32, #tpu.memory_space<hbm>> -> memref<16777216xf32, #tpu.memory_space<hbm>>
      tpu.enqueue_indirect_dma source(%dma_start3A_606 : memref<16777216xf32, #tpu.memory_space<hbm>>) target(%dma_start3A_602 : memref<128xf32, #tpu.memory_space<vmem>>) offsets(%dma_start3A_604 : memref<128xi32, #tpu.memory_space<vmem>>) semaphore(%arg19 : memref<!tpu.dma_semaphore, #tpu.memory_space<semaphore_mem>>)
      %dma_start3A_607 = arith.constant 1536 : i32
      %dma_start3A_608 = tpu.memref_slice %arg14[%dma_start3A_607] : memref<2048xf32, #tpu.memory_space<vmem>> -> memref<128xf32, #tpu.memory_space<vmem>>
      %dma_start3A_609 = arith.constant 1536 : i32
      %dma_start3A_610 = tpu.memref_slice %arg10[%dma_start3A_609] : memref<2048xi32, #tpu.memory_space<vmem>> -> memref<128xi32, #tpu.memory_space<vmem>>
      %dma_start3A_611 = arith.constant 0 : i32
      %dma_start3A_612 = tpu.memref_slice %arg3[%dma_start3A_611] : memref<16777216xf32, #tpu.memory_space<hbm>> -> memref<16777216xf32, #tpu.memory_space<hbm>>
      tpu.enqueue_indirect_dma source(%dma_start3A_612 : memref<16777216xf32, #tpu.memory_space<hbm>>) target(%dma_start3A_608 : memref<128xf32, #tpu.memory_space<vmem>>) offsets(%dma_start3A_610 : memref<128xi32, #tpu.memory_space<vmem>>) semaphore(%arg19 : memref<!tpu.dma_semaphore, #tpu.memory_space<semaphore_mem>>)
      %dma_start3A_613 = arith.constant 1664 : i32
      %dma_start3A_614 = tpu.memref_slice %arg14[%dma_start3A_613] : memref<2048xf32, #tpu.memory_space<vmem>> -> memref<128xf32, #tpu.memory_space<vmem>>
      %dma_start3A_615 = arith.constant 1664 : i32
      %dma_start3A_616 = tpu.memref_slice %arg10[%dma_start3A_615] : memref<2048xi32, #tpu.memory_space<vmem>> -> memref<128xi32, #tpu.memory_space<vmem>>
      %dma_start3A_617 = arith.constant 0 : i32
      %dma_start3A_618 = tpu.memref_slice %arg3[%dma_start3A_617] : memref<16777216xf32, #tpu.memory_space<hbm>> -> memref<16777216xf32, #tpu.memory_space<hbm>>
      tpu.enqueue_indirect_dma source(%dma_start3A_618 : memref<16777216xf32, #tpu.memory_space<hbm>>) target(%dma_start3A_614 : memref<128xf32, #tpu.memory_space<vmem>>) offsets(%dma_start3A_616 : memref<128xi32, #tpu.memory_space<vmem>>) semaphore(%arg19 : memref<!tpu.dma_semaphore, #tpu.memory_space<semaphore_mem>>)
      %dma_start3A_619 = arith.constant 1792 : i32
      %dma_start3A_620 = tpu.memref_slice %arg14[%dma_start3A_619] : memref<2048xf32, #tpu.memory_space<vmem>> -> memref<128xf32, #tpu.memory_space<vmem>>
      %dma_start3A_621 = arith.constant 1792 : i32
      %dma_start3A_622 = tpu.memref_slice %arg10[%dma_start3A_621] : memref<2048xi32, #tpu.memory_space<vmem>> -> memref<128xi32, #tpu.memory_space<vmem>>
      %dma_start3A_623 = arith.constant 0 : i32
      %dma_start3A_624 = tpu.memref_slice %arg3[%dma_start3A_623] : memref<16777216xf32, #tpu.memory_space<hbm>> -> memref<16777216xf32, #tpu.memory_space<hbm>>
      tpu.enqueue_indirect_dma source(%dma_start3A_624 : memref<16777216xf32, #tpu.memory_space<hbm>>) target(%dma_start3A_620 : memref<128xf32, #tpu.memory_space<vmem>>) offsets(%dma_start3A_622 : memref<128xi32, #tpu.memory_space<vmem>>) semaphore(%arg19 : memref<!tpu.dma_semaphore, #tpu.memory_space<semaphore_mem>>)
      %dma_start3A_625 = arith.constant 1920 : i32
      %dma_start3A_626 = tpu.memref_slice %arg14[%dma_start3A_625] : memref<2048xf32, #tpu.memory_space<vmem>> -> memref<128xf32, #tpu.memory_space<vmem>>
      %dma_start3A_627 = arith.constant 1920 : i32
      %dma_start3A_628 = tpu.memref_slice %arg10[%dma_start3A_627] : memref<2048xi32, #tpu.memory_space<vmem>> -> memref<128xi32, #tpu.memory_space<vmem>>
      %dma_start3A_629 = arith.constant 0 : i32
      %dma_start3A_630 = tpu.memref_slice %arg3[%dma_start3A_629] : memref<16777216xf32, #tpu.memory_space<hbm>> -> memref<16777216xf32, #tpu.memory_space<hbm>>
      tpu.enqueue_indirect_dma source(%dma_start3A_630 : memref<16777216xf32, #tpu.memory_space<hbm>>) target(%dma_start3A_626 : memref<128xf32, #tpu.memory_space<vmem>>) offsets(%dma_start3A_628 : memref<128xi32, #tpu.memory_space<vmem>>) semaphore(%arg19 : memref<!tpu.dma_semaphore, #tpu.memory_space<semaphore_mem>>)
    }
    %scan3A_11 = arith.constant 4 : i32
    %dma_wait3A = arith.constant 0 : i32
    %dma_wait3A_12 = tpu.memref_slice %arg2[%dma_wait3A] : memref<2097152xf32, #tpu.memory_space<hbm>> -> memref<4096xf32, #tpu.memory_space<hbm>>
    %dma_wait3A_13 = arith.constant 0 : i32
    %dma_wait3A_14 = tpu.memref_slice %arg2[%dma_wait3A_13] : memref<2097152xf32, #tpu.memory_space<hbm>> -> memref<4096xf32, #tpu.memory_space<hbm>>
    tpu.wait_dma2 semaphore(%arg15 : memref<!tpu.dma_semaphore, #tpu.memory_space<semaphore_mem>>) src(%dma_wait3A_14 : memref<4096xf32, #tpu.memory_space<hbm>>) dst(%arg5 : memref<4096xf32, #tpu.memory_space<vmem>>)
    %dma_wait3A_15 = arith.constant 0 : i32
    %dma_wait3A_16 = tpu.memref_slice %arg3[%dma_wait3A_15] : memref<16777216xf32, #tpu.memory_space<hbm>> -> memref<2048xf32, #tpu.memory_space<hbm>>
    %dma_wait3A_17 = arith.constant 0 : i32
    %dma_wait3A_18 = tpu.memref_slice %arg3[%dma_wait3A_17] : memref<16777216xf32, #tpu.memory_space<hbm>> -> memref<2048xf32, #tpu.memory_space<hbm>>
    tpu.wait_dma2 semaphore(%arg17 : memref<!tpu.dma_semaphore, #tpu.memory_space<semaphore_mem>>) src(%dma_wait3A_18 : memref<2048xf32, #tpu.memory_space<hbm>>) dst(%arg12 : memref<2048xf32, #tpu.memory_space<vmem>>)
    %add3A_19 = arith.constant 26624 : i32
    %add3A_20 = arith.addi %mul3A_2, %add3A_19 : i32
    %dma_start3A_21 = tpu.memref_slice %arg4[%add3A_20] : memref<1048576xf32, #tpu.memory_space<hbm>> -> memref<2048xf32, #tpu.memory_space<hbm>>
    %dma_start3A_22 = tpu.memref_slice %arg4[%add3A_20] : memref<1048576xf32, #tpu.memory_space<hbm>> -> memref<2048xf32, #tpu.memory_space<hbm>>
    tpu.enqueue_dma source(%arg12 : memref<2048xf32, #tpu.memory_space<vmem>>) target(%dma_start3A_22 : memref<2048xf32, #tpu.memory_space<hbm>>) target_semaphore(%arg21 : memref<!tpu.dma_semaphore, #tpu.memory_space<semaphore_mem>>)
    %dma_wait3A_23 = arith.constant 0 : i32
    %dma_wait3A_24 = tpu.memref_slice %arg3[%dma_wait3A_23] : memref<16777216xf32, #tpu.memory_space<hbm>> -> memref<2048xf32, #tpu.memory_space<hbm>>
    %dma_wait3A_25 = arith.constant 0 : i32
    %dma_wait3A_26 = tpu.memref_slice %arg3[%dma_wait3A_25] : memref<16777216xf32, #tpu.memory_space<hbm>> -> memref<2048xf32, #tpu.memory_space<hbm>>
    tpu.wait_dma2 semaphore(%arg18 : memref<!tpu.dma_semaphore, #tpu.memory_space<semaphore_mem>>) src(%dma_wait3A_26 : memref<2048xf32, #tpu.memory_space<hbm>>) dst(%arg13 : memref<2048xf32, #tpu.memory_space<vmem>>)
    %add3A_27 = arith.constant 28672 : i32
    %add3A_28 = arith.addi %mul3A_2, %add3A_27 : i32
    %dma_start3A_29 = tpu.memref_slice %arg4[%add3A_28] : memref<1048576xf32, #tpu.memory_space<hbm>> -> memref<2048xf32, #tpu.memory_space<hbm>>
    %dma_start3A_30 = tpu.memref_slice %arg4[%add3A_28] : memref<1048576xf32, #tpu.memory_space<hbm>> -> memref<2048xf32, #tpu.memory_space<hbm>>
    tpu.enqueue_dma source(%arg13 : memref<2048xf32, #tpu.memory_space<vmem>>) target(%dma_start3A_30 : memref<2048xf32, #tpu.memory_space<hbm>>) target_semaphore(%arg22 : memref<!tpu.dma_semaphore, #tpu.memory_space<semaphore_mem>>)
    %dma_wait3A_31 = arith.constant 0 : i32
    %dma_wait3A_32 = tpu.memref_slice %arg3[%dma_wait3A_31] : memref<16777216xf32, #tpu.memory_space<hbm>> -> memref<2048xf32, #tpu.memory_space<hbm>>
    %dma_wait3A_33 = arith.constant 0 : i32
    %dma_wait3A_34 = tpu.memref_slice %arg3[%dma_wait3A_33] : memref<16777216xf32, #tpu.memory_space<hbm>> -> memref<2048xf32, #tpu.memory_space<hbm>>
    tpu.wait_dma2 semaphore(%arg19 : memref<!tpu.dma_semaphore, #tpu.memory_space<semaphore_mem>>) src(%dma_wait3A_34 : memref<2048xf32, #tpu.memory_space<hbm>>) dst(%arg14 : memref<2048xf32, #tpu.memory_space<vmem>>)
    %add3A_35 = arith.constant 30720 : i32
    %add3A_36 = arith.addi %mul3A_2, %add3A_35 : i32
    %dma_start3A_37 = tpu.memref_slice %arg4[%add3A_36] : memref<1048576xf32, #tpu.memory_space<hbm>> -> memref<2048xf32, #tpu.memory_space<hbm>>
    %dma_start3A_38 = tpu.memref_slice %arg4[%add3A_36] : memref<1048576xf32, #tpu.memory_space<hbm>> -> memref<2048xf32, #tpu.memory_space<hbm>>
    tpu.enqueue_dma source(%arg14 : memref<2048xf32, #tpu.memory_space<vmem>>) target(%dma_start3A_38 : memref<2048xf32, #tpu.memory_space<hbm>>) target_semaphore(%arg23 : memref<!tpu.dma_semaphore, #tpu.memory_space<semaphore_mem>>)
    %dma_wait3A_39 = arith.constant 0 : i32
    %dma_wait3A_40 = tpu.memref_slice %arg4[%dma_wait3A_39] : memref<1048576xf32, #tpu.memory_space<hbm>> -> memref<2048xf32, #tpu.memory_space<hbm>>
    %dma_wait3A_41 = arith.constant 0 : i32
    %dma_wait3A_42 = tpu.memref_slice %arg4[%dma_wait3A_41] : memref<1048576xf32, #tpu.memory_space<hbm>> -> memref<2048xf32, #tpu.memory_space<hbm>>
    tpu.wait_dma2 semaphore(%arg20 : memref<!tpu.dma_semaphore, #tpu.memory_space<semaphore_mem>>) src(%arg11 : memref<2048xf32, #tpu.memory_space<vmem>>) dst(%dma_wait3A_42 : memref<2048xf32, #tpu.memory_space<hbm>>)
    %dma_wait3A_43 = arith.constant 0 : i32
    %dma_wait3A_44 = tpu.memref_slice %arg4[%dma_wait3A_43] : memref<1048576xf32, #tpu.memory_space<hbm>> -> memref<2048xf32, #tpu.memory_space<hbm>>
    %dma_wait3A_45 = arith.constant 0 : i32
    %dma_wait3A_46 = tpu.memref_slice %arg4[%dma_wait3A_45] : memref<1048576xf32, #tpu.memory_space<hbm>> -> memref<2048xf32, #tpu.memory_space<hbm>>
    tpu.wait_dma2 semaphore(%arg21 : memref<!tpu.dma_semaphore, #tpu.memory_space<semaphore_mem>>) src(%arg12 : memref<2048xf32, #tpu.memory_space<vmem>>) dst(%dma_wait3A_46 : memref<2048xf32, #tpu.memory_space<hbm>>)
    %dma_wait3A_47 = arith.constant 0 : i32
    %dma_wait3A_48 = tpu.memref_slice %arg4[%dma_wait3A_47] : memref<1048576xf32, #tpu.memory_space<hbm>> -> memref<2048xf32, #tpu.memory_space<hbm>>
    %dma_wait3A_49 = arith.constant 0 : i32
    %dma_wait3A_50 = tpu.memref_slice %arg4[%dma_wait3A_49] : memref<1048576xf32, #tpu.memory_space<hbm>> -> memref<2048xf32, #tpu.memory_space<hbm>>
    tpu.wait_dma2 semaphore(%arg22 : memref<!tpu.dma_semaphore, #tpu.memory_space<semaphore_mem>>) src(%arg13 : memref<2048xf32, #tpu.memory_space<vmem>>) dst(%dma_wait3A_50 : memref<2048xf32, #tpu.memory_space<hbm>>)
    %dma_wait3A_51 = arith.constant 0 : i32
    %dma_wait3A_52 = tpu.memref_slice %arg4[%dma_wait3A_51] : memref<1048576xf32, #tpu.memory_space<hbm>> -> memref<2048xf32, #tpu.memory_space<hbm>>
    %dma_wait3A_53 = arith.constant 0 : i32
    %dma_wait3A_54 = tpu.memref_slice %arg4[%dma_wait3A_53] : memref<1048576xf32, #tpu.memory_space<hbm>> -> memref<2048xf32, #tpu.memory_space<hbm>>
    tpu.wait_dma2 semaphore(%arg23 : memref<!tpu.dma_semaphore, #tpu.memory_space<semaphore_mem>>) src(%arg14 : memref<2048xf32, #tpu.memory_space<vmem>>) dst(%dma_wait3A_54 : memref<2048xf32, #tpu.memory_space<hbm>>)
    return
  }
}

</mosaic_0001>

<sc_bundles>
// kernel: _run.3.cloned.1.call-start
scs
__scs_entry_jumppad:
0x0: {  	(pc) =	sbr.rel $0x88, $3  }
0x1: {  	(tag) =	ssettag $0x0;
	lr =	simm.s32 $0x1  }
0x2: {  	[smem:$0x3F9F] =	sst lr;
	_ =	strace $0xD0000000  }
0x3: {  	_ = 	snop  }
0x4: {  	_ = 	snop  }
0x5: {  	_ = 	snop  }
0x6: {  	_ = 	snop  }
0x7: {  	_ = 	snop  }
__scs_overlays_trampoline_lowered:
0x8: {  	[smem:$0x3FAE] =	sst s0  }
0x9: {  	[smem:$0x3FAF] =	sst s1  }
0xa: {  	[smem:$0x3FB0] =	sst s2  }
0xb: {  	[smem:$0x3FB1] =	sst s3  }
0xc: {  	[smem:$0x3FB2] =	sst s4  }
0xd: {  	[smem:$0x3FB3] =	sst s5  }
0xe: {  	[smem:$0x3FB4] =	sst s6  }
0xf: {  	[smem:$0x3FB5] =	sst s7  }
0x10: {  	[smem:$0x3FB6] =	sst s8  }
0x11: {  	[smem:$0x3FB7] =	sst s9;
	s0 =	simm.s32 @!p0 $0x0  }
0x12: {  	s1 =	sld [smem:$0x3F9D];
	s0 =	simm.s32 @p0 $0x1  }
0x13: {  	[smem:$0x3FB8] =	sst s0;
	s0 =	simm.s32 @!p1 $0x0  }
0x14: {  	s2 =	sld [smem:$0x3F9C];
	s0 =	simm.s32 @p1 $0x1  }
0x15: {  	[smem:$0x3FB9] =	sst s0;
	s0 =	simm.s32 @!p2 $0x0  }
0x16: {  	s3 =	sld [smem:$0x3FDB];
	s0 =	simm.s32 @p2 $0x1  }
0x17: {  	s4 =	simm.s32 $0x1BF5;
	[smem:$0x3FBB] =	sst s0  }
0x18: {  	s0 =	sld [smem:$0x3F9E];
	_ =	swait.ge [sflag:s4], $0x0  }
0x19: {  	s7 =	sld [smem:$0x3F9F]  }
0x1a: {  	s8 =	sadd.s32 $0xFFFFE003, lr  }
0x1b: {  	s9 =	sadd.s32 $0xFFFFFEF7, lr;
	s5 =	simm.s32 $0xFFFFFFFF;
	p2 =	slt.u32 s8, $0xFFFFF086  }
0x1c: {  	p1 =	slt.u32 s9, $0xF7A;
	s5 =	simm.s32 @!p2 $0x0  }
0x1d: {  	s5 =	simm.s32 @p1 $0x1;
	p0 =	seq.s32 s7, s2  }
0x1e: {  	s7 =	smul.u32 @!p0 $0xF7A, s2;
	p2 =	seq.s32 @!p0 s5, $0x0  }
0x1f: {  	s9 =	smul.u32 $0xF7A, s1;
	s8 =	simm.s32 @!p0 $0x1BF5;
	p2 =	por !p2, p0  }
0x20: {  	[sflag:s8] =	ssyncset.s32 @!p0 $0xFFFFF086;
	s6 =	sadd.s32 @!p0 s3, s7;
	s7 =	simm.s32 @!p0 $0x108  }
0x21: {  	s3 =	sadd.s32 s3, s9;
	s6 =	sadd.s32 @!p0 $0x88, s6;
	s7 =	simm.s32 @p2 $0x1082  }
0x22: {  	[simem:s7], [sflag:s8] =	dma.local @!p0 [hbm:s6], $0xF7A  }
0x23: {  	s9 =	sor.u32 $0xD0000000, s2;
	s6 =	simm.s32 $0x108;
	_ =	swait.ge @!p0 [sflag:s8], $0x0  }
0x24: {  	s3 =	sadd.s32 $0x88, s3;
	s6 =	simm.s32 @!p1 $0x1082;
	[sflag:s4] =	ssyncset.s32 $0xFFFFF086  }
0x25: {  	[simem:s6], [sflag:s4] =	dma.local [hbm:s3], $0xF7A  }
0x26: {  	[smem:$0x3F9F] =	sst s1;
	(tag) =	ssettag s2;
	_ =	strace s9  }
0x27: {  	s1 =	sld [smem:$0x3FAF]  }
0x28: {  	s2 =	sld [smem:$0x3FB0]  }
0x29: {  	s4 =	sld [smem:$0x3FB2]  }
0x2a: {  	p0 =	seq.s32 s5, $0x0;
	s5 =	sld [smem:$0x3FB3]  }
0x2b: {  	s6 =	sld [smem:$0x3FB4]  }
0x2c: {  	s7 =	sld [smem:$0x3FB5]  }
0x2d: {  	s3 =	simm.s32 $0x108;
	s8 =	sld [smem:$0x3FB6]  }
0x2e: {  	s3 =	simm.s32 @!p0 $0x1082;
	s9 =	sld [smem:$0x3FB7]  }
0x2f: {  	lr =	sadd.s32 s0, s3;
	s0 =	sld [smem:$0x3FAE]  }
0x30: {  	s3 =	sld [smem:$0x3FB1]  }
0x31: {  	[smem:$0x3FBA] =	sst s10  }
0x32: {  	s10 =	sld [smem:$0x3FB8];
	_ =	sdelay $0x3  }
0x33: {  	p0 =	seq.s32 s10, $0x1;
	s10 =	sld [smem:$0x3FBA];
	_ =	sdelay $0x3  }
0x34: {  	[smem:$0x3FBA] =	sst s10  }
0x35: {  	s10 =	sld [smem:$0x3FB9];
	_ =	sdelay $0x3  }
0x36: {  	p1 =	seq.s32 s10, $0x1;
	s10 =	sld [smem:$0x3FBA];
	_ =	sdelay $0x3  }
0x37: {  	[smem:$0x3FBA] =	sst s10  }
0x38: {  	s10 =	sld [smem:$0x3FBB]  }
0x39: {  	_ = 	snop;
	(pc) =	sbr.ind lr, $3  }
0x3a: {  	_ = 	snop  }
0x3b: {  	_ = 	snop  }
0x3c: {  	p2 =	seq.s32 s10, $0x1;
	s10 =	sld [smem:$0x3FBA]  }
0x3d: {  	_ =	shalt  }
0x3e: {  	_ =	shalt  }
0x3f: {  	_ =	shalt  }
0x40: {  	_ =	shalt  }
0x41: {  	_ =	shalt  }
0x42: {  	_ =	shalt  }
0x43: {  	_ =	shalt  }
0x44: {  	_ =	shalt  }
0x45: {  	_ =	shalt  }
0x46: {  	_ =	shalt  }
0x47: {  	_ =	shalt  }
0x48: {  	_ =	shalt  }
0x49: {  	_ =	shalt  }
0x4a: {  	_ =	shalt  }
0x4b: {  	_ =	shalt  }
0x4c: {  	_ =	shalt  }
0x4d: {  	_ =	shalt  }
0x4e: {  	_ =	shalt  }
0x4f: {  	_ =	shalt  }
0x50: {  	_ =	shalt  }
0x51: {  	_ =	shalt  }
0x52: {  	_ =	shalt  }
0x53: {  	_ =	shalt  }
0x54: {  	_ =	shalt  }
0x55: {  	_ =	shalt  }
0x56: {  	_ =	shalt  }
0x57: {  	_ =	shalt  }
0x58: {  	_ =	shalt  }
0x59: {  	_ =	shalt  }
0x5a: {  	_ =	shalt  }
0x5b: {  	_ =	shalt  }
0x5c: {  	_ =	shalt  }
0x5d: {  	_ =	shalt  }
0x5e: {  	_ =	shalt  }
0x5f: {  	_ =	shalt  }
0x60: {  	_ =	shalt  }
0x61: {  	_ =	shalt  }
0x62: {  	_ =	shalt  }
0x63: {  	_ =	shalt  }
0x64: {  	_ =	shalt  }
0x65: {  	_ =	shalt  }
0x66: {  	_ =	shalt  }
0x67: {  	_ =	shalt  }
0x68: {  	_ =	shalt  }
0x69: {  	_ =	shalt  }
0x6a: {  	_ =	shalt  }
0x6b: {  	_ =	shalt  }
0x6c: {  	_ =	shalt  }
0x6d: {  	_ =	shalt  }
0x6e: {  	_ =	shalt  }
0x6f: {  	_ =	shalt  }
0x70: {  	_ =	shalt  }
0x71: {  	_ =	shalt  }
0x72: {  	_ =	shalt  }
0x73: {  	_ =	shalt  }
0x74: {  	_ =	shalt  }
0x75: {  	_ =	shalt  }
0x76: {  	_ =	shalt  }
0x77: {  	_ =	shalt  }
0x78: {  	_ =	shalt  }
0x79: {  	_ =	shalt  }
0x7a: {  	_ =	shalt  }
0x7b: {  	_ =	shalt  }
0x7c: {  	_ =	shalt  }
0x7d: {  	_ =	shalt  }
0x7e: {  	_ =	shalt  }
0x7f: {  	_ =	shalt  }
0x80: {  	_ =	shalt  }
0x81: {  	_ =	shalt  }
0x82: {  	_ =	shalt  }
0x83: {  	_ =	shalt  }
0x84: {  	_ =	shalt  }
0x85: {  	_ =	shalt  }
0x86: {  	_ =	shalt  }
0x87: {  	_ =	shalt  }
.Lfunc_end0:
.L_simem_size_0:
called_computation_lowered:
.L_overlay_start_0:
0x88: {  	s2 =	sld [smem:$0x3FD9]  }
0x89: {  	s3 =	sld [smem:$0x3FFE];
	_ =	sdelay $0x1  }
0x8a: {  	s1 =	srdreg.scid  }
0x8b: {  	s0 =	sand.u32 $0x1, s1  }
0x8c: {  	s18 =	sshll.u32 s0, $0xA;
	s2 =	sadd.s32 s3, s2  }
0x8d: {  	s2 =	sadd.s32 s2, s18  }
0x8e: {  	[smem:$0x3FC6] =	sst s2  }
0x8f: {  	_ = 	snop  }
0x90: {  	s2 =	sld [smem:$0x3FC9]  }
0x91: {  	s19 =	sld [smem:$0x3FC8]  }
0x92: {  	s4 =	sld [smem:$0x3FD0];
	(tm) =	ssettm $0x1  }
0x93: {  	s5 =	sld [smem:$0x3FFB];
	_ =	sdelay $0x3  }
0x94: {  	_ =	strace s5  }
0x95: {  	s5 =	sld [smem:$0x3FFC];
	_ =	sdelay $0x3  }
0x96: {  	_ =	strace s5  }
0x97: {  	s5 =	sld [smem:$0x3FFD];
	_ =	sdelay $0x3  }
0x98: {  	_ =	strace s5  }
0x99: {  	_ =	strace $0x8FFFFFFF  }
0x9a: {  	s20 =	sld [smem:$0x3FDB];
	_ =	sdelay $0x1  }
0x9b: {  	s6 =	simm.s32 $_scs_section_size  }
0x9c: {  	s7 =	simm.s32 $_size__tile_overlayer_lowered;
	s8 =	simm.s32 $_tile_overlayer_lowered  }
0x9d: {  	s23 =	simm.s32 $0x1BFF;
	s22 =	sshll.u32 s8, $0x1;
	s5 =	sadd.s32 s6, s20  }
0x9e: {  	s9 =	simm.s32 $0x0;
	s21 =	sshll.u32 s7, $0x1;
	s7 =	sadd.s32 s22, s5  }
0x9f: {  	[timem:s9], [sflag:s23] =	dma.local [hbm:s7], s21  }
0xa0: {  	_ =	swait.ge [sflag:s23], s21  }
0xa1: {  	s6 =	ssub.s32 $0x0, s21;
	[sflag:s23] =	ssyncset.done $0x0  }
0xa2: {  	[sflag:s23] =	ssyncadd.s32 s6;
	_ =	sdelay $0x1  }
0xa3: {  	s24 =	simm.s32 $0x1B8B  }
0xa4: {  	_ =	swait.ge [sflag:s24], $0x1  }
0xa5: {  	[sflag:s24] =	ssyncset.done $0x0  }
0xa6: {  	s25 =	simm.s32 $0x1B8E;
	[sflag:s24] =	ssyncadd.s32 $0xFFFFFFFF  }
0xa7: {  	s26 =	simm.s32 $execute0_lowered;
	[smem:$0x3FD2] =	sst s25  }
0xa8: {  	s6 =	sshll.u32 s26, $0x1;
	_ =	strace $0x80000046;
	[dreg:$0x1] =	wrdreg $0xFFFFFFFF  }
0xa9: {  	s28 =	simm.s32 $_size_execute0_lowered;
	s5 =	sadd.s32 s5, s6;
	[dreg:$0x0] =	wrdreg $0x0  }
0xaa: {  	s6 =	sshll.u32 s28, $0x1;
	[dreg:$0x2] =	wrdreg s5  }
0xab: {  	[dreg:$0x3] =	wrdreg s6  }
0xac: {  	[dreg:$0x4] =	wrdreg $0xC0  }
0xad: {  	_ =	task [dreg:s9], $0x5FFFF  }
0xae: {  	[dreg:$0x1] =	wrdreg $0xFFFFFFFF  }
0xaf: {  	[dreg:$0x0] =	wrdreg $0x60  }
0xb0: {  	[dreg:$0x2] =	wrdreg s2  }
0xb1: {  	[dreg:$0x3] =	wrdreg s19  }
0xb2: {  	[dreg:$0x4] =	wrdreg s4  }
0xb3: {  	[dreg:$0x5] =	wrdreg $0x9  }
0xb4: {  	_ =	task.clear_ibuf [dreg:s9], $0x6FFFF;
	_ =	strace $0x90000046  }
0xb5: {  	s29 =	simm.s32 $0x9;
	_ =	strace $0x80000048  }
0xb6: {  	_ =	swait.ge [sflag:s29], $0x1  }
0xb7: {  	[sflag:s29] =	ssyncadd.s32 $0xFFFFFFFF  }
0xb8: {  	_ =	strace $0x90000048  }
0xb9: {  	_ =	sfence  }
0xba: {  	s30 =	sld [smem:$0x0];
	_ =	sdelay $0x2  }
0xbb: {  	s31 =	sshll.u32 s1, $0xD;
	s1 =	sshrl.u32 s1, $0x2  }
0xbc: {  	s3 =	sand.u32 $0x4000, s31;
	s1 =	sadd.s32 s1, s30  }
0xbd: {  	s0 =	sor.u32 s3, s0;
	s1 =	sshll.u32 s1, $0x11  }
0xbe: {  	s0 =	sor.u32 s1, s0  }
0xbf: {  	s0 =	sadd.s32 $0x8F2B, s0  }
0xc0: {  	[sflag:s0] =	ssyncadd.remote.s32 $0x1  }
0xc1: {  	_ =	sfence.sel $0xFFFF  }
0xc2: {  	[dreg:$0x0] =	wrdreg $0xFFFFFFFF;
	(pc) =	sbr.abs _section_cstart, $3  }
0xc3: {  	[dreg:$0x1] =	wrdreg $0xFFFFFFFF  }
0xc4: {  	_ =	task.clear_ibuf [dreg:s9], $0x2FFFF;
	_ =	strace $0x9FFFFFFF  }
0xc5: {  	(tm) =	ssettm $0x7FFFFFFF  }
tec
execute0_lowered:
.L_overlay_start_1:
0x0: {  	(tag) =	ssettag $0x1  }
0x1: {  	s1 =	rddreg [dreg:$0x0]  }
0x2: {  	s2 =	rddreg [dreg:$0x1]  }
0x3: {  	s3 =	rddreg [dreg:$0x2]  }
0x4: {  	s5 =	simm.s32 $0x0;
	s0 =	srdreg.scid;
	s7 =	stileid.u32  }
0x5: {  	s15 =	simm.s32 $0x1;
	s16 =	simm.s32 $0x1000;
	s17 =	simm.s32 $0x80  }
0x6: {  	s19 =	simm.s32 $0x4000;
	s28 =	simm.s32 $0x5000;
	s23 =	simm.s32 $0x2  }
0x7: {  	s25 =	simm.s32 $0x5800;
	s11 =	simm.s32 $0x5D80;
	s12 =	simm.s32 $0x3E00  }
0x8: {  	s13 =	simm.s32 $0x5E00;
	s14 =	simm.s32 $0x3E80;
	s18 =	simm.s32 $0x5E80  }
0x9: {  	s20 =	simm.s32 $0x5F00;
	s21 =	simm.s32 $0x3F80;
	s0 =	sand.u32 $0x1, s0  }
0xa: {  	s22 =	simm.s32 $0x5F80;
	s4 =	ssub.s32 $0x2, s0;
	s0 =	sshll.u32 s0, $0x4  }
0xb: {  	[smem:$0x7FF] =	sst s5;
	s6 =	sshrl.u32 s4, $0x1;
	s0 =	sor.u32 s7, s0  }
0xc: {  	_ =	strace $0x80000047;
	s4 =	ssub.s32 s4, s6;
	s7 =	sshll.u32 s0, $0xD  }
0xd: {  	s6 =	sshll.u32 s0, $0xF;
	s0 =	sshll.u32 s0, $0xC;
	s7 =	sadd.s32 s1, s7  }
0xe: {  	s0 =	sadd.s32 s0, s3;
	s31 =	smax.u32 s4, $0x1;
	[dreg:$0x4] =	wrdreg s7  }
0xf: {  	s24 =	simm.s32 $0x0;
	s29 =	sadd.s32 $0xD00, s0;
	[dreg:$0x8] =	wrdreg s31  }
0x10: {  	s8 =	sadd.s32 $0xFFFFE800, s6;
	s30 =	sadd.s32 $0xE00, s0;
	[dreg:$0x5] =	wrdreg s29  }
0x11: {  	s9 =	sadd.s32 $0xFFFFF000, s6;
	s0 =	sadd.s32 $0xF00, s0;
	[dreg:$0x6] =	wrdreg s30  }
0x12: {  	s10 =	sadd.s32 $0xFFFFF800, s6;
	s4 =	simm.s32 $0x3F00;
	[dreg:$0x7] =	wrdreg s0  }
.LBB2_1:
0x13: {  	[dreg:$0x9] =	wrdreg s24  }
0x14: {  	s0 =	rddreg [dreg:$0x4];
	s24 =	simm.s32 $0x0  }
0x15: {  	[tilespmem:s5], [sflag:$0x1] =	stream.linear.gather [hbm4b:s0+s5], $0x1000, $0x38;
	[tilespmem:$0x6000] =	vst v63  }
.LBB2_2:
0x16: {  	s29 =	sshll.u32 s24, $0xD  }
0x17: {  	s26 =	sor.u32 s29, s6  }
0x18: {  	_ =	swait.ge [sflag:s15], $0x1000;
	s0 =	sshrl.u32 s26, $0x2  }
0x19: {  	s7 =	simm.s32 $0x0;
	[sflag:s15] =	ssyncset.done $0x0;
	s30 =	sadd.s32 s0, s1  }
0x1a: {  	s31 =	simm.s32 $0x80;
	[sflag:s15] =	ssyncadd.s32 $0xFFFFF000;
	s0 =	sadd.s32 $0x200, s30  }
0x1b: {  	[tilespmem:s16], [sflag:$0x1] =	stream.linear.gather [hbm4b:s0+s7], $0x1000, $0x38;
	[tilespmem:$0x6000] =	vst v63  }
0x1c: {  	v0 =	vld [tilespmem:s31+$0xFFFFFF80]  }
0x1d: {  	v1 =	vld [tilespmem:s31+$0x0];
	_ =	sdelay $0x3  }
0x1e: {  	v0 =	vadd.f32 $1.000000000e+00, v0  }
0x1f: {  	v1 =	vadd.f32 $1.000000000e+00, v1  }
0x20: {  	v0 =	vmul.f32 $2.048000000e+03, v0  }
0x21: {  	v1 =	vmul.f32 $2.048000000e+03, v1  }
0x22: {  	v0 =	vadd.f32 $8.388608000e+06, v0  }
0x23: {  	v1 =	vadd.f32 $8.388608000e+06, v1  }
0x24: {  	vm0 =	vlt.s32 v0, $0x4B000FFF  }
0x25: {  	vm13 =	vlt.s32 v1, $0x4B000FFF;
	v0 =	vnsel vm0, $0x4B000FFF, v0  }
0x26: {  	v1 =	vnsel vm13, $0x4B000FFF, v1;
	v2 =	vshll.u32 v0, $0x7  }
0x27: {  	v0 =	vshll.u32 v0, $0xC;
	v3 =	vand.u32 $0x7F, v1;
	v2 =	vand.u32 $0x380, v2  }
0x28: {  	v1 =	vshll.u32 v1, $0x3;
	v0 =	vand.u32 $0xFFFF8000, v0;
	v2 =	vor.u32 v2, v3  }
0x29: {  	v1 =	vand.u32 $0xFFFFFC00, v1;
	v0 =	vor.u32 v2, v0  }
0x2a: {  	v0 =	vadd.s32 v1, v0  }
0x2b: {  	s0 =	simm.s32 $0x0;
	v0 =	vadd.s32 $0xA8000000, v0  }
0x2c: {  	[tilespmem:s0+$0x2000] =	vst v0  }
0x2d: {  	v0 =	vld [tilespmem:s31+$0xFFFFFF90]  }
0x2e: {  	v1 =	vld [tilespmem:s31+$0x10];
	_ =	sdelay $0x3  }
0x2f: {  	v0 =	vadd.f32 $1.000000000e+00, v0  }
0x30: {  	v1 =	vadd.f32 $1.000000000e+00, v1  }
0x31: {  	v0 =	vmul.f32 $2.048000000e+03, v0  }
0x32: {  	v1 =	vmul.f32 $2.048000000e+03, v1  }
0x33: {  	v0 =	vadd.f32 $8.388608000e+06, v0  }
0x34: {  	v1 =	vadd.f32 $8.388608000e+06, v1  }
0x35: {  	vm14 =	vlt.s32 v0, $0x4B000FFF  }
0x36: {  	vm15 =	vlt.s32 v1, $0x4B000FFF;
	v0 =	vnsel vm14, $0x4B000FFF, v0  }
0x37: {  	v1 =	vnsel vm15, $0x4B000FFF, v1;
	v2 =	vshll.u32 v0, $0x7  }
0x38: {  	v0 =	vshll.u32 v0, $0xC;
	v3 =	vand.u32 $0x7F, v1;
	v2 =	vand.u32 $0x380, v2  }
0x39: {  	v1 =	vshll.u32 v1, $0x3;
	v0 =	vand.u32 $0xFFFF8000, v0;
	v2 =	vor.u32 v2, v3  }
0x3a: {  	v1 =	vand.u32 $0xFFFFFC00, v1;
	v0 =	vor.u32 v2, v0  }
0x3b: {  	v0 =	vadd.s32 v1, v0  }
0x3c: {  	v0 =	vadd.s32 $0xA8000000, v0  }
0x3d: {  	[tilespmem:s0+$0x2010] =	vst v0  }
0x3e: {  	v0 =	vld [tilespmem:s31+$0xFFFFFFA0]  }
0x3f: {  	v1 =	vld [tilespmem:s31+$0x20];
	_ =	sdelay $0x3  }
0x40: {  	v0 =	vadd.f32 $1.000000000e+00, v0  }
0x41: {  	v1 =	vadd.f32 $1.000000000e+00, v1  }
0x42: {  	v0 =	vmul.f32 $2.048000000e+03, v0  }
0x43: {  	v1 =	vmul.f32 $2.048000000e+03, v1  }
0x44: {  	v0 =	vadd.f32 $8.388608000e+06, v0  }
0x45: {  	v1 =	vadd.f32 $8.388608000e+06, v1  }
0x46: {  	vm4 =	vlt.s32 v0, $0x4B000FFF  }
0x47: {  	vm5 =	vlt.s32 v1, $0x4B000FFF;
	v0 =	vnsel vm4, $0x4B000FFF, v0  }
0x48: {  	v1 =	vnsel vm5, $0x4B000FFF, v1;
	v2 =	vshll.u32 v0, $0x7  }
0x49: {  	v0 =	vshll.u32 v0, $0xC;
	v3 =	vand.u32 $0x7F, v1;
	v2 =	vand.u32 $0x380, v2  }
0x4a: {  	v1 =	vshll.u32 v1, $0x3;
	v0 =	vand.u32 $0xFFFF8000, v0;
	v2 =	vor.u32 v2, v3  }
0x4b: {  	v1 =	vand.u32 $0xFFFFFC00, v1;
	v0 =	vor.u32 v2, v0  }
0x4c: {  	v0 =	vadd.s32 v1, v0  }
0x4d: {  	v0 =	vadd.s32 $0xA8000000, v0  }
0x4e: {  	[tilespmem:s0+$0x2020] =	vst v0  }
0x4f: {  	v0 =	vld [tilespmem:s31+$0xFFFFFFB0]  }
0x50: {  	v1 =	vld [tilespmem:s31+$0x30];
	_ =	sdelay $0x3  }
0x51: {  	v0 =	vadd.f32 $1.000000000e+00, v0  }
0x52: {  	v1 =	vadd.f32 $1.000000000e+00, v1  }
0x53: {  	v0 =	vmul.f32 $2.048000000e+03, v0  }
0x54: {  	v1 =	vmul.f32 $2.048000000e+03, v1  }
0x55: {  	v0 =	vadd.f32 $8.388608000e+06, v0  }
0x56: {  	v1 =	vadd.f32 $8.388608000e+06, v1  }
0x57: {  	vm6 =	vlt.s32 v0, $0x4B000FFF  }
0x58: {  	vm7 =	vlt.s32 v1, $0x4B000FFF;
	v0 =	vnsel vm6, $0x4B000FFF, v0  }
0x59: {  	v1 =	vnsel vm7, $0x4B000FFF, v1;
	v2 =	vshll.u32 v0, $0x7  }
0x5a: {  	v0 =	vshll.u32 v0, $0xC;
	v3 =	vand.u32 $0x7F, v1;
	v2 =	vand.u32 $0x380, v2  }
0x5b: {  	v1 =	vshll.u32 v1, $0x3;
	v0 =	vand.u32 $0xFFFF8000, v0;
	v2 =	vor.u32 v2, v3  }
0x5c: {  	v1 =	vand.u32 $0xFFFFFC00, v1;
	v0 =	vor.u32 v2, v0  }
0x5d: {  	v0 =	vadd.s32 v1, v0  }
0x5e: {  	v0 =	vadd.s32 $0xA8000000, v0  }
0x5f: {  	[tilespmem:s0+$0x2030] =	vst v0  }
0x60: {  	v0 =	vld [tilespmem:s31+$0xFFFFFFC0]  }
0x61: {  	v1 =	vld [tilespmem:s31+$0x40];
	_ =	sdelay $0x3  }
0x62: {  	v0 =	vadd.f32 $1.000000000e+00, v0  }
0x63: {  	v1 =	vadd.f32 $1.000000000e+00, v1  }
0x64: {  	v0 =	vmul.f32 $2.048000000e+03, v0  }
0x65: {  	v1 =	vmul.f32 $2.048000000e+03, v1  }
0x66: {  	v0 =	vadd.f32 $8.388608000e+06, v0  }
0x67: {  	v1 =	vadd.f32 $8.388608000e+06, v1  }
0x68: {  	vm8 =	vlt.s32 v0, $0x4B000FFF  }
0x69: {  	vm9 =	vlt.s32 v1, $0x4B000FFF;
	v0 =	vnsel vm8, $0x4B000FFF, v0  }
0x6a: {  	v1 =	vnsel vm9, $0x4B000FFF, v1;
	v2 =	vshll.u32 v0, $0x7  }
0x6b: {  	v0 =	vshll.u32 v0, $0xC;
	v3 =	vand.u32 $0x7F, v1;
	v2 =	vand.u32 $0x380, v2  }
0x6c: {  	v1 =	vshll.u32 v1, $0x3;
	v0 =	vand.u32 $0xFFFF8000, v0;
	v2 =	vor.u32 v2, v3  }
0x6d: {  	v1 =	vand.u32 $0xFFFFFC00, v1;
	v0 =	vor.u32 v2, v0  }
0x6e: {  	v0 =	vadd.s32 v1, v0  }
0x6f: {  	v0 =	vadd.s32 $0xA8000000, v0  }
0x70: {  	[tilespmem:s0+$0x2040] =	vst v0  }
0x71: {  	v0 =	vld [tilespmem:s31+$0xFFFFFFD0]  }
0x72: {  	v1 =	vld [tilespmem:s31+$0x50];
	_ =	sdelay $0x3  }
0x73: {  	v0 =	vadd.f32 $1.000000000e+00, v0  }
0x74: {  	v1 =	vadd.f32 $1.000000000e+00, v1  }
0x75: {  	v0 =	vmul.f32 $2.048000000e+03, v0  }
0x76: {  	v1 =	vmul.f32 $2.048000000e+03, v1  }
0x77: {  	v0 =	vadd.f32 $8.388608000e+06, v0  }
0x78: {  	v1 =	vadd.f32 $8.388608000e+06, v1  }
0x79: {  	vm10 =	vlt.s32 v0, $0x4B000FFF  }
0x7a: {  	vm11 =	vlt.s32 v1, $0x4B000FFF;
	v0 =	vnsel vm10, $0x4B000FFF, v0  }
0x7b: {  	v1 =	vnsel vm11, $0x4B000FFF, v1;
	v2 =	vshll.u32 v0, $0x7  }
0x7c: {  	v0 =	vshll.u32 v0, $0xC;
	v3 =	vand.u32 $0x7F, v1;
	v2 =	vand.u32 $0x380, v2  }
0x7d: {  	v1 =	vshll.u32 v1, $0x3;
	v0 =	vand.u32 $0xFFFF8000, v0;
	v2 =	vor.u32 v2, v3  }
0x7e: {  	v1 =	vand.u32 $0xFFFFFC00, v1;
	v0 =	vor.u32 v2, v0  }
0x7f: {  	v0 =	vadd.s32 v1, v0  }
0x80: {  	v0 =	vadd.s32 $0xA8000000, v0  }
0x81: {  	[tilespmem:s0+$0x2050] =	vst v0  }
0x82: {  	v0 =	vld [tilespmem:s31+$0xFFFFFFE0]  }
0x83: {  	v1 =	vld [tilespmem:s31+$0x60];
	_ =	sdelay $0x3  }
0x84: {  	v0 =	vadd.f32 $1.000000000e+00, v0  }
0x85: {  	v1 =	vadd.f32 $1.000000000e+00, v1  }
0x86: {  	v0 =	vmul.f32 $2.048000000e+03, v0  }
0x87: {  	v1 =	vmul.f32 $2.048000000e+03, v1  }
0x88: {  	v0 =	vadd.f32 $8.388608000e+06, v0  }
0x89: {  	v1 =	vadd.f32 $8.388608000e+06, v1  }
0x8a: {  	vm12 =	vlt.s32 v0, $0x4B000FFF  }
0x8b: {  	vm13 =	vlt.s32 v1, $0x4B000FFF;
	v0 =	vnsel vm12, $0x4B000FFF, v0  }
0x8c: {  	v1 =	vnsel vm13, $0x4B000FFF, v1;
	v2 =	vshll.u32 v0, $0x7  }
0x8d: {  	v0 =	vshll.u32 v0, $0xC;
	v3 =	vand.u32 $0x7F, v1;
	v2 =	vand.u32 $0x380, v2  }
0x8e: {  	v1 =	vshll.u32 v1, $0x3;
	v0 =	vand.u32 $0xFFFF8000, v0;
	v2 =	vor.u32 v2, v3  }
0x8f: {  	v1 =	vand.u32 $0xFFFFFC00, v1;
	v0 =	vor.u32 v2, v0  }
0x90: {  	v0 =	vadd.s32 v1, v0  }
0x91: {  	v0 =	vadd.s32 $0xA8000000, v0  }
0x92: {  	[tilespmem:s0+$0x2060] =	vst v0  }
0x93: {  	v0 =	vld [tilespmem:s31+$0xFFFFFFF0]  }
0x94: {  	v1 =	vld [tilespmem:s31+$0x70];
	_ =	sdelay $0x3  }
0x95: {  	v0 =	vadd.f32 $1.000000000e+00, v0  }
0x96: {  	v1 =	vadd.f32 $1.000000000e+00, v1  }
0x97: {  	v0 =	vmul.f32 $2.048000000e+03, v0  }
0x98: {  	v1 =	vmul.f32 $2.048000000e+03, v1  }
0x99: {  	v0 =	vadd.f32 $8.388608000e+06, v0  }
0x9a: {  	v1 =	vadd.f32 $8.388608000e+06, v1  }
0x9b: {  	vm14 =	vlt.s32 v0, $0x4B000FFF  }
0x9c: {  	vm15 =	vlt.s32 v1, $0x4B000FFF;
	v0 =	vnsel vm14, $0x4B000FFF, v0  }
0x9d: {  	v1 =	vnsel vm15, $0x4B000FFF, v1;
	v2 =	vshll.u32 v0, $0x7  }
0x9e: {  	v0 =	vshll.u32 v0, $0xC;
	v3 =	vand.u32 $0x7F, v1;
	v2 =	vand.u32 $0x380, v2  }
0x9f: {  	v1 =	vshll.u32 v1, $0x3;
	v0 =	vand.u32 $0xFFFF8000, v0;
	v2 =	vor.u32 v2, v3  }
0xa0: {  	v1 =	vand.u32 $0xFFFFFC00, v1;
	v0 =	vor.u32 v2, v0  }
0xa1: {  	v0 =	vadd.s32 v1, v0  }
0xa2: {  	s7 =	simm.s32 $0x200;
	v0 =	vadd.s32 $0xA8000000, v0  }
.LBB2_3:
0xa3: {  	p0 =	sne.s32 s7, $0x1E00  }
0xa4: {  	[tilespmem:s0+$0x2070] =	vst v0;
	s31 =	sadd.s32 $0x100, s31;
	s0 =	smov.u32 s7;
	s7 =	sadd.s32 $0x200, s7  }
0xa5: {  	v0 =	vld [tilespmem:s31+$0xFFFFFF80]  }
0xa6: {  	v1 =	vld [tilespmem:s31+$0x0];
	_ =	sdelay $0x3  }
0xa7: {  	v0 =	vadd.f32 $1.000000000e+00, v0  }
0xa8: {  	v1 =	vadd.f32 $1.000000000e+00, v1  }
0xa9: {  	v0 =	vmul.f32 $2.048000000e+03, v0  }
0xaa: {  	v1 =	vmul.f32 $2.048000000e+03, v1  }
0xab: {  	v0 =	vadd.f32 $8.388608000e+06, v0  }
0xac: {  	v1 =	vadd.f32 $8.388608000e+06, v1  }
0xad: {  	vm0 =	vlt.s32 v0, $0x4B000FFF  }
0xae: {  	v0 =	vnsel vm0, $0x4B000FFF, v0;
	vm0 =	vlt.s32 v1, $0x4B000FFF  }
0xaf: {  	v1 =	vnsel vm0, $0x4B000FFF, v1;
	v2 =	vshll.u32 v0, $0xC;
	v0 =	vshll.u32 v0, $0x7  }
0xb0: {  	v0 =	vand.u32 $0x380, v0;
	v3 =	vand.u32 $0x7F, v1  }
0xb1: {  	v2 =	vand.u32 $0xFFFF8000, v2;
	v1 =	vshll.u32 v1, $0x3;
	v0 =	vor.u32 v0, v3  }
0xb2: {  	v1 =	vand.u32 $0xFFFFFC00, v1;
	v0 =	vor.u32 v0, v2  }
0xb3: {  	v0 =	vadd.s32 v1, v0  }
0xb4: {  	s0 =	sshra.s32 s0, $0x2;
	v0 =	vadd.s32 $0xA8000000, v0  }
0xb5: {  	[tilespmem:s0+$0x2000] =	vst v0  }
0xb6: {  	v0 =	vld [tilespmem:s31+$0xFFFFFF90]  }
0xb7: {  	v1 =	vld [tilespmem:s31+$0x10];
	_ =	sdelay $0x3  }
0xb8: {  	v0 =	vadd.f32 $1.000000000e+00, v0  }
0xb9: {  	v1 =	vadd.f32 $1.000000000e+00, v1  }
0xba: {  	v0 =	vmul.f32 $2.048000000e+03, v0  }
0xbb: {  	v1 =	vmul.f32 $2.048000000e+03, v1  }
0xbc: {  	v0 =	vadd.f32 $8.388608000e+06, v0  }
0xbd: {  	v1 =	vadd.f32 $8.388608000e+06, v1  }
0xbe: {  	vm0 =	vlt.s32 v0, $0x4B000FFF  }
0xbf: {  	v0 =	vnsel vm0, $0x4B000FFF, v0;
	vm0 =	vlt.s32 v1, $0x4B000FFF  }
0xc0: {  	v1 =	vnsel vm0, $0x4B000FFF, v1;
	v2 =	vshll.u32 v0, $0xC;
	v0 =	vshll.u32 v0, $0x7  }
0xc1: {  	v0 =	vand.u32 $0x380, v0;
	v3 =	vshll.u32 v1, $0x3;
	v1 =	vand.u32 $0x7F, v1  }
0xc2: {  	v2 =	vand.u32 $0xFFFF8000, v2;
	v0 =	vor.u32 v0, v1  }
0xc3: {  	v1 =	vand.u32 $0xFFFFFC00, v3;
	v0 =	vor.u32 v0, v2  }
0xc4: {  	v0 =	vadd.s32 v1, v0  }
0xc5: {  	v0 =	vadd.s32 $0xA8000000, v0  }
0xc6: {  	[tilespmem:s0+$0x2010] =	vst v0  }
0xc7: {  	v0 =	vld [tilespmem:s31+$0xFFFFFFA0]  }
0xc8: {  	v1 =	vld [tilespmem:s31+$0x20];
	_ =	sdelay $0x3  }
0xc9: {  	v0 =	vadd.f32 $1.000000000e+00, v0  }
0xca: {  	v1 =	vadd.f32 $1.000000000e+00, v1  }
0xcb: {  	v0 =	vmul.f32 $2.048000000e+03, v0  }
0xcc: {  	v1 =	vmul.f32 $2.048000000e+03, v1  }
0xcd: {  	v0 =	vadd.f32 $8.388608000e+06, v0  }
0xce: {  	v1 =	vadd.f32 $8.388608000e+06, v1  }
0xcf: {  	vm0 =	vlt.s32 v0, $0x4B000FFF  }
0xd0: {  	v0 =	vnsel vm0, $0x4B000FFF, v0;
	vm0 =	vlt.s32 v1, $0x4B000FFF  }
0xd1: {  	v1 =	vnsel vm0, $0x4B000FFF, v1;
	v2 =	vshll.u32 v0, $0xC;
	v0 =	vshll.u32 v0, $0x7  }
0xd2: {  	v0 =	vand.u32 $0x380, v0;
	v3 =	vand.u32 $0x7F, v1  }
0xd3: {  	v2 =	vand.u32 $0xFFFF8000, v2;
	v1 =	vshll.u32 v1, $0x3;
	v0 =	vor.u32 v0, v3  }
0xd4: {  	v1 =	vand.u32 $0xFFFFFC00, v1;
	v0 =	vor.u32 v0, v2  }
0xd5: {  	v0 =	vadd.s32 v1, v0  }
0xd6: {  	v0 =	vadd.s32 $0xA8000000, v0  }
0xd7: {  	[tilespmem:s0+$0x2020] =	vst v0  }
0xd8: {  	v0 =	vld [tilespmem:s31+$0xFFFFFFB0]  }
0xd9: {  	v1 =	vld [tilespmem:s31+$0x30];
	_ =	sdelay $0x3  }
0xda: {  	v0 =	vadd.f32 $1.000000000e+00, v0  }
0xdb: {  	v1 =	vadd.f32 $1.000000000e+00, v1  }
0xdc: {  	v0 =	vmul.f32 $2.048000000e+03, v0  }
0xdd: {  	v1 =	vmul.f32 $2.048000000e+03, v1  }
0xde: {  	v0 =	vadd.f32 $8.388608000e+06, v0  }
0xdf: {  	v1 =	vadd.f32 $8.388608000e+06, v1  }
0xe0: {  	vm0 =	vlt.s32 v0, $0x4B000FFF  }
0xe1: {  	v0 =	vnsel vm0, $0x4B000FFF, v0;
	vm0 =	vlt.s32 v1, $0x4B000FFF  }
0xe2: {  	v1 =	vnsel vm0, $0x4B000FFF, v1;
	v2 =	vshll.u32 v0, $0xC;
	v0 =	vshll.u32 v0, $0x7  }
0xe3: {  	v0 =	vand.u32 $0x380, v0;
	v3 =	vand.u32 $0x7F, v1  }
0xe4: {  	v2 =	vand.u32 $0xFFFF8000, v2;
	v1 =	vshll.u32 v1, $0x3;
	v0 =	vor.u32 v0, v3  }
0xe5: {  	v1 =	vand.u32 $0xFFFFFC00, v1;
	v0 =	vor.u32 v0, v2  }
0xe6: {  	v0 =	vadd.s32 v1, v0  }
0xe7: {  	v0 =	vadd.s32 $0xA8000000, v0  }
0xe8: {  	[tilespmem:s0+$0x2030] =	vst v0  }
0xe9: {  	v0 =	vld [tilespmem:s31+$0xFFFFFFC0]  }
0xea: {  	v1 =	vld [tilespmem:s31+$0x40];
	_ =	sdelay $0x3  }
0xeb: {  	v0 =	vadd.f32 $1.000000000e+00, v0  }
0xec: {  	v1 =	vadd.f32 $1.000000000e+00, v1  }
0xed: {  	v0 =	vmul.f32 $2.048000000e+03, v0  }
0xee: {  	v1 =	vmul.f32 $2.048000000e+03, v1  }
0xef: {  	v0 =	vadd.f32 $8.388608000e+06, v0  }
0xf0: {  	v1 =	vadd.f32 $8.388608000e+06, v1  }
0xf1: {  	vm0 =	vlt.s32 v0, $0x4B000FFF  }
0xf2: {  	v0 =	vnsel vm0, $0x4B000FFF, v0;
	vm0 =	vlt.s32 v1, $0x4B000FFF  }
0xf3: {  	v1 =	vnsel vm0, $0x4B000FFF, v1;
	v2 =	vshll.u32 v0, $0xC;
	v0 =	vshll.u32 v0, $0x7  }
0xf4: {  	v0 =	vand.u32 $0x380, v0;
	v3 =	vshll.u32 v1, $0x3;
	v1 =	vand.u32 $0x7F, v1  }
0xf5: {  	v2 =	vand.u32 $0xFFFF8000, v2;
	v0 =	vor.u32 v0, v1  }
0xf6: {  	v1 =	vand.u32 $0xFFFFFC00, v3;
	v0 =	vor.u32 v0, v2  }
0xf7: {  	v0 =	vadd.s32 v1, v0  }
0xf8: {  	v0 =	vadd.s32 $0xA8000000, v0  }
0xf9: {  	[tilespmem:s0+$0x2040] =	vst v0  }
0xfa: {  	v0 =	vld [tilespmem:s31+$0xFFFFFFD0]  }
0xfb: {  	v1 =	vld [tilespmem:s31+$0x50];
	_ =	sdelay $0x3  }
0xfc: {  	v0 =	vadd.f32 $1.000000000e+00, v0  }
0xfd: {  	v1 =	vadd.f32 $1.000000000e+00, v1  }
0xfe: {  	v0 =	vmul.f32 $2.048000000e+03, v0  }
0xff: {  	v1 =	vmul.f32 $2.048000000e+03, v1  }
0x100: {  	v0 =	vadd.f32 $8.388608000e+06, v0  }
0x101: {  	v1 =	vadd.f32 $8.388608000e+06, v1  }
0x102: {  	vm0 =	vlt.s32 v0, $0x4B000FFF  }
0x103: {  	v0 =	vnsel vm0, $0x4B000FFF, v0;
	vm0 =	vlt.s32 v1, $0x4B000FFF  }
0x104: {  	v1 =	vnsel vm0, $0x4B000FFF, v1;
	v2 =	vshll.u32 v0, $0xC;
	v0 =	vshll.u32 v0, $0x7  }
0x105: {  	v0 =	vand.u32 $0x380, v0;
	v3 =	vshll.u32 v1, $0x3;
	v1 =	vand.u32 $0x7F, v1  }
0x106: {  	v2 =	vand.u32 $0xFFFF8000, v2;
	v0 =	vor.u32 v0, v1  }
0x107: {  	v1 =	vand.u32 $0xFFFFFC00, v3;
	v0 =	vor.u32 v0, v2  }
0x108: {  	v0 =	vadd.s32 v1, v0  }
0x109: {  	v0 =	vadd.s32 $0xA8000000, v0  }
0x10a: {  	[tilespmem:s0+$0x2050] =	vst v0  }
0x10b: {  	v0 =	vld [tilespmem:s31+$0xFFFFFFE0]  }
0x10c: {  	v1 =	vld [tilespmem:s31+$0x60];
	_ =	sdelay $0x3  }
0x10d: {  	v0 =	vadd.f32 $1.000000000e+00, v0  }
0x10e: {  	v1 =	vadd.f32 $1.000000000e+00, v1  }
0x10f: {  	v0 =	vmul.f32 $2.048000000e+03, v0  }
0x110: {  	v1 =	vmul.f32 $2.048000000e+03, v1  }
0x111: {  	v0 =	vadd.f32 $8.388608000e+06, v0  }
0x112: {  	v1 =	vadd.f32 $8.388608000e+06, v1  }
0x113: {  	vm0 =	vlt.s32 v0, $0x4B000FFF  }
0x114: {  	v0 =	vnsel vm0, $0x4B000FFF, v0;
	vm0 =	vlt.s32 v1, $0x4B000FFF  }
0x115: {  	v1 =	vnsel vm0, $0x4B000FFF, v1;
	v2 =	vshll.u32 v0, $0xC;
	v0 =	vshll.u32 v0, $0x7  }
0x116: {  	v0 =	vand.u32 $0x380, v0;
	v3 =	vshll.u32 v1, $0x3;
	v1 =	vand.u32 $0x7F, v1  }
0x117: {  	v2 =	vand.u32 $0xFFFF8000, v2;
	v0 =	vor.u32 v0, v1  }
0x118: {  	v1 =	vand.u32 $0xFFFFFC00, v3;
	v0 =	vor.u32 v0, v2  }
0x119: {  	v0 =	vadd.s32 v1, v0  }
0x11a: {  	v0 =	vadd.s32 $0xA8000000, v0  }
0x11b: {  	[tilespmem:s0+$0x2060] =	vst v0  }
0x11c: {  	v0 =	vld [tilespmem:s31+$0xFFFFFFF0]  }
0x11d: {  	v1 =	vld [tilespmem:s31+$0x70];
	_ =	sdelay $0x3  }
0x11e: {  	v0 =	vadd.f32 $1.000000000e+00, v0  }
0x11f: {  	v1 =	vadd.f32 $1.000000000e+00, v1  }
0x120: {  	v0 =	vmul.f32 $2.048000000e+03, v0  }
0x121: {  	v1 =	vmul.f32 $2.048000000e+03, v1  }
0x122: {  	v0 =	vadd.f32 $8.388608000e+06, v0  }
0x123: {  	v1 =	vadd.f32 $8.388608000e+06, v1  }
0x124: {  	vm0 =	vlt.s32 v0, $0x4B000FFF  }
0x125: {  	v0 =	vnsel vm0, $0x4B000FFF, v0;
	vm0 =	vlt.s32 v1, $0x4B000FFF  }
0x126: {  	v1 =	vnsel vm0, $0x4B000FFF, v1;
	v2 =	vshll.u32 v0, $0xC;
	v0 =	vshll.u32 v0, $0x7  }
.Ltmp0:
0x127: {  	v0 =	vand.u32 $0x380, v0;
	v3 =	vshll.u32 v1, $0x3;
	v1 =	vand.u32 $0x7F, v1;
	(pc) =	sbr.rel @p0 .LBB2_3-.Ltmp0, $4  }
0x128: {  	v2 =	vand.u32 $0xFFFF8000, v2;
	v0 =	vor.u32 v0, v1  }
0x129: {  	v1 =	vand.u32 $0xFFFFFC00, v3;
	v0 =	vor.u32 v0, v2  }
0x12a: {  	v0 =	vadd.s32 v1, v0  }
0x12b: {  	v0 =	vadd.s32 $0xA8000000, v0  }
0x12c: {  	p0 =	seq.s32 s24, $0x0  }
0x12d: {  	[tilespmem:s0+$0x2070] =	vst v0;
	s0 =	simm.s32 @!p0 $0x3  }
0x12e: {  	_ =	swait.ge @!p0 [sflag:s0], $0x800  }
0x12f: {  	s7 =	sadd.s32 @!p0 s29, s8;
	[sflag:s0] =	ssyncset.done @!p0 $0x0  }
0x130: {  	[sflag:s0] =	ssyncadd.s32 @!p0 $0xFFFFF800;
	s0 =	sshrl.u32 @!p0 s7, $0x3  }
0x131: {  	s31 =	simm.s32 @!p0 $0x4800;
	s7 =	simm.s32 @!p0 $0x0;
	s0 =	sadd.s32 @!p0 s3, s0  }
0x132: {  	[hbm4b:s0+s7] =	stream.linear.scatter @!p0 [tilespmem:s31], [sflag:$0x7], $0x800, $0x38;
	[tilespmem:$0x6000] =	vst v63  }
0x133: {  	s0 =	simm.s32 @!p0 $0x6  }
0x134: {  	_ =	swait.ge @!p0 [sflag:s0], $0x800  }
0x135: {  	[sflag:s0] =	ssyncset.done @!p0 $0x0  }
0x136: {  	s7 =	simm.s32 $0x2000;
	[sflag:s0] =	ssyncadd.s32 @!p0 $0xFFFFF800  }
0x137: {  	[tilespmem:s19], [sflag:$0x2] =	stream.indirect.gather [hbm4b:s2+s17], $0x1, s7, s17, $0xb8;
	[tilespmem:$0x6000] =	vst v63  }
0x138: {  	s0 =	simm.s32 $0x2080;
	s7 =	simm.s32 $0x4080  }
0x139: {  	[tilespmem:s7], [sflag:$0x2] =	stream.indirect.gather [hbm4b:s2+s17], $0x1, s0, s17, $0xb8;
	[tilespmem:$0x6000] =	vst v63  }
0x13a: {  	s0 =	simm.s32 $0x2100;
	s7 =	simm.s32 $0x4100  }
0x13b: {  	[tilespmem:s7], [sflag:$0x2] =	stream.indirect.gather [hbm4b:s2+s17], $0x1, s0, s17, $0xb8;
	[tilespmem:$0x6000] =	vst v63  }
0x13c: {  	s0 =	simm.s32 $0x2180;
	s7 =	simm.s32 $0x4180  }
0x13d: {  	[tilespmem:s7], [sflag:$0x2] =	stream.indirect.gather [hbm4b:s2+s17], $0x1, s0, s17, $0xb8;
	[tilespmem:$0x6000] =	vst v63  }
0x13e: {  	s0 =	simm.s32 $0x2200;
	s7 =	simm.s32 $0x4200  }
0x13f: {  	[tilespmem:s7], [sflag:$0x2] =	stream.indirect.gather [hbm4b:s2+s17], $0x1, s0, s17, $0xb8;
	[tilespmem:$0x6000] =	vst v63  }
0x140: {  	s0 =	simm.s32 $0x2280;
	s7 =	simm.s32 $0x4280  }
0x141: {  	[tilespmem:s7], [sflag:$0x2] =	stream.indirect.gather [hbm4b:s2+s17], $0x1, s0, s17, $0xb8;
	[tilespmem:$0x6000] =	vst v63  }
0x142: {  	s0 =	simm.s32 $0x2300;
	s7 =	simm.s32 $0x4300  }
0x143: {  	[tilespmem:s7], [sflag:$0x2] =	stream.indirect.gather [hbm4b:s2+s17], $0x1, s0, s17, $0xb8;
	[tilespmem:$0x6000] =	vst v63  }
0x144: {  	s0 =	simm.s32 $0x2380;
	s7 =	simm.s32 $0x4380  }
0x145: {  	[tilespmem:s7], [sflag:$0x2] =	stream.indirect.gather [hbm4b:s2+s17], $0x1, s0, s17, $0xb8;
	[tilespmem:$0x6000] =	vst v63  }
0x146: {  	s0 =	simm.s32 $0x2400;
	s7 =	simm.s32 $0x4400  }
0x147: {  	[tilespmem:s7], [sflag:$0x2] =	stream.indirect.gather [hbm4b:s2+s17], $0x1, s0, s17, $0xb8;
	[tilespmem:$0x6000] =	vst v63  }
0x148: {  	s0 =	simm.s32 $0x2480;
	s7 =	simm.s32 $0x4480  }
0x149: {  	[tilespmem:s7], [sflag:$0x2] =	stream.indirect.gather [hbm4b:s2+s17], $0x1, s0, s17, $0xb8;
	[tilespmem:$0x6000] =	vst v63  }
0x14a: {  	s0 =	simm.s32 $0x2500;
	s7 =	simm.s32 $0x4500  }
0x14b: {  	[tilespmem:s7], [sflag:$0x2] =	stream.indirect.gather [hbm4b:s2+s17], $0x1, s0, s17, $0xb8;
	[tilespmem:$0x6000] =	vst v63  }
0x14c: {  	s0 =	simm.s32 $0x2580;
	s7 =	simm.s32 $0x4580  }
0x14d: {  	[tilespmem:s7], [sflag:$0x2] =	stream.indirect.gather [hbm4b:s2+s17], $0x1, s0, s17, $0xb8;
	[tilespmem:$0x6000] =	vst v63  }
0x14e: {  	s0 =	simm.s32 $0x2600;
	s7 =	simm.s32 $0x4600  }
0x14f: {  	[tilespmem:s7], [sflag:$0x2] =	stream.indirect.gather [hbm4b:s2+s17], $0x1, s0, s17, $0xb8;
	[tilespmem:$0x6000] =	vst v63  }
0x150: {  	s0 =	simm.s32 $0x2680;
	s7 =	simm.s32 $0x4680  }
0x151: {  	[tilespmem:s7], [sflag:$0x2] =	stream.indirect.gather [hbm4b:s2+s17], $0x1, s0, s17, $0xb8;
	[tilespmem:$0x6000] =	vst v63  }
0x152: {  	s0 =	simm.s32 $0x2700;
	s7 =	simm.s32 $0x4700  }
0x153: {  	[tilespmem:s7], [sflag:$0x2] =	stream.indirect.gather [hbm4b:s2+s17], $0x1, s0, s17, $0xb8;
	[tilespmem:$0x6000] =	vst v63  }
0x154: {  	s0 =	simm.s32 $0x2780;
	s7 =	simm.s32 $0x4780  }
0x155: {  	[tilespmem:s7], [sflag:$0x2] =	stream.indirect.gather [hbm4b:s2+s17], $0x1, s0, s17, $0xb8;
	[tilespmem:$0x6000] =	vst v63  }
0x156: {  	_ =	swait.ge [sflag:s15], $0x1000  }
0x157: {  	s31 =	simm.s32 $0x1080;
	[sflag:s15] =	ssyncset.done $0x0  }
0x158: {  	s0 =	sadd.s32 $0x400, s30;
	s7 =	simm.s32 $0x0;
	[sflag:s15] =	ssyncadd.s32 $0xFFFFF000  }
0x159: {  	[tilespmem:s7], [sflag:$0x1] =	stream.linear.gather [hbm4b:s0+s7], $0x1000, $0x38;
	[tilespmem:$0x6000] =	vst v63  }
0x15a: {  	v0 =	vld [tilespmem:s31+$0xFFFFFF80]  }
0x15b: {  	v1 =	vld [tilespmem:s31+$0x0];
	_ =	sdelay $0x3  }
0x15c: {  	v0 =	vadd.f32 $1.000000000e+00, v0  }
0x15d: {  	v1 =	vadd.f32 $1.000000000e+00, v1  }
0x15e: {  	v0 =	vmul.f32 $2.048000000e+03, v0  }
0x15f: {  	v1 =	vmul.f32 $2.048000000e+03, v1  }
0x160: {  	v0 =	vadd.f32 $8.388608000e+06, v0  }
0x161: {  	v1 =	vadd.f32 $8.388608000e+06, v1  }
0x162: {  	vm0 =	vlt.s32 v0, $0x4B000FFF  }
0x163: {  	vm13 =	vlt.s32 v1, $0x4B000FFF;
	v0 =	vnsel vm0, $0x4B000FFF, v0  }
0x164: {  	v1 =	vnsel vm13, $0x4B000FFF, v1;
	v2 =	vshll.u32 v0, $0x7  }
0x165: {  	v0 =	vshll.u32 v0, $0xC;
	v3 =	vand.u32 $0x7F, v1;
	v2 =	vand.u32 $0x380, v2  }
0x166: {  	v1 =	vshll.u32 v1, $0x3;
	v0 =	vand.u32 $0xFFFF8000, v0;
	v2 =	vor.u32 v2, v3  }
0x167: {  	v1 =	vand.u32 $0xFFFFFC00, v1;
	v0 =	vor.u32 v2, v0  }
0x168: {  	v0 =	vadd.s32 v1, v0  }
0x169: {  	s0 =	simm.s32 $0x0;
	v0 =	vadd.s32 $0xA8000000, v0  }
0x16a: {  	[tilespmem:s0+$0x2800] =	vst v0  }
0x16b: {  	v0 =	vld [tilespmem:s31+$0xFFFFFF90]  }
0x16c: {  	v1 =	vld [tilespmem:s31+$0x10];
	_ =	sdelay $0x3  }
0x16d: {  	v0 =	vadd.f32 $1.000000000e+00, v0  }
0x16e: {  	v1 =	vadd.f32 $1.000000000e+00, v1  }
0x16f: {  	v0 =	vmul.f32 $2.048000000e+03, v0  }
0x170: {  	v1 =	vmul.f32 $2.048000000e+03, v1  }
0x171: {  	v0 =	vadd.f32 $8.388608000e+06, v0  }
0x172: {  	v1 =	vadd.f32 $8.388608000e+06, v1  }
0x173: {  	vm14 =	vlt.s32 v0, $0x4B000FFF  }
0x174: {  	vm15 =	vlt.s32 v1, $0x4B000FFF;
	v0 =	vnsel vm14, $0x4B000FFF, v0  }
0x175: {  	v1 =	vnsel vm15, $0x4B000FFF, v1;
	v2 =	vshll.u32 v0, $0x7  }
0x176: {  	v0 =	vshll.u32 v0, $0xC;
	v3 =	vand.u32 $0x7F, v1;
	v2 =	vand.u32 $0x380, v2  }
0x177: {  	v1 =	vshll.u32 v1, $0x3;
	v0 =	vand.u32 $0xFFFF8000, v0;
	v2 =	vor.u32 v2, v3  }
0x178: {  	v1 =	vand.u32 $0xFFFFFC00, v1;
	v0 =	vor.u32 v2, v0  }
0x179: {  	v0 =	vadd.s32 v1, v0  }
0x17a: {  	v0 =	vadd.s32 $0xA8000000, v0  }
0x17b: {  	[tilespmem:s0+$0x2810] =	vst v0  }
0x17c: {  	v0 =	vld [tilespmem:s31+$0xFFFFFFA0]  }
0x17d: {  	v1 =	vld [tilespmem:s31+$0x20];
	_ =	sdelay $0x3  }
0x17e: {  	v0 =	vadd.f32 $1.000000000e+00, v0  }
0x17f: {  	v1 =	vadd.f32 $1.000000000e+00, v1  }
0x180: {  	v0 =	vmul.f32 $2.048000000e+03, v0  }
0x181: {  	v1 =	vmul.f32 $2.048000000e+03, v1  }
0x182: {  	v0 =	vadd.f32 $8.388608000e+06, v0  }
0x183: {  	v1 =	vadd.f32 $8.388608000e+06, v1  }
0x184: {  	vm4 =	vlt.s32 v0, $0x4B000FFF  }
0x185: {  	vm5 =	vlt.s32 v1, $0x4B000FFF;
	v0 =	vnsel vm4, $0x4B000FFF, v0  }
0x186: {  	v1 =	vnsel vm5, $0x4B000FFF, v1;
	v2 =	vshll.u32 v0, $0x7  }
0x187: {  	v0 =	vshll.u32 v0, $0xC;
	v3 =	vand.u32 $0x7F, v1;
	v2 =	vand.u32 $0x380, v2  }
0x188: {  	v1 =	vshll.u32 v1, $0x3;
	v0 =	vand.u32 $0xFFFF8000, v0;
	v2 =	vor.u32 v2, v3  }
0x189: {  	v1 =	vand.u32 $0xFFFFFC00, v1;
	v0 =	vor.u32 v2, v0  }
0x18a: {  	v0 =	vadd.s32 v1, v0  }
0x18b: {  	v0 =	vadd.s32 $0xA8000000, v0  }
0x18c: {  	[tilespmem:s0+$0x2820] =	vst v0  }
0x18d: {  	v0 =	vld [tilespmem:s31+$0xFFFFFFB0]  }
0x18e: {  	v1 =	vld [tilespmem:s31+$0x30];
	_ =	sdelay $0x3  }
0x18f: {  	v0 =	vadd.f32 $1.000000000e+00, v0  }
0x190: {  	v1 =	vadd.f32 $1.000000000e+00, v1  }
0x191: {  	v0 =	vmul.f32 $2.048000000e+03, v0  }
0x192: {  	v1 =	vmul.f32 $2.048000000e+03, v1  }
0x193: {  	v0 =	vadd.f32 $8.388608000e+06, v0  }
0x194: {  	v1 =	vadd.f32 $8.388608000e+06, v1  }
0x195: {  	vm6 =	vlt.s32 v0, $0x4B000FFF  }
0x196: {  	vm7 =	vlt.s32 v1, $0x4B000FFF;
	v0 =	vnsel vm6, $0x4B000FFF, v0  }
0x197: {  	v1 =	vnsel vm7, $0x4B000FFF, v1;
	v2 =	vshll.u32 v0, $0x7  }
0x198: {  	v0 =	vshll.u32 v0, $0xC;
	v3 =	vand.u32 $0x7F, v1;
	v2 =	vand.u32 $0x380, v2  }
0x199: {  	v1 =	vshll.u32 v1, $0x3;
	v0 =	vand.u32 $0xFFFF8000, v0;
	v2 =	vor.u32 v2, v3  }
0x19a: {  	v1 =	vand.u32 $0xFFFFFC00, v1;
	v0 =	vor.u32 v2, v0  }
0x19b: {  	v0 =	vadd.s32 v1, v0  }
0x19c: {  	v0 =	vadd.s32 $0xA8000000, v0  }
0x19d: {  	[tilespmem:s0+$0x2830] =	vst v0  }
0x19e: {  	v0 =	vld [tilespmem:s31+$0xFFFFFFC0]  }
0x19f: {  	v1 =	vld [tilespmem:s31+$0x40];
	_ =	sdelay $0x3  }
0x1a0: {  	v0 =	vadd.f32 $1.000000000e+00, v0  }
0x1a1: {  	v1 =	vadd.f32 $1.000000000e+00, v1  }
0x1a2: {  	v0 =	vmul.f32 $2.048000000e+03, v0  }
0x1a3: {  	v1 =	vmul.f32 $2.048000000e+03, v1  }
0x1a4: {  	v0 =	vadd.f32 $8.388608000e+06, v0  }
0x1a5: {  	v1 =	vadd.f32 $8.388608000e+06, v1  }
0x1a6: {  	vm8 =	vlt.s32 v0, $0x4B000FFF  }
0x1a7: {  	vm9 =	vlt.s32 v1, $0x4B000FFF;
	v0 =	vnsel vm8, $0x4B000FFF, v0  }
0x1a8: {  	v1 =	vnsel vm9, $0x4B000FFF, v1;
	v2 =	vshll.u32 v0, $0x7  }
0x1a9: {  	v0 =	vshll.u32 v0, $0xC;
	v3 =	vand.u32 $0x7F, v1;
	v2 =	vand.u32 $0x380, v2  }
0x1aa: {  	v1 =	vshll.u32 v1, $0x3;
	v0 =	vand.u32 $0xFFFF8000, v0;
	v2 =	vor.u32 v2, v3  }
0x1ab: {  	v1 =	vand.u32 $0xFFFFFC00, v1;
	v0 =	vor.u32 v2, v0  }
0x1ac: {  	v0 =	vadd.s32 v1, v0  }
0x1ad: {  	v0 =	vadd.s32 $0xA8000000, v0  }
0x1ae: {  	[tilespmem:s0+$0x2840] =	vst v0  }
0x1af: {  	v0 =	vld [tilespmem:s31+$0xFFFFFFD0]  }
0x1b0: {  	v1 =	vld [tilespmem:s31+$0x50];
	_ =	sdelay $0x3  }
0x1b1: {  	v0 =	vadd.f32 $1.000000000e+00, v0  }
0x1b2: {  	v1 =	vadd.f32 $1.000000000e+00, v1  }
0x1b3: {  	v0 =	vmul.f32 $2.048000000e+03, v0  }
0x1b4: {  	v1 =	vmul.f32 $2.048000000e+03, v1  }
0x1b5: {  	v0 =	vadd.f32 $8.388608000e+06, v0  }
0x1b6: {  	v1 =	vadd.f32 $8.388608000e+06, v1  }
0x1b7: {  	vm10 =	vlt.s32 v0, $0x4B000FFF  }
0x1b8: {  	vm11 =	vlt.s32 v1, $0x4B000FFF;
	v0 =	vnsel vm10, $0x4B000FFF, v0  }
0x1b9: {  	v1 =	vnsel vm11, $0x4B000FFF, v1;
	v2 =	vshll.u32 v0, $0x7  }
0x1ba: {  	v0 =	vshll.u32 v0, $0xC;
	v3 =	vand.u32 $0x7F, v1;
	v2 =	vand.u32 $0x380, v2  }
0x1bb: {  	v1 =	vshll.u32 v1, $0x3;
	v0 =	vand.u32 $0xFFFF8000, v0;
	v2 =	vor.u32 v2, v3  }
0x1bc: {  	v1 =	vand.u32 $0xFFFFFC00, v1;
	v0 =	vor.u32 v2, v0  }
0x1bd: {  	v0 =	vadd.s32 v1, v0  }
0x1be: {  	v0 =	vadd.s32 $0xA8000000, v0  }
0x1bf: {  	[tilespmem:s0+$0x2850] =	vst v0  }
0x1c0: {  	v0 =	vld [tilespmem:s31+$0xFFFFFFE0]  }
0x1c1: {  	v1 =	vld [tilespmem:s31+$0x60];
	_ =	sdelay $0x3  }
0x1c2: {  	v0 =	vadd.f32 $1.000000000e+00, v0  }
0x1c3: {  	v1 =	vadd.f32 $1.000000000e+00, v1  }
0x1c4: {  	v0 =	vmul.f32 $2.048000000e+03, v0  }
0x1c5: {  	v1 =	vmul.f32 $2.048000000e+03, v1  }
0x1c6: {  	v0 =	vadd.f32 $8.388608000e+06, v0  }
0x1c7: {  	v1 =	vadd.f32 $8.388608000e+06, v1  }
0x1c8: {  	vm12 =	vlt.s32 v0, $0x4B000FFF  }
0x1c9: {  	vm13 =	vlt.s32 v1, $0x4B000FFF;
	v0 =	vnsel vm12, $0x4B000FFF, v0  }
0x1ca: {  	v1 =	vnsel vm13, $0x4B000FFF, v1;
	v2 =	vshll.u32 v0, $0x7  }
0x1cb: {  	v0 =	vshll.u32 v0, $0xC;
	v3 =	vand.u32 $0x7F, v1;
	v2 =	vand.u32 $0x380, v2  }
0x1cc: {  	v1 =	vshll.u32 v1, $0x3;
	v0 =	vand.u32 $0xFFFF8000, v0;
	v2 =	vor.u32 v2, v3  }
0x1cd: {  	v1 =	vand.u32 $0xFFFFFC00, v1;
	v0 =	vor.u32 v2, v0  }
0x1ce: {  	v0 =	vadd.s32 v1, v0  }
0x1cf: {  	v0 =	vadd.s32 $0xA8000000, v0  }
0x1d0: {  	[tilespmem:s0+$0x2860] =	vst v0  }
0x1d1: {  	v0 =	vld [tilespmem:s31+$0xFFFFFFF0]  }
0x1d2: {  	v1 =	vld [tilespmem:s31+$0x70];
	_ =	sdelay $0x3  }
0x1d3: {  	v0 =	vadd.f32 $1.000000000e+00, v0  }
0x1d4: {  	v1 =	vadd.f32 $1.000000000e+00, v1  }
0x1d5: {  	v0 =	vmul.f32 $2.048000000e+03, v0  }
0x1d6: {  	v1 =	vmul.f32 $2.048000000e+03, v1  }
0x1d7: {  	v0 =	vadd.f32 $8.388608000e+06, v0  }
0x1d8: {  	v1 =	vadd.f32 $8.388608000e+06, v1  }
0x1d9: {  	vm14 =	vlt.s32 v0, $0x4B000FFF  }
0x1da: {  	vm15 =	vlt.s32 v1, $0x4B000FFF;
	v0 =	vnsel vm14, $0x4B000FFF, v0  }
0x1db: {  	v1 =	vnsel vm15, $0x4B000FFF, v1;
	v2 =	vshll.u32 v0, $0x7  }
0x1dc: {  	v0 =	vshll.u32 v0, $0xC;
	v3 =	vand.u32 $0x7F, v1;
	v2 =	vand.u32 $0x380, v2  }
0x1dd: {  	v1 =	vshll.u32 v1, $0x3;
	v0 =	vand.u32 $0xFFFF8000, v0;
	v2 =	vor.u32 v2, v3  }
0x1de: {  	v1 =	vand.u32 $0xFFFFFC00, v1;
	v0 =	vor.u32 v2, v0  }
0x1df: {  	v0 =	vadd.s32 v1, v0  }
0x1e0: {  	s7 =	simm.s32 $0x200;
	v0 =	vadd.s32 $0xA8000000, v0  }
.LBB2_5:
0x1e1: {  	p1 =	sne.s32 s7, $0x1E00  }
0x1e2: {  	[tilespmem:s0+$0x2870] =	vst v0;
	s31 =	sadd.s32 $0x100, s31;
	s0 =	smov.u32 s7;
	s7 =	sadd.s32 $0x200, s7  }
0x1e3: {  	v0 =	vld [tilespmem:s31+$0xFFFFFF80]  }
0x1e4: {  	v1 =	vld [tilespmem:s31+$0x0];
	_ =	sdelay $0x3  }
0x1e5: {  	v0 =	vadd.f32 $1.000000000e+00, v0  }
0x1e6: {  	v1 =	vadd.f32 $1.000000000e+00, v1  }
0x1e7: {  	v0 =	vmul.f32 $2.048000000e+03, v0  }
0x1e8: {  	v1 =	vmul.f32 $2.048000000e+03, v1  }
0x1e9: {  	v0 =	vadd.f32 $8.388608000e+06, v0  }
0x1ea: {  	v1 =	vadd.f32 $8.388608000e+06, v1  }
0x1eb: {  	vm0 =	vlt.s32 v0, $0x4B000FFF  }
0x1ec: {  	v0 =	vnsel vm0, $0x4B000FFF, v0;
	vm0 =	vlt.s32 v1, $0x4B000FFF  }
0x1ed: {  	v1 =	vnsel vm0, $0x4B000FFF, v1;
	v2 =	vshll.u32 v0, $0xC;
	v0 =	vshll.u32 v0, $0x7  }
0x1ee: {  	v0 =	vand.u32 $0x380, v0;
	v3 =	vand.u32 $0x7F, v1  }
0x1ef: {  	v2 =	vand.u32 $0xFFFF8000, v2;
	v1 =	vshll.u32 v1, $0x3;
	v0 =	vor.u32 v0, v3  }
0x1f0: {  	v1 =	vand.u32 $0xFFFFFC00, v1;
	v0 =	vor.u32 v0, v2  }
0x1f1: {  	v0 =	vadd.s32 v1, v0  }
0x1f2: {  	s0 =	sshra.s32 s0, $0x2;
	v0 =	vadd.s32 $0xA8000000, v0  }
0x1f3: {  	[tilespmem:s0+$0x2800] =	vst v0  }
0x1f4: {  	v0 =	vld [tilespmem:s31+$0xFFFFFF90]  }
0x1f5: {  	v1 =	vld [tilespmem:s31+$0x10];
	_ =	sdelay $0x3  }
0x1f6: {  	v0 =	vadd.f32 $1.000000000e+00, v0  }
0x1f7: {  	v1 =	vadd.f32 $1.000000000e+00, v1  }
0x1f8: {  	v0 =	vmul.f32 $2.048000000e+03, v0  }
0x1f9: {  	v1 =	vmul.f32 $2.048000000e+03, v1  }
0x1fa: {  	v0 =	vadd.f32 $8.388608000e+06, v0  }
0x1fb: {  	v1 =	vadd.f32 $8.388608000e+06, v1  }
0x1fc: {  	vm0 =	vlt.s32 v0, $0x4B000FFF  }
0x1fd: {  	v0 =	vnsel vm0, $0x4B000FFF, v0;
	vm0 =	vlt.s32 v1, $0x4B000FFF  }
0x1fe: {  	v1 =	vnsel vm0, $0x4B000FFF, v1;
	v2 =	vshll.u32 v0, $0xC;
	v0 =	vshll.u32 v0, $0x7  }
0x1ff: {  	v0 =	vand.u32 $0x380, v0;
	v3 =	vshll.u32 v1, $0x3;
	v1 =	vand.u32 $0x7F, v1  }
0x200: {  	v2 =	vand.u32 $0xFFFF8000, v2;
	v0 =	vor.u32 v0, v1  }
0x201: {  	v1 =	vand.u32 $0xFFFFFC00, v3;
	v0 =	vor.u32 v0, v2  }
0x202: {  	v0 =	vadd.s32 v1, v0  }
0x203: {  	v0 =	vadd.s32 $0xA8000000, v0  }
0x204: {  	[tilespmem:s0+$0x2810] =	vst v0  }
0x205: {  	v0 =	vld [tilespmem:s31+$0xFFFFFFA0]  }
0x206: {  	v1 =	vld [tilespmem:s31+$0x20];
	_ =	sdelay $0x3  }
0x207: {  	v0 =	vadd.f32 $1.000000000e+00, v0  }
0x208: {  	v1 =	vadd.f32 $1.000000000e+00, v1  }
0x209: {  	v0 =	vmul.f32 $2.048000000e+03, v0  }
0x20a: {  	v1 =	vmul.f32 $2.048000000e+03, v1  }
0x20b: {  	v0 =	vadd.f32 $8.388608000e+06, v0  }
0x20c: {  	v1 =	vadd.f32 $8.388608000e+06, v1  }
0x20d: {  	vm0 =	vlt.s32 v0, $0x4B000FFF  }
0x20e: {  	v0 =	vnsel vm0, $0x4B000FFF, v0;
	vm0 =	vlt.s32 v1, $0x4B000FFF  }
0x20f: {  	v1 =	vnsel vm0, $0x4B000FFF, v1;
	v2 =	vshll.u32 v0, $0xC;
	v0 =	vshll.u32 v0, $0x7  }
0x210: {  	v0 =	vand.u32 $0x380, v0;
	v3 =	vand.u32 $0x7F, v1  }
0x211: {  	v2 =	vand.u32 $0xFFFF8000, v2;
	v1 =	vshll.u32 v1, $0x3;
	v0 =	vor.u32 v0, v3  }
0x212: {  	v1 =	vand.u32 $0xFFFFFC00, v1;
	v0 =	vor.u32 v0, v2  }
0x213: {  	v0 =	vadd.s32 v1, v0  }
0x214: {  	v0 =	vadd.s32 $0xA8000000, v0  }
0x215: {  	[tilespmem:s0+$0x2820] =	vst v0  }
0x216: {  	v0 =	vld [tilespmem:s31+$0xFFFFFFB0]  }
0x217: {  	v1 =	vld [tilespmem:s31+$0x30];
	_ =	sdelay $0x3  }
0x218: {  	v0 =	vadd.f32 $1.000000000e+00, v0  }
0x219: {  	v1 =	vadd.f32 $1.000000000e+00, v1  }
0x21a: {  	v0 =	vmul.f32 $2.048000000e+03, v0  }
0x21b: {  	v1 =	vmul.f32 $2.048000000e+03, v1  }
0x21c: {  	v0 =	vadd.f32 $8.388608000e+06, v0  }
0x21d: {  	v1 =	vadd.f32 $8.388608000e+06, v1  }
0x21e: {  	vm0 =	vlt.s32 v0, $0x4B000FFF  }
0x21f: {  	v0 =	vnsel vm0, $0x4B000FFF, v0;
	vm0 =	vlt.s32 v1, $0x4B000FFF  }
0x220: {  	v1 =	vnsel vm0, $0x4B000FFF, v1;
	v2 =	vshll.u32 v0, $0xC;
	v0 =	vshll.u32 v0, $0x7  }
0x221: {  	v0 =	vand.u32 $0x380, v0;
	v3 =	vand.u32 $0x7F, v1  }
0x222: {  	v2 =	vand.u32 $0xFFFF8000, v2;
	v1 =	vshll.u32 v1, $0x3;
	v0 =	vor.u32 v0, v3  }
0x223: {  	v1 =	vand.u32 $0xFFFFFC00, v1;
	v0 =	vor.u32 v0, v2  }
0x224: {  	v0 =	vadd.s32 v1, v0  }
0x225: {  	v0 =	vadd.s32 $0xA8000000, v0  }
0x226: {  	[tilespmem:s0+$0x2830] =	vst v0  }
0x227: {  	v0 =	vld [tilespmem:s31+$0xFFFFFFC0]  }
0x228: {  	v1 =	vld [tilespmem:s31+$0x40];
	_ =	sdelay $0x3  }
0x229: {  	v0 =	vadd.f32 $1.000000000e+00, v0  }
0x22a: {  	v1 =	vadd.f32 $1.000000000e+00, v1  }
0x22b: {  	v0 =	vmul.f32 $2.048000000e+03, v0  }
0x22c: {  	v1 =	vmul.f32 $2.048000000e+03, v1  }
0x22d: {  	v0 =	vadd.f32 $8.388608000e+06, v0  }
0x22e: {  	v1 =	vadd.f32 $8.388608000e+06, v1  }
0x22f: {  	vm0 =	vlt.s32 v0, $0x4B000FFF  }
0x230: {  	v0 =	vnsel vm0, $0x4B000FFF, v0;
	vm0 =	vlt.s32 v1, $0x4B000FFF  }
0x231: {  	v1 =	vnsel vm0, $0x4B000FFF, v1;
	v2 =	vshll.u32 v0, $0xC;
	v0 =	vshll.u32 v0, $0x7  }
0x232: {  	v0 =	vand.u32 $0x380, v0;
	v3 =	vshll.u32 v1, $0x3;
	v1 =	vand.u32 $0x7F, v1  }
0x233: {  	v2 =	vand.u32 $0xFFFF8000, v2;
	v0 =	vor.u32 v0, v1  }
0x234: {  	v1 =	vand.u32 $0xFFFFFC00, v3;
	v0 =	vor.u32 v0, v2  }
0x235: {  	v0 =	vadd.s32 v1, v0  }
0x236: {  	v0 =	vadd.s32 $0xA8000000, v0  }
0x237: {  	[tilespmem:s0+$0x2840] =	vst v0  }
0x238: {  	v0 =	vld [tilespmem:s31+$0xFFFFFFD0]  }
0x239: {  	v1 =	vld [tilespmem:s31+$0x50];
	_ =	sdelay $0x3  }
0x23a: {  	v0 =	vadd.f32 $1.000000000e+00, v0  }
0x23b: {  	v1 =	vadd.f32 $1.000000000e+00, v1  }
0x23c: {  	v0 =	vmul.f32 $2.048000000e+03, v0  }
0x23d: {  	v1 =	vmul.f32 $2.048000000e+03, v1  }
0x23e: {  	v0 =	vadd.f32 $8.388608000e+06, v0  }
0x23f: {  	v1 =	vadd.f32 $8.388608000e+06, v1  }
0x240: {  	vm0 =	vlt.s32 v0, $0x4B000FFF  }
0x241: {  	v0 =	vnsel vm0, $0x4B000FFF, v0;
	vm0 =	vlt.s32 v1, $0x4B000FFF  }
0x242: {  	v1 =	vnsel vm0, $0x4B000FFF, v1;
	v2 =	vshll.u32 v0, $0xC;
	v0 =	vshll.u32 v0, $0x7  }
0x243: {  	v0 =	vand.u32 $0x380, v0;
	v3 =	vshll.u32 v1, $0x3;
	v1 =	vand.u32 $0x7F, v1  }
0x244: {  	v2 =	vand.u32 $0xFFFF8000, v2;
	v0 =	vor.u32 v0, v1  }
0x245: {  	v1 =	vand.u32 $0xFFFFFC00, v3;
	v0 =	vor.u32 v0, v2  }
0x246: {  	v0 =	vadd.s32 v1, v0  }
0x247: {  	v0 =	vadd.s32 $0xA8000000, v0  }
0x248: {  	[tilespmem:s0+$0x2850] =	vst v0  }
0x249: {  	v0 =	vld [tilespmem:s31+$0xFFFFFFE0]  }
0x24a: {  	v1 =	vld [tilespmem:s31+$0x60];
	_ =	sdelay $0x3  }
0x24b: {  	v0 =	vadd.f32 $1.000000000e+00, v0  }
0x24c: {  	v1 =	vadd.f32 $1.000000000e+00, v1  }
0x24d: {  	v0 =	vmul.f32 $2.048000000e+03, v0  }
0x24e: {  	v1 =	vmul.f32 $2.048000000e+03, v1  }
0x24f: {  	v0 =	vadd.f32 $8.388608000e+06, v0  }
0x250: {  	v1 =	vadd.f32 $8.388608000e+06, v1  }
0x251: {  	vm0 =	vlt.s32 v0, $0x4B000FFF  }
0x252: {  	v0 =	vnsel vm0, $0x4B000FFF, v0;
	vm0 =	vlt.s32 v1, $0x4B000FFF  }
0x253: {  	v1 =	vnsel vm0, $0x4B000FFF, v1;
	v2 =	vshll.u32 v0, $0xC;
	v0 =	vshll.u32 v0, $0x7  }
0x254: {  	v0 =	vand.u32 $0x380, v0;
	v3 =	vshll.u32 v1, $0x3;
	v1 =	vand.u32 $0x7F, v1  }
0x255: {  	v2 =	vand.u32 $0xFFFF8000, v2;
	v0 =	vor.u32 v0, v1  }
0x256: {  	v1 =	vand.u32 $0xFFFFFC00, v3;
	v0 =	vor.u32 v0, v2  }
0x257: {  	v0 =	vadd.s32 v1, v0  }
0x258: {  	v0 =	vadd.s32 $0xA8000000, v0  }
0x259: {  	[tilespmem:s0+$0x2860] =	vst v0  }
0x25a: {  	v0 =	vld [tilespmem:s31+$0xFFFFFFF0]  }
0x25b: {  	v1 =	vld [tilespmem:s31+$0x70];
	_ =	sdelay $0x3  }
0x25c: {  	v0 =	vadd.f32 $1.000000000e+00, v0  }
0x25d: {  	v1 =	vadd.f32 $1.000000000e+00, v1  }
0x25e: {  	v0 =	vmul.f32 $2.048000000e+03, v0  }
0x25f: {  	v1 =	vmul.f32 $2.048000000e+03, v1  }
0x260: {  	v0 =	vadd.f32 $8.388608000e+06, v0  }
0x261: {  	v1 =	vadd.f32 $8.388608000e+06, v1  }
0x262: {  	vm0 =	vlt.s32 v0, $0x4B000FFF  }
0x263: {  	v0 =	vnsel vm0, $0x4B000FFF, v0;
	vm0 =	vlt.s32 v1, $0x4B000FFF  }
0x264: {  	v1 =	vnsel vm0, $0x4B000FFF, v1;
	v2 =	vshll.u32 v0, $0xC;
	v0 =	vshll.u32 v0, $0x7  }
.Ltmp1:
0x265: {  	v0 =	vand.u32 $0x380, v0;
	v3 =	vshll.u32 v1, $0x3;
	v1 =	vand.u32 $0x7F, v1;
	(pc) =	sbr.rel @p1 .LBB2_5-.Ltmp1, $4  }
0x266: {  	v2 =	vand.u32 $0xFFFF8000, v2;
	v0 =	vor.u32 v0, v1  }
0x267: {  	v1 =	vand.u32 $0xFFFFFC00, v3;
	v0 =	vor.u32 v0, v2  }
0x268: {  	v0 =	vadd.s32 v1, v0  }
0x269: {  	v0 =	vadd.s32 $0xA8000000, v0  }
0x26a: {  	[tilespmem:s0+$0x2870] =	vst v0;
	s0 =	simm.s32 @!p0 $0x4  }
0x26b: {  	_ =	swait.ge @!p0 [sflag:s0], $0x800  }
0x26c: {  	s7 =	sadd.s32 @!p0 s29, s9;
	[sflag:s0] =	ssyncset.done @!p0 $0x0  }
0x26d: {  	[sflag:s0] =	ssyncadd.s32 @!p0 $0xFFFFF800;
	s0 =	sshrl.u32 @!p0 s7, $0x3  }
0x26e: {  	s31 =	simm.s32 @!p0 $0x5000;
	s7 =	simm.s32 @!p0 $0x0;
	s0 =	sadd.s32 @!p0 s3, s0  }
0x26f: {  	[hbm4b:s0+s7] =	stream.linear.scatter @!p0 [tilespmem:s31], [sflag:$0x8], $0x800, $0x38;
	[tilespmem:$0x6000] =	vst v63  }
0x270: {  	s0 =	simm.s32 @!p0 $0x7  }
0x271: {  	_ =	swait.ge @!p0 [sflag:s0], $0x800  }
0x272: {  	s31 =	simm.s32 $0x80;
	[sflag:s0] =	ssyncset.done @!p0 $0x0  }
0x273: {  	s7 =	simm.s32 $0x4800;
	[sflag:s0] =	ssyncadd.s32 @!p0 $0xFFFFF800;
	s0 =	simm.s32 $0x2800  }
0x274: {  	[tilespmem:s7], [sflag:$0x3] =	stream.indirect.gather [hbm4b:s2+s31], $0x1, s0, s31, $0xb8;
	[tilespmem:$0x6000] =	vst v63  }
0x275: {  	s0 =	simm.s32 $0x2880;
	s7 =	simm.s32 $0x4880  }
0x276: {  	[tilespmem:s7], [sflag:$0x3] =	stream.indirect.gather [hbm4b:s2+s31], $0x1, s0, s31, $0xb8;
	[tilespmem:$0x6000] =	vst v63  }
0x277: {  	s0 =	simm.s32 $0x2900;
	s7 =	simm.s32 $0x4900  }
0x278: {  	[tilespmem:s7], [sflag:$0x3] =	stream.indirect.gather [hbm4b:s2+s31], $0x1, s0, s31, $0xb8;
	[tilespmem:$0x6000] =	vst v63  }
0x279: {  	s0 =	simm.s32 $0x2980;
	s7 =	simm.s32 $0x4980  }
0x27a: {  	[tilespmem:s7], [sflag:$0x3] =	stream.indirect.gather [hbm4b:s2+s31], $0x1, s0, s31, $0xb8;
	[tilespmem:$0x6000] =	vst v63  }
0x27b: {  	s0 =	simm.s32 $0x2A00;
	s7 =	simm.s32 $0x4A00  }
0x27c: {  	[tilespmem:s7], [sflag:$0x3] =	stream.indirect.gather [hbm4b:s2+s31], $0x1, s0, s31, $0xb8;
	[tilespmem:$0x6000] =	vst v63  }
0x27d: {  	s0 =	simm.s32 $0x2A80;
	s7 =	simm.s32 $0x4A80  }
0x27e: {  	[tilespmem:s7], [sflag:$0x3] =	stream.indirect.gather [hbm4b:s2+s31], $0x1, s0, s31, $0xb8;
	[tilespmem:$0x6000] =	vst v63  }
0x27f: {  	s0 =	simm.s32 $0x2B00;
	s7 =	simm.s32 $0x4B00  }
0x280: {  	[tilespmem:s7], [sflag:$0x3] =	stream.indirect.gather [hbm4b:s2+s31], $0x1, s0, s31, $0xb8;
	[tilespmem:$0x6000] =	vst v63  }
0x281: {  	s0 =	simm.s32 $0x2B80;
	s7 =	simm.s32 $0x4B80  }
0x282: {  	[tilespmem:s7], [sflag:$0x3] =	stream.indirect.gather [hbm4b:s2+s31], $0x1, s0, s31, $0xb8;
	[tilespmem:$0x6000] =	vst v63  }
0x283: {  	s0 =	simm.s32 $0x2C00;
	s7 =	simm.s32 $0x4C00  }
0x284: {  	[tilespmem:s7], [sflag:$0x3] =	stream.indirect.gather [hbm4b:s2+s31], $0x1, s0, s31, $0xb8;
	[tilespmem:$0x6000] =	vst v63  }
0x285: {  	s0 =	simm.s32 $0x2C80;
	s7 =	simm.s32 $0x4C80  }
0x286: {  	[tilespmem:s7], [sflag:$0x3] =	stream.indirect.gather [hbm4b:s2+s31], $0x1, s0, s31, $0xb8;
	[tilespmem:$0x6000] =	vst v63  }
0x287: {  	s0 =	simm.s32 $0x2D00;
	s7 =	simm.s32 $0x4D00  }
0x288: {  	[tilespmem:s7], [sflag:$0x3] =	stream.indirect.gather [hbm4b:s2+s31], $0x1, s0, s31, $0xb8;
	[tilespmem:$0x6000] =	vst v63  }
0x289: {  	s0 =	simm.s32 $0x2D80;
	s7 =	simm.s32 $0x4D80  }
0x28a: {  	[tilespmem:s7], [sflag:$0x3] =	stream.indirect.gather [hbm4b:s2+s31], $0x1, s0, s31, $0xb8;
	[tilespmem:$0x6000] =	vst v63  }
0x28b: {  	s0 =	simm.s32 $0x2E00;
	s7 =	simm.s32 $0x4E00  }
0x28c: {  	[tilespmem:s7], [sflag:$0x3] =	stream.indirect.gather [hbm4b:s2+s31], $0x1, s0, s31, $0xb8;
	[tilespmem:$0x6000] =	vst v63  }
0x28d: {  	s0 =	simm.s32 $0x2E80;
	s7 =	simm.s32 $0x4E80  }
0x28e: {  	[tilespmem:s7], [sflag:$0x3] =	stream.indirect.gather [hbm4b:s2+s31], $0x1, s0, s31, $0xb8;
	[tilespmem:$0x6000] =	vst v63  }
0x28f: {  	s0 =	simm.s32 $0x2F00;
	s7 =	simm.s32 $0x4F00  }
0x290: {  	[tilespmem:s7], [sflag:$0x3] =	stream.indirect.gather [hbm4b:s2+s31], $0x1, s0, s31, $0xb8;
	[tilespmem:$0x6000] =	vst v63  }
0x291: {  	s0 =	simm.s32 $0x2F80;
	s7 =	simm.s32 $0x4F80  }
0x292: {  	[tilespmem:s7], [sflag:$0x3] =	stream.indirect.gather [hbm4b:s2+s31], $0x1, s0, s31, $0xb8;
	[tilespmem:$0x6000] =	vst v63  }
0x293: {  	_ =	swait.ge [sflag:s15], $0x1000  }
0x294: {  	[sflag:s15] =	ssyncset.done $0x0  }
0x295: {  	s7 =	sadd.s32 $0x600, s30;
	s30 =	simm.s32 $0x0;
	[sflag:s15] =	ssyncadd.s32 $0xFFFFF000  }
0x296: {  	[tilespmem:s16], [sflag:$0x1] =	stream.linear.gather [hbm4b:s7+s30], $0x1000, $0x38;
	[tilespmem:$0x6000] =	vst v63  }
0x297: {  	v0 =	vld [tilespmem:s31+$0xFFFFFF80]  }
0x298: {  	v1 =	vld [tilespmem:s31+$0x0];
	_ =	sdelay $0x3  }
0x299: {  	v0 =	vadd.f32 $1.000000000e+00, v0  }
0x29a: {  	v1 =	vadd.f32 $1.000000000e+00, v1  }
0x29b: {  	v0 =	vmul.f32 $2.048000000e+03, v0  }
0x29c: {  	v1 =	vmul.f32 $2.048000000e+03, v1  }
0x29d: {  	v0 =	vadd.f32 $8.388608000e+06, v0  }
0x29e: {  	v1 =	vadd.f32 $8.388608000e+06, v1  }
0x29f: {  	vm0 =	vlt.s32 v0, $0x4B000FFF  }
0x2a0: {  	vm13 =	vlt.s32 v1, $0x4B000FFF;
	v0 =	vnsel vm0, $0x4B000FFF, v0  }
0x2a1: {  	v1 =	vnsel vm13, $0x4B000FFF, v1;
	v2 =	vshll.u32 v0, $0x7  }
0x2a2: {  	v0 =	vshll.u32 v0, $0xC;
	v3 =	vand.u32 $0x7F, v1;
	v2 =	vand.u32 $0x380, v2  }
0x2a3: {  	v1 =	vshll.u32 v1, $0x3;
	v0 =	vand.u32 $0xFFFF8000, v0;
	v2 =	vor.u32 v2, v3  }
0x2a4: {  	v1 =	vand.u32 $0xFFFFFC00, v1;
	v0 =	vor.u32 v2, v0  }
0x2a5: {  	v0 =	vadd.s32 v1, v0  }
0x2a6: {  	s0 =	simm.s32 $0x0;
	v0 =	vadd.s32 $0xA8000000, v0  }
0x2a7: {  	[tilespmem:s0+$0x3000] =	vst v0  }
0x2a8: {  	v0 =	vld [tilespmem:s31+$0xFFFFFF90]  }
0x2a9: {  	v1 =	vld [tilespmem:s31+$0x10];
	_ =	sdelay $0x3  }
0x2aa: {  	v0 =	vadd.f32 $1.000000000e+00, v0  }
0x2ab: {  	v1 =	vadd.f32 $1.000000000e+00, v1  }
0x2ac: {  	v0 =	vmul.f32 $2.048000000e+03, v0  }
0x2ad: {  	v1 =	vmul.f32 $2.048000000e+03, v1  }
0x2ae: {  	v0 =	vadd.f32 $8.388608000e+06, v0  }
0x2af: {  	v1 =	vadd.f32 $8.388608000e+06, v1  }
0x2b0: {  	vm14 =	vlt.s32 v0, $0x4B000FFF  }
0x2b1: {  	vm15 =	vlt.s32 v1, $0x4B000FFF;
	v0 =	vnsel vm14, $0x4B000FFF, v0  }
0x2b2: {  	v1 =	vnsel vm15, $0x4B000FFF, v1;
	v2 =	vshll.u32 v0, $0x7  }
0x2b3: {  	v0 =	vshll.u32 v0, $0xC;
	v3 =	vand.u32 $0x7F, v1;
	v2 =	vand.u32 $0x380, v2  }
0x2b4: {  	v1 =	vshll.u32 v1, $0x3;
	v0 =	vand.u32 $0xFFFF8000, v0;
	v2 =	vor.u32 v2, v3  }
0x2b5: {  	v1 =	vand.u32 $0xFFFFFC00, v1;
	v0 =	vor.u32 v2, v0  }
0x2b6: {  	v0 =	vadd.s32 v1, v0  }
0x2b7: {  	v0 =	vadd.s32 $0xA8000000, v0  }
0x2b8: {  	[tilespmem:s0+$0x3010] =	vst v0  }
0x2b9: {  	v0 =	vld [tilespmem:s31+$0xFFFFFFA0]  }
0x2ba: {  	v1 =	vld [tilespmem:s31+$0x20];
	_ =	sdelay $0x3  }
0x2bb: {  	v0 =	vadd.f32 $1.000000000e+00, v0  }
0x2bc: {  	v1 =	vadd.f32 $1.000000000e+00, v1  }
0x2bd: {  	v0 =	vmul.f32 $2.048000000e+03, v0  }
0x2be: {  	v1 =	vmul.f32 $2.048000000e+03, v1  }
0x2bf: {  	v0 =	vadd.f32 $8.388608000e+06, v0  }
0x2c0: {  	v1 =	vadd.f32 $8.388608000e+06, v1  }
0x2c1: {  	vm4 =	vlt.s32 v0, $0x4B000FFF  }
0x2c2: {  	vm5 =	vlt.s32 v1, $0x4B000FFF;
	v0 =	vnsel vm4, $0x4B000FFF, v0  }
0x2c3: {  	v1 =	vnsel vm5, $0x4B000FFF, v1;
	v2 =	vshll.u32 v0, $0x7  }
0x2c4: {  	v0 =	vshll.u32 v0, $0xC;
	v3 =	vand.u32 $0x7F, v1;
	v2 =	vand.u32 $0x380, v2  }
0x2c5: {  	v1 =	vshll.u32 v1, $0x3;
	v0 =	vand.u32 $0xFFFF8000, v0;
	v2 =	vor.u32 v2, v3  }
0x2c6: {  	v1 =	vand.u32 $0xFFFFFC00, v1;
	v0 =	vor.u32 v2, v0  }
0x2c7: {  	v0 =	vadd.s32 v1, v0  }
0x2c8: {  	v0 =	vadd.s32 $0xA8000000, v0  }
0x2c9: {  	[tilespmem:s0+$0x3020] =	vst v0  }
0x2ca: {  	v0 =	vld [tilespmem:s31+$0xFFFFFFB0]  }
0x2cb: {  	v1 =	vld [tilespmem:s31+$0x30];
	_ =	sdelay $0x3  }
0x2cc: {  	v0 =	vadd.f32 $1.000000000e+00, v0  }
0x2cd: {  	v1 =	vadd.f32 $1.000000000e+00, v1  }
0x2ce: {  	v0 =	vmul.f32 $2.048000000e+03, v0  }
0x2cf: {  	v1 =	vmul.f32 $2.048000000e+03, v1  }
0x2d0: {  	v0 =	vadd.f32 $8.388608000e+06, v0  }
0x2d1: {  	v1 =	vadd.f32 $8.388608000e+06, v1  }
0x2d2: {  	vm6 =	vlt.s32 v0, $0x4B000FFF  }
0x2d3: {  	vm7 =	vlt.s32 v1, $0x4B000FFF;
	v0 =	vnsel vm6, $0x4B000FFF, v0  }
0x2d4: {  	v1 =	vnsel vm7, $0x4B000FFF, v1;
	v2 =	vshll.u32 v0, $0x7  }
0x2d5: {  	v0 =	vshll.u32 v0, $0xC;
	v3 =	vand.u32 $0x7F, v1;
	v2 =	vand.u32 $0x380, v2  }
0x2d6: {  	v1 =	vshll.u32 v1, $0x3;
	v0 =	vand.u32 $0xFFFF8000, v0;
	v2 =	vor.u32 v2, v3  }
0x2d7: {  	v1 =	vand.u32 $0xFFFFFC00, v1;
	v0 =	vor.u32 v2, v0  }
0x2d8: {  	v0 =	vadd.s32 v1, v0  }
0x2d9: {  	v0 =	vadd.s32 $0xA8000000, v0  }
0x2da: {  	[tilespmem:s0+$0x3030] =	vst v0  }
0x2db: {  	v0 =	vld [tilespmem:s31+$0xFFFFFFC0]  }
0x2dc: {  	v1 =	vld [tilespmem:s31+$0x40];
	_ =	sdelay $0x3  }
0x2dd: {  	v0 =	vadd.f32 $1.000000000e+00, v0  }
0x2de: {  	v1 =	vadd.f32 $1.000000000e+00, v1  }
0x2df: {  	v0 =	vmul.f32 $2.048000000e+03, v0  }
0x2e0: {  	v1 =	vmul.f32 $2.048000000e+03, v1  }
0x2e1: {  	v0 =	vadd.f32 $8.388608000e+06, v0  }
0x2e2: {  	v1 =	vadd.f32 $8.388608000e+06, v1  }
0x2e3: {  	vm8 =	vlt.s32 v0, $0x4B000FFF  }
0x2e4: {  	vm9 =	vlt.s32 v1, $0x4B000FFF;
	v0 =	vnsel vm8, $0x4B000FFF, v0  }
0x2e5: {  	v1 =	vnsel vm9, $0x4B000FFF, v1;
	v2 =	vshll.u32 v0, $0x7  }
0x2e6: {  	v0 =	vshll.u32 v0, $0xC;
	v3 =	vand.u32 $0x7F, v1;
	v2 =	vand.u32 $0x380, v2  }
0x2e7: {  	v1 =	vshll.u32 v1, $0x3;
	v0 =	vand.u32 $0xFFFF8000, v0;
	v2 =	vor.u32 v2, v3  }
0x2e8: {  	v1 =	vand.u32 $0xFFFFFC00, v1;
	v0 =	vor.u32 v2, v0  }
0x2e9: {  	v0 =	vadd.s32 v1, v0  }
0x2ea: {  	v0 =	vadd.s32 $0xA8000000, v0  }
0x2eb: {  	[tilespmem:s0+$0x3040] =	vst v0  }
0x2ec: {  	v0 =	vld [tilespmem:s31+$0xFFFFFFD0]  }
0x2ed: {  	v1 =	vld [tilespmem:s31+$0x50];
	_ =	sdelay $0x3  }
0x2ee: {  	v0 =	vadd.f32 $1.000000000e+00, v0  }
0x2ef: {  	v1 =	vadd.f32 $1.000000000e+00, v1  }
0x2f0: {  	v0 =	vmul.f32 $2.048000000e+03, v0  }
0x2f1: {  	v1 =	vmul.f32 $2.048000000e+03, v1  }
0x2f2: {  	v0 =	vadd.f32 $8.388608000e+06, v0  }
0x2f3: {  	v1 =	vadd.f32 $8.388608000e+06, v1  }
0x2f4: {  	vm10 =	vlt.s32 v0, $0x4B000FFF  }
0x2f5: {  	vm11 =	vlt.s32 v1, $0x4B000FFF;
	v0 =	vnsel vm10, $0x4B000FFF, v0  }
0x2f6: {  	v1 =	vnsel vm11, $0x4B000FFF, v1;
	v2 =	vshll.u32 v0, $0x7  }
0x2f7: {  	v0 =	vshll.u32 v0, $0xC;
	v3 =	vand.u32 $0x7F, v1;
	v2 =	vand.u32 $0x380, v2  }
0x2f8: {  	v1 =	vshll.u32 v1, $0x3;
	v0 =	vand.u32 $0xFFFF8000, v0;
	v2 =	vor.u32 v2, v3  }
0x2f9: {  	v1 =	vand.u32 $0xFFFFFC00, v1;
	v0 =	vor.u32 v2, v0  }
0x2fa: {  	v0 =	vadd.s32 v1, v0  }
0x2fb: {  	v0 =	vadd.s32 $0xA8000000, v0  }
0x2fc: {  	[tilespmem:s0+$0x3050] =	vst v0  }
0x2fd: {  	v0 =	vld [tilespmem:s31+$0xFFFFFFE0]  }
0x2fe: {  	v1 =	vld [tilespmem:s31+$0x60];
	_ =	sdelay $0x3  }
0x2ff: {  	v0 =	vadd.f32 $1.000000000e+00, v0  }
0x300: {  	v1 =	vadd.f32 $1.000000000e+00, v1  }
0x301: {  	v0 =	vmul.f32 $2.048000000e+03, v0  }
0x302: {  	v1 =	vmul.f32 $2.048000000e+03, v1  }
0x303: {  	v0 =	vadd.f32 $8.388608000e+06, v0  }
0x304: {  	v1 =	vadd.f32 $8.388608000e+06, v1  }
0x305: {  	vm12 =	vlt.s32 v0, $0x4B000FFF  }
0x306: {  	vm13 =	vlt.s32 v1, $0x4B000FFF;
	v0 =	vnsel vm12, $0x4B000FFF, v0  }
0x307: {  	v1 =	vnsel vm13, $0x4B000FFF, v1;
	v2 =	vshll.u32 v0, $0x7  }
0x308: {  	v0 =	vshll.u32 v0, $0xC;
	v3 =	vand.u32 $0x7F, v1;
	v2 =	vand.u32 $0x380, v2  }
0x309: {  	v1 =	vshll.u32 v1, $0x3;
	v0 =	vand.u32 $0xFFFF8000, v0;
	v2 =	vor.u32 v2, v3  }
0x30a: {  	v1 =	vand.u32 $0xFFFFFC00, v1;
	v0 =	vor.u32 v2, v0  }
0x30b: {  	v0 =	vadd.s32 v1, v0  }
0x30c: {  	v0 =	vadd.s32 $0xA8000000, v0  }
0x30d: {  	[tilespmem:s0+$0x3060] =	vst v0  }
0x30e: {  	v0 =	vld [tilespmem:s31+$0xFFFFFFF0]  }
0x30f: {  	v1 =	vld [tilespmem:s31+$0x70];
	_ =	sdelay $0x3  }
0x310: {  	v0 =	vadd.f32 $1.000000000e+00, v0  }
0x311: {  	v1 =	vadd.f32 $1.000000000e+00, v1  }
0x312: {  	v0 =	vmul.f32 $2.048000000e+03, v0  }
0x313: {  	v1 =	vmul.f32 $2.048000000e+03, v1  }
0x314: {  	v0 =	vadd.f32 $8.388608000e+06, v0  }
0x315: {  	v1 =	vadd.f32 $8.388608000e+06, v1  }
0x316: {  	vm14 =	vlt.s32 v0, $0x4B000FFF  }
0x317: {  	vm15 =	vlt.s32 v1, $0x4B000FFF;
	v0 =	vnsel vm14, $0x4B000FFF, v0  }
0x318: {  	v1 =	vnsel vm15, $0x4B000FFF, v1;
	v2 =	vshll.u32 v0, $0x7  }
0x319: {  	v0 =	vshll.u32 v0, $0xC;
	v3 =	vand.u32 $0x7F, v1;
	v2 =	vand.u32 $0x380, v2  }
0x31a: {  	v1 =	vshll.u32 v1, $0x3;
	v0 =	vand.u32 $0xFFFF8000, v0;
	v2 =	vor.u32 v2, v3  }
0x31b: {  	v1 =	vand.u32 $0xFFFFFC00, v1;
	v0 =	vor.u32 v2, v0  }
0x31c: {  	v0 =	vadd.s32 v1, v0  }
0x31d: {  	s7 =	simm.s32 $0x200;
	v0 =	vadd.s32 $0xA8000000, v0  }
.LBB2_7:
0x31e: {  	p1 =	sne.s32 s7, $0x1E00  }
0x31f: {  	[tilespmem:s0+$0x3070] =	vst v0;
	s31 =	sadd.s32 $0x100, s31;
	s0 =	smov.u32 s7;
	s7 =	sadd.s32 $0x200, s7  }
0x320: {  	v0 =	vld [tilespmem:s31+$0xFFFFFF80]  }
0x321: {  	v1 =	vld [tilespmem:s31+$0x0];
	_ =	sdelay $0x3  }
0x322: {  	v0 =	vadd.f32 $1.000000000e+00, v0  }
0x323: {  	v1 =	vadd.f32 $1.000000000e+00, v1  }
0x324: {  	v0 =	vmul.f32 $2.048000000e+03, v0  }
0x325: {  	v1 =	vmul.f32 $2.048000000e+03, v1  }
0x326: {  	v0 =	vadd.f32 $8.388608000e+06, v0  }
0x327: {  	v1 =	vadd.f32 $8.388608000e+06, v1  }
0x328: {  	vm0 =	vlt.s32 v0, $0x4B000FFF  }
0x329: {  	v0 =	vnsel vm0, $0x4B000FFF, v0;
	vm0 =	vlt.s32 v1, $0x4B000FFF  }
0x32a: {  	v1 =	vnsel vm0, $0x4B000FFF, v1;
	v2 =	vshll.u32 v0, $0xC;
	v0 =	vshll.u32 v0, $0x7  }
0x32b: {  	v0 =	vand.u32 $0x380, v0;
	v3 =	vand.u32 $0x7F, v1  }
0x32c: {  	v2 =	vand.u32 $0xFFFF8000, v2;
	v1 =	vshll.u32 v1, $0x3;
	v0 =	vor.u32 v0, v3  }
0x32d: {  	v1 =	vand.u32 $0xFFFFFC00, v1;
	v0 =	vor.u32 v0, v2  }
0x32e: {  	v0 =	vadd.s32 v1, v0  }
0x32f: {  	s0 =	sshra.s32 s0, $0x2;
	v0 =	vadd.s32 $0xA8000000, v0  }
0x330: {  	[tilespmem:s0+$0x3000] =	vst v0  }
0x331: {  	v0 =	vld [tilespmem:s31+$0xFFFFFF90]  }
0x332: {  	v1 =	vld [tilespmem:s31+$0x10];
	_ =	sdelay $0x3  }
0x333: {  	v0 =	vadd.f32 $1.000000000e+00, v0  }
0x334: {  	v1 =	vadd.f32 $1.000000000e+00, v1  }
0x335: {  	v0 =	vmul.f32 $2.048000000e+03, v0  }
0x336: {  	v1 =	vmul.f32 $2.048000000e+03, v1  }
0x337: {  	v0 =	vadd.f32 $8.388608000e+06, v0  }
0x338: {  	v1 =	vadd.f32 $8.388608000e+06, v1  }
0x339: {  	vm0 =	vlt.s32 v0, $0x4B000FFF  }
0x33a: {  	v0 =	vnsel vm0, $0x4B000FFF, v0;
	vm0 =	vlt.s32 v1, $0x4B000FFF  }
0x33b: {  	v1 =	vnsel vm0, $0x4B000FFF, v1;
	v2 =	vshll.u32 v0, $0xC;
	v0 =	vshll.u32 v0, $0x7  }
0x33c: {  	v0 =	vand.u32 $0x380, v0;
	v3 =	vshll.u32 v1, $0x3;
	v1 =	vand.u32 $0x7F, v1  }
0x33d: {  	v2 =	vand.u32 $0xFFFF8000, v2;
	v0 =	vor.u32 v0, v1  }
0x33e: {  	v1 =	vand.u32 $0xFFFFFC00, v3;
	v0 =	vor.u32 v0, v2  }
0x33f: {  	v0 =	vadd.s32 v1, v0  }
0x340: {  	v0 =	vadd.s32 $0xA8000000, v0  }
0x341: {  	[tilespmem:s0+$0x3010] =	vst v0  }
0x342: {  	v0 =	vld [tilespmem:s31+$0xFFFFFFA0]  }
0x343: {  	v1 =	vld [tilespmem:s31+$0x20];
	_ =	sdelay $0x3  }
0x344: {  	v0 =	vadd.f32 $1.000000000e+00, v0  }
0x345: {  	v1 =	vadd.f32 $1.000000000e+00, v1  }
0x346: {  	v0 =	vmul.f32 $2.048000000e+03, v0  }
0x347: {  	v1 =	vmul.f32 $2.048000000e+03, v1  }
0x348: {  	v0 =	vadd.f32 $8.388608000e+06, v0  }
0x349: {  	v1 =	vadd.f32 $8.388608000e+06, v1  }
0x34a: {  	vm0 =	vlt.s32 v0, $0x4B000FFF  }
0x34b: {  	v0 =	vnsel vm0, $0x4B000FFF, v0;
	vm0 =	vlt.s32 v1, $0x4B000FFF  }
0x34c: {  	v1 =	vnsel vm0, $0x4B000FFF, v1;
	v2 =	vshll.u32 v0, $0xC;
	v0 =	vshll.u32 v0, $0x7  }
0x34d: {  	v0 =	vand.u32 $0x380, v0;
	v3 =	vand.u32 $0x7F, v1  }
0x34e: {  	v2 =	vand.u32 $0xFFFF8000, v2;
	v1 =	vshll.u32 v1, $0x3;
	v0 =	vor.u32 v0, v3  }
0x34f: {  	v1 =	vand.u32 $0xFFFFFC00, v1;
	v0 =	vor.u32 v0, v2  }
0x350: {  	v0 =	vadd.s32 v1, v0  }
0x351: {  	v0 =	vadd.s32 $0xA8000000, v0  }
0x352: {  	[tilespmem:s0+$0x3020] =	vst v0  }
0x353: {  	v0 =	vld [tilespmem:s31+$0xFFFFFFB0]  }
0x354: {  	v1 =	vld [tilespmem:s31+$0x30];
	_ =	sdelay $0x3  }
0x355: {  	v0 =	vadd.f32 $1.000000000e+00, v0  }
0x356: {  	v1 =	vadd.f32 $1.000000000e+00, v1  }
0x357: {  	v0 =	vmul.f32 $2.048000000e+03, v0  }
0x358: {  	v1 =	vmul.f32 $2.048000000e+03, v1  }
0x359: {  	v0 =	vadd.f32 $8.388608000e+06, v0  }
0x35a: {  	v1 =	vadd.f32 $8.388608000e+06, v1  }
0x35b: {  	vm0 =	vlt.s32 v0, $0x4B000FFF  }
0x35c: {  	v0 =	vnsel vm0, $0x4B000FFF, v0;
	vm0 =	vlt.s32 v1, $0x4B000FFF  }
0x35d: {  	v1 =	vnsel vm0, $0x4B000FFF, v1;
	v2 =	vshll.u32 v0, $0xC;
	v0 =	vshll.u32 v0, $0x7  }
0x35e: {  	v0 =	vand.u32 $0x380, v0;
	v3 =	vand.u32 $0x7F, v1  }
0x35f: {  	v2 =	vand.u32 $0xFFFF8000, v2;
	v1 =	vshll.u32 v1, $0x3;
	v0 =	vor.u32 v0, v3  }
0x360: {  	v1 =	vand.u32 $0xFFFFFC00, v1;
	v0 =	vor.u32 v0, v2  }
0x361: {  	v0 =	vadd.s32 v1, v0  }
0x362: {  	v0 =	vadd.s32 $0xA8000000, v0  }
0x363: {  	[tilespmem:s0+$0x3030] =	vst v0  }
0x364: {  	v0 =	vld [tilespmem:s31+$0xFFFFFFC0]  }
0x365: {  	v1 =	vld [tilespmem:s31+$0x40];
	_ =	sdelay $0x3  }
0x366: {  	v0 =	vadd.f32 $1.000000000e+00, v0  }
0x367: {  	v1 =	vadd.f32 $1.000000000e+00, v1  }
0x368: {  	v0 =	vmul.f32 $2.048000000e+03, v0  }
0x369: {  	v1 =	vmul.f32 $2.048000000e+03, v1  }
0x36a: {  	v0 =	vadd.f32 $8.388608000e+06, v0  }
0x36b: {  	v1 =	vadd.f32 $8.388608000e+06, v1  }
0x36c: {  	vm0 =	vlt.s32 v0, $0x4B000FFF  }
0x36d: {  	v0 =	vnsel vm0, $0x4B000FFF, v0;
	vm0 =	vlt.s32 v1, $0x4B000FFF  }
0x36e: {  	v1 =	vnsel vm0, $0x4B000FFF, v1;
	v2 =	vshll.u32 v0, $0xC;
	v0 =	vshll.u32 v0, $0x7  }
0x36f: {  	v0 =	vand.u32 $0x380, v0;
	v3 =	vshll.u32 v1, $0x3;
	v1 =	vand.u32 $0x7F, v1  }
0x370: {  	v2 =	vand.u32 $0xFFFF8000, v2;
	v0 =	vor.u32 v0, v1  }
0x371: {  	v1 =	vand.u32 $0xFFFFFC00, v3;
	v0 =	vor.u32 v0, v2  }
0x372: {  	v0 =	vadd.s32 v1, v0  }
0x373: {  	v0 =	vadd.s32 $0xA8000000, v0  }
0x374: {  	[tilespmem:s0+$0x3040] =	vst v0  }
0x375: {  	v0 =	vld [tilespmem:s31+$0xFFFFFFD0]  }
0x376: {  	v1 =	vld [tilespmem:s31+$0x50];
	_ =	sdelay $0x3  }
0x377: {  	v0 =	vadd.f32 $1.000000000e+00, v0  }
0x378: {  	v1 =	vadd.f32 $1.000000000e+00, v1  }
0x379: {  	v0 =	vmul.f32 $2.048000000e+03, v0  }
0x37a: {  	v1 =	vmul.f32 $2.048000000e+03, v1  }
0x37b: {  	v0 =	vadd.f32 $8.388608000e+06, v0  }
0x37c: {  	v1 =	vadd.f32 $8.388608000e+06, v1  }
0x37d: {  	vm0 =	vlt.s32 v0, $0x4B000FFF  }
0x37e: {  	v0 =	vnsel vm0, $0x4B000FFF, v0;
	vm0 =	vlt.s32 v1, $0x4B000FFF  }
0x37f: {  	v1 =	vnsel vm0, $0x4B000FFF, v1;
	v2 =	vshll.u32 v0, $0xC;
	v0 =	vshll.u32 v0, $0x7  }
0x380: {  	v0 =	vand.u32 $0x380, v0;
	v3 =	vshll.u32 v1, $0x3;
	v1 =	vand.u32 $0x7F, v1  }
0x381: {  	v2 =	vand.u32 $0xFFFF8000, v2;
	v0 =	vor.u32 v0, v1  }
0x382: {  	v1 =	vand.u32 $0xFFFFFC00, v3;
	v0 =	vor.u32 v0, v2  }
0x383: {  	v0 =	vadd.s32 v1, v0  }
0x384: {  	v0 =	vadd.s32 $0xA8000000, v0  }
0x385: {  	[tilespmem:s0+$0x3050] =	vst v0  }
0x386: {  	v0 =	vld [tilespmem:s31+$0xFFFFFFE0]  }
0x387: {  	v1 =	vld [tilespmem:s31+$0x60];
	_ =	sdelay $0x3  }
0x388: {  	v0 =	vadd.f32 $1.000000000e+00, v0  }
0x389: {  	v1 =	vadd.f32 $1.000000000e+00, v1  }
0x38a: {  	v0 =	vmul.f32 $2.048000000e+03, v0  }
0x38b: {  	v1 =	vmul.f32 $2.048000000e+03, v1  }
0x38c: {  	v0 =	vadd.f32 $8.388608000e+06, v0  }
0x38d: {  	v1 =	vadd.f32 $8.388608000e+06, v1  }
0x38e: {  	vm0 =	vlt.s32 v0, $0x4B000FFF  }
0x38f: {  	v0 =	vnsel vm0, $0x4B000FFF, v0;
	vm0 =	vlt.s32 v1, $0x4B000FFF  }
0x390: {  	v1 =	vnsel vm0, $0x4B000FFF, v1;
	v2 =	vshll.u32 v0, $0xC;
	v0 =	vshll.u32 v0, $0x7  }
0x391: {  	v0 =	vand.u32 $0x380, v0;
	v3 =	vshll.u32 v1, $0x3;
	v1 =	vand.u32 $0x7F, v1  }
0x392: {  	v2 =	vand.u32 $0xFFFF8000, v2;
	v0 =	vor.u32 v0, v1  }
0x393: {  	v1 =	vand.u32 $0xFFFFFC00, v3;
	v0 =	vor.u32 v0, v2  }
0x394: {  	v0 =	vadd.s32 v1, v0  }
0x395: {  	v0 =	vadd.s32 $0xA8000000, v0  }
0x396: {  	[tilespmem:s0+$0x3060] =	vst v0  }
0x397: {  	v0 =	vld [tilespmem:s31+$0xFFFFFFF0]  }
0x398: {  	v1 =	vld [tilespmem:s31+$0x70];
	_ =	sdelay $0x3  }
0x399: {  	v0 =	vadd.f32 $1.000000000e+00, v0  }
0x39a: {  	v1 =	vadd.f32 $1.000000000e+00, v1  }
0x39b: {  	v0 =	vmul.f32 $2.048000000e+03, v0  }
0x39c: {  	v1 =	vmul.f32 $2.048000000e+03, v1  }
0x39d: {  	v0 =	vadd.f32 $8.388608000e+06, v0  }
0x39e: {  	v1 =	vadd.f32 $8.388608000e+06, v1  }
0x39f: {  	vm0 =	vlt.s32 v0, $0x4B000FFF  }
0x3a0: {  	v0 =	vnsel vm0, $0x4B000FFF, v0;
	vm0 =	vlt.s32 v1, $0x4B000FFF  }
0x3a1: {  	v1 =	vnsel vm0, $0x4B000FFF, v1;
	v2 =	vshll.u32 v0, $0xC;
	v0 =	vshll.u32 v0, $0x7  }
.Ltmp2:
0x3a2: {  	v0 =	vand.u32 $0x380, v0;
	v3 =	vshll.u32 v1, $0x3;
	v1 =	vand.u32 $0x7F, v1;
	(pc) =	sbr.rel @p1 .LBB2_7-.Ltmp2, $4  }
0x3a3: {  	v2 =	vand.u32 $0xFFFF8000, v2;
	v0 =	vor.u32 v0, v1  }
0x3a4: {  	v1 =	vand.u32 $0xFFFFFC00, v3;
	v0 =	vor.u32 v0, v2  }
0x3a5: {  	v0 =	vadd.s32 v1, v0  }
0x3a6: {  	v0 =	vadd.s32 $0xA8000000, v0  }
0x3a7: {  	[tilespmem:s0+$0x3070] =	vst v0;
	s0 =	simm.s32 @!p0 $0x5  }
0x3a8: {  	_ =	swait.ge @!p0 [sflag:s0], $0x800  }
0x3a9: {  	s7 =	sadd.s32 @!p0 s29, s10;
	[sflag:s0] =	ssyncset.done @!p0 $0x0  }
0x3aa: {  	[sflag:s0] =	ssyncadd.s32 @!p0 $0xFFFFF800;
	s0 =	sshrl.u32 @!p0 s7, $0x3  }
0x3ab: {  	s30 =	simm.s32 @!p0 $0x5800;
	s7 =	simm.s32 @!p0 $0x0;
	s0 =	sadd.s32 @!p0 s3, s0  }
0x3ac: {  	[hbm4b:s0+s7] =	stream.linear.scatter @!p0 [tilespmem:s30], [sflag:$0x9], $0x800, $0x38;
	[tilespmem:$0x6000] =	vst v63  }
0x3ad: {  	s0 =	simm.s32 @!p0 $0x8  }
0x3ae: {  	_ =	swait.ge @!p0 [sflag:s0], $0x800  }
0x3af: {  	[sflag:s0] =	ssyncset.done @!p0 $0x0  }
0x3b0: {  	s7 =	simm.s32 $0x3000;
	[sflag:s0] =	ssyncadd.s32 @!p0 $0xFFFFF800  }
0x3b1: {  	[tilespmem:s28], [sflag:$0x4] =	stream.indirect.gather [hbm4b:s2+s17], $0x1, s7, s17, $0xb8;
	[tilespmem:$0x6000] =	vst v63  }
0x3b2: {  	s31 =	simm.s32 $0x5080;
	s30 =	simm.s32 $0x3080  }
0x3b3: {  	[tilespmem:s31], [sflag:$0x4] =	stream.indirect.gather [hbm4b:s2+s17], $0x1, s30, s17, $0xb8;
	[tilespmem:$0x6000] =	vst v63  }
0x3b4: {  	s30 =	simm.s32 $0x3100;
	s31 =	simm.s32 $0x5100  }
0x3b5: {  	[tilespmem:s31], [sflag:$0x4] =	stream.indirect.gather [hbm4b:s2+s17], $0x1, s30, s17, $0xb8;
	[tilespmem:$0x6000] =	vst v63  }
0x3b6: {  	s30 =	simm.s32 $0x3180;
	s31 =	simm.s32 $0x5180  }
0x3b7: {  	[tilespmem:s31], [sflag:$0x4] =	stream.indirect.gather [hbm4b:s2+s17], $0x1, s30, s17, $0xb8;
	[tilespmem:$0x6000] =	vst v63  }
0x3b8: {  	s30 =	simm.s32 $0x3200;
	s31 =	simm.s32 $0x5200  }
0x3b9: {  	[tilespmem:s31], [sflag:$0x4] =	stream.indirect.gather [hbm4b:s2+s17], $0x1, s30, s17, $0xb8;
	[tilespmem:$0x6000] =	vst v63  }
0x3ba: {  	s30 =	simm.s32 $0x3280;
	s31 =	simm.s32 $0x5280  }
0x3bb: {  	[tilespmem:s31], [sflag:$0x4] =	stream.indirect.gather [hbm4b:s2+s17], $0x1, s30, s17, $0xb8;
	[tilespmem:$0x6000] =	vst v63  }
0x3bc: {  	s30 =	simm.s32 $0x3300;
	s31 =	simm.s32 $0x5300  }
0x3bd: {  	[tilespmem:s31], [sflag:$0x4] =	stream.indirect.gather [hbm4b:s2+s17], $0x1, s30, s17, $0xb8;
	[tilespmem:$0x6000] =	vst v63  }
0x3be: {  	s30 =	simm.s32 $0x3380;
	s31 =	simm.s32 $0x5380  }
0x3bf: {  	[tilespmem:s31], [sflag:$0x4] =	stream.indirect.gather [hbm4b:s2+s17], $0x1, s30, s17, $0xb8;
	[tilespmem:$0x6000] =	vst v63  }
0x3c0: {  	s30 =	simm.s32 $0x3400;
	s31 =	simm.s32 $0x5400  }
0x3c1: {  	[tilespmem:s31], [sflag:$0x4] =	stream.indirect.gather [hbm4b:s2+s17], $0x1, s30, s17, $0xb8;
	[tilespmem:$0x6000] =	vst v63  }
0x3c2: {  	s30 =	simm.s32 $0x3480;
	s31 =	simm.s32 $0x5480  }
0x3c3: {  	[tilespmem:s31], [sflag:$0x4] =	stream.indirect.gather [hbm4b:s2+s17], $0x1, s30, s17, $0xb8;
	[tilespmem:$0x6000] =	vst v63  }
0x3c4: {  	s30 =	simm.s32 $0x3500;
	s31 =	simm.s32 $0x5500  }
0x3c5: {  	[tilespmem:s31], [sflag:$0x4] =	stream.indirect.gather [hbm4b:s2+s17], $0x1, s30, s17, $0xb8;
	[tilespmem:$0x6000] =	vst v63  }
0x3c6: {  	s30 =	simm.s32 $0x3580;
	s31 =	simm.s32 $0x5580  }
0x3c7: {  	[tilespmem:s31], [sflag:$0x4] =	stream.indirect.gather [hbm4b:s2+s17], $0x1, s30, s17, $0xb8;
	[tilespmem:$0x6000] =	vst v63  }
0x3c8: {  	s30 =	simm.s32 $0x3600;
	s31 =	simm.s32 $0x5600  }
0x3c9: {  	[tilespmem:s31], [sflag:$0x4] =	stream.indirect.gather [hbm4b:s2+s17], $0x1, s30, s17, $0xb8;
	[tilespmem:$0x6000] =	vst v63  }
0x3ca: {  	s30 =	simm.s32 $0x3680;
	s31 =	simm.s32 $0x5680  }
0x3cb: {  	[tilespmem:s31], [sflag:$0x4] =	stream.indirect.gather [hbm4b:s2+s17], $0x1, s30, s17, $0xb8;
	[tilespmem:$0x6000] =	vst v63  }
0x3cc: {  	s30 =	simm.s32 $0x3700;
	s31 =	simm.s32 $0x5700  }
0x3cd: {  	[tilespmem:s31], [sflag:$0x4] =	stream.indirect.gather [hbm4b:s2+s17], $0x1, s30, s17, $0xb8;
	[tilespmem:$0x6000] =	vst v63  }
0x3ce: {  	s30 =	simm.s32 $0x3780;
	s31 =	simm.s32 $0x5780  }
0x3cf: {  	[tilespmem:s31], [sflag:$0x4] =	stream.indirect.gather [hbm4b:s2+s17], $0x1, s30, s17, $0xb8;
	[tilespmem:$0x6000] =	vst v63  }
0x3d0: {  	s30 =	sadd.s32 $0x2000, s29  }
0x3d1: {  	s0 =	sand.u32 $0x6000, s30  }
0x3d2: {  	_ =	swait.ge [sflag:s15], $0x1000;
	s0 =	sor.u32 s6, s0  }
0x3d3: {  	s31 =	simm.s32 $0x0;
	[sflag:s15] =	ssyncset.done $0x0;
	s0 =	sshrl.u32 s0, $0x2  }
0x3d4: {  	s29 =	simm.s32 $0x1080;
	[sflag:s15] =	ssyncadd.s32 $0xFFFFF000;
	s0 =	sadd.s32 s1, s0  }
0x3d5: {  	[tilespmem:s31], [sflag:$0x1] =	stream.linear.gather [hbm4b:s0+s31], $0x1000, $0x38;
	[tilespmem:$0x6000] =	vst v63  }
0x3d6: {  	v0 =	vld [tilespmem:s29+$0xFFFFFF80]  }
0x3d7: {  	v1 =	vld [tilespmem:s29+$0x0];
	_ =	sdelay $0x3  }
0x3d8: {  	v0 =	vadd.f32 $1.000000000e+00, v0  }
0x3d9: {  	v1 =	vadd.f32 $1.000000000e+00, v1  }
0x3da: {  	v0 =	vmul.f32 $2.048000000e+03, v0  }
0x3db: {  	v1 =	vmul.f32 $2.048000000e+03, v1  }
0x3dc: {  	v0 =	vadd.f32 $8.388608000e+06, v0  }
0x3dd: {  	v1 =	vadd.f32 $8.388608000e+06, v1  }
0x3de: {  	vm0 =	vlt.s32 v0, $0x4B000FFF  }
0x3df: {  	vm13 =	vlt.s32 v1, $0x4B000FFF;
	v0 =	vnsel vm0, $0x4B000FFF, v0  }
0x3e0: {  	v1 =	vnsel vm13, $0x4B000FFF, v1;
	v2 =	vshll.u32 v0, $0x7  }
0x3e1: {  	v0 =	vshll.u32 v0, $0xC;
	v3 =	vand.u32 $0x7F, v1;
	v2 =	vand.u32 $0x380, v2  }
0x3e2: {  	v1 =	vshll.u32 v1, $0x3;
	v0 =	vand.u32 $0xFFFF8000, v0;
	v2 =	vor.u32 v2, v3  }
0x3e3: {  	v1 =	vand.u32 $0xFFFFFC00, v1;
	v0 =	vor.u32 v2, v0  }
0x3e4: {  	v0 =	vadd.s32 v1, v0  }
0x3e5: {  	s0 =	simm.s32 $0x0;
	v0 =	vadd.s32 $0xA8000000, v0  }
0x3e6: {  	[tilespmem:s0+$0x3800] =	vst v0  }
0x3e7: {  	v0 =	vld [tilespmem:s29+$0xFFFFFF90]  }
0x3e8: {  	v1 =	vld [tilespmem:s29+$0x10];
	_ =	sdelay $0x3  }
0x3e9: {  	v0 =	vadd.f32 $1.000000000e+00, v0  }
0x3ea: {  	v1 =	vadd.f32 $1.000000000e+00, v1  }
0x3eb: {  	v0 =	vmul.f32 $2.048000000e+03, v0  }
0x3ec: {  	v1 =	vmul.f32 $2.048000000e+03, v1  }
0x3ed: {  	v0 =	vadd.f32 $8.388608000e+06, v0  }
0x3ee: {  	v1 =	vadd.f32 $8.388608000e+06, v1  }
0x3ef: {  	vm14 =	vlt.s32 v0, $0x4B000FFF  }
0x3f0: {  	vm15 =	vlt.s32 v1, $0x4B000FFF;
	v0 =	vnsel vm14, $0x4B000FFF, v0  }
0x3f1: {  	v1 =	vnsel vm15, $0x4B000FFF, v1;
	v2 =	vshll.u32 v0, $0x7  }
0x3f2: {  	v0 =	vshll.u32 v0, $0xC;
	v3 =	vand.u32 $0x7F, v1;
	v2 =	vand.u32 $0x380, v2  }
0x3f3: {  	v1 =	vshll.u32 v1, $0x3;
	v0 =	vand.u32 $0xFFFF8000, v0;
	v2 =	vor.u32 v2, v3  }
0x3f4: {  	v1 =	vand.u32 $0xFFFFFC00, v1;
	v0 =	vor.u32 v2, v0  }
0x3f5: {  	v0 =	vadd.s32 v1, v0  }
0x3f6: {  	v0 =	vadd.s32 $0xA8000000, v0  }
0x3f7: {  	[tilespmem:s0+$0x3810] =	vst v0  }
0x3f8: {  	v0 =	vld [tilespmem:s29+$0xFFFFFFA0]  }
0x3f9: {  	v1 =	vld [tilespmem:s29+$0x20];
	_ =	sdelay $0x3  }
0x3fa: {  	v0 =	vadd.f32 $1.000000000e+00, v0  }
0x3fb: {  	v1 =	vadd.f32 $1.000000000e+00, v1  }
0x3fc: {  	v0 =	vmul.f32 $2.048000000e+03, v0  }
0x3fd: {  	v1 =	vmul.f32 $2.048000000e+03, v1  }
0x3fe: {  	v0 =	vadd.f32 $8.388608000e+06, v0  }
0x3ff: {  	v1 =	vadd.f32 $8.388608000e+06, v1  }
0x400: {  	vm4 =	vlt.s32 v0, $0x4B000FFF  }
0x401: {  	vm5 =	vlt.s32 v1, $0x4B000FFF;
	v0 =	vnsel vm4, $0x4B000FFF, v0  }
0x402: {  	v1 =	vnsel vm5, $0x4B000FFF, v1;
	v2 =	vshll.u32 v0, $0x7  }
0x403: {  	v0 =	vshll.u32 v0, $0xC;
	v3 =	vand.u32 $0x7F, v1;
	v2 =	vand.u32 $0x380, v2  }
0x404: {  	v1 =	vshll.u32 v1, $0x3;
	v0 =	vand.u32 $0xFFFF8000, v0;
	v2 =	vor.u32 v2, v3  }
0x405: {  	v1 =	vand.u32 $0xFFFFFC00, v1;
	v0 =	vor.u32 v2, v0  }
0x406: {  	v0 =	vadd.s32 v1, v0  }
0x407: {  	v0 =	vadd.s32 $0xA8000000, v0  }
0x408: {  	[tilespmem:s0+$0x3820] =	vst v0  }
0x409: {  	v0 =	vld [tilespmem:s29+$0xFFFFFFB0]  }
0x40a: {  	v1 =	vld [tilespmem:s29+$0x30];
	_ =	sdelay $0x3  }
0x40b: {  	v0 =	vadd.f32 $1.000000000e+00, v0  }
0x40c: {  	v1 =	vadd.f32 $1.000000000e+00, v1  }
0x40d: {  	v0 =	vmul.f32 $2.048000000e+03, v0  }
0x40e: {  	v1 =	vmul.f32 $2.048000000e+03, v1  }
0x40f: {  	v0 =	vadd.f32 $8.388608000e+06, v0  }
0x410: {  	v1 =	vadd.f32 $8.388608000e+06, v1  }
0x411: {  	vm6 =	vlt.s32 v0, $0x4B000FFF  }
0x412: {  	vm7 =	vlt.s32 v1, $0x4B000FFF;
	v0 =	vnsel vm6, $0x4B000FFF, v0  }
0x413: {  	v1 =	vnsel vm7, $0x4B000FFF, v1;
	v2 =	vshll.u32 v0, $0x7  }
0x414: {  	v0 =	vshll.u32 v0, $0xC;
	v3 =	vand.u32 $0x7F, v1;
	v2 =	vand.u32 $0x380, v2  }
0x415: {  	v1 =	vshll.u32 v1, $0x3;
	v0 =	vand.u32 $0xFFFF8000, v0;
	v2 =	vor.u32 v2, v3  }
0x416: {  	v1 =	vand.u32 $0xFFFFFC00, v1;
	v0 =	vor.u32 v2, v0  }
0x417: {  	v0 =	vadd.s32 v1, v0  }
0x418: {  	v0 =	vadd.s32 $0xA8000000, v0  }
0x419: {  	[tilespmem:s0+$0x3830] =	vst v0  }
0x41a: {  	v0 =	vld [tilespmem:s29+$0xFFFFFFC0]  }
0x41b: {  	v1 =	vld [tilespmem:s29+$0x40];
	_ =	sdelay $0x3  }
0x41c: {  	v0 =	vadd.f32 $1.000000000e+00, v0  }
0x41d: {  	v1 =	vadd.f32 $1.000000000e+00, v1  }
0x41e: {  	v0 =	vmul.f32 $2.048000000e+03, v0  }
0x41f: {  	v1 =	vmul.f32 $2.048000000e+03, v1  }
0x420: {  	v0 =	vadd.f32 $8.388608000e+06, v0  }
0x421: {  	v1 =	vadd.f32 $8.388608000e+06, v1  }
0x422: {  	vm8 =	vlt.s32 v0, $0x4B000FFF  }
0x423: {  	vm9 =	vlt.s32 v1, $0x4B000FFF;
	v0 =	vnsel vm8, $0x4B000FFF, v0  }
0x424: {  	v1 =	vnsel vm9, $0x4B000FFF, v1;
	v2 =	vshll.u32 v0, $0x7  }
0x425: {  	v0 =	vshll.u32 v0, $0xC;
	v3 =	vand.u32 $0x7F, v1;
	v2 =	vand.u32 $0x380, v2  }
0x426: {  	v1 =	vshll.u32 v1, $0x3;
	v0 =	vand.u32 $0xFFFF8000, v0;
	v2 =	vor.u32 v2, v3  }
0x427: {  	v1 =	vand.u32 $0xFFFFFC00, v1;
	v0 =	vor.u32 v2, v0  }
0x428: {  	v0 =	vadd.s32 v1, v0  }
0x429: {  	v0 =	vadd.s32 $0xA8000000, v0  }
0x42a: {  	[tilespmem:s0+$0x3840] =	vst v0  }
0x42b: {  	v0 =	vld [tilespmem:s29+$0xFFFFFFD0]  }
0x42c: {  	v1 =	vld [tilespmem:s29+$0x50];
	_ =	sdelay $0x3  }
0x42d: {  	v0 =	vadd.f32 $1.000000000e+00, v0  }
0x42e: {  	v1 =	vadd.f32 $1.000000000e+00, v1  }
0x42f: {  	v0 =	vmul.f32 $2.048000000e+03, v0  }
0x430: {  	v1 =	vmul.f32 $2.048000000e+03, v1  }
0x431: {  	v0 =	vadd.f32 $8.388608000e+06, v0  }
0x432: {  	v1 =	vadd.f32 $8.388608000e+06, v1  }
0x433: {  	vm10 =	vlt.s32 v0, $0x4B000FFF  }
0x434: {  	vm11 =	vlt.s32 v1, $0x4B000FFF;
	v0 =	vnsel vm10, $0x4B000FFF, v0  }
0x435: {  	v1 =	vnsel vm11, $0x4B000FFF, v1;
	v2 =	vshll.u32 v0, $0x7  }
0x436: {  	v0 =	vshll.u32 v0, $0xC;
	v3 =	vand.u32 $0x7F, v1;
	v2 =	vand.u32 $0x380, v2  }
0x437: {  	v1 =	vshll.u32 v1, $0x3;
	v0 =	vand.u32 $0xFFFF8000, v0;
	v2 =	vor.u32 v2, v3  }
0x438: {  	v1 =	vand.u32 $0xFFFFFC00, v1;
	v0 =	vor.u32 v2, v0  }
0x439: {  	v0 =	vadd.s32 v1, v0  }
0x43a: {  	v0 =	vadd.s32 $0xA8000000, v0  }
0x43b: {  	[tilespmem:s0+$0x3850] =	vst v0  }
0x43c: {  	v0 =	vld [tilespmem:s29+$0xFFFFFFE0]  }
0x43d: {  	v1 =	vld [tilespmem:s29+$0x60];
	_ =	sdelay $0x3  }
0x43e: {  	v0 =	vadd.f32 $1.000000000e+00, v0  }
0x43f: {  	v1 =	vadd.f32 $1.000000000e+00, v1  }
0x440: {  	v0 =	vmul.f32 $2.048000000e+03, v0  }
0x441: {  	v1 =	vmul.f32 $2.048000000e+03, v1  }
0x442: {  	v0 =	vadd.f32 $8.388608000e+06, v0  }
0x443: {  	v1 =	vadd.f32 $8.388608000e+06, v1  }
0x444: {  	vm12 =	vlt.s32 v0, $0x4B000FFF  }
0x445: {  	vm13 =	vlt.s32 v1, $0x4B000FFF;
	v0 =	vnsel vm12, $0x4B000FFF, v0  }
0x446: {  	v1 =	vnsel vm13, $0x4B000FFF, v1;
	v2 =	vshll.u32 v0, $0x7  }
0x447: {  	v0 =	vshll.u32 v0, $0xC;
	v3 =	vand.u32 $0x7F, v1;
	v2 =	vand.u32 $0x380, v2  }
0x448: {  	v1 =	vshll.u32 v1, $0x3;
	v0 =	vand.u32 $0xFFFF8000, v0;
	v2 =	vor.u32 v2, v3  }
0x449: {  	v1 =	vand.u32 $0xFFFFFC00, v1;
	v0 =	vor.u32 v2, v0  }
0x44a: {  	v0 =	vadd.s32 v1, v0  }
0x44b: {  	v0 =	vadd.s32 $0xA8000000, v0  }
0x44c: {  	[tilespmem:s0+$0x3860] =	vst v0  }
0x44d: {  	v0 =	vld [tilespmem:s29+$0xFFFFFFF0]  }
0x44e: {  	v1 =	vld [tilespmem:s29+$0x70];
	_ =	sdelay $0x3  }
0x44f: {  	v0 =	vadd.f32 $1.000000000e+00, v0  }
0x450: {  	v1 =	vadd.f32 $1.000000000e+00, v1  }
0x451: {  	v0 =	vmul.f32 $2.048000000e+03, v0  }
0x452: {  	v1 =	vmul.f32 $2.048000000e+03, v1  }
0x453: {  	v0 =	vadd.f32 $8.388608000e+06, v0  }
0x454: {  	v1 =	vadd.f32 $8.388608000e+06, v1  }
0x455: {  	vm14 =	vlt.s32 v0, $0x4B000FFF  }
0x456: {  	vm15 =	vlt.s32 v1, $0x4B000FFF;
	v0 =	vnsel vm14, $0x4B000FFF, v0  }
0x457: {  	v1 =	vnsel vm15, $0x4B000FFF, v1;
	v2 =	vshll.u32 v0, $0x7  }
0x458: {  	v0 =	vshll.u32 v0, $0xC;
	v3 =	vand.u32 $0x7F, v1;
	v2 =	vand.u32 $0x380, v2  }
0x459: {  	v1 =	vshll.u32 v1, $0x3;
	v0 =	vand.u32 $0xFFFF8000, v0;
	v2 =	vor.u32 v2, v3  }
0x45a: {  	v1 =	vand.u32 $0xFFFFFC00, v1;
	v0 =	vor.u32 v2, v0  }
0x45b: {  	v0 =	vadd.s32 v1, v0  }
0x45c: {  	s7 =	simm.s32 $0x200;
	v0 =	vadd.s32 $0xA8000000, v0  }
.LBB2_9:
0x45d: {  	p1 =	sne.s32 s7, $0x1E00  }
0x45e: {  	[tilespmem:s0+$0x3870] =	vst v0;
	s29 =	sadd.s32 $0x100, s29;
	s0 =	smov.u32 s7;
	s7 =	sadd.s32 $0x200, s7  }
0x45f: {  	v0 =	vld [tilespmem:s29+$0xFFFFFF80]  }
0x460: {  	v1 =	vld [tilespmem:s29+$0x0];
	_ =	sdelay $0x3  }
0x461: {  	v0 =	vadd.f32 $1.000000000e+00, v0  }
0x462: {  	v1 =	vadd.f32 $1.000000000e+00, v1  }
0x463: {  	v0 =	vmul.f32 $2.048000000e+03, v0  }
0x464: {  	v1 =	vmul.f32 $2.048000000e+03, v1  }
0x465: {  	v0 =	vadd.f32 $8.388608000e+06, v0  }
0x466: {  	v1 =	vadd.f32 $8.388608000e+06, v1  }
0x467: {  	vm0 =	vlt.s32 v0, $0x4B000FFF  }
0x468: {  	v0 =	vnsel vm0, $0x4B000FFF, v0;
	vm0 =	vlt.s32 v1, $0x4B000FFF  }
0x469: {  	v1 =	vnsel vm0, $0x4B000FFF, v1;
	v2 =	vshll.u32 v0, $0xC;
	v0 =	vshll.u32 v0, $0x7  }
0x46a: {  	v0 =	vand.u32 $0x380, v0;
	v3 =	vand.u32 $0x7F, v1  }
0x46b: {  	v2 =	vand.u32 $0xFFFF8000, v2;
	v1 =	vshll.u32 v1, $0x3;
	v0 =	vor.u32 v0, v3  }
0x46c: {  	v1 =	vand.u32 $0xFFFFFC00, v1;
	v0 =	vor.u32 v0, v2  }
0x46d: {  	v0 =	vadd.s32 v1, v0  }
0x46e: {  	s0 =	sshra.s32 s0, $0x2;
	v0 =	vadd.s32 $0xA8000000, v0  }
0x46f: {  	[tilespmem:s0+$0x3800] =	vst v0  }
0x470: {  	v0 =	vld [tilespmem:s29+$0xFFFFFF90]  }
0x471: {  	v1 =	vld [tilespmem:s29+$0x10];
	_ =	sdelay $0x3  }
0x472: {  	v0 =	vadd.f32 $1.000000000e+00, v0  }
0x473: {  	v1 =	vadd.f32 $1.000000000e+00, v1  }
0x474: {  	v0 =	vmul.f32 $2.048000000e+03, v0  }
0x475: {  	v1 =	vmul.f32 $2.048000000e+03, v1  }
0x476: {  	v0 =	vadd.f32 $8.388608000e+06, v0  }
0x477: {  	v1 =	vadd.f32 $8.388608000e+06, v1  }
0x478: {  	vm0 =	vlt.s32 v0, $0x4B000FFF  }
0x479: {  	v0 =	vnsel vm0, $0x4B000FFF, v0;
	vm0 =	vlt.s32 v1, $0x4B000FFF  }
0x47a: {  	v1 =	vnsel vm0, $0x4B000FFF, v1;
	v2 =	vshll.u32 v0, $0xC;
	v0 =	vshll.u32 v0, $0x7  }
0x47b: {  	v0 =	vand.u32 $0x380, v0;
	v3 =	vshll.u32 v1, $0x3;
	v1 =	vand.u32 $0x7F, v1  }
0x47c: {  	v2 =	vand.u32 $0xFFFF8000, v2;
	v0 =	vor.u32 v0, v1  }
0x47d: {  	v1 =	vand.u32 $0xFFFFFC00, v3;
	v0 =	vor.u32 v0, v2  }
0x47e: {  	v0 =	vadd.s32 v1, v0  }
0x47f: {  	v0 =	vadd.s32 $0xA8000000, v0  }
0x480: {  	[tilespmem:s0+$0x3810] =	vst v0  }
0x481: {  	v0 =	vld [tilespmem:s29+$0xFFFFFFA0]  }
0x482: {  	v1 =	vld [tilespmem:s29+$0x20];
	_ =	sdelay $0x3  }
0x483: {  	v0 =	vadd.f32 $1.000000000e+00, v0  }
0x484: {  	v1 =	vadd.f32 $1.000000000e+00, v1  }
0x485: {  	v0 =	vmul.f32 $2.048000000e+03, v0  }
0x486: {  	v1 =	vmul.f32 $2.048000000e+03, v1  }
0x487: {  	v0 =	vadd.f32 $8.388608000e+06, v0  }
0x488: {  	v1 =	vadd.f32 $8.388608000e+06, v1  }
0x489: {  	vm0 =	vlt.s32 v0, $0x4B000FFF  }
0x48a: {  	v0 =	vnsel vm0, $0x4B000FFF, v0;
	vm0 =	vlt.s32 v1, $0x4B000FFF  }
0x48b: {  	v1 =	vnsel vm0, $0x4B000FFF, v1;
	v2 =	vshll.u32 v0, $0xC;
	v0 =	vshll.u32 v0, $0x7  }
0x48c: {  	v0 =	vand.u32 $0x380, v0;
	v3 =	vand.u32 $0x7F, v1  }
0x48d: {  	v2 =	vand.u32 $0xFFFF8000, v2;
	v1 =	vshll.u32 v1, $0x3;
	v0 =	vor.u32 v0, v3  }
0x48e: {  	v1 =	vand.u32 $0xFFFFFC00, v1;
	v0 =	vor.u32 v0, v2  }
0x48f: {  	v0 =	vadd.s32 v1, v0  }
0x490: {  	v0 =	vadd.s32 $0xA8000000, v0  }
0x491: {  	[tilespmem:s0+$0x3820] =	vst v0  }
0x492: {  	v0 =	vld [tilespmem:s29+$0xFFFFFFB0]  }
0x493: {  	v1 =	vld [tilespmem:s29+$0x30];
	_ =	sdelay $0x3  }
0x494: {  	v0 =	vadd.f32 $1.000000000e+00, v0  }
0x495: {  	v1 =	vadd.f32 $1.000000000e+00, v1  }
0x496: {  	v0 =	vmul.f32 $2.048000000e+03, v0  }
0x497: {  	v1 =	vmul.f32 $2.048000000e+03, v1  }
0x498: {  	v0 =	vadd.f32 $8.388608000e+06, v0  }
0x499: {  	v1 =	vadd.f32 $8.388608000e+06, v1  }
0x49a: {  	vm0 =	vlt.s32 v0, $0x4B000FFF  }
0x49b: {  	v0 =	vnsel vm0, $0x4B000FFF, v0;
	vm0 =	vlt.s32 v1, $0x4B000FFF  }
0x49c: {  	v1 =	vnsel vm0, $0x4B000FFF, v1;
	v2 =	vshll.u32 v0, $0xC;
	v0 =	vshll.u32 v0, $0x7  }
0x49d: {  	v0 =	vand.u32 $0x380, v0;
	v3 =	vand.u32 $0x7F, v1  }
0x49e: {  	v2 =	vand.u32 $0xFFFF8000, v2;
	v1 =	vshll.u32 v1, $0x3;
	v0 =	vor.u32 v0, v3  }
0x49f: {  	v1 =	vand.u32 $0xFFFFFC00, v1;
	v0 =	vor.u32 v0, v2  }
0x4a0: {  	v0 =	vadd.s32 v1, v0  }
0x4a1: {  	v0 =	vadd.s32 $0xA8000000, v0  }
0x4a2: {  	[tilespmem:s0+$0x3830] =	vst v0  }
0x4a3: {  	v0 =	vld [tilespmem:s29+$0xFFFFFFC0]  }
0x4a4: {  	v1 =	vld [tilespmem:s29+$0x40];
	_ =	sdelay $0x3  }
0x4a5: {  	v0 =	vadd.f32 $1.000000000e+00, v0  }
0x4a6: {  	v1 =	vadd.f32 $1.000000000e+00, v1  }
0x4a7: {  	v0 =	vmul.f32 $2.048000000e+03, v0  }
0x4a8: {  	v1 =	vmul.f32 $2.048000000e+03, v1  }
0x4a9: {  	v0 =	vadd.f32 $8.388608000e+06, v0  }
0x4aa: {  	v1 =	vadd.f32 $8.388608000e+06, v1  }
0x4ab: {  	vm0 =	vlt.s32 v0, $0x4B000FFF  }
0x4ac: {  	v0 =	vnsel vm0, $0x4B000FFF, v0;
	vm0 =	vlt.s32 v1, $0x4B000FFF  }
0x4ad: {  	v1 =	vnsel vm0, $0x4B000FFF, v1;
	v2 =	vshll.u32 v0, $0xC;
	v0 =	vshll.u32 v0, $0x7  }
0x4ae: {  	v0 =	vand.u32 $0x380, v0;
	v3 =	vshll.u32 v1, $0x3;
	v1 =	vand.u32 $0x7F, v1  }
0x4af: {  	v2 =	vand.u32 $0xFFFF8000, v2;
	v0 =	vor.u32 v0, v1  }
0x4b0: {  	v1 =	vand.u32 $0xFFFFFC00, v3;
	v0 =	vor.u32 v0, v2  }
0x4b1: {  	v0 =	vadd.s32 v1, v0  }
0x4b2: {  	v0 =	vadd.s32 $0xA8000000, v0  }
0x4b3: {  	[tilespmem:s0+$0x3840] =	vst v0  }
0x4b4: {  	v0 =	vld [tilespmem:s29+$0xFFFFFFD0]  }
0x4b5: {  	v1 =	vld [tilespmem:s29+$0x50];
	_ =	sdelay $0x3  }
0x4b6: {  	v0 =	vadd.f32 $1.000000000e+00, v0  }
0x4b7: {  	v1 =	vadd.f32 $1.000000000e+00, v1  }
0x4b8: {  	v0 =	vmul.f32 $2.048000000e+03, v0  }
0x4b9: {  	v1 =	vmul.f32 $2.048000000e+03, v1  }
0x4ba: {  	v0 =	vadd.f32 $8.388608000e+06, v0  }
0x4bb: {  	v1 =	vadd.f32 $8.388608000e+06, v1  }
0x4bc: {  	vm0 =	vlt.s32 v0, $0x4B000FFF  }
0x4bd: {  	v0 =	vnsel vm0, $0x4B000FFF, v0;
	vm0 =	vlt.s32 v1, $0x4B000FFF  }
0x4be: {  	v1 =	vnsel vm0, $0x4B000FFF, v1;
	v2 =	vshll.u32 v0, $0xC;
	v0 =	vshll.u32 v0, $0x7  }
0x4bf: {  	v0 =	vand.u32 $0x380, v0;
	v3 =	vshll.u32 v1, $0x3;
	v1 =	vand.u32 $0x7F, v1  }
0x4c0: {  	v2 =	vand.u32 $0xFFFF8000, v2;
	v0 =	vor.u32 v0, v1  }
0x4c1: {  	v1 =	vand.u32 $0xFFFFFC00, v3;
	v0 =	vor.u32 v0, v2  }
0x4c2: {  	v0 =	vadd.s32 v1, v0  }
0x4c3: {  	v0 =	vadd.s32 $0xA8000000, v0  }
0x4c4: {  	[tilespmem:s0+$0x3850] =	vst v0  }
0x4c5: {  	v0 =	vld [tilespmem:s29+$0xFFFFFFE0]  }
0x4c6: {  	v1 =	vld [tilespmem:s29+$0x60];
	_ =	sdelay $0x3  }
0x4c7: {  	v0 =	vadd.f32 $1.000000000e+00, v0  }
0x4c8: {  	v1 =	vadd.f32 $1.000000000e+00, v1  }
0x4c9: {  	v0 =	vmul.f32 $2.048000000e+03, v0  }
0x4ca: {  	v1 =	vmul.f32 $2.048000000e+03, v1  }
0x4cb: {  	v0 =	vadd.f32 $8.388608000e+06, v0  }
0x4cc: {  	v1 =	vadd.f32 $8.388608000e+06, v1  }
0x4cd: {  	vm0 =	vlt.s32 v0, $0x4B000FFF  }
0x4ce: {  	v0 =	vnsel vm0, $0x4B000FFF, v0;
	vm0 =	vlt.s32 v1, $0x4B000FFF  }
0x4cf: {  	v1 =	vnsel vm0, $0x4B000FFF, v1;
	v2 =	vshll.u32 v0, $0xC;
	v0 =	vshll.u32 v0, $0x7  }
0x4d0: {  	v0 =	vand.u32 $0x380, v0;
	v3 =	vshll.u32 v1, $0x3;
	v1 =	vand.u32 $0x7F, v1  }
0x4d1: {  	v2 =	vand.u32 $0xFFFF8000, v2;
	v0 =	vor.u32 v0, v1  }
0x4d2: {  	v1 =	vand.u32 $0xFFFFFC00, v3;
	v0 =	vor.u32 v0, v2  }
0x4d3: {  	v0 =	vadd.s32 v1, v0  }
0x4d4: {  	v0 =	vadd.s32 $0xA8000000, v0  }
0x4d5: {  	[tilespmem:s0+$0x3860] =	vst v0  }
0x4d6: {  	v0 =	vld [tilespmem:s29+$0xFFFFFFF0]  }
0x4d7: {  	v1 =	vld [tilespmem:s29+$0x70];
	_ =	sdelay $0x3  }
0x4d8: {  	v0 =	vadd.f32 $1.000000000e+00, v0  }
0x4d9: {  	v1 =	vadd.f32 $1.000000000e+00, v1  }
0x4da: {  	v0 =	vmul.f32 $2.048000000e+03, v0  }
0x4db: {  	v1 =	vmul.f32 $2.048000000e+03, v1  }
0x4dc: {  	v0 =	vadd.f32 $8.388608000e+06, v0  }
0x4dd: {  	v1 =	vadd.f32 $8.388608000e+06, v1  }
0x4de: {  	vm0 =	vlt.s32 v0, $0x4B000FFF  }
0x4df: {  	v0 =	vnsel vm0, $0x4B000FFF, v0;
	vm0 =	vlt.s32 v1, $0x4B000FFF  }
0x4e0: {  	v1 =	vnsel vm0, $0x4B000FFF, v1;
	v2 =	vshll.u32 v0, $0xC;
	v0 =	vshll.u32 v0, $0x7  }
.Ltmp3:
0x4e1: {  	v0 =	vand.u32 $0x380, v0;
	v3 =	vshll.u32 v1, $0x3;
	v1 =	vand.u32 $0x7F, v1;
	(pc) =	sbr.rel @p1 .LBB2_9-.Ltmp3, $4  }
0x4e2: {  	v2 =	vand.u32 $0xFFFF8000, v2;
	v0 =	vor.u32 v0, v1  }
0x4e3: {  	v1 =	vand.u32 $0xFFFFFC00, v3;
	v0 =	vor.u32 v0, v2  }
0x4e4: {  	v0 =	vadd.s32 v1, v0  }
0x4e5: {  	v0 =	vadd.s32 $0xA8000000, v0  }
0x4e6: {  	[tilespmem:s0+$0x3870] =	vst v0  }
0x4e7: {  	_ =	swait.ge [sflag:s23], $0x800  }
0x4e8: {  	s7 =	sshrl.u32 s26, $0x3;
	[sflag:s23] =	ssyncset.done $0x0  }
0x4e9: {  	s0 =	sadd.s32 s3, s7;
	[sflag:s23] =	ssyncadd.s32 $0xFFFFF800  }
0x4ea: {  	[hbm4b:s0+s5] =	stream.linear.scatter [tilespmem:s19], [sflag:$0x6], $0x800, $0x38;
	[tilespmem:$0x6000] =	vst v63  }
0x4eb: {  	s0 =	simm.s32 @!p0 $0x9  }
0x4ec: {  	_ =	swait.ge @!p0 [sflag:s0], $0x800  }
0x4ed: {  	[sflag:s0] =	ssyncset.done @!p0 $0x0  }
0x4ee: {  	s26 =	simm.s32 $0x3800;
	[sflag:s0] =	ssyncadd.s32 @!p0 $0xFFFFF800  }
0x4ef: {  	[tilespmem:s25], [sflag:$0x5] =	stream.indirect.gather [hbm4b:s2+s17], $0x1, s26, s17, $0xb8;
	[tilespmem:$0x6000] =	vst v63  }
0x4f0: {  	s29 =	simm.s32 $0x3880;
	s7 =	simm.s32 $0x5880  }
0x4f1: {  	[tilespmem:s7], [sflag:$0x5] =	stream.indirect.gather [hbm4b:s2+s17], $0x1, s29, s17, $0xb8;
	[tilespmem:$0x6000] =	vst v63  }
0x4f2: {  	s30 =	simm.s32 $0x3900;
	s31 =	simm.s32 $0x5900  }
0x4f3: {  	[tilespmem:s31], [sflag:$0x5] =	stream.indirect.gather [hbm4b:s2+s17], $0x1, s30, s17, $0xb8;
	[tilespmem:$0x6000] =	vst v63  }
0x4f4: {  	s26 =	simm.s32 $0x3980;
	s29 =	simm.s32 $0x5980  }
0x4f5: {  	[tilespmem:s29], [sflag:$0x5] =	stream.indirect.gather [hbm4b:s2+s17], $0x1, s26, s17, $0xb8;
	[tilespmem:$0x6000] =	vst v63  }
0x4f6: {  	s30 =	simm.s32 $0x3A00;
	s31 =	simm.s32 $0x5A00  }
0x4f7: {  	[tilespmem:s31], [sflag:$0x5] =	stream.indirect.gather [hbm4b:s2+s17], $0x1, s30, s17, $0xb8;
	[tilespmem:$0x6000] =	vst v63  }
0x4f8: {  	s26 =	simm.s32 $0x3A80;
	s29 =	simm.s32 $0x5A80  }
0x4f9: {  	[tilespmem:s29], [sflag:$0x5] =	stream.indirect.gather [hbm4b:s2+s17], $0x1, s26, s17, $0xb8;
	[tilespmem:$0x6000] =	vst v63  }
0x4fa: {  	s30 =	simm.s32 $0x3B00;
	s31 =	simm.s32 $0x5B00  }
0x4fb: {  	[tilespmem:s31], [sflag:$0x5] =	stream.indirect.gather [hbm4b:s2+s17], $0x1, s30, s17, $0xb8;
	[tilespmem:$0x6000] =	vst v63  }
0x4fc: {  	s26 =	simm.s32 $0x3B80;
	s29 =	simm.s32 $0x5B80  }
0x4fd: {  	[tilespmem:s29], [sflag:$0x5] =	stream.indirect.gather [hbm4b:s2+s17], $0x1, s26, s17, $0xb8;
	[tilespmem:$0x6000] =	vst v63  }
0x4fe: {  	s30 =	simm.s32 $0x3C00;
	s31 =	simm.s32 $0x5C00  }
0x4ff: {  	[tilespmem:s31], [sflag:$0x5] =	stream.indirect.gather [hbm4b:s2+s17], $0x1, s30, s17, $0xb8;
	[tilespmem:$0x6000] =	vst v63  }
0x500: {  	s7 =	simm.s32 $0x3C80;
	s26 =	simm.s32 $0x5C80  }
0x501: {  	[tilespmem:s26], [sflag:$0x5] =	stream.indirect.gather [hbm4b:s2+s17], $0x1, s7, s17, $0xb8;
	[tilespmem:$0x6000] =	vst v63  }
0x502: {  	s29 =	simm.s32 $0x3D00;
	s30 =	simm.s32 $0x5D00  }
0x503: {  	[tilespmem:s30], [sflag:$0x5] =	stream.indirect.gather [hbm4b:s2+s17], $0x1, s29, s17, $0xb8;
	[tilespmem:$0x6000] =	vst v63  }
0x504: {  	s31 =	simm.s32 $0x3D80  }
0x505: {  	[tilespmem:s11], [sflag:$0x5] =	stream.indirect.gather [hbm4b:s2+s17], $0x1, s31, s17, $0xb8;
	[tilespmem:$0x6000] =	vst v63  }
0x506: {  	s24 =	sadd.s32 $0x1, s24  }
0x507: {  	[tilespmem:s13], [sflag:$0x5] =	stream.indirect.gather [hbm4b:s2+s17], $0x1, s12, s17, $0xb8;
	[tilespmem:$0x6000] =	vst v63  }
0x508: {  	p0 =	sne.s32 s24, $0x4  }
0x509: {  	[tilespmem:s18], [sflag:$0x5] =	stream.indirect.gather [hbm4b:s2+s17], $0x1, s14, s17, $0xb8;
	[tilespmem:$0x6000] =	vst v63  }
.Ltmp4:
0x50a: {  	_ = 	snop;
	(pc) =	sbr.rel @p0 .LBB2_2-.Ltmp4, $4  }
0x50b: {  	_ = 	snop  }
0x50c: {  	[tilespmem:s20], [sflag:$0x5] =	stream.indirect.gather [hbm4b:s2+s17], $0x1, s4, s17, $0xb8;
	[tilespmem:$0x6000] =	vst v63  }
0x50d: {  	_ = 	snop  }
0x50e: {  	[tilespmem:s22], [sflag:$0x5] =	stream.indirect.gather [hbm4b:s2+s17], $0x1, s21, s17, $0xb8;
	[tilespmem:$0x6000] =	vst v63  }
0x50f: {  	_ =	swait.ge [sflag:s15], $0x1000  }
0x510: {  	[sflag:s15] =	ssyncset.done $0x0  }
0x511: {  	s0 =	simm.s32 $0x3;
	[sflag:s15] =	ssyncadd.s32 $0xFFFFF000  }
0x512: {  	_ =	swait.ge [sflag:s0], $0x800  }
0x513: {  	s7 =	simm.s32 $0x4800;
	[sflag:s0] =	ssyncset.done $0x0  }
0x514: {  	s29 =	simm.s32 $0x4;
	s26 =	rddreg [dreg:$0x5];
	[sflag:s0] =	ssyncadd.s32 $0xFFFFF800  }
0x515: {  	[hbm4b:s26+s5] =	stream.linear.scatter [tilespmem:s7], [sflag:$0x7], $0x800, $0x38;
	[tilespmem:$0x6000] =	vst v63  }
0x516: {  	_ =	swait.ge [sflag:s29], $0x800  }
0x517: {  	[sflag:s29] =	ssyncset.done $0x0  }
0x518: {  	s31 =	simm.s32 $0x5;
	s30 =	rddreg [dreg:$0x6];
	[sflag:s29] =	ssyncadd.s32 $0xFFFFF800  }
0x519: {  	[hbm4b:s30+s5] =	stream.linear.scatter [tilespmem:s28], [sflag:$0x8], $0x800, $0x38;
	[tilespmem:$0x6000] =	vst v63  }
0x51a: {  	_ =	swait.ge [sflag:s31], $0x800  }
0x51b: {  	[sflag:s31] =	ssyncset.done $0x0  }
0x51c: {  	s24 =	simm.s32 $0x6;
	s7 =	rddreg [dreg:$0x7];
	[sflag:s31] =	ssyncadd.s32 $0xFFFFF800  }
0x51d: {  	[hbm4b:s7+s5] =	stream.linear.scatter [tilespmem:s25], [sflag:$0x9], $0x800, $0x38;
	[tilespmem:$0x6000] =	vst v63  }
0x51e: {  	_ =	swait.ge [sflag:s24], $0x800  }
0x51f: {  	[sflag:s24] =	ssyncset.done $0x0  }
0x520: {  	s26 =	simm.s32 $0x7;
	[sflag:s24] =	ssyncadd.s32 $0xFFFFF800  }
0x521: {  	_ =	swait.ge [sflag:s26], $0x800  }
0x522: {  	[sflag:s26] =	ssyncset.done $0x0  }
0x523: {  	s29 =	simm.s32 $0x8;
	[sflag:s26] =	ssyncadd.s32 $0xFFFFF800  }
0x524: {  	_ =	swait.ge [sflag:s29], $0x800  }
0x525: {  	[sflag:s29] =	ssyncset.done $0x0  }
0x526: {  	s30 =	simm.s32 $0x9;
	[sflag:s29] =	ssyncadd.s32 $0xFFFFF800  }
0x527: {  	_ =	swait.ge [sflag:s30], $0x800  }
0x528: {  	s24 =	rddreg [dreg:$0x9]  }
0x529: {  	s31 =	rddreg [dreg:$0x8];
	s24 =	sadd.s32 $0x1, s24  }
0x52a: {  	p0 =	sne.s32 s24, s31  }
.Ltmp5:
0x52b: {  	_ = 	snop;
	(pc) =	sbr.rel @p0 .LBB2_1-.Ltmp5, $3  }
0x52c: {  	_ =	sdelay $0x1  }
0x52d: {  	[sflag:s30] =	ssyncset.done $0x0  }
0x52e: {  	[sflag:s30] =	ssyncadd.s32 $0xFFFFF800  }
0x52f: {  	_ =	sfence.sel $0x180000  }
0x530: {  	[bflag:$0x0] =	sbarrier.arrive $0xFFFF  }
0x531: {  	_ =	strace $0x90000047  }
0x532: {  	s0 =	stileid.u32;
	[bflag:$0x2] =	sbarrier.arrive $0xFFFF  }
0x533: {  	p0 =	sne.s32 s0, $0x0;
	s0 =	rddreg [dreg:$0x3]  }
0x534: {  	s0 =	sadd.s32 @!p0 $0x100000, s0  }
0x535: {  	[sflag:s0] =	ssyncadd.tile.s32 @!p0 $0x1;
	_ =	shalt  }
.Lfunc_end2:
_tile_overlayer_lowered:
.L_overlay_start_2:
0x536: {  	(tag) =	ssettag $0x2  }
0x537: {  	s0 =	rddreg [dreg:$0x0];
	s2 =	stileid.u32  }
0x538: {  	s1 =	rddreg [dreg:$0x1];
	p0 =	sne.s32 s2, $0x0  }
0x539: {  	s3 =	rddreg [dreg:$0x2];
	[bflag:$0x3] =	sbarrier.arrive $0xFFFF;
	s2 =	simm.s32 @!p0 $0x1C0A  }
0x53a: {  	[timem:s3], [sflag:s2] =	dma.local @!p0 [hbm:s0], s1  }
0x53b: {  	s0 =	simm.s32 @!p0 $0xA  }
0x53c: {  	_ =	swait.ge @!p0 [sflag:s0], s1  }
0x53d: {  	s1 =	ssub.s32 @!p0 $0x0, s1;
	[sflag:s0] =	ssyncset.done @!p0 $0x0  }
0x53e: {  	[sflag:s0] =	ssyncadd.s32 @!p0 s1  }
0x53f: {  	[bflag:$0x3] =	sbarrier.arrive $0xFFFF  }
0x540: {  	_ =	shalt  }

</sc_bundles>
